<compile_context>
chip_gen: v7x
topology: tpu7x:2x2x1
jax: 0.10.2.dev20260603
libtpu: 0.0.44.dev20260713+nightly
codegen_flags: <defaults>
</compile_context>

<pallas_src>
import functools

import jax
import jax.numpy as jnp
from jax import lax
from jax.experimental import pallas as pl
from jax.experimental.pallas import tpu as pltpu
from jax.experimental.pallas import tpu_sc as plsc

N = 10000
NP = 10240
NR = NP // 128
E = 320000
D = 128
NEG = 0.2
NTILES = 16
NSC = 2
RSLICE = NR // NTILES
EC = 80
EC3 = 64
EREM = 16
HTILE = N // NTILES
HCH = 25
ROWB = 5
RB = NP // ROWB


def _pre_body(x_ref, w_ref, asrc_ref, adst_ref, wx_ref, ssrc_ref, sdst_ref):
    xb = x_ref[...]
    w = w_ref[...]
    wx = lax.dot_general(xb, w, (((1,), (1,)), ((), ())),
                         preferred_element_type=jnp.float32)
    wx_ref[...] = wx
    ssrc_ref[...] = jnp.sum(wx * asrc_ref[...], axis=1)
    sdst_ref[...] = jnp.sum(wx * adst_ref[...], axis=1)


_tc_pre = pl.pallas_call(
    _pre_body,
    grid=(ROWB,),
    in_specs=[
        pl.BlockSpec((RB, D), lambda i: (i, 0)),
        pl.BlockSpec((D, D), lambda i: (0, 0)),
        pl.BlockSpec((1, D), lambda i: (0, 0)),
        pl.BlockSpec((1, D), lambda i: (0, 0)),
    ],
    out_specs=[
        pl.BlockSpec((RB, D), lambda i: (i, 0)),
        pl.BlockSpec((RB,), lambda i: (i,)),
        pl.BlockSpec((RB,), lambda i: (i,)),
    ],
    out_shape=[
        jax.ShapeDtypeStruct((NP, D), jnp.float32),
        jax.ShapeDtypeStruct((NP,), jnp.float32),
        jax.ShapeDtypeStruct((NP,), jnp.float32),
    ],
)


def _post_body(h2_ref, o_ref):
    hsum = h2_ref[0] + h2_ref[1]
    o_ref[...] = jnp.where(hsum > 0, hsum, jnp.exp(hsum) - 1.0)


_tc_post = pl.pallas_call(
    _post_body,
    grid=(ROWB,),
    in_specs=[pl.BlockSpec((2, 2000, D), lambda i: (0, i, 0))],
    out_specs=pl.BlockSpec((2000, D), lambda i: (i, 0)),
    out_shape=jax.ShapeDtypeStruct((N, D), jnp.float32),
)


def _gather2d(ref, idx):
    return plsc.load_gather(ref, [jnp.right_shift(idx, 7),
                                  jnp.bitwise_and(idx, 127)])


def _edge_scores(ssrc_v, sdst_v, si, di):
    e = _gather2d(sdst_v, di) + _gather2d(ssrc_v, si)
    return jnp.where(e >= 0, e, NEG * e)


def _sc_body(esrc_hbm, edst_hbm, ssrc_hbm, sdst_hbm, wx_hbm,
             out_hbm, stage_hbm, comb_hbm,
             ssrc_v, sdst_v, marr, sarr, red_v,
             esrc_v, edst_v, src3_v, dst3_v, srcr_v, dstr_v, alpha_v,
             rows_v, h_sh, sem):
    c = lax.axis_index("c")
    s = lax.axis_index("s")

    pltpu.sync_copy(ssrc_hbm, ssrc_v)
    pltpu.sync_copy(sdst_hbm, sdst_v)

    def _init(i, _):
        marr[i // 8, pl.ds((i % 8) * 16, 16)] = jnp.full((16,), -3.4e38,
                                                         jnp.float32)
        sarr[i // 8, pl.ds((i % 8) * 16, 16)] = jnp.zeros((16,), jnp.float32)
        return 0
    lax.fori_loop(0, NR * 8, _init, 0)

    def _zrows(i, _):
        rows_v[i // 8, pl.ds((i % 8) * 16, 16)] = jnp.zeros((16,), jnp.float32)
        return 0
    lax.fori_loop(0, EC3 * 8, _zrows, 0)

    def _zh(i, _):
        pltpu.sync_copy(rows_v.at[pl.ds(0, HCH)],
                        h_sh.at[pl.ds(s * HTILE + i * HCH, HCH)])
        return 0
    lax.fori_loop(0, HTILE // HCH, _zh, 0)

    ebase = s * (E // NTILES)

    def _p1(ci, _):
        base = ebase + ci * EC
        pltpu.sync_copy(esrc_hbm.at[pl.ds(base, EC)], esrc_v)
        pltpu.sync_copy(edst_hbm.at[pl.ds(base, EC)], edst_v)

        def _grp(g, _):
            si = esrc_v[pl.ds(g * 16, 16)]
            di = edst_v[pl.ds(g * 16, 16)]
            f = _edge_scores(ssrc_v, sdst_v, si, di)
            dhi = jnp.right_shift(di, 7)
            dlo = jnp.bitwise_and(di, 127)
            cur = plsc.load_gather(marr, [dhi, dlo])

            def _cond(cur):
                return jnp.any(f > cur)

            def _body(cur):
                plsc.store_scatter(marr, [dhi, dlo], jnp.maximum(f, cur),
                                   mask=f > cur)
                return plsc.load_gather(marr, [dhi, dlo])

            lax.while_loop(_cond, _body, cur)
            return 0
        lax.fori_loop(0, EC // 16, _grp, 0)
        return 0
    lax.fori_loop(0, (E // NTILES) // EC, _p1, 0)

    pltpu.sync_copy(marr, stage_hbm.at[c, s])
    plsc.subcore_barrier()
    rb = s * RSLICE
    pltpu.sync_copy(stage_hbm.at[c, 0, pl.ds(rb, RSLICE)], red_v)

    def _redmax(a, _):
        pltpu.sync_copy(stage_hbm.at[c, a, pl.ds(rb, RSLICE)],
                        rows_v.at[pl.ds(0, RSLICE)])
        for r in range(RSLICE):
            for k in range(8):
                red_v[r, pl.ds(k * 16, 16)] = jnp.maximum(
                    red_v[r, pl.ds(k * 16, 16)],
                    rows_v[r, pl.ds(k * 16, 16)])
        return 0
    lax.fori_loop(1, NTILES, _redmax, 0)
    pltpu.sync_copy(red_v, comb_hbm.at[c, pl.ds(rb, RSLICE)])
    plsc.subcore_barrier()
    pltpu.sync_copy(comb_hbm.at[c], marr)

    def _p2(ci, _):
        base = ebase + ci * EC
        pltpu.sync_copy(esrc_hbm.at[pl.ds(base, EC)], esrc_v)
        pltpu.sync_copy(edst_hbm.at[pl.ds(base, EC)], edst_v)

        def _grp(g, _):
            si = esrc_v[pl.ds(g * 16, 16)]
            di = edst_v[pl.ds(g * 16, 16)]
            f = _edge_scores(ssrc_v, sdst_v, si, di)
            dhi = jnp.right_shift(di, 7)
            dlo = jnp.bitwise_and(di, 127)
            m = plsc.load_gather(marr, [dhi, dlo])
            plsc.addupdate_scatter(sarr, [dhi, dlo], jnp.exp(f - m))
            return 0
        lax.fori_loop(0, EC // 16, _grp, 0)
        return 0
    lax.fori_loop(0, (E // NTILES) // EC, _p2, 0)

    pltpu.sync_copy(sarr, stage_hbm.at[c, s])
    plsc.subcore_barrier()
    pltpu.sync_copy(stage_hbm.at[c, 0, pl.ds(rb, RSLICE)], red_v)

    def _redsum(a, _):
        pltpu.sync_copy(stage_hbm.at[c, a, pl.ds(rb, RSLICE)],
                        rows_v.at[pl.ds(0, RSLICE)])
        for r in range(RSLICE):
            for k in range(8):
                red_v[r, pl.ds(k * 16, 16)] = (
                    red_v[r, pl.ds(k * 16, 16)]
                    + rows_v[r, pl.ds(k * 16, 16)])
        return 0
    lax.fori_loop(1, NTILES, _redsum, 0)
    pltpu.sync_copy(red_v, comb_hbm.at[c, pl.ds(rb, RSLICE)])
    plsc.subcore_barrier()
    pltpu.sync_copy(comb_hbm.at[c], sarr)

    ebase3 = (c * NTILES + s) * (E // (NSC * NTILES))

    def _alpha16(si, di):
        f = _edge_scores(ssrc_v, sdst_v, si, di)
        dhi = jnp.right_shift(di, 7)
        dlo = jnp.bitwise_and(di, 127)
        m = plsc.load_gather(marr, [dhi, dlo])
        ssum = plsc.load_gather(sarr, [dhi, dlo])
        return jnp.exp(f - m) / (ssum + 1e-16)

    def _p3(ci, _):
        base = ebase3 + ci * EC3
        pltpu.sync_copy(esrc_hbm.at[pl.ds(base, EC3)], src3_v)
        pltpu.sync_copy(edst_hbm.at[pl.ds(base, EC3)], dst3_v)

        def _ga(g, _):
            si = src3_v[pl.ds(g * 16, 16)]
            di = dst3_v[pl.ds(g * 16, 16)]
            alpha_v[pl.ds(g * 16, 16)] = _alpha16(si, di)
            return 0
        lax.fori_loop(0, EC3 // 16, _ga, 0)

        pltpu.async_copy(wx_hbm.at[src3_v], rows_v, sem).wait()

        def _scale(g, _):
            av = alpha_v[pl.ds(g * 16, 16)]
            for r2 in range(16):
                row = g * 16 + r2
                ab = jnp.full((16,), av[r2], jnp.float32)
                for cc in range(D // 16):
                    rows_v[row, pl.ds(cc * 16, 16)] = (
                        rows_v[row, pl.ds(cc * 16, 16)] * ab)
            return 0
        lax.fori_loop(0, EC3 // 16, _scale, 0)

        pltpu.sync_copy(rows_v, h_sh.at[dst3_v], add=True)
        return 0
    lax.fori_loop(0, (E // (NSC * NTILES)) // EC3, _p3, 0)

    baser = ebase3 + (E // (NSC * NTILES)) // EC3 * EC3
    pltpu.sync_copy(esrc_hbm.at[pl.ds(baser, EREM)], srcr_v)
    pltpu.sync_copy(edst_hbm.at[pl.ds(baser, EREM)], dstr_v)
    ar = _alpha16(srcr_v[...], dstr_v[...])
    pltpu.async_copy(wx_hbm.at[srcr_v], rows_v.at[pl.ds(0, EREM)], sem).wait()
    for r2 in range(EREM):
        ab = jnp.full((16,), ar[r2], jnp.float32)
        for cc in range(D // 16):
            rows_v[r2, pl.ds(cc * 16, 16)] = rows_v[r2, pl.ds(cc * 16, 16)] * ab
    pltpu.sync_copy(rows_v.at[pl.ds(0, EREM)], h_sh.at[dstr_v], add=True)

    plsc.subcore_barrier()

    def _out(i, _):
        pltpu.sync_copy(h_sh.at[pl.ds(s * HTILE + i * HCH, HCH)],
                        rows_v.at[pl.ds(0, HCH)])
        pltpu.sync_copy(rows_v.at[pl.ds(0, HCH)],
                        out_hbm.at[c, pl.ds(s * HTILE + i * HCH, HCH)])
        return 0
    lax.fori_loop(0, HTILE // HCH, _out, 0)


_sc_main = functools.partial(
    pl.kernel,
    mesh=plsc.VectorSubcoreMesh(core_axis_name="c", subcore_axis_name="s"),
    out_type=[
        jax.ShapeDtypeStruct((NSC, N, D), jnp.float32),
        jax.ShapeDtypeStruct((NSC, NTILES, NR, D), jnp.float32),
        jax.ShapeDtypeStruct((NSC, NR, D), jnp.float32),
    ],
    compiler_params=pltpu.CompilerParams(needs_layout_passes=False,
                                         use_tc_tiling_on_sc=False),
    scratch_types=[
        pltpu.VMEM((NR, D), jnp.float32),
        pltpu.VMEM((NR, D), jnp.float32),
        pltpu.VMEM((NR, D), jnp.float32),
        pltpu.VMEM((NR, D), jnp.float32),
        pltpu.VMEM((RSLICE, D), jnp.float32),
        pltpu.VMEM((EC,), jnp.int32),
        pltpu.VMEM((EC,), jnp.int32),
        pltpu.VMEM((EC3,), jnp.int32),
        pltpu.VMEM((EC3,), jnp.int32),
        pltpu.VMEM((EREM,), jnp.int32),
        pltpu.VMEM((EREM,), jnp.int32),
        pltpu.VMEM((EC3,), jnp.float32),
        pltpu.VMEM((EC3, D), jnp.float32),
        pltpu.VMEM_SHARED((N, D), jnp.float32),
        pltpu.SemaphoreType.DMA,
    ],
)(_sc_body)


def kernel(x, edge_index, W, att_src, att_dst):
    xp = jnp.pad(x, ((0, NP - N), (0, 0)))
    wx, ssrc, sdst = _tc_pre(xp, W, att_src, att_dst)
    h2, _, _ = _sc_main(edge_index[0], edge_index[1],
                        ssrc.reshape(NR, D), sdst.reshape(NR, D), wx)
    out = _tc_post(h2)
    return out

# --- scband reference (transcript-rebuilt; emitter-appended) ---
"""Pipeline reference for scband-gatlayer-v2-51994874085817 (READ-ONLY COPY).

The authoritative reference and input builder live on the scoring server;
editing this copy changes nothing except your own understanding.
"""

import jax, jax.numpy as jnp
import numpy as np

N_NODES = 10000
N_EDGES = 320000
D = 128
NEG_SLOPE = 0.2


def setup_inputs(seed: int = 0) -> dict:
    key = jax.random.key(seed)
    k1, k2, k3, k4, k5 = jax.random.split(key, 5)
    x = jax.random.normal(k1, (N_NODES, D), dtype=jnp.float32)
    edge_index = jax.random.randint(k2, (2, N_EDGES), 0, N_NODES, dtype=jnp.int32)
    # Linear weight (out_channels, in_channels), no bias
    W = jax.random.normal(k3, (D, D), dtype=jnp.float32) * (1.0 / np.sqrt(D))
    # attention parameters, xavier-uniform-like init
    limit = float(np.sqrt(6.0 / (1 + D)))
    att_src = jax.random.uniform(k4, (1, D), dtype=jnp.float32, minval=-limit, maxval=limit)
    att_dst = jax.random.uniform(k5, (1, D), dtype=jnp.float32, minval=-limit, maxval=limit)
    return {"x": x, "edge_index": edge_index, "W": W, "att_src": att_src, "att_dst": att_dst}


def reference(x, edge_index, W, att_src, att_dst):
    num_nodes = x.shape[0]
    # Stage 1: linear
    Wx = x @ W.T
    # Stage 2: gather both ends
    src = edge_index[0]
    dst = edge_index[1]
    Wx_j = Wx[src]
    Wx_i = Wx[dst]
    # Stage 3: attention score + leaky relu
    e = (Wx_i * att_dst).sum(axis=-1) + (Wx_j * att_src).sum(axis=-1)
    e = jnp.where(e >= 0, e, NEG_SLOPE * e)
    # Stage 4: numerically-stable segment softmax over dst nodes
    e_max = jax.ops.segment_max(e, dst, num_segments=num_nodes)
    e_max = jnp.where(jnp.isneginf(e_max), jnp.zeros_like(e_max), e_max)
    e_stable = e - e_max[dst]
    exp_e = jnp.exp(e_stable)
    sum_exp = jax.ops.segment_sum(exp_e, dst, num_segments=num_nodes)
    alpha = exp_e / (sum_exp[dst] + 1e-16)
    # Stage 5: weighted messages
    msg = alpha[:, None] * Wx_j
    # Stage 6: scatter-add reduce to dst nodes
    h = jax.ops.segment_sum(msg, dst, num_segments=num_nodes)
    # Stage 7: ELU
    return jax.nn.elu(h)

if __name__ == "__main__":
    import jax
    _d = setup_inputs()
    print(jax.jit(kernel)(*tuple(_d.values())))

</pallas_src>

<mosaic_0001>
#map = affine_map<(d0, d1) -> (0)>
#map1 = affine_map<(d0, d1) -> (0, 0)>
#map2 = affine_map<(d0, d1) -> (0, 0, 0)>
#map3 = affine_map<(d0, d1) -> (0, 0, 0, 0)>
module attributes {stable_mosaic.version = 14 : i64} {
  func.func @_sc_body(%arg0: i32, %arg1: i32, %arg2: memref<320000xi32, #tpu.memory_space<hbm>>, %arg3: memref<320000xi32, #tpu.memory_space<hbm>>, %arg4: memref<80x128xf32, #tpu.memory_space<hbm>>, %arg5: memref<80x128xf32, #tpu.memory_space<hbm>>, %arg6: memref<10240x128xf32, #tpu.memory_space<hbm>>, %arg7: memref<2x10000x128xf32, #tpu.memory_space<hbm>>, %arg8: memref<2x16x80x128xf32, #tpu.memory_space<hbm>>, %arg9: memref<2x80x128xf32, #tpu.memory_space<hbm>>, %arg10: memref<80x128xf32, #tpu.memory_space<vmem>>, %arg11: memref<80x128xf32, #tpu.memory_space<vmem>>, %arg12: memref<80x128xf32, #tpu.memory_space<vmem>>, %arg13: memref<80x128xf32, #tpu.memory_space<vmem>>, %arg14: memref<5x128xf32, #tpu.memory_space<vmem>>, %arg15: memref<80xi32, #tpu.memory_space<vmem>>, %arg16: memref<80xi32, #tpu.memory_space<vmem>>, %arg17: memref<64xi32, #tpu.memory_space<vmem>>, %arg18: memref<64xi32, #tpu.memory_space<vmem>>, %arg19: memref<16xi32, #tpu.memory_space<vmem>>, %arg20: memref<16xi32, #tpu.memory_space<vmem>>, %arg21: memref<64xf32, #tpu.memory_space<vmem>>, %arg22: memref<64x128xf32, #tpu.memory_space<vmem>>, %arg23: memref<10000x128xf32, #tpu.memory_space<vmem_shared>>, %arg24: memref<!tpu.dma_semaphore, #tpu.memory_space<semaphore_mem>>) attributes {dimension_semantics = [#tpu.dimension_semantics<core_parallel>, #tpu.dimension_semantics<subcore_parallel>], iteration_bounds = array<i64: 2, 16>, scalar_prefetch = 0 : i64, scratch_operands = 15 : i64, tpu.core_type = #tpu.core_type<sc_vector_subcore>, window_params = [{transform_indices = #map}, {transform_indices = #map}, {transform_indices = #map1}, {transform_indices = #map1}, {transform_indices = #map1}, {transform_indices = #map2}, {transform_indices = #map3}, {transform_indices = #map2}]} {
    "tpu.region"() ({
      %run_scoped3A_1313 = tpu.sem_alloc : memref<!tpu.dma_semaphore, #tpu.memory_space<semaphore_mem>>
      tpu.enqueue_dma source(%arg4 : memref<80x128xf32, #tpu.memory_space<hbm>>) target(%arg10 : memref<80x128xf32, #tpu.memory_space<vmem>>) target_semaphore(%run_scoped3A_1313 : memref<!tpu.dma_semaphore, #tpu.memory_space<semaphore_mem>>)
      tpu.wait_dma2 semaphore(%run_scoped3A_1313 : memref<!tpu.dma_semaphore, #tpu.memory_space<semaphore_mem>>) src(%arg4 : memref<80x128xf32, #tpu.memory_space<hbm>>) dst(%arg10 : memref<80x128xf32, #tpu.memory_space<vmem>>)
      tpu.yield
    }) : () -> ()
    "tpu.region"() ({
      %run_scoped3A_1313 = tpu.sem_alloc : memref<!tpu.dma_semaphore, #tpu.memory_space<semaphore_mem>>
      tpu.enqueue_dma source(%arg5 : memref<80x128xf32, #tpu.memory_space<hbm>>) target(%arg11 : memref<80x128xf32, #tpu.memory_space<vmem>>) target_semaphore(%run_scoped3A_1313 : memref<!tpu.dma_semaphore, #tpu.memory_space<semaphore_mem>>)
      tpu.wait_dma2 semaphore(%run_scoped3A_1313 : memref<!tpu.dma_semaphore, #tpu.memory_space<semaphore_mem>>) src(%arg5 : memref<80x128xf32, #tpu.memory_space<hbm>>) dst(%arg11 : memref<80x128xf32, #tpu.memory_space<vmem>>)
      tpu.yield
    }) : () -> ()
    %scan3A = arith.constant 0 : i32
    %scan3A_0 = arith.constant 0 : i32
    %scan3A_1 = arith.constant 640 : i32
    %scan3A_2 = arith.addi %scan3A_0, %scan3A_1 : i32
    %scan3A_3 = arith.constant 1 : i32
    %scan3A_4 = scf.for %scan3A_1313 = %scan3A_0 to %scan3A_2 step %scan3A_3 iter_args(%scan3A_1314 = %scan3A) -> (i32)  : i32 {
      %broadcast_in_dim3A_1315 = arith.constant -3.400000e+38 : f32
      %broadcast_in_dim3A_1316 = vector.broadcast %broadcast_in_dim3A_1315 : f32 to vector<16xf32>
      %jit3A = arith.constant 8 : i32
      %div3A_1317 = arith.divsi %scan3A_1313, %jit3A : i32
      %sign3A = arith.constant 0 : i32
      %sign3A_1318 = arith.cmpi sgt, %scan3A_1313, %sign3A : i32
      %sign3A_1319 = arith.extui %sign3A_1318 : i1 to i32
      %sign3A_1320 = arith.constant 0 : i32
      %sign3A_1321 = arith.cmpi slt, %scan3A_1313, %sign3A_1320 : i32
      %sign3A_1322 = arith.extui %sign3A_1321 : i1 to i32
      %sign3A_1323 = arith.subi %sign3A_1319, %sign3A_1322 : i32
      %sign3A_1324 = arith.constant 0 : i32
      %sign3A_1325 = arith.cmpi sgt, %jit3A, %sign3A_1324 : i32
      %sign3A_1326 = arith.extui %sign3A_1325 : i1 to i32
      %sign3A_1327 = arith.constant 0 : i32
      %sign3A_1328 = arith.cmpi slt, %jit3A, %sign3A_1327 : i32
      %sign3A_1329 = arith.extui %sign3A_1328 : i1 to i32
      %sign3A_1330 = arith.subi %sign3A_1326, %sign3A_1329 : i32
      %ne3A = arith.cmpi ne, %sign3A_1323, %sign3A_1330 : i32
      %rem3A = arith.remsi %scan3A_1313, %jit3A : i32
      %ne3A_1331 = arith.constant 0 : i32
      %ne3A_1332 = arith.cmpi ne, %rem3A, %ne3A_1331 : i32
      %and3A_1333 = arith.andi %ne3A, %ne3A_1332 : i1
      %sub3A_1334 = arith.constant 1 : i32
      %sub3A_1335 = arith.subi %div3A_1317, %sub3A_1334 : i32
      %select_n3A_1336 = arith.select %and3A_1333, %sub3A_1335, %div3A_1317 : i32
      %jit3A_1337 = arith.constant 8 : i32
      %eq3A = arith.constant 0 : i32
      %eq3A_1338 = arith.cmpi eq, %jit3A_1337, %eq3A : i32
      %jit3A_1339 = arith.constant 1 : i32
      %select_n3A_1340 = arith.select %eq3A_1338, %jit3A_1339, %jit3A_1337 : i32
      %rem3A_1341 = arith.remsi %scan3A_1313, %select_n3A_1340 : i32
      %ne3A_1342 = arith.constant 0 : i32
      %ne3A_1343 = arith.cmpi ne, %rem3A_1341, %ne3A_1342 : i32
      %lt3A = arith.constant 0 : i32
      %lt3A_1344 = arith.cmpi slt, %rem3A_1341, %lt3A : i32
      %lt3A_1345 = arith.constant 0 : i32
      %lt3A_1346 = arith.cmpi slt, %select_n3A_1340, %lt3A_1345 : i32
      %ne3A_1347 = arith.xori %lt3A_1344, %lt3A_1346 : i1
      %and3A_1348 = arith.andi %ne3A_1347, %ne3A_1343 : i1
      %add3A_1349 = arith.addi %rem3A_1341, %select_n3A_1340 : i32
      %select_n3A_1350 = arith.select %and3A_1348, %add3A_1349, %rem3A_1341 : i32
      %mul3A_1351 = arith.constant 16 : i32
      %mul3A_1352 = arith.muli %select_n3A_1350, %mul3A_1351 : i32
      %swap3A_1353 = arith.index_cast %select_n3A_1336 : i32 to index
      %swap3A_1354 = arith.index_cast %mul3A_1352 : i32 to index
      %swap3A_1355 = tpu.vector_load %arg12[%swap3A_1353, %swap3A_1354] {strides = array<i32>} : memref<80x128xf32, #tpu.memory_space<vmem>>, vector<16xf32>,
      tpu.vector_store %arg12[%swap3A_1353, %swap3A_1354], %broadcast_in_dim3A_1316 {strides = array<i32>} : memref<80x128xf32, #tpu.memory_space<vmem>>, vector<16xf32>,
      %broadcast_in_dim3A_1356 = arith.constant 0.000000e+00 : f32
      %broadcast_in_dim3A_1357 = vector.broadcast %broadcast_in_dim3A_1356 : f32 to vector<16xf32>
      %jit3A_1358 = arith.constant 8 : i32
      %div3A_1359 = arith.divsi %scan3A_1313, %jit3A_1358 : i32
      %sign3A_1360 = arith.constant 0 : i32
      %sign3A_1361 = arith.cmpi sgt, %scan3A_1313, %sign3A_1360 : i32
      %sign3A_1362 = arith.extui %sign3A_1361 : i1 to i32
      %sign3A_1363 = arith.constant 0 : i32
      %sign3A_1364 = arith.cmpi slt, %scan3A_1313, %sign3A_1363 : i32
      %sign3A_1365 = arith.extui %sign3A_1364 : i1 to i32
      %sign3A_1366 = arith.subi %sign3A_1362, %sign3A_1365 : i32
      %sign3A_1367 = arith.constant 0 : i32
      %sign3A_1368 = arith.cmpi sgt, %jit3A_1358, %sign3A_1367 : i32
      %sign3A_1369 = arith.extui %sign3A_1368 : i1 to i32
      %sign3A_1370 = arith.constant 0 : i32
      %sign3A_1371 = arith.cmpi slt, %jit3A_1358, %sign3A_1370 : i32
      %sign3A_1372 = arith.extui %sign3A_1371 : i1 to i32
      %sign3A_1373 = arith.subi %sign3A_1369, %sign3A_1372 : i32
      %ne3A_1374 = arith.cmpi ne, %sign3A_1366, %sign3A_1373 : i32
      %rem3A_1375 = arith.remsi %scan3A_1313, %jit3A_1358 : i32
      %ne3A_1376 = arith.constant 0 : i32
      %ne3A_1377 = arith.cmpi ne, %rem3A_1375, %ne3A_1376 : i32
      %and3A_1378 = arith.andi %ne3A_1374, %ne3A_1377 : i1
      %sub3A_1379 = arith.constant 1 : i32
      %sub3A_1380 = arith.subi %div3A_1359, %sub3A_1379 : i32
      %select_n3A_1381 = arith.select %and3A_1378, %sub3A_1380, %div3A_1359 : i32
      %jit3A_1382 = arith.constant 8 : i32
      %eq3A_1383 = arith.constant 0 : i32
      %eq3A_1384 = arith.cmpi eq, %jit3A_1382, %eq3A_1383 : i32
      %jit3A_1385 = arith.constant 1 : i32
      %select_n3A_1386 = arith.select %eq3A_1384, %jit3A_1385, %jit3A_1382 : i32
      %rem3A_1387 = arith.remsi %scan3A_1313, %select_n3A_1386 : i32
      %ne3A_1388 = arith.constant 0 : i32
      %ne3A_1389 = arith.cmpi ne, %rem3A_1387, %ne3A_1388 : i32
      %lt3A_1390 = arith.constant 0 : i32
      %lt3A_1391 = arith.cmpi slt, %rem3A_1387, %lt3A_1390 : i32
      %lt3A_1392 = arith.constant 0 : i32
      %lt3A_1393 = arith.cmpi slt, %select_n3A_1386, %lt3A_1392 : i32
      %ne3A_1394 = arith.xori %lt3A_1391, %lt3A_1393 : i1
      %and3A_1395 = arith.andi %ne3A_1394, %ne3A_1389 : i1
      %add3A_1396 = arith.addi %rem3A_1387, %select_n3A_1386 : i32
      %select_n3A_1397 = arith.select %and3A_1395, %add3A_1396, %rem3A_1387 : i32
      %mul3A_1398 = arith.constant 16 : i32
      %mul3A_1399 = arith.muli %select_n3A_1397, %mul3A_1398 : i32
      %swap3A_1400 = arith.index_cast %select_n3A_1381 : i32 to index
      %swap3A_1401 = arith.index_cast %mul3A_1399 : i32 to index
      %swap3A_1402 = tpu.vector_load %arg13[%swap3A_1400, %swap3A_1401] {strides = array<i32>} : memref<80x128xf32, #tpu.memory_space<vmem>>, vector<16xf32>,
      tpu.vector_store %arg13[%swap3A_1400, %swap3A_1401], %broadcast_in_dim3A_1357 {strides = array<i32>} : memref<80x128xf32, #tpu.memory_space<vmem>>, vector<16xf32>,
      %scan3A_1403 = arith.constant 0 : i32
      scf.yield %scan3A_1403 : i32
    }
    %scan3A_5 = arith.constant 640 : i32
    %scan3A_6 = arith.constant 0 : i32
    %scan3A_7 = arith.constant 0 : i32
    %scan3A_8 = arith.constant 512 : i32
    %scan3A_9 = arith.addi %scan3A_7, %scan3A_8 : i32
    %scan3A_10 = arith.constant 1 : i32
    %scan3A_11 = scf.for %scan3A_1313 = %scan3A_7 to %scan3A_9 step %scan3A_10 iter_args(%scan3A_1314 = %scan3A_6) -> (i32)  : i32 {
      %broadcast_in_dim3A_1315 = arith.constant 0.000000e+00 : f32
      %broadcast_in_dim3A_1316 = vector.broadcast %broadcast_in_dim3A_1315 : f32 to vector<16xf32>
      %jit3A = arith.constant 8 : i32
      %div3A_1317 = arith.divsi %scan3A_1313, %jit3A : i32
      %sign3A = arith.constant 0 : i32
      %sign3A_1318 = arith.cmpi sgt, %scan3A_1313, %sign3A : i32
      %sign3A_1319 = arith.extui %sign3A_1318 : i1 to i32
      %sign3A_1320 = arith.constant 0 : i32
      %sign3A_1321 = arith.cmpi slt, %scan3A_1313, %sign3A_1320 : i32
      %sign3A_1322 = arith.extui %sign3A_1321 : i1 to i32
      %sign3A_1323 = arith.subi %sign3A_1319, %sign3A_1322 : i32
      %sign3A_1324 = arith.constant 0 : i32
      %sign3A_1325 = arith.cmpi sgt, %jit3A, %sign3A_1324 : i32
      %sign3A_1326 = arith.extui %sign3A_1325 : i1 to i32
      %sign3A_1327 = arith.constant 0 : i32
      %sign3A_1328 = arith.cmpi slt, %jit3A, %sign3A_1327 : i32
      %sign3A_1329 = arith.extui %sign3A_1328 : i1 to i32
      %sign3A_1330 = arith.subi %sign3A_1326, %sign3A_1329 : i32
      %ne3A = arith.cmpi ne, %sign3A_1323, %sign3A_1330 : i32
      %rem3A = arith.remsi %scan3A_1313, %jit3A : i32
      %ne3A_1331 = arith.constant 0 : i32
      %ne3A_1332 = arith.cmpi ne, %rem3A, %ne3A_1331 : i32
      %and3A_1333 = arith.andi %ne3A, %ne3A_1332 : i1
      %sub3A_1334 = arith.constant 1 : i32
      %sub3A_1335 = arith.subi %div3A_1317, %sub3A_1334 : i32
      %select_n3A_1336 = arith.select %and3A_1333, %sub3A_1335, %div3A_1317 : i32
      %jit3A_1337 = arith.constant 8 : i32
      %eq3A = arith.constant 0 : i32
      %eq3A_1338 = arith.cmpi eq, %jit3A_1337, %eq3A : i32
      %jit3A_1339 = arith.constant 1 : i32
      %select_n3A_1340 = arith.select %eq3A_1338, %jit3A_1339, %jit3A_1337 : i32
      %rem3A_1341 = arith.remsi %scan3A_1313, %select_n3A_1340 : i32
      %ne3A_1342 = arith.constant 0 : i32
      %ne3A_1343 = arith.cmpi ne, %rem3A_1341, %ne3A_1342 : i32
      %lt3A = arith.constant 0 : i32
      %lt3A_1344 = arith.cmpi slt, %rem3A_1341, %lt3A : i32
      %lt3A_1345 = arith.constant 0 : i32
      %lt3A_1346 = arith.cmpi slt, %select_n3A_1340, %lt3A_1345 : i32
      %ne3A_1347 = arith.xori %lt3A_1344, %lt3A_1346 : i1
      %and3A_1348 = arith.andi %ne3A_1347, %ne3A_1343 : i1
      %add3A_1349 = arith.addi %rem3A_1341, %select_n3A_1340 : i32
      %select_n3A_1350 = arith.select %and3A_1348, %add3A_1349, %rem3A_1341 : i32
      %mul3A_1351 = arith.constant 16 : i32
      %mul3A_1352 = arith.muli %select_n3A_1350, %mul3A_1351 : i32
      %swap3A_1353 = arith.index_cast %select_n3A_1336 : i32 to index
      %swap3A_1354 = arith.index_cast %mul3A_1352 : i32 to index
      %swap3A_1355 = tpu.vector_load %arg22[%swap3A_1353, %swap3A_1354] {strides = array<i32>} : memref<64x128xf32, #tpu.memory_space<vmem>>, vector<16xf32>,
      tpu.vector_store %arg22[%swap3A_1353, %swap3A_1354], %broadcast_in_dim3A_1316 {strides = array<i32>} : memref<64x128xf32, #tpu.memory_space<vmem>>, vector<16xf32>,
      %scan3A_1356 = arith.constant 0 : i32
      scf.yield %scan3A_1356 : i32
    }
    %scan3A_12 = arith.constant 512 : i32
    %scan3A_13 = arith.constant 0 : i32
    %scan3A_14 = arith.constant 0 : i32
    %scan3A_15 = arith.constant 25 : i32
    %scan3A_16 = arith.addi %scan3A_14, %scan3A_15 : i32
    %scan3A_17 = arith.constant 1 : i32
    %scan3A_18 = scf.for %scan3A_1313 = %scan3A_14 to %scan3A_16 step %scan3A_17 iter_args(%scan3A_1314 = %scan3A_13) -> (i32)  : i32 {
      %mul3A_1315 = arith.constant 625 : i32
      %mul3A_1316 = arith.muli %arg1, %mul3A_1315 : i32
      %mul3A_1317 = arith.constant 25 : i32
      %mul3A_1318 = arith.muli %scan3A_1313, %mul3A_1317 : i32
      %add3A_1319 = arith.addi %mul3A_1316, %mul3A_1318 : i32
      "tpu.region"() ({
        %run_scoped3A_1321 = tpu.sem_alloc : memref<!tpu.dma_semaphore, #tpu.memory_space<semaphore_mem>>
        %dma_start3A_1322 = arith.constant 0 : i32
        %dma_start3A_1323 = arith.constant 0 : i32
        %dma_start3A_1324 = tpu.memref_slice %arg22[%dma_start3A_1322, %dma_start3A_1323] : memref<64x128xf32, #tpu.memory_space<vmem>> -> memref<25x128xf32, #tpu.memory_space<vmem>>
        %dma_start3A_1325 = arith.constant 0 : i32
        %dma_start3A_1326 = tpu.memref_slice %arg23[%add3A_1319, %dma_start3A_1325] : memref<10000x128xf32, #tpu.memory_space<vmem_shared>> -> memref<25x128xf32, #tpu.memory_space<vmem_shared>>
        %dma_start3A_1327 = arith.constant 0 : i32
        %dma_start3A_1328 = tpu.memref_slice %arg23[%add3A_1319, %dma_start3A_1327] : memref<10000x128xf32, #tpu.memory_space<vmem_shared>> -> memref<25x128xf32, #tpu.memory_space<vmem_shared>>
        %dma_start3A_1329 = arith.constant 0 : i32
        %dma_start3A_1330 = arith.constant 0 : i32
        %dma_start3A_1331 = tpu.memref_slice %arg22[%dma_start3A_1329, %dma_start3A_1330] : memref<64x128xf32, #tpu.memory_space<vmem>> -> memref<25x128xf32, #tpu.memory_space<vmem>>
        tpu.enqueue_dma source(%dma_start3A_1331 : memref<25x128xf32, #tpu.memory_space<vmem>>) target(%dma_start3A_1328 : memref<25x128xf32, #tpu.memory_space<vmem_shared>>) target_semaphore(%run_scoped3A_1321 : memref<!tpu.dma_semaphore, #tpu.memory_space<semaphore_mem>>)
        %dma_wait3A_1332 = arith.constant 0 : i32
        %dma_wait3A_1333 = arith.constant 0 : i32
        %dma_wait3A_1334 = tpu.memref_slice %arg22[%dma_wait3A_1332, %dma_wait3A_1333] : memref<64x128xf32, #tpu.memory_space<vmem>> -> memref<25x128xf32, #tpu.memory_space<vmem>>
        %dma_wait3A_1335 = arith.constant 0 : i32
        %dma_wait3A_1336 = tpu.memref_slice %arg23[%add3A_1319, %dma_wait3A_1335] : memref<10000x128xf32, #tpu.memory_space<vmem_shared>> -> memref<25x128xf32, #tpu.memory_space<vmem_shared>>
        %dma_wait3A_1337 = arith.constant 0 : i32
        %dma_wait3A_1338 = tpu.memref_slice %arg23[%add3A_1319, %dma_wait3A_1337] : memref<10000x128xf32, #tpu.memory_space<vmem_shared>> -> memref<25x128xf32, #tpu.memory_space<vmem_shared>>
        %dma_wait3A_1339 = arith.constant 0 : i32
        %dma_wait3A_1340 = arith.constant 0 : i32
        %dma_wait3A_1341 = tpu.memref_slice %arg22[%dma_wait3A_1339, %dma_wait3A_1340] : memref<64x128xf32, #tpu.memory_space<vmem>> -> memref<25x128xf32, #tpu.memory_space<vmem>>
        tpu.wait_dma2 semaphore(%run_scoped3A_1321 : memref<!tpu.dma_semaphore, #tpu.memory_space<semaphore_mem>>) src(%dma_wait3A_1341 : memref<25x128xf32, #tpu.memory_space<vmem>>) dst(%dma_wait3A_1338 : memref<25x128xf32, #tpu.memory_space<vmem_shared>>)
        tpu.yield
      }) : () -> ()
      %scan3A_1320 = arith.constant 0 : i32
      scf.yield %scan3A_1320 : i32
    }
    %scan3A_19 = arith.constant 25 : i32
    %mul3A = arith.constant 20000 : i32
    %mul3A_20 = arith.muli %arg1, %mul3A : i32
    %scan3A_21 = arith.constant 0 : i32
    %scan3A_22 = arith.constant 0 : i32
    %scan3A_23 = arith.constant 250 : i32
    %scan3A_24 = arith.addi %scan3A_22, %scan3A_23 : i32
    %scan3A_25 = arith.constant 1 : i32
    %scan3A_26 = scf.for %scan3A_1313 = %scan3A_22 to %scan3A_24 step %scan3A_25 iter_args(%scan3A_1314 = %scan3A_21) -> (i32)  : i32 {
      %mul3A_1315 = arith.constant 80 : i32
      %mul3A_1316 = arith.muli %scan3A_1313, %mul3A_1315 : i32
      %add3A_1317 = arith.addi %mul3A_20, %mul3A_1316 : i32
      "tpu.region"() ({
        %run_scoped3A_1326 = tpu.sem_alloc : memref<!tpu.dma_semaphore, #tpu.memory_space<semaphore_mem>>
        %dma_start3A_1327 = tpu.memref_slice %arg2[%add3A_1317] : memref<320000xi32, #tpu.memory_space<hbm>> -> memref<80xi32, #tpu.memory_space<hbm>>
        %dma_start3A_1328 = tpu.memref_slice %arg2[%add3A_1317] : memref<320000xi32, #tpu.memory_space<hbm>> -> memref<80xi32, #tpu.memory_space<hbm>>
        tpu.enqueue_dma source(%dma_start3A_1328 : memref<80xi32, #tpu.memory_space<hbm>>) target(%arg15 : memref<80xi32, #tpu.memory_space<vmem>>) target_semaphore(%run_scoped3A_1326 : memref<!tpu.dma_semaphore, #tpu.memory_space<semaphore_mem>>)
        %dma_wait3A_1329 = tpu.memref_slice %arg2[%add3A_1317] : memref<320000xi32, #tpu.memory_space<hbm>> -> memref<80xi32, #tpu.memory_space<hbm>>
        %dma_wait3A_1330 = tpu.memref_slice %arg2[%add3A_1317] : memref<320000xi32, #tpu.memory_space<hbm>> -> memref<80xi32, #tpu.memory_space<hbm>>
        tpu.wait_dma2 semaphore(%run_scoped3A_1326 : memref<!tpu.dma_semaphore, #tpu.memory_space<semaphore_mem>>) src(%dma_wait3A_1330 : memref<80xi32, #tpu.memory_space<hbm>>) dst(%arg15 : memref<80xi32, #tpu.memory_space<vmem>>)
        tpu.yield
      }) : () -> ()
      "tpu.region"() ({
        %run_scoped3A_1326 = tpu.sem_alloc : memref<!tpu.dma_semaphore, #tpu.memory_space<semaphore_mem>>
        %dma_start3A_1327 = tpu.memref_slice %arg3[%add3A_1317] : memref<320000xi32, #tpu.memory_space<hbm>> -> memref<80xi32, #tpu.memory_space<hbm>>
        %dma_start3A_1328 = tpu.memref_slice %arg3[%add3A_1317] : memref<320000xi32, #tpu.memory_space<hbm>> -> memref<80xi32, #tpu.memory_space<hbm>>
        tpu.enqueue_dma source(%dma_start3A_1328 : memref<80xi32, #tpu.memory_space<hbm>>) target(%arg16 : memref<80xi32, #tpu.memory_space<vmem>>) target_semaphore(%run_scoped3A_1326 : memref<!tpu.dma_semaphore, #tpu.memory_space<semaphore_mem>>)
        %dma_wait3A_1329 = tpu.memref_slice %arg3[%add3A_1317] : memref<320000xi32, #tpu.memory_space<hbm>> -> memref<80xi32, #tpu.memory_space<hbm>>
        %dma_wait3A_1330 = tpu.memref_slice %arg3[%add3A_1317] : memref<320000xi32, #tpu.memory_space<hbm>> -> memref<80xi32, #tpu.memory_space<hbm>>
        tpu.wait_dma2 semaphore(%run_scoped3A_1326 : memref<!tpu.dma_semaphore, #tpu.memory_space<semaphore_mem>>) src(%dma_wait3A_1330 : memref<80xi32, #tpu.memory_space<hbm>>) dst(%arg16 : memref<80xi32, #tpu.memory_space<vmem>>)
        tpu.yield
      }) : () -> ()
      %scan3A_1318 = arith.constant 0 : i32
      %scan3A_1319 = arith.constant 0 : i32
      %scan3A_1320 = arith.constant 5 : i32
      %scan3A_1321 = arith.addi %scan3A_1319, %scan3A_1320 : i32
      %scan3A_1322 = arith.constant 1 : i32
      %scan3A_1323 = scf.for %scan3A_1326 = %scan3A_1319 to %scan3A_1321 step %scan3A_1322 iter_args(%scan3A_1327 = %scan3A_1318) -> (i32)  : i32 {
        %mul3A_1328 = arith.constant 16 : i32
        %mul3A_1329 = arith.muli %scan3A_1326, %mul3A_1328 : i32
        %get3A_1330 = arith.index_cast %mul3A_1329 : i32 to index
        %get3A_1331 = tpu.vector_load %arg15[%get3A_1330] {strides = array<i32>} : memref<80xi32, #tpu.memory_space<vmem>>, vector<16xi32>,
        %mul3A_1332 = arith.constant 16 : i32
        %mul3A_1333 = arith.muli %scan3A_1326, %mul3A_1332 : i32
        %get3A_1334 = arith.index_cast %mul3A_1333 : i32 to index
        %get3A_1335 = tpu.vector_load %arg16[%get3A_1334] {strides = array<i32>} : memref<80xi32, #tpu.memory_space<vmem>>, vector<16xi32>,
        %shift_right_arithmetic3A_1336 = arith.constant 7 : i32
        %shift_right_arithmetic3A_1337 = vector.broadcast %shift_right_arithmetic3A_1336 : i32 to vector<16xi32>
        %shift_right_arithmetic3A_1338 = arith.shrsi %get3A_1335, %shift_right_arithmetic3A_1337 : vector<16xi32>
        %and3A_1339 = arith.constant 127 : i32
        %and3A_1340 = vector.broadcast %and3A_1339 : i32 to vector<16xi32>
        %and3A_1341 = arith.andi %get3A_1335, %and3A_1340 : vector<16xi32>
        %gather3A_1342 = tpu.vector_load_idx %arg11[%shift_right_arithmetic3A_1338, %and3A_1341] : memref<80x128xf32, #tpu.memory_space<vmem>>[vector<16xi32>, vector<16xi32>], vector<16xf32>,
        %shift_right_arithmetic3A_1343 = arith.constant 7 : i32
        %shift_right_arithmetic3A_1344 = vector.broadcast %shift_right_arithmetic3A_1343 : i32 to vector<16xi32>
        %shift_right_arithmetic3A_1345 = arith.shrsi %get3A_1331, %shift_right_arithmetic3A_1344 : vector<16xi32>
        %and3A_1346 = arith.constant 127 : i32
        %and3A_1347 = vector.broadcast %and3A_1346 : i32 to vector<16xi32>
        %and3A_1348 = arith.andi %get3A_1331, %and3A_1347 : vector<16xi32>
        %gather3A_1349 = tpu.vector_load_idx %arg10[%shift_right_arithmetic3A_1345, %and3A_1348] : memref<80x128xf32, #tpu.memory_space<vmem>>[vector<16xi32>, vector<16xi32>], vector<16xf32>,
        %add3A_1350 = arith.addf %gather3A_1342, %gather3A_1349 : vector<16xf32>
        %ge3A_1351 = arith.constant 0.000000e+00 : f32
        %ge3A_1352 = vector.broadcast %ge3A_1351 : f32 to vector<16xf32>
        %ge3A_1353 = arith.cmpf oge, %add3A_1350, %ge3A_1352 : vector<16xf32>
        %mul3A_1354 = arith.constant 2.000000e-01 : f32
        %mul3A_1355 = vector.broadcast %mul3A_1354 : f32 to vector<16xf32>
        %mul3A_1356 = arith.mulf %mul3A_1355, %add3A_1350 : vector<16xf32>
        %select_n3A_1357 = arith.select %ge3A_1353, %add3A_1350, %mul3A_1356 : vector<16xi1>, vector<16xf32>
        %shift_right_arithmetic3A_1358 = arith.constant 7 : i32
        %shift_right_arithmetic3A_1359 = vector.broadcast %shift_right_arithmetic3A_1358 : i32 to vector<16xi32>
        %shift_right_arithmetic3A_1360 = arith.shrsi %get3A_1335, %shift_right_arithmetic3A_1359 : vector<16xi32>
        %and3A_1361 = arith.constant 127 : i32
        %and3A_1362 = vector.broadcast %and3A_1361 : i32 to vector<16xi32>
        %and3A_1363 = arith.andi %get3A_1335, %and3A_1362 : vector<16xi32>
        %gather3A_1364 = tpu.vector_load_idx %arg12[%shift_right_arithmetic3A_1360, %and3A_1363] : memref<80x128xf32, #tpu.memory_space<vmem>>[vector<16xi32>, vector<16xi32>], vector<16xf32>,
        %while3A = scf.while (%while3A_1366 = %gather3A_1364) : (vector<16xf32>) -> vector<16xf32> {
          %gt3A = arith.cmpf ogt, %select_n3A_1357, %while3A_1366 : vector<16xf32>
          %reduce_or3A = arith.constant 1.000000e+00 : f32
          %reduce_or3A_1367 = arith.constant 0.000000e+00 : f32
          %reduce_or3A_1368 = vector.broadcast %reduce_or3A : f32 to vector<16xf32>
          %reduce_or3A_1369 = vector.broadcast %reduce_or3A_1367 : f32 to vector<16xf32>
          %reduce_or3A_1370 = arith.select %gt3A, %reduce_or3A_1368, %reduce_or3A_1369 : vector<16xi1>, vector<16xf32>
          %reduce_or3A_1371 = arith.constant true
          %reduce_or3A_1372 = vector.broadcast %reduce_or3A_1371 : i1 to vector<16xi1>
          %reduce_or3A_1373 = tpu.scan <max>, %reduce_or3A_1370 masked %reduce_or3A_1372 : vector<16xf32>, vector<16xi1> -> vector<16xf32>
          %reduce_or3A_1374 = vector.extract %reduce_or3A_1373[15] : f32 from vector<16xf32>
          %reduce_or3A_1375 = arith.constant 0.000000e+00 : f32
          %reduce_or3A_1376 = arith.cmpf ogt, %reduce_or3A_1374, %reduce_or3A_1375 : f32
          scf.condition(%reduce_or3A_1376) %while3A_1366 : vector<16xf32>
        } do {
        ^bb0(%while3A_1366: vector<16xf32>):
          %max3A = arith.maximumf %select_n3A_1357, %while3A_1366 : vector<16xf32>
          %gt3A = arith.cmpf ogt, %select_n3A_1357, %while3A_1366 : vector<16xf32>
          tpu.vector_store_idx %arg12[%shift_right_arithmetic3A_1360, %and3A_1363], %max3A masked %gt3A : memref<80x128xf32, #tpu.memory_space<vmem>>[vector<16xi32>, vector<16xi32>], vector<16xf32>, vector<16xi1>
          %gather3A_1367 = tpu.vector_load_idx %arg12[%shift_right_arithmetic3A_1360, %and3A_1363] : memref<80x128xf32, #tpu.memory_space<vmem>>[vector<16xi32>, vector<16xi32>], vector<16xf32>,
          scf.yield %gather3A_1367 : vector<16xf32>
        }
        %scan3A_1365 = arith.constant 0 : i32
        scf.yield %scan3A_1365 : i32
      }
      %scan3A_1324 = arith.constant 5 : i32
      %scan3A_1325 = arith.constant 0 : i32
      scf.yield %scan3A_1325 : i32
    }
    %scan3A_27 = arith.constant 250 : i32
    "tpu.region"() ({
      %run_scoped3A_1313 = tpu.sem_alloc : memref<!tpu.dma_semaphore, #tpu.memory_space<semaphore_mem>>
      %dma_start3A_1314 = arith.constant 0 : i32
      %dma_start3A_1315 = arith.constant 0 : i32
      %dma_start3A_1316 = tpu.memref_slice %arg8[%arg0, %arg1, %dma_start3A_1314, %dma_start3A_1315] : memref<2x16x80x128xf32, #tpu.memory_space<hbm>> -> memref<1x1x80x128xf32, #tpu.memory_space<hbm>>
      %dma_start3A_1317 = tpu.memref_squeeze %dma_start3A_1316 : memref<1x1x80x128xf32, #tpu.memory_space<hbm>> -> memref<80x128xf32, #tpu.memory_space<hbm>>
      %dma_start3A_1318 = arith.constant 0 : i32
      %dma_start3A_1319 = arith.constant 0 : i32
      %dma_start3A_1320 = tpu.memref_slice %arg8[%arg0, %arg1, %dma_start3A_1318, %dma_start3A_1319] : memref<2x16x80x128xf32, #tpu.memory_space<hbm>> -> memref<1x1x80x128xf32, #tpu.memory_space<hbm>>
      %dma_start3A_1321 = tpu.memref_squeeze %dma_start3A_1320 : memref<1x1x80x128xf32, #tpu.memory_space<hbm>> -> memref<80x128xf32, #tpu.memory_space<hbm>>
      tpu.enqueue_dma source(%arg12 : memref<80x128xf32, #tpu.memory_space<vmem>>) target(%dma_start3A_1321 : memref<80x128xf32, #tpu.memory_space<hbm>>) target_semaphore(%run_scoped3A_1313 : memref<!tpu.dma_semaphore, #tpu.memory_space<semaphore_mem>>)
      %dma_wait3A_1322 = arith.constant 0 : i32
      %dma_wait3A_1323 = arith.constant 0 : i32
      %dma_wait3A_1324 = tpu.memref_slice %arg8[%arg0, %arg1, %dma_wait3A_1322, %dma_wait3A_1323] : memref<2x16x80x128xf32, #tpu.memory_space<hbm>> -> memref<1x1x80x128xf32, #tpu.memory_space<hbm>>
      %dma_wait3A_1325 = tpu.memref_squeeze %dma_wait3A_1324 : memref<1x1x80x128xf32, #tpu.memory_space<hbm>> -> memref<80x128xf32, #tpu.memory_space<hbm>>
      %dma_wait3A_1326 = arith.constant 0 : i32
      %dma_wait3A_1327 = arith.constant 0 : i32
      %dma_wait3A_1328 = tpu.memref_slice %arg8[%arg0, %arg1, %dma_wait3A_1326, %dma_wait3A_1327] : memref<2x16x80x128xf32, #tpu.memory_space<hbm>> -> memref<1x1x80x128xf32, #tpu.memory_space<hbm>>
      %dma_wait3A_1329 = tpu.memref_squeeze %dma_wait3A_1328 : memref<1x1x80x128xf32, #tpu.memory_space<hbm>> -> memref<80x128xf32, #tpu.memory_space<hbm>>
      tpu.wait_dma2 semaphore(%run_scoped3A_1313 : memref<!tpu.dma_semaphore, #tpu.memory_space<semaphore_mem>>) src(%arg12 : memref<80x128xf32, #tpu.memory_space<vmem>>) dst(%dma_wait3A_1329 : memref<80x128xf32, #tpu.memory_space<hbm>>)
      tpu.yield
    }) : () -> ()
    %barrier3A = arith.constant 0 : index
    tpu.barrier barrier_id(%barrier3A)
    %mul3A_28 = arith.constant 5 : i32
    %mul3A_29 = arith.muli %arg1, %mul3A_28 : i32
    %run_scoped3A = arith.constant 0 : i32
    "tpu.region"() ({
      %run_scoped3A_1313 = tpu.sem_alloc : memref<!tpu.dma_semaphore, #tpu.memory_space<semaphore_mem>>
      %dma_start3A_1314 = arith.constant 0 : i32
      %dma_start3A_1315 = tpu.memref_slice %arg8[%arg0, %run_scoped3A, %mul3A_29, %dma_start3A_1314] : memref<2x16x80x128xf32, #tpu.memory_space<hbm>> -> memref<1x1x5x128xf32, #tpu.memory_space<hbm>>
      %dma_start3A_1316 = tpu.memref_squeeze %dma_start3A_1315 : memref<1x1x5x128xf32, #tpu.memory_space<hbm>> -> memref<5x128xf32, #tpu.memory_space<hbm>>
      %dma_start3A_1317 = arith.constant 0 : i32
      %dma_start3A_1318 = tpu.memref_slice %arg8[%arg0, %run_scoped3A, %mul3A_29, %dma_start3A_1317] : memref<2x16x80x128xf32, #tpu.memory_space<hbm>> -> memref<1x1x5x128xf32, #tpu.memory_space<hbm>>
      %dma_start3A_1319 = tpu.memref_squeeze %dma_start3A_1318 : memref<1x1x5x128xf32, #tpu.memory_space<hbm>> -> memref<5x128xf32, #tpu.memory_space<hbm>>
      tpu.enqueue_dma source(%dma_start3A_1319 : memref<5x128xf32, #tpu.memory_space<hbm>>) target(%arg14 : memref<5x128xf32, #tpu.memory_space<vmem>>) target_semaphore(%run_scoped3A_1313 : memref<!tpu.dma_semaphore, #tpu.memory_space<semaphore_mem>>)
      %dma_wait3A_1320 = arith.constant 0 : i32
      %dma_wait3A_1321 = tpu.memref_slice %arg8[%arg0, %run_scoped3A, %mul3A_29, %dma_wait3A_1320] : memref<2x16x80x128xf32, #tpu.memory_space<hbm>> -> memref<1x1x5x128xf32, #tpu.memory_space<hbm>>
      %dma_wait3A_1322 = tpu.memref_squeeze %dma_wait3A_1321 : memref<1x1x5x128xf32, #tpu.memory_space<hbm>> -> memref<5x128xf32, #tpu.memory_space<hbm>>
      %dma_wait3A_1323 = arith.constant 0 : i32
      %dma_wait3A_1324 = tpu.memref_slice %arg8[%arg0, %run_scoped3A, %mul3A_29, %dma_wait3A_1323] : memref<2x16x80x128xf32, #tpu.memory_space<hbm>> -> memref<1x1x5x128xf32, #tpu.memory_space<hbm>>
      %dma_wait3A_1325 = tpu.memref_squeeze %dma_wait3A_1324 : memref<1x1x5x128xf32, #tpu.memory_space<hbm>> -> memref<5x128xf32, #tpu.memory_space<hbm>>
      tpu.wait_dma2 semaphore(%run_scoped3A_1313 : memref<!tpu.dma_semaphore, #tpu.memory_space<semaphore_mem>>) src(%dma_wait3A_1325 : memref<5x128xf32, #tpu.memory_space<hbm>>) dst(%arg14 : memref<5x128xf32, #tpu.memory_space<vmem>>)
      tpu.yield
    }) : () -> ()
    %scan3A_30 = arith.constant 0 : i32
    %scan3A_31 = arith.constant 1 : i32
    %scan3A_32 = arith.constant 15 : i32
    %scan3A_33 = arith.addi %scan3A_31, %scan3A_32 : i32
    %scan3A_34 = arith.constant 1 : i32
    %scan3A_35 = scf.for %scan3A_1313 = %scan3A_31 to %scan3A_33 step %scan3A_34 iter_args(%scan3A_1314 = %scan3A_30) -> (i32)  : i32 {
      "tpu.region"() ({
        %run_scoped3A_1835 = tpu.sem_alloc : memref<!tpu.dma_semaphore, #tpu.memory_space<semaphore_mem>>
        %dma_start3A_1836 = arith.constant 0 : i32
        %dma_start3A_1837 = arith.constant 0 : i32
        %dma_start3A_1838 = tpu.memref_slice %arg22[%dma_start3A_1836, %dma_start3A_1837] : memref<64x128xf32, #tpu.memory_space<vmem>> -> memref<5x128xf32, #tpu.memory_space<vmem>>
        %dma_start3A_1839 = arith.constant 0 : i32
        %dma_start3A_1840 = tpu.memref_slice %arg8[%arg0, %scan3A_1313, %mul3A_29, %dma_start3A_1839] : memref<2x16x80x128xf32, #tpu.memory_space<hbm>> -> memref<1x1x5x128xf32, #tpu.memory_space<hbm>>
        %dma_start3A_1841 = tpu.memref_squeeze %dma_start3A_1840 : memref<1x1x5x128xf32, #tpu.memory_space<hbm>> -> memref<5x128xf32, #tpu.memory_space<hbm>>
        %dma_start3A_1842 = arith.constant 0 : i32
        %dma_start3A_1843 = arith.constant 0 : i32
        %dma_start3A_1844 = tpu.memref_slice %arg22[%dma_start3A_1842, %dma_start3A_1843] : memref<64x128xf32, #tpu.memory_space<vmem>> -> memref<5x128xf32, #tpu.memory_space<vmem>>
        %dma_start3A_1845 = arith.constant 0 : i32
        %dma_start3A_1846 = tpu.memref_slice %arg8[%arg0, %scan3A_1313, %mul3A_29, %dma_start3A_1845] : memref<2x16x80x128xf32, #tpu.memory_space<hbm>> -> memref<1x1x5x128xf32, #tpu.memory_space<hbm>>
        %dma_start3A_1847 = tpu.memref_squeeze %dma_start3A_1846 : memref<1x1x5x128xf32, #tpu.memory_space<hbm>> -> memref<5x128xf32, #tpu.memory_space<hbm>>
        tpu.enqueue_dma source(%dma_start3A_1847 : memref<5x128xf32, #tpu.memory_space<hbm>>) target(%dma_start3A_1844 : memref<5x128xf32, #tpu.memory_space<vmem>>) target_semaphore(%run_scoped3A_1835 : memref<!tpu.dma_semaphore, #tpu.memory_space<semaphore_mem>>)
        %dma_wait3A_1848 = arith.constant 0 : i32
        %dma_wait3A_1849 = arith.constant 0 : i32
        %dma_wait3A_1850 = tpu.memref_slice %arg22[%dma_wait3A_1848, %dma_wait3A_1849] : memref<64x128xf32, #tpu.memory_space<vmem>> -> memref<5x128xf32, #tpu.memory_space<vmem>>
        %dma_wait3A_1851 = arith.constant 0 : i32
        %dma_wait3A_1852 = tpu.memref_slice %arg8[%arg0, %scan3A_1313, %mul3A_29, %dma_wait3A_1851] : memref<2x16x80x128xf32, #tpu.memory_space<hbm>> -> memref<1x1x5x128xf32, #tpu.memory_space<hbm>>
        %dma_wait3A_1853 = tpu.memref_squeeze %dma_wait3A_1852 : memref<1x1x5x128xf32, #tpu.memory_space<hbm>> -> memref<5x128xf32, #tpu.memory_space<hbm>>
        %dma_wait3A_1854 = arith.constant 0 : i32
        %dma_wait3A_1855 = arith.constant 0 : i32
        %dma_wait3A_1856 = tpu.memref_slice %arg22[%dma_wait3A_1854, %dma_wait3A_1855] : memref<64x128xf32, #tpu.memory_space<vmem>> -> memref<5x128xf32, #tpu.memory_space<vmem>>
        %dma_wait3A_1857 = arith.constant 0 : i32
        %dma_wait3A_1858 = tpu.memref_slice %arg8[%arg0, %scan3A_1313, %mul3A_29, %dma_wait3A_1857] : memref<2x16x80x128xf32, #tpu.memory_space<hbm>> -> memref<1x1x5x128xf32, #tpu.memory_space<hbm>>
        %dma_wait3A_1859 = tpu.memref_squeeze %dma_wait3A_1858 : memref<1x1x5x128xf32, #tpu.memory_space<hbm>> -> memref<5x128xf32, #tpu.memory_space<hbm>>
        tpu.wait_dma2 semaphore(%run_scoped3A_1835 : memref<!tpu.dma_semaphore, #tpu.memory_space<semaphore_mem>>) src(%dma_wait3A_1859 : memref<5x128xf32, #tpu.memory_space<hbm>>) dst(%dma_wait3A_1856 : memref<5x128xf32, #tpu.memory_space<vmem>>)
        tpu.yield
      }) : () -> ()
      %get3A_1315 = arith.constant 0 : i32
      %get3A_1316 = arith.index_cast %get3A_1315 : i32 to index
      %get3A_1317 = arith.constant 0 : index
      %get3A_1318 = tpu.vector_load %arg14[%get3A_1316, %get3A_1317] {strides = array<i32>} : memref<5x128xf32, #tpu.memory_space<vmem>>, vector<16xf32>,
      %get3A_1319 = arith.constant 0 : i32
      %get3A_1320 = arith.index_cast %get3A_1319 : i32 to index
      %get3A_1321 = arith.constant 0 : index
      %get3A_1322 = tpu.vector_load %arg22[%get3A_1320, %get3A_1321] {strides = array<i32>} : memref<64x128xf32, #tpu.memory_space<vmem>>, vector<16xf32>,
      %max3A = arith.maximumf %get3A_1318, %get3A_1322 : vector<16xf32>
      %swap3A_1323 = arith.constant 0 : i32
      %swap3A_1324 = arith.index_cast %swap3A_1323 : i32 to index
      %swap3A_1325 = arith.constant 0 : index
      %swap3A_1326 = tpu.vector_load %arg14[%swap3A_1324, %swap3A_1325] {strides = array<i32>} : memref<5x128xf32, #tpu.memory_space<vmem>>, vector<16xf32>,
      tpu.vector_store %arg14[%swap3A_1324, %swap3A_1325], %max3A {strides = array<i32>} : memref<5x128xf32, #tpu.memory_space<vmem>>, vector<16xf32>,
      %get3A_1327 = arith.constant 0 : i32
      %get3A_1328 = arith.index_cast %get3A_1327 : i32 to index
      %get3A_1329 = arith.constant 16 : index
      %get3A_1330 = tpu.vector_load %arg14[%get3A_1328, %get3A_1329] {strides = array<i32>} : memref<5x128xf32, #tpu.memory_space<vmem>>, vector<16xf32>,
      %get3A_1331 = arith.constant 0 : i32
      %get3A_1332 = arith.index_cast %get3A_1331 : i32 to index
      %get3A_1333 = arith.constant 16 : index
      %get3A_1334 = tpu.vector_load %arg22[%get3A_1332, %get3A_1333] {strides = array<i32>} : memref<64x128xf32, #tpu.memory_space<vmem>>, vector<16xf32>,
      %max3A_1335 = arith.maximumf %get3A_1330, %get3A_1334 : vector<16xf32>
      %swap3A_1336 = arith.constant 0 : i32
      %swap3A_1337 = arith.index_cast %swap3A_1336 : i32 to index
      %swap3A_1338 = arith.constant 16 : index
      %swap3A_1339 = tpu.vector_load %arg14[%swap3A_1337, %swap3A_1338] {strides = array<i32>} : memref<5x128xf32, #tpu.memory_space<vmem>>, vector<16xf32>,
      tpu.vector_store %arg14[%swap3A_1337, %swap3A_1338], %max3A_1335 {strides = array<i32>} : memref<5x128xf32, #tpu.memory_space<vmem>>, vector<16xf32>,
      %get3A_1340 = arith.constant 0 : i32
      %get3A_1341 = arith.index_cast %get3A_1340 : i32 to index
      %get3A_1342 = arith.constant 32 : index
      %get3A_1343 = tpu.vector_load %arg14[%get3A_1341, %get3A_1342] {strides = array<i32>} : memref<5x128xf32, #tpu.memory_space<vmem>>, vector<16xf32>,
      %get3A_1344 = arith.constant 0 : i32
      %get3A_1345 = arith.index_cast %get3A_1344 : i32 to index
      %get3A_1346 = arith.constant 32 : index
      %get3A_1347 = tpu.vector_load %arg22[%get3A_1345, %get3A_1346] {strides = array<i32>} : memref<64x128xf32, #tpu.memory_space<vmem>>, vector<16xf32>,
      %max3A_1348 = arith.maximumf %get3A_1343, %get3A_1347 : vector<16xf32>
      %swap3A_1349 = arith.constant 0 : i32
      %swap3A_1350 = arith.index_cast %swap3A_1349 : i32 to index
      %swap3A_1351 = arith.constant 32 : index
      %swap3A_1352 = tpu.vector_load %arg14[%swap3A_1350, %swap3A_1351] {strides = array<i32>} : memref<5x128xf32, #tpu.memory_space<vmem>>, vector<16xf32>,
      tpu.vector_store %arg14[%swap3A_1350, %swap3A_1351], %max3A_1348 {strides = array<i32>} : memref<5x128xf32, #tpu.memory_space<vmem>>, vector<16xf32>,
      %get3A_1353 = arith.constant 0 : i32
      %get3A_1354 = arith.index_cast %get3A_1353 : i32 to index
      %get3A_1355 = arith.constant 48 : index
      %get3A_1356 = tpu.vector_load %arg14[%get3A_1354, %get3A_1355] {strides = array<i32>} : memref<5x128xf32, #tpu.memory_space<vmem>>, vector<16xf32>,
      %get3A_1357 = arith.constant 0 : i32
      %get3A_1358 = arith.index_cast %get3A_1357 : i32 to index
      %get3A_1359 = arith.constant 48 : index
      %get3A_1360 = tpu.vector_load %arg22[%get3A_1358, %get3A_1359] {strides = array<i32>} : memref<64x128xf32, #tpu.memory_space<vmem>>, vector<16xf32>,
      %max3A_1361 = arith.maximumf %get3A_1356, %get3A_1360 : vector<16xf32>
      %swap3A_1362 = arith.constant 0 : i32
      %swap3A_1363 = arith.index_cast %swap3A_1362 : i32 to index
      %swap3A_1364 = arith.constant 48 : index
      %swap3A_1365 = tpu.vector_load %arg14[%swap3A_1363, %swap3A_1364] {strides = array<i32>} : memref<5x128xf32, #tpu.memory_space<vmem>>, vector<16xf32>,
      tpu.vector_store %arg14[%swap3A_1363, %swap3A_1364], %max3A_1361 {strides = array<i32>} : memref<5x128xf32, #tpu.memory_space<vmem>>, vector<16xf32>,
      %get3A_1366 = arith.constant 0 : i32
      %get3A_1367 = arith.index_cast %get3A_1366 : i32 to index
      %get3A_1368 = arith.constant 64 : index
      %get3A_1369 = tpu.vector_load %arg14[%get3A_1367, %get3A_1368] {strides = array<i32>} : memref<5x128xf32, #tpu.memory_space<vmem>>, vector<16xf32>,
      %get3A_1370 = arith.constant 0 : i32
      %get3A_1371 = arith.index_cast %get3A_1370 : i32 to index
      %get3A_1372 = arith.constant 64 : index
      %get3A_1373 = tpu.vector_load %arg22[%get3A_1371, %get3A_1372] {strides = array<i32>} : memref<64x128xf32, #tpu.memory_space<vmem>>, vector<16xf32>,
      %max3A_1374 = arith.maximumf %get3A_1369, %get3A_1373 : vector<16xf32>
      %swap3A_1375 = arith.constant 0 : i32
      %swap3A_1376 = arith.index_cast %swap3A_1375 : i32 to index
      %swap3A_1377 = arith.constant 64 : index
      %swap3A_1378 = tpu.vector_load %arg14[%swap3A_1376, %swap3A_1377] {strides = array<i32>} : memref<5x128xf32, #tpu.memory_space<vmem>>, vector<16xf32>,
      tpu.vector_store %arg14[%swap3A_1376, %swap3A_1377], %max3A_1374 {strides = array<i32>} : memref<5x128xf32, #tpu.memory_space<vmem>>, vector<16xf32>,
      %get3A_1379 = arith.constant 0 : i32
      %get3A_1380 = arith.index_cast %get3A_1379 : i32 to index
      %get3A_1381 = arith.constant 80 : index
      %get3A_1382 = tpu.vector_load %arg14[%get3A_1380, %get3A_1381] {strides = array<i32>} : memref<5x128xf32, #tpu.memory_space<vmem>>, vector<16xf32>,
      %get3A_1383 = arith.constant 0 : i32
      %get3A_1384 = arith.index_cast %get3A_1383 : i32 to index
      %get3A_1385 = arith.constant 80 : index
      %get3A_1386 = tpu.vector_load %arg22[%get3A_1384, %get3A_1385] {strides = array<i32>} : memref<64x128xf32, #tpu.memory_space<vmem>>, vector<16xf32>,
      %max3A_1387 = arith.maximumf %get3A_1382, %get3A_1386 : vector<16xf32>
      %swap3A_1388 = arith.constant 0 : i32
      %swap3A_1389 = arith.index_cast %swap3A_1388 : i32 to index
      %swap3A_1390 = arith.constant 80 : index
      %swap3A_1391 = tpu.vector_load %arg14[%swap3A_1389, %swap3A_1390] {strides = array<i32>} : memref<5x128xf32, #tpu.memory_space<vmem>>, vector<16xf32>,
      tpu.vector_store %arg14[%swap3A_1389, %swap3A_1390], %max3A_1387 {strides = array<i32>} : memref<5x128xf32, #tpu.memory_space<vmem>>, vector<16xf32>,
      %get3A_1392 = arith.constant 0 : i32
      %get3A_1393 = arith.index_cast %get3A_1392 : i32 to index
      %get3A_1394 = arith.constant 96 : index
      %get3A_1395 = tpu.vector_load %arg14[%get3A_1393, %get3A_1394] {strides = array<i32>} : memref<5x128xf32, #tpu.memory_space<vmem>>, vector<16xf32>,
      %get3A_1396 = arith.constant 0 : i32
      %get3A_1397 = arith.index_cast %get3A_1396 : i32 to index
      %get3A_1398 = arith.constant 96 : index
      %get3A_1399 = tpu.vector_load %arg22[%get3A_1397, %get3A_1398] {strides = array<i32>} : memref<64x128xf32, #tpu.memory_space<vmem>>, vector<16xf32>,
      %max3A_1400 = arith.maximumf %get3A_1395, %get3A_1399 : vector<16xf32>
      %swap3A_1401 = arith.constant 0 : i32
      %swap3A_1402 = arith.index_cast %swap3A_1401 : i32 to index
      %swap3A_1403 = arith.constant 96 : index
      %swap3A_1404 = tpu.vector_load %arg14[%swap3A_1402, %swap3A_1403] {strides = array<i32>} : memref<5x128xf32, #tpu.memory_space<vmem>>, vector<16xf32>,
      tpu.vector_store %arg14[%swap3A_1402, %swap3A_1403], %max3A_1400 {strides = array<i32>} : memref<5x128xf32, #tpu.memory_space<vmem>>, vector<16xf32>,
      %get3A_1405 = arith.constant 0 : i32
      %get3A_1406 = arith.index_cast %get3A_1405 : i32 to index
      %get3A_1407 = arith.constant 112 : index
      %get3A_1408 = tpu.vector_load %arg14[%get3A_1406, %get3A_1407] {strides = array<i32>} : memref<5x128xf32, #tpu.memory_space<vmem>>, vector<16xf32>,
      %get3A_1409 = arith.constant 0 : i32
      %get3A_1410 = arith.index_cast %get3A_1409 : i32 to index
      %get3A_1411 = arith.constant 112 : index
      %get3A_1412 = tpu.vector_load %arg22[%get3A_1410, %get3A_1411] {strides = array<i32>} : memref<64x128xf32, #tpu.memory_space<vmem>>, vector<16xf32>,
      %max3A_1413 = arith.maximumf %get3A_1408, %get3A_1412 : vector<16xf32>
      %swap3A_1414 = arith.constant 0 : i32
      %swap3A_1415 = arith.index_cast %swap3A_1414 : i32 to index
      %swap3A_1416 = arith.constant 112 : index
      %swap3A_1417 = tpu.vector_load %arg14[%swap3A_1415, %swap3A_1416] {strides = array<i32>} : memref<5x128xf32, #tpu.memory_space<vmem>>, vector<16xf32>,
      tpu.vector_store %arg14[%swap3A_1415, %swap3A_1416], %max3A_1413 {strides = array<i32>} : memref<5x128xf32, #tpu.memory_space<vmem>>, vector<16xf32>,
      %get3A_1418 = arith.constant 1 : i32
      %get3A_1419 = arith.index_cast %get3A_1418 : i32 to index
      %get3A_1420 = arith.constant 0 : index
      %get3A_1421 = tpu.vector_load %arg14[%get3A_1419, %get3A_1420] {strides = array<i32>} : memref<5x128xf32, #tpu.memory_space<vmem>>, vector<16xf32>,
      %get3A_1422 = arith.constant 1 : i32
      %get3A_1423 = arith.index_cast %get3A_1422 : i32 to index
      %get3A_1424 = arith.constant 0 : index
      %get3A_1425 = tpu.vector_load %arg22[%get3A_1423, %get3A_1424] {strides = array<i32>} : memref<64x128xf32, #tpu.memory_space<vmem>>, vector<16xf32>,
      %max3A_1426 = arith.maximumf %get3A_1421, %get3A_1425 : vector<16xf32>
      %swap3A_1427 = arith.constant 1 : i32
      %swap3A_1428 = arith.index_cast %swap3A_1427 : i32 to index
      %swap3A_1429 = arith.constant 0 : index
      %swap3A_1430 = tpu.vector_load %arg14[%swap3A_1428, %swap3A_1429] {strides = array<i32>} : memref<5x128xf32, #tpu.memory_space<vmem>>, vector<16xf32>,
      tpu.vector_store %arg14[%swap3A_1428, %swap3A_1429], %max3A_1426 {strides = array<i32>} : memref<5x128xf32, #tpu.memory_space<vmem>>, vector<16xf32>,
      %get3A_1431 = arith.constant 1 : i32
      %get3A_1432 = arith.index_cast %get3A_1431 : i32 to index
      %get3A_1433 = arith.constant 16 : index
      %get3A_1434 = tpu.vector_load %arg14[%get3A_1432, %get3A_1433] {strides = array<i32>} : memref<5x128xf32, #tpu.memory_space<vmem>>, vector<16xf32>,
      %get3A_1435 = arith.constant 1 : i32
      %get3A_1436 = arith.index_cast %get3A_1435 : i32 to index
      %get3A_1437 = arith.constant 16 : index
      %get3A_1438 = tpu.vector_load %arg22[%get3A_1436, %get3A_1437] {strides = array<i32>} : memref<64x128xf32, #tpu.memory_space<vmem>>, vector<16xf32>,
      %max3A_1439 = arith.maximumf %get3A_1434, %get3A_1438 : vector<16xf32>
      %swap3A_1440 = arith.constant 1 : i32
      %swap3A_1441 = arith.index_cast %swap3A_1440 : i32 to index
      %swap3A_1442 = arith.constant 16 : index
      %swap3A_1443 = tpu.vector_load %arg14[%swap3A_1441, %swap3A_1442] {strides = array<i32>} : memref<5x128xf32, #tpu.memory_space<vmem>>, vector<16xf32>,
      tpu.vector_store %arg14[%swap3A_1441, %swap3A_1442], %max3A_1439 {strides = array<i32>} : memref<5x128xf32, #tpu.memory_space<vmem>>, vector<16xf32>,
      %get3A_1444 = arith.constant 1 : i32
      %get3A_1445 = arith.index_cast %get3A_1444 : i32 to index
      %get3A_1446 = arith.constant 32 : index
      %get3A_1447 = tpu.vector_load %arg14[%get3A_1445, %get3A_1446] {strides = array<i32>} : memref<5x128xf32, #tpu.memory_space<vmem>>, vector<16xf32>,
      %get3A_1448 = arith.constant 1 : i32
      %get3A_1449 = arith.index_cast %get3A_1448 : i32 to index
      %get3A_1450 = arith.constant 32 : index
      %get3A_1451 = tpu.vector_load %arg22[%get3A_1449, %get3A_1450] {strides = array<i32>} : memref<64x128xf32, #tpu.memory_space<vmem>>, vector<16xf32>,
      %max3A_1452 = arith.maximumf %get3A_1447, %get3A_1451 : vector<16xf32>
      %swap3A_1453 = arith.constant 1 : i32
      %swap3A_1454 = arith.index_cast %swap3A_1453 : i32 to index
      %swap3A_1455 = arith.constant 32 : index
      %swap3A_1456 = tpu.vector_load %arg14[%swap3A_1454, %swap3A_1455] {strides = array<i32>} : memref<5x128xf32, #tpu.memory_space<vmem>>, vector<16xf32>,
      tpu.vector_store %arg14[%swap3A_1454, %swap3A_1455], %max3A_1452 {strides = array<i32>} : memref<5x128xf32, #tpu.memory_space<vmem>>, vector<16xf32>,
      %get3A_1457 = arith.constant 1 : i32
      %get3A_1458 = arith.index_cast %get3A_1457 : i32 to index
      %get3A_1459 = arith.constant 48 : index
      %get3A_1460 = tpu.vector_load %arg14[%get3A_1458, %get3A_1459] {strides = array<i32>} : memref<5x128xf32, #tpu.memory_space<vmem>>, vector<16xf32>,
      %get3A_1461 = arith.constant 1 : i32
      %get3A_1462 = arith.index_cast %get3A_1461 : i32 to index
      %get3A_1463 = arith.constant 48 : index
      %get3A_1464 = tpu.vector_load %arg22[%get3A_1462, %get3A_1463] {strides = array<i32>} : memref<64x128xf32, #tpu.memory_space<vmem>>, vector<16xf32>,
      %max3A_1465 = arith.maximumf %get3A_1460, %get3A_1464 : vector<16xf32>
      %swap3A_1466 = arith.constant 1 : i32
      %swap3A_1467 = arith.index_cast %swap3A_1466 : i32 to index
      %swap3A_1468 = arith.constant 48 : index
      %swap3A_1469 = tpu.vector_load %arg14[%swap3A_1467, %swap3A_1468] {strides = array<i32>} : memref<5x128xf32, #tpu.memory_space<vmem>>, vector<16xf32>,
      tpu.vector_store %arg14[%swap3A_1467, %swap3A_1468], %max3A_1465 {strides = array<i32>} : memref<5x128xf32, #tpu.memory_space<vmem>>, vector<16xf32>,
      %get3A_1470 = arith.constant 1 : i32
      %get3A_1471 = arith.index_cast %get3A_1470 : i32 to index
      %get3A_1472 = arith.constant 64 : index
      %get3A_1473 = tpu.vector_load %arg14[%get3A_1471, %get3A_1472] {strides = array<i32>} : memref<5x128xf32, #tpu.memory_space<vmem>>, vector<16xf32>,
      %get3A_1474 = arith.constant 1 : i32
      %get3A_1475 = arith.index_cast %get3A_1474 : i32 to index
      %get3A_1476 = arith.constant 64 : index
      %get3A_1477 = tpu.vector_load %arg22[%get3A_1475, %get3A_1476] {strides = array<i32>} : memref<64x128xf32, #tpu.memory_space<vmem>>, vector<16xf32>,
      %max3A_1478 = arith.maximumf %get3A_1473, %get3A_1477 : vector<16xf32>
      %swap3A_1479 = arith.constant 1 : i32
      %swap3A_1480 = arith.index_cast %swap3A_1479 : i32 to index
      %swap3A_1481 = arith.constant 64 : index
      %swap3A_1482 = tpu.vector_load %arg14[%swap3A_1480, %swap3A_1481] {strides = array<i32>} : memref<5x128xf32, #tpu.memory_space<vmem>>, vector<16xf32>,
      tpu.vector_store %arg14[%swap3A_1480, %swap3A_1481], %max3A_1478 {strides = array<i32>} : memref<5x128xf32, #tpu.memory_space<vmem>>, vector<16xf32>,
      %get3A_1483 = arith.constant 1 : i32
      %get3A_1484 = arith.index_cast %get3A_1483 : i32 to index
      %get3A_1485 = arith.constant 80 : index
      %get3A_1486 = tpu.vector_load %arg14[%get3A_1484, %get3A_1485] {strides = array<i32>} : memref<5x128xf32, #tpu.memory_space<vmem>>, vector<16xf32>,
      %get3A_1487 = arith.constant 1 : i32
      %get3A_1488 = arith.index_cast %get3A_1487 : i32 to index
      %get3A_1489 = arith.constant 80 : index
      %get3A_1490 = tpu.vector_load %arg22[%get3A_1488, %get3A_1489] {strides = array<i32>} : memref<64x128xf32, #tpu.memory_space<vmem>>, vector<16xf32>,
      %max3A_1491 = arith.maximumf %get3A_1486, %get3A_1490 : vector<16xf32>
      %swap3A_1492 = arith.constant 1 : i32
      %swap3A_1493 = arith.index_cast %swap3A_1492 : i32 to index
      %swap3A_1494 = arith.constant 80 : index
      %swap3A_1495 = tpu.vector_load %arg14[%swap3A_1493, %swap3A_1494] {strides = array<i32>} : memref<5x128xf32, #tpu.memory_space<vmem>>, vector<16xf32>,
      tpu.vector_store %arg14[%swap3A_1493, %swap3A_1494], %max3A_1491 {strides = array<i32>} : memref<5x128xf32, #tpu.memory_space<vmem>>, vector<16xf32>,
      %get3A_1496 = arith.constant 1 : i32
      %get3A_1497 = arith.index_cast %get3A_1496 : i32 to index
      %get3A_1498 = arith.constant 96 : index
      %get3A_1499 = tpu.vector_load %arg14[%get3A_1497, %get3A_1498] {strides = array<i32>} : memref<5x128xf32, #tpu.memory_space<vmem>>, vector<16xf32>,
      %get3A_1500 = arith.constant 1 : i32
      %get3A_1501 = arith.index_cast %get3A_1500 : i32 to index
      %get3A_1502 = arith.constant 96 : index
      %get3A_1503 = tpu.vector_load %arg22[%get3A_1501, %get3A_1502] {strides = array<i32>} : memref<64x128xf32, #tpu.memory_space<vmem>>, vector<16xf32>,
      %max3A_1504 = arith.maximumf %get3A_1499, %get3A_1503 : vector<16xf32>
      %swap3A_1505 = arith.constant 1 : i32
      %swap3A_1506 = arith.index_cast %swap3A_1505 : i32 to index
      %swap3A_1507 = arith.constant 96 : index
      %swap3A_1508 = tpu.vector_load %arg14[%swap3A_1506, %swap3A_1507] {strides = array<i32>} : memref<5x128xf32, #tpu.memory_space<vmem>>, vector<16xf32>,
      tpu.vector_store %arg14[%swap3A_1506, %swap3A_1507], %max3A_1504 {strides = array<i32>} : memref<5x128xf32, #tpu.memory_space<vmem>>, vector<16xf32>,
      %get3A_1509 = arith.constant 1 : i32
      %get3A_1510 = arith.index_cast %get3A_1509 : i32 to index
      %get3A_1511 = arith.constant 112 : index
      %get3A_1512 = tpu.vector_load %arg14[%get3A_1510, %get3A_1511] {strides = array<i32>} : memref<5x128xf32, #tpu.memory_space<vmem>>, vector<16xf32>,
      %get3A_1513 = arith.constant 1 : i32
      %get3A_1514 = arith.index_cast %get3A_1513 : i32 to index
      %get3A_1515 = arith.constant 112 : index
      %get3A_1516 = tpu.vector_load %arg22[%get3A_1514, %get3A_1515] {strides = array<i32>} : memref<64x128xf32, #tpu.memory_space<vmem>>, vector<16xf32>,
      %max3A_1517 = arith.maximumf %get3A_1512, %get3A_1516 : vector<16xf32>
      %swap3A_1518 = arith.constant 1 : i32
      %swap3A_1519 = arith.index_cast %swap3A_1518 : i32 to index
      %swap3A_1520 = arith.constant 112 : index
      %swap3A_1521 = tpu.vector_load %arg14[%swap3A_1519, %swap3A_1520] {strides = array<i32>} : memref<5x128xf32, #tpu.memory_space<vmem>>, vector<16xf32>,
      tpu.vector_store %arg14[%swap3A_1519, %swap3A_1520], %max3A_1517 {strides = array<i32>} : memref<5x128xf32, #tpu.memory_space<vmem>>, vector<16xf32>,
      %get3A_1522 = arith.constant 2 : i32
      %get3A_1523 = arith.index_cast %get3A_1522 : i32 to index
      %get3A_1524 = arith.constant 0 : index
      %get3A_1525 = tpu.vector_load %arg14[%get3A_1523, %get3A_1524] {strides = array<i32>} : memref<5x128xf32, #tpu.memory_space<vmem>>, vector<16xf32>,
      %get3A_1526 = arith.constant 2 : i32
      %get3A_1527 = arith.index_cast %get3A_1526 : i32 to index
      %get3A_1528 = arith.constant 0 : index
      %get3A_1529 = tpu.vector_load %arg22[%get3A_1527, %get3A_1528] {strides = array<i32>} : memref<64x128xf32, #tpu.memory_space<vmem>>, vector<16xf32>,
      %max3A_1530 = arith.maximumf %get3A_1525, %get3A_1529 : vector<16xf32>
      %swap3A_1531 = arith.constant 2 : i32
      %swap3A_1532 = arith.index_cast %swap3A_1531 : i32 to index
      %swap3A_1533 = arith.constant 0 : index
      %swap3A_1534 = tpu.vector_load %arg14[%swap3A_1532, %swap3A_1533] {strides = array<i32>} : memref<5x128xf32, #tpu.memory_space<vmem>>, vector<16xf32>,
      tpu.vector_store %arg14[%swap3A_1532, %swap3A_1533], %max3A_1530 {strides = array<i32>} : memref<5x128xf32, #tpu.memory_space<vmem>>, vector<16xf32>,
      %get3A_1535 = arith.constant 2 : i32
      %get3A_1536 = arith.index_cast %get3A_1535 : i32 to index
      %get3A_1537 = arith.constant 16 : index
      %get3A_1538 = tpu.vector_load %arg14[%get3A_1536, %get3A_1537] {strides = array<i32>} : memref<5x128xf32, #tpu.memory_space<vmem>>, vector<16xf32>,
      %get3A_1539 = arith.constant 2 : i32
      %get3A_1540 = arith.index_cast %get3A_1539 : i32 to index
      %get3A_1541 = arith.constant 16 : index
      %get3A_1542 = tpu.vector_load %arg22[%get3A_1540, %get3A_1541] {strides = array<i32>} : memref<64x128xf32, #tpu.memory_space<vmem>>, vector<16xf32>,
      %max3A_1543 = arith.maximumf %get3A_1538, %get3A_1542 : vector<16xf32>
      %swap3A_1544 = arith.constant 2 : i32
      %swap3A_1545 = arith.index_cast %swap3A_1544 : i32 to index
      %swap3A_1546 = arith.constant 16 : index
      %swap3A_1547 = tpu.vector_load %arg14[%swap3A_1545, %swap3A_1546] {strides = array<i32>} : memref<5x128xf32, #tpu.memory_space<vmem>>, vector<16xf32>,
      tpu.vector_store %arg14[%swap3A_1545, %swap3A_1546], %max3A_1543 {strides = array<i32>} : memref<5x128xf32, #tpu.memory_space<vmem>>, vector<16xf32>,
      %get3A_1548 = arith.constant 2 : i32
      %get3A_1549 = arith.index_cast %get3A_1548 : i32 to index
      %get3A_1550 = arith.constant 32 : index
      %get3A_1551 = tpu.vector_load %arg14[%get3A_1549, %get3A_1550] {strides = array<i32>} : memref<5x128xf32, #tpu.memory_space<vmem>>, vector<16xf32>,
      %get3A_1552 = arith.constant 2 : i32
      %get3A_1553 = arith.index_cast %get3A_1552 : i32 to index
      %get3A_1554 = arith.constant 32 : index
      %get3A_1555 = tpu.vector_load %arg22[%get3A_1553, %get3A_1554] {strides = array<i32>} : memref<64x128xf32, #tpu.memory_space<vmem>>, vector<16xf32>,
      %max3A_1556 = arith.maximumf %get3A_1551, %get3A_1555 : vector<16xf32>
      %swap3A_1557 = arith.constant 2 : i32
      %swap3A_1558 = arith.index_cast %swap3A_1557 : i32 to index
      %swap3A_1559 = arith.constant 32 : index
      %swap3A_1560 = tpu.vector_load %arg14[%swap3A_1558, %swap3A_1559] {strides = array<i32>} : memref<5x128xf32, #tpu.memory_space<vmem>>, vector<16xf32>,
      tpu.vector_store %arg14[%swap3A_1558, %swap3A_1559], %max3A_1556 {strides = array<i32>} : memref<5x128xf32, #tpu.memory_space<vmem>>, vector<16xf32>,
      %get3A_1561 = arith.constant 2 : i32
      %get3A_1562 = arith.index_cast %get3A_1561 : i32 to index
      %get3A_1563 = arith.constant 48 : index
      %get3A_1564 = tpu.vector_load %arg14[%get3A_1562, %get3A_1563] {strides = array<i32>} : memref<5x128xf32, #tpu.memory_space<vmem>>, vector<16xf32>,
      %get3A_1565 = arith.constant 2 : i32
      %get3A_1566 = arith.index_cast %get3A_1565 : i32 to index
      %get3A_1567 = arith.constant 48 : index
      %get3A_1568 = tpu.vector_load %arg22[%get3A_1566, %get3A_1567] {strides = array<i32>} : memref<64x128xf32, #tpu.memory_space<vmem>>, vector<16xf32>,
      %max3A_1569 = arith.maximumf %get3A_1564, %get3A_1568 : vector<16xf32>
      %swap3A_1570 = arith.constant 2 : i32
      %swap3A_1571 = arith.index_cast %swap3A_1570 : i32 to index
      %swap3A_1572 = arith.constant 48 : index
      %swap3A_1573 = tpu.vector_load %arg14[%swap3A_1571, %swap3A_1572] {strides = array<i32>} : memref<5x128xf32, #tpu.memory_space<vmem>>, vector<16xf32>,
      tpu.vector_store %arg14[%swap3A_1571, %swap3A_1572], %max3A_1569 {strides = array<i32>} : memref<5x128xf32, #tpu.memory_space<vmem>>, vector<16xf32>,
      %get3A_1574 = arith.constant 2 : i32
      %get3A_1575 = arith.index_cast %get3A_1574 : i32 to index
      %get3A_1576 = arith.constant 64 : index
      %get3A_1577 = tpu.vector_load %arg14[%get3A_1575, %get3A_1576] {strides = array<i32>} : memref<5x128xf32, #tpu.memory_space<vmem>>, vector<16xf32>,
      %get3A_1578 = arith.constant 2 : i32
      %get3A_1579 = arith.index_cast %get3A_1578 : i32 to index
      %get3A_1580 = arith.constant 64 : index
      %get3A_1581 = tpu.vector_load %arg22[%get3A_1579, %get3A_1580] {strides = array<i32>} : memref<64x128xf32, #tpu.memory_space<vmem>>, vector<16xf32>,
      %max3A_1582 = arith.maximumf %get3A_1577, %get3A_1581 : vector<16xf32>
      %swap3A_1583 = arith.constant 2 : i32
      %swap3A_1584 = arith.index_cast %swap3A_1583 : i32 to index
      %swap3A_1585 = arith.constant 64 : index
      %swap3A_1586 = tpu.vector_load %arg14[%swap3A_1584, %swap3A_1585] {strides = array<i32>} : memref<5x128xf32, #tpu.memory_space<vmem>>, vector<16xf32>,
      tpu.vector_store %arg14[%swap3A_1584, %swap3A_1585], %max3A_1582 {strides = array<i32>} : memref<5x128xf32, #tpu.memory_space<vmem>>, vector<16xf32>,
      %get3A_1587 = arith.constant 2 : i32
      %get3A_1588 = arith.index_cast %get3A_1587 : i32 to index
      %get3A_1589 = arith.constant 80 : index
      %get3A_1590 = tpu.vector_load %arg14[%get3A_1588, %get3A_1589] {strides = array<i32>} : memref<5x128xf32, #tpu.memory_space<vmem>>, vector<16xf32>,
      %get3A_1591 = arith.constant 2 : i32
      %get3A_1592 = arith.index_cast %get3A_1591 : i32 to index
      %get3A_1593 = arith.constant 80 : index
      %get3A_1594 = tpu.vector_load %arg22[%get3A_1592, %get3A_1593] {strides = array<i32>} : memref<64x128xf32, #tpu.memory_space<vmem>>, vector<16xf32>,
      %max3A_1595 = arith.maximumf %get3A_1590, %get3A_1594 : vector<16xf32>
      %swap3A_1596 = arith.constant 2 : i32
      %swap3A_1597 = arith.index_cast %swap3A_1596 : i32 to index
      %swap3A_1598 = arith.constant 80 : index
      %swap3A_1599 = tpu.vector_load %arg14[%swap3A_1597, %swap3A_1598] {strides = array<i32>} : memref<5x128xf32, #tpu.memory_space<vmem>>, vector<16xf32>,
      tpu.vector_store %arg14[%swap3A_1597, %swap3A_1598], %max3A_1595 {strides = array<i32>} : memref<5x128xf32, #tpu.memory_space<vmem>>, vector<16xf32>,
      %get3A_1600 = arith.constant 2 : i32
      %get3A_1601 = arith.index_cast %get3A_1600 : i32 to index
      %get3A_1602 = arith.constant 96 : index
      %get3A_1603 = tpu.vector_load %arg14[%get3A_1601, %get3A_1602] {strides = array<i32>} : memref<5x128xf32, #tpu.memory_space<vmem>>, vector<16xf32>,
      %get3A_1604 = arith.constant 2 : i32
      %get3A_1605 = arith.index_cast %get3A_1604 : i32 to index
      %get3A_1606 = arith.constant 96 : index
      %get3A_1607 = tpu.vector_load %arg22[%get3A_1605, %get3A_1606] {strides = array<i32>} : memref<64x128xf32, #tpu.memory_space<vmem>>, vector<16xf32>,
      %max3A_1608 = arith.maximumf %get3A_1603, %get3A_1607 : vector<16xf32>
      %swap3A_1609 = arith.constant 2 : i32
      %swap3A_1610 = arith.index_cast %swap3A_1609 : i32 to index
      %swap3A_1611 = arith.constant 96 : index
      %swap3A_1612 = tpu.vector_load %arg14[%swap3A_1610, %swap3A_1611] {strides = array<i32>} : memref<5x128xf32, #tpu.memory_space<vmem>>, vector<16xf32>,
      tpu.vector_store %arg14[%swap3A_1610, %swap3A_1611], %max3A_1608 {strides = array<i32>} : memref<5x128xf32, #tpu.memory_space<vmem>>, vector<16xf32>,
      %get3A_1613 = arith.constant 2 : i32
      %get3A_1614 = arith.index_cast %get3A_1613 : i32 to index
      %get3A_1615 = arith.constant 112 : index
      %get3A_1616 = tpu.vector_load %arg14[%get3A_1614, %get3A_1615] {strides = array<i32>} : memref<5x128xf32, #tpu.memory_space<vmem>>, vector<16xf32>,
      %get3A_1617 = arith.constant 2 : i32
      %get3A_1618 = arith.index_cast %get3A_1617 : i32 to index
      %get3A_1619 = arith.constant 112 : index
      %get3A_1620 = tpu.vector_load %arg22[%get3A_1618, %get3A_1619] {strides = array<i32>} : memref<64x128xf32, #tpu.memory_space<vmem>>, vector<16xf32>,
      %max3A_1621 = arith.maximumf %get3A_1616, %get3A_1620 : vector<16xf32>
      %swap3A_1622 = arith.constant 2 : i32
      %swap3A_1623 = arith.index_cast %swap3A_1622 : i32 to index
      %swap3A_1624 = arith.constant 112 : index
      %swap3A_1625 = tpu.vector_load %arg14[%swap3A_1623, %swap3A_1624] {strides = array<i32>} : memref<5x128xf32, #tpu.memory_space<vmem>>, vector<16xf32>,
      tpu.vector_store %arg14[%swap3A_1623, %swap3A_1624], %max3A_1621 {strides = array<i32>} : memref<5x128xf32, #tpu.memory_space<vmem>>, vector<16xf32>,
      %get3A_1626 = arith.constant 3 : i32
      %get3A_1627 = arith.index_cast %get3A_1626 : i32 to index
      %get3A_1628 = arith.constant 0 : index
      %get3A_1629 = tpu.vector_load %arg14[%get3A_1627, %get3A_1628] {strides = array<i32>} : memref<5x128xf32, #tpu.memory_space<vmem>>, vector<16xf32>,
      %get3A_1630 = arith.constant 3 : i32
      %get3A_1631 = arith.index_cast %get3A_1630 : i32 to index
      %get3A_1632 = arith.constant 0 : index
      %get3A_1633 = tpu.vector_load %arg22[%get3A_1631, %get3A_1632] {strides = array<i32>} : memref<64x128xf32, #tpu.memory_space<vmem>>, vector<16xf32>,
      %max3A_1634 = arith.maximumf %get3A_1629, %get3A_1633 : vector<16xf32>
      %swap3A_1635 = arith.constant 3 : i32
      %swap3A_1636 = arith.index_cast %swap3A_1635 : i32 to index
      %swap3A_1637 = arith.constant 0 : index
      %swap3A_1638 = tpu.vector_load %arg14[%swap3A_1636, %swap3A_1637] {strides = array<i32>} : memref<5x128xf32, #tpu.memory_space<vmem>>, vector<16xf32>,
      tpu.vector_store %arg14[%swap3A_1636, %swap3A_1637], %max3A_1634 {strides = array<i32>} : memref<5x128xf32, #tpu.memory_space<vmem>>, vector<16xf32>,
      %get3A_1639 = arith.constant 3 : i32
      %get3A_1640 = arith.index_cast %get3A_1639 : i32 to index
      %get3A_1641 = arith.constant 16 : index
      %get3A_1642 = tpu.vector_load %arg14[%get3A_1640, %get3A_1641] {strides = array<i32>} : memref<5x128xf32, #tpu.memory_space<vmem>>, vector<16xf32>,
      %get3A_1643 = arith.constant 3 : i32
      %get3A_1644 = arith.index_cast %get3A_1643 : i32 to index
      %get3A_1645 = arith.constant 16 : index
      %get3A_1646 = tpu.vector_load %arg22[%get3A_1644, %get3A_1645] {strides = array<i32>} : memref<64x128xf32, #tpu.memory_space<vmem>>, vector<16xf32>,
      %max3A_1647 = arith.maximumf %get3A_1642, %get3A_1646 : vector<16xf32>
      %swap3A_1648 = arith.constant 3 : i32
      %swap3A_1649 = arith.index_cast %swap3A_1648 : i32 to index
      %swap3A_1650 = arith.constant 16 : index
      %swap3A_1651 = tpu.vector_load %arg14[%swap3A_1649, %swap3A_1650] {strides = array<i32>} : memref<5x128xf32, #tpu.memory_space<vmem>>, vector<16xf32>,
      tpu.vector_store %arg14[%swap3A_1649, %swap3A_1650], %max3A_1647 {strides = array<i32>} : memref<5x128xf32, #tpu.memory_space<vmem>>, vector<16xf32>,
      %get3A_1652 = arith.constant 3 : i32
      %get3A_1653 = arith.index_cast %get3A_1652 : i32 to index
      %get3A_1654 = arith.constant 32 : index
      %get3A_1655 = tpu.vector_load %arg14[%get3A_1653, %get3A_1654] {strides = array<i32>} : memref<5x128xf32, #tpu.memory_space<vmem>>, vector<16xf32>,
      %get3A_1656 = arith.constant 3 : i32
      %get3A_1657 = arith.index_cast %get3A_1656 : i32 to index
      %get3A_1658 = arith.constant 32 : index
      %get3A_1659 = tpu.vector_load %arg22[%get3A_1657, %get3A_1658] {strides = array<i32>} : memref<64x128xf32, #tpu.memory_space<vmem>>, vector<16xf32>,
      %max3A_1660 = arith.maximumf %get3A_1655, %get3A_1659 : vector<16xf32>
      %swap3A_1661 = arith.constant 3 : i32
      %swap3A_1662 = arith.index_cast %swap3A_1661 : i32 to index
      %swap3A_1663 = arith.constant 32 : index
      %swap3A_1664 = tpu.vector_load %arg14[%swap3A_1662, %swap3A_1663] {strides = array<i32>} : memref<5x128xf32, #tpu.memory_space<vmem>>, vector<16xf32>,
      tpu.vector_store %arg14[%swap3A_1662, %swap3A_1663], %max3A_1660 {strides = array<i32>} : memref<5x128xf32, #tpu.memory_space<vmem>>, vector<16xf32>,
      %get3A_1665 = arith.constant 3 : i32
      %get3A_1666 = arith.index_cast %get3A_1665 : i32 to index
      %get3A_1667 = arith.constant 48 : index
      %get3A_1668 = tpu.vector_load %arg14[%get3A_1666, %get3A_1667] {strides = array<i32>} : memref<5x128xf32, #tpu.memory_space<vmem>>, vector<16xf32>,
      %get3A_1669 = arith.constant 3 : i32
      %get3A_1670 = arith.index_cast %get3A_1669 : i32 to index
      %get3A_1671 = arith.constant 48 : index
      %get3A_1672 = tpu.vector_load %arg22[%get3A_1670, %get3A_1671] {strides = array<i32>} : memref<64x128xf32, #tpu.memory_space<vmem>>, vector<16xf32>,
      %max3A_1673 = arith.maximumf %get3A_1668, %get3A_1672 : vector<16xf32>
      %swap3A_1674 = arith.constant 3 : i32
      %swap3A_1675 = arith.index_cast %swap3A_1674 : i32 to index
      %swap3A_1676 = arith.constant 48 : index
      %swap3A_1677 = tpu.vector_load %arg14[%swap3A_1675, %swap3A_1676] {strides = array<i32>} : memref<5x128xf32, #tpu.memory_space<vmem>>, vector<16xf32>,
      tpu.vector_store %arg14[%swap3A_1675, %swap3A_1676], %max3A_1673 {strides = array<i32>} : memref<5x128xf32, #tpu.memory_space<vmem>>, vector<16xf32>,
      %get3A_1678 = arith.constant 3 : i32
      %get3A_1679 = arith.index_cast %get3A_1678 : i32 to index
      %get3A_1680 = arith.constant 64 : index
      %get3A_1681 = tpu.vector_load %arg14[%get3A_1679, %get3A_1680] {strides = array<i32>} : memref<5x128xf32, #tpu.memory_space<vmem>>, vector<16xf32>,
      %get3A_1682 = arith.constant 3 : i32
      %get3A_1683 = arith.index_cast %get3A_1682 : i32 to index
      %get3A_1684 = arith.constant 64 : index
      %get3A_1685 = tpu.vector_load %arg22[%get3A_1683, %get3A_1684] {strides = array<i32>} : memref<64x128xf32, #tpu.memory_space<vmem>>, vector<16xf32>,
      %max3A_1686 = arith.maximumf %get3A_1681, %get3A_1685 : vector<16xf32>
      %swap3A_1687 = arith.constant 3 : i32
      %swap3A_1688 = arith.index_cast %swap3A_1687 : i32 to index
      %swap3A_1689 = arith.constant 64 : index
      %swap3A_1690 = tpu.vector_load %arg14[%swap3A_1688, %swap3A_1689] {strides = array<i32>} : memref<5x128xf32, #tpu.memory_space<vmem>>, vector<16xf32>,
      tpu.vector_store %arg14[%swap3A_1688, %swap3A_1689], %max3A_1686 {strides = array<i32>} : memref<5x128xf32, #tpu.memory_space<vmem>>, vector<16xf32>,
      %get3A_1691 = arith.constant 3 : i32
      %get3A_1692 = arith.index_cast %get3A_1691 : i32 to index
      %get3A_1693 = arith.constant 80 : index
      %get3A_1694 = tpu.vector_load %arg14[%get3A_1692, %get3A_1693] {strides = array<i32>} : memref<5x128xf32, #tpu.memory_space<vmem>>, vector<16xf32>,
      %get3A_1695 = arith.constant 3 : i32
      %get3A_1696 = arith.index_cast %get3A_1695 : i32 to index
      %get3A_1697 = arith.constant 80 : index
      %get3A_1698 = tpu.vector_load %arg22[%get3A_1696, %get3A_1697] {strides = array<i32>} : memref<64x128xf32, #tpu.memory_space<vmem>>, vector<16xf32>,
      %max3A_1699 = arith.maximumf %get3A_1694, %get3A_1698 : vector<16xf32>
      %swap3A_1700 = arith.constant 3 : i32
      %swap3A_1701 = arith.index_cast %swap3A_1700 : i32 to index
      %swap3A_1702 = arith.constant 80 : index
      %swap3A_1703 = tpu.vector_load %arg14[%swap3A_1701, %swap3A_1702] {strides = array<i32>} : memref<5x128xf32, #tpu.memory_space<vmem>>, vector<16xf32>,
      tpu.vector_store %arg14[%swap3A_1701, %swap3A_1702], %max3A_1699 {strides = array<i32>} : memref<5x128xf32, #tpu.memory_space<vmem>>, vector<16xf32>,
      %get3A_1704 = arith.constant 3 : i32
      %get3A_1705 = arith.index_cast %get3A_1704 : i32 to index
      %get3A_1706 = arith.constant 96 : index
      %get3A_1707 = tpu.vector_load %arg14[%get3A_1705, %get3A_1706] {strides = array<i32>} : memref<5x128xf32, #tpu.memory_space<vmem>>, vector<16xf32>,
      %get3A_1708 = arith.constant 3 : i32
      %get3A_1709 = arith.index_cast %get3A_1708 : i32 to index
      %get3A_1710 = arith.constant 96 : index
      %get3A_1711 = tpu.vector_load %arg22[%get3A_1709, %get3A_1710] {strides = array<i32>} : memref<64x128xf32, #tpu.memory_space<vmem>>, vector<16xf32>,
      %max3A_1712 = arith.maximumf %get3A_1707, %get3A_1711 : vector<16xf32>
      %swap3A_1713 = arith.constant 3 : i32
      %swap3A_1714 = arith.index_cast %swap3A_1713 : i32 to index
      %swap3A_1715 = arith.constant 96 : index
      %swap3A_1716 = tpu.vector_load %arg14[%swap3A_1714, %swap3A_1715] {strides = array<i32>} : memref<5x128xf32, #tpu.memory_space<vmem>>, vector<16xf32>,
      tpu.vector_store %arg14[%swap3A_1714, %swap3A_1715], %max3A_1712 {strides = array<i32>} : memref<5x128xf32, #tpu.memory_space<vmem>>, vector<16xf32>,
      %get3A_1717 = arith.constant 3 : i32
      %get3A_1718 = arith.index_cast %get3A_1717 : i32 to index
      %get3A_1719 = arith.constant 112 : index
      %get3A_1720 = tpu.vector_load %arg14[%get3A_1718, %get3A_1719] {strides = array<i32>} : memref<5x128xf32, #tpu.memory_space<vmem>>, vector<16xf32>,
      %get3A_1721 = arith.constant 3 : i32
      %get3A_1722 = arith.index_cast %get3A_1721 : i32 to index
      %get3A_1723 = arith.constant 112 : index
      %get3A_1724 = tpu.vector_load %arg22[%get3A_1722, %get3A_1723] {strides = array<i32>} : memref<64x128xf32, #tpu.memory_space<vmem>>, vector<16xf32>,
      %max3A_1725 = arith.maximumf %get3A_1720, %get3A_1724 : vector<16xf32>
      %swap3A_1726 = arith.constant 3 : i32
      %swap3A_1727 = arith.index_cast %swap3A_1726 : i32 to index
      %swap3A_1728 = arith.constant 112 : index
      %swap3A_1729 = tpu.vector_load %arg14[%swap3A_1727, %swap3A_1728] {strides = array<i32>} : memref<5x128xf32, #tpu.memory_space<vmem>>, vector<16xf32>,
      tpu.vector_store %arg14[%swap3A_1727, %swap3A_1728], %max3A_1725 {strides = array<i32>} : memref<5x128xf32, #tpu.memory_space<vmem>>, vector<16xf32>,
      %get3A_1730 = arith.constant 4 : i32
      %get3A_1731 = arith.index_cast %get3A_1730 : i32 to index
      %get3A_1732 = arith.constant 0 : index
      %get3A_1733 = tpu.vector_load %arg14[%get3A_1731, %get3A_1732] {strides = array<i32>} : memref<5x128xf32, #tpu.memory_space<vmem>>, vector<16xf32>,
      %get3A_1734 = arith.constant 4 : i32
      %get3A_1735 = arith.index_cast %get3A_1734 : i32 to index
      %get3A_1736 = arith.constant 0 : index
      %get3A_1737 = tpu.vector_load %arg22[%get3A_1735, %get3A_1736] {strides = array<i32>} : memref<64x128xf32, #tpu.memory_space<vmem>>, vector<16xf32>,
      %max3A_1738 = arith.maximumf %get3A_1733, %get3A_1737 : vector<16xf32>
      %swap3A_1739 = arith.constant 4 : i32
      %swap3A_1740 = arith.index_cast %swap3A_1739 : i32 to index
      %swap3A_1741 = arith.constant 0 : index
      %swap3A_1742 = tpu.vector_load %arg14[%swap3A_1740, %swap3A_1741] {strides = array<i32>} : memref<5x128xf32, #tpu.memory_space<vmem>>, vector<16xf32>,
      tpu.vector_store %arg14[%swap3A_1740, %swap3A_1741], %max3A_1738 {strides = array<i32>} : memref<5x128xf32, #tpu.memory_space<vmem>>, vector<16xf32>,
      %get3A_1743 = arith.constant 4 : i32
      %get3A_1744 = arith.index_cast %get3A_1743 : i32 to index
      %get3A_1745 = arith.constant 16 : index
      %get3A_1746 = tpu.vector_load %arg14[%get3A_1744, %get3A_1745] {strides = array<i32>} : memref<5x128xf32, #tpu.memory_space<vmem>>, vector<16xf32>,
      %get3A_1747 = arith.constant 4 : i32
      %get3A_1748 = arith.index_cast %get3A_1747 : i32 to index
      %get3A_1749 = arith.constant 16 : index
      %get3A_1750 = tpu.vector_load %arg22[%get3A_1748, %get3A_1749] {strides = array<i32>} : memref<64x128xf32, #tpu.memory_space<vmem>>, vector<16xf32>,
      %max3A_1751 = arith.maximumf %get3A_1746, %get3A_1750 : vector<16xf32>
      %swap3A_1752 = arith.constant 4 : i32
      %swap3A_1753 = arith.index_cast %swap3A_1752 : i32 to index
      %swap3A_1754 = arith.constant 16 : index
      %swap3A_1755 = tpu.vector_load %arg14[%swap3A_1753, %swap3A_1754] {strides = array<i32>} : memref<5x128xf32, #tpu.memory_space<vmem>>, vector<16xf32>,
      tpu.vector_store %arg14[%swap3A_1753, %swap3A_1754], %max3A_1751 {strides = array<i32>} : memref<5x128xf32, #tpu.memory_space<vmem>>, vector<16xf32>,
      %get3A_1756 = arith.constant 4 : i32
      %get3A_1757 = arith.index_cast %get3A_1756 : i32 to index
      %get3A_1758 = arith.constant 32 : index
      %get3A_1759 = tpu.vector_load %arg14[%get3A_1757, %get3A_1758] {strides = array<i32>} : memref<5x128xf32, #tpu.memory_space<vmem>>, vector<16xf32>,
      %get3A_1760 = arith.constant 4 : i32
      %get3A_1761 = arith.index_cast %get3A_1760 : i32 to index
      %get3A_1762 = arith.constant 32 : index
      %get3A_1763 = tpu.vector_load %arg22[%get3A_1761, %get3A_1762] {strides = array<i32>} : memref<64x128xf32, #tpu.memory_space<vmem>>, vector<16xf32>,
      %max3A_1764 = arith.maximumf %get3A_1759, %get3A_1763 : vector<16xf32>
      %swap3A_1765 = arith.constant 4 : i32
      %swap3A_1766 = arith.index_cast %swap3A_1765 : i32 to index
      %swap3A_1767 = arith.constant 32 : index
      %swap3A_1768 = tpu.vector_load %arg14[%swap3A_1766, %swap3A_1767] {strides = array<i32>} : memref<5x128xf32, #tpu.memory_space<vmem>>, vector<16xf32>,
      tpu.vector_store %arg14[%swap3A_1766, %swap3A_1767], %max3A_1764 {strides = array<i32>} : memref<5x128xf32, #tpu.memory_space<vmem>>, vector<16xf32>,
      %get3A_1769 = arith.constant 4 : i32
      %get3A_1770 = arith.index_cast %get3A_1769 : i32 to index
      %get3A_1771 = arith.constant 48 : index
      %get3A_1772 = tpu.vector_load %arg14[%get3A_1770, %get3A_1771] {strides = array<i32>} : memref<5x128xf32, #tpu.memory_space<vmem>>, vector<16xf32>,
      %get3A_1773 = arith.constant 4 : i32
      %get3A_1774 = arith.index_cast %get3A_1773 : i32 to index
      %get3A_1775 = arith.constant 48 : index
      %get3A_1776 = tpu.vector_load %arg22[%get3A_1774, %get3A_1775] {strides = array<i32>} : memref<64x128xf32, #tpu.memory_space<vmem>>, vector<16xf32>,
      %max3A_1777 = arith.maximumf %get3A_1772, %get3A_1776 : vector<16xf32>
      %swap3A_1778 = arith.constant 4 : i32
      %swap3A_1779 = arith.index_cast %swap3A_1778 : i32 to index
      %swap3A_1780 = arith.constant 48 : index
      %swap3A_1781 = tpu.vector_load %arg14[%swap3A_1779, %swap3A_1780] {strides = array<i32>} : memref<5x128xf32, #tpu.memory_space<vmem>>, vector<16xf32>,
      tpu.vector_store %arg14[%swap3A_1779, %swap3A_1780], %max3A_1777 {strides = array<i32>} : memref<5x128xf32, #tpu.memory_space<vmem>>, vector<16xf32>,
      %get3A_1782 = arith.constant 4 : i32
      %get3A_1783 = arith.index_cast %get3A_1782 : i32 to index
      %get3A_1784 = arith.constant 64 : index
      %get3A_1785 = tpu.vector_load %arg14[%get3A_1783, %get3A_1784] {strides = array<i32>} : memref<5x128xf32, #tpu.memory_space<vmem>>, vector<16xf32>,
      %get3A_1786 = arith.constant 4 : i32
      %get3A_1787 = arith.index_cast %get3A_1786 : i32 to index
      %get3A_1788 = arith.constant 64 : index
      %get3A_1789 = tpu.vector_load %arg22[%get3A_1787, %get3A_1788] {strides = array<i32>} : memref<64x128xf32, #tpu.memory_space<vmem>>, vector<16xf32>,
      %max3A_1790 = arith.maximumf %get3A_1785, %get3A_1789 : vector<16xf32>
      %swap3A_1791 = arith.constant 4 : i32
      %swap3A_1792 = arith.index_cast %swap3A_1791 : i32 to index
      %swap3A_1793 = arith.constant 64 : index
      %swap3A_1794 = tpu.vector_load %arg14[%swap3A_1792, %swap3A_1793] {strides = array<i32>} : memref<5x128xf32, #tpu.memory_space<vmem>>, vector<16xf32>,
      tpu.vector_store %arg14[%swap3A_1792, %swap3A_1793], %max3A_1790 {strides = array<i32>} : memref<5x128xf32, #tpu.memory_space<vmem>>, vector<16xf32>,
      %get3A_1795 = arith.constant 4 : i32
      %get3A_1796 = arith.index_cast %get3A_1795 : i32 to index
      %get3A_1797 = arith.constant 80 : index
      %get3A_1798 = tpu.vector_load %arg14[%get3A_1796, %get3A_1797] {strides = array<i32>} : memref<5x128xf32, #tpu.memory_space<vmem>>, vector<16xf32>,
      %get3A_1799 = arith.constant 4 : i32
      %get3A_1800 = arith.index_cast %get3A_1799 : i32 to index
      %get3A_1801 = arith.constant 80 : index
      %get3A_1802 = tpu.vector_load %arg22[%get3A_1800, %get3A_1801] {strides = array<i32>} : memref<64x128xf32, #tpu.memory_space<vmem>>, vector<16xf32>,
      %max3A_1803 = arith.maximumf %get3A_1798, %get3A_1802 : vector<16xf32>
      %swap3A_1804 = arith.constant 4 : i32
      %swap3A_1805 = arith.index_cast %swap3A_1804 : i32 to index
      %swap3A_1806 = arith.constant 80 : index
      %swap3A_1807 = tpu.vector_load %arg14[%swap3A_1805, %swap3A_1806] {strides = array<i32>} : memref<5x128xf32, #tpu.memory_space<vmem>>, vector<16xf32>,
      tpu.vector_store %arg14[%swap3A_1805, %swap3A_1806], %max3A_1803 {strides = array<i32>} : memref<5x128xf32, #tpu.memory_space<vmem>>, vector<16xf32>,
      %get3A_1808 = arith.constant 4 : i32
      %get3A_1809 = arith.index_cast %get3A_1808 : i32 to index
      %get3A_1810 = arith.constant 96 : index
      %get3A_1811 = tpu.vector_load %arg14[%get3A_1809, %get3A_1810] {strides = array<i32>} : memref<5x128xf32, #tpu.memory_space<vmem>>, vector<16xf32>,
      %get3A_1812 = arith.constant 4 : i32
      %get3A_1813 = arith.index_cast %get3A_1812 : i32 to index
      %get3A_1814 = arith.constant 96 : index
      %get3A_1815 = tpu.vector_load %arg22[%get3A_1813, %get3A_1814] {strides = array<i32>} : memref<64x128xf32, #tpu.memory_space<vmem>>, vector<16xf32>,
      %max3A_1816 = arith.maximumf %get3A_1811, %get3A_1815 : vector<16xf32>
      %swap3A_1817 = arith.constant 4 : i32
      %swap3A_1818 = arith.index_cast %swap3A_1817 : i32 to index
      %swap3A_1819 = arith.constant 96 : index
      %swap3A_1820 = tpu.vector_load %arg14[%swap3A_1818, %swap3A_1819] {strides = array<i32>} : memref<5x128xf32, #tpu.memory_space<vmem>>, vector<16xf32>,
      tpu.vector_store %arg14[%swap3A_1818, %swap3A_1819], %max3A_1816 {strides = array<i32>} : memref<5x128xf32, #tpu.memory_space<vmem>>, vector<16xf32>,
      %get3A_1821 = arith.constant 4 : i32
      %get3A_1822 = arith.index_cast %get3A_1821 : i32 to index
      %get3A_1823 = arith.constant 112 : index
      %get3A_1824 = tpu.vector_load %arg14[%get3A_1822, %get3A_1823] {strides = array<i32>} : memref<5x128xf32, #tpu.memory_space<vmem>>, vector<16xf32>,
      %get3A_1825 = arith.constant 4 : i32
      %get3A_1826 = arith.index_cast %get3A_1825 : i32 to index
      %get3A_1827 = arith.constant 112 : index
      %get3A_1828 = tpu.vector_load %arg22[%get3A_1826, %get3A_1827] {strides = array<i32>} : memref<64x128xf32, #tpu.memory_space<vmem>>, vector<16xf32>,
      %max3A_1829 = arith.maximumf %get3A_1824, %get3A_1828 : vector<16xf32>
      %swap3A_1830 = arith.constant 4 : i32
      %swap3A_1831 = arith.index_cast %swap3A_1830 : i32 to index
      %swap3A_1832 = arith.constant 112 : index
      %swap3A_1833 = tpu.vector_load %arg14[%swap3A_1831, %swap3A_1832] {strides = array<i32>} : memref<5x128xf32, #tpu.memory_space<vmem>>, vector<16xf32>,
      tpu.vector_store %arg14[%swap3A_1831, %swap3A_1832], %max3A_1829 {strides = array<i32>} : memref<5x128xf32, #tpu.memory_space<vmem>>, vector<16xf32>,
      %scan3A_1834 = arith.constant 0 : i32
      scf.yield %scan3A_1834 : i32
    }
    %scan3A_36 = arith.constant 15 : i32
    "tpu.region"() ({
      %run_scoped3A_1313 = tpu.sem_alloc : memref<!tpu.dma_semaphore, #tpu.memory_space<semaphore_mem>>
      %dma_start3A_1314 = arith.constant 0 : i32
      %dma_start3A_1315 = tpu.memref_slice %arg9[%arg0, %mul3A_29, %dma_start3A_1314] : memref<2x80x128xf32, #tpu.memory_space<hbm>> -> memref<1x5x128xf32, #tpu.memory_space<hbm>>
      %dma_start3A_1316 = tpu.memref_squeeze %dma_start3A_1315 : memref<1x5x128xf32, #tpu.memory_space<hbm>> -> memref<5x128xf32, #tpu.memory_space<hbm>>
      %dma_start3A_1317 = arith.constant 0 : i32
      %dma_start3A_1318 = tpu.memref_slice %arg9[%arg0, %mul3A_29, %dma_start3A_1317] : memref<2x80x128xf32, #tpu.memory_space<hbm>> -> memref<1x5x128xf32, #tpu.memory_space<hbm>>
      %dma_start3A_1319 = tpu.memref_squeeze %dma_start3A_1318 : memref<1x5x128xf32, #tpu.memory_space<hbm>> -> memref<5x128xf32, #tpu.memory_space<hbm>>
      tpu.enqueue_dma source(%arg14 : memref<5x128xf32, #tpu.memory_space<vmem>>) target(%dma_start3A_1319 : memref<5x128xf32, #tpu.memory_space<hbm>>) target_semaphore(%run_scoped3A_1313 : memref<!tpu.dma_semaphore, #tpu.memory_space<semaphore_mem>>)
      %dma_wait3A_1320 = arith.constant 0 : i32
      %dma_wait3A_1321 = tpu.memref_slice %arg9[%arg0, %mul3A_29, %dma_wait3A_1320] : memref<2x80x128xf32, #tpu.memory_space<hbm>> -> memref<1x5x128xf32, #tpu.memory_space<hbm>>
      %dma_wait3A_1322 = tpu.memref_squeeze %dma_wait3A_1321 : memref<1x5x128xf32, #tpu.memory_space<hbm>> -> memref<5x128xf32, #tpu.memory_space<hbm>>
      %dma_wait3A_1323 = arith.constant 0 : i32
      %dma_wait3A_1324 = tpu.memref_slice %arg9[%arg0, %mul3A_29, %dma_wait3A_1323] : memref<2x80x128xf32, #tpu.memory_space<hbm>> -> memref<1x5x128xf32, #tpu.memory_space<hbm>>
      %dma_wait3A_1325 = tpu.memref_squeeze %dma_wait3A_1324 : memref<1x5x128xf32, #tpu.memory_space<hbm>> -> memref<5x128xf32, #tpu.memory_space<hbm>>
      tpu.wait_dma2 semaphore(%run_scoped3A_1313 : memref<!tpu.dma_semaphore, #tpu.memory_space<semaphore_mem>>) src(%arg14 : memref<5x128xf32, #tpu.memory_space<vmem>>) dst(%dma_wait3A_1325 : memref<5x128xf32, #tpu.memory_space<hbm>>)
      tpu.yield
    }) : () -> ()
    %barrier3A_37 = arith.constant 0 : index
    tpu.barrier barrier_id(%barrier3A_37)
    "tpu.region"() ({
      %run_scoped3A_1313 = tpu.sem_alloc : memref<!tpu.dma_semaphore, #tpu.memory_space<semaphore_mem>>
      %dma_start3A_1314 = arith.constant 0 : i32
      %dma_start3A_1315 = arith.constant 0 : i32
      %dma_start3A_1316 = tpu.memref_slice %arg9[%arg0, %dma_start3A_1314, %dma_start3A_1315] : memref<2x80x128xf32, #tpu.memory_space<hbm>> -> memref<1x80x128xf32, #tpu.memory_space<hbm>>
      %dma_start3A_1317 = tpu.memref_squeeze %dma_start3A_1316 : memref<1x80x128xf32, #tpu.memory_space<hbm>> -> memref<80x128xf32, #tpu.memory_space<hbm>>
      %dma_start3A_1318 = arith.constant 0 : i32
      %dma_start3A_1319 = arith.constant 0 : i32
      %dma_start3A_1320 = tpu.memref_slice %arg9[%arg0, %dma_start3A_1318, %dma_start3A_1319] : memref<2x80x128xf32, #tpu.memory_space<hbm>> -> memref<1x80x128xf32, #tpu.memory_space<hbm>>
      %dma_start3A_1321 = tpu.memref_squeeze %dma_start3A_1320 : memref<1x80x128xf32, #tpu.memory_space<hbm>> -> memref<80x128xf32, #tpu.memory_space<hbm>>
      tpu.enqueue_dma source(%dma_start3A_1321 : memref<80x128xf32, #tpu.memory_space<hbm>>) target(%arg12 : memref<80x128xf32, #tpu.memory_space<vmem>>) target_semaphore(%run_scoped3A_1313 : memref<!tpu.dma_semaphore, #tpu.memory_space<semaphore_mem>>)
      %dma_wait3A_1322 = arith.constant 0 : i32
      %dma_wait3A_1323 = arith.constant 0 : i32
      %dma_wait3A_1324 = tpu.memref_slice %arg9[%arg0, %dma_wait3A_1322, %dma_wait3A_1323] : memref<2x80x128xf32, #tpu.memory_space<hbm>> -> memref<1x80x128xf32, #tpu.memory_space<hbm>>
      %dma_wait3A_1325 = tpu.memref_squeeze %dma_wait3A_1324 : memref<1x80x128xf32, #tpu.memory_space<hbm>> -> memref<80x128xf32, #tpu.memory_space<hbm>>
      %dma_wait3A_1326 = arith.constant 0 : i32
      %dma_wait3A_1327 = arith.constant 0 : i32
      %dma_wait3A_1328 = tpu.memref_slice %arg9[%arg0, %dma_wait3A_1326, %dma_wait3A_1327] : memref<2x80x128xf32, #tpu.memory_space<hbm>> -> memref<1x80x128xf32, #tpu.memory_space<hbm>>
      %dma_wait3A_1329 = tpu.memref_squeeze %dma_wait3A_1328 : memref<1x80x128xf32, #tpu.memory_space<hbm>> -> memref<80x128xf32, #tpu.memory_space<hbm>>
      tpu.wait_dma2 semaphore(%run_scoped3A_1313 : memref<!tpu.dma_semaphore, #tpu.memory_space<semaphore_mem>>) src(%dma_wait3A_1329 : memref<80x128xf32, #tpu.memory_space<hbm>>) dst(%arg12 : memref<80x128xf32, #tpu.memory_space<vmem>>)
      tpu.yield
    }) : () -> ()
    %scan3A_38 = arith.constant 0 : i32
    %scan3A_39 = arith.constant 0 : i32
    %scan3A_40 = arith.constant 250 : i32
    %scan3A_41 = arith.addi %scan3A_39, %scan3A_40 : i32
    %scan3A_42 = arith.constant 1 : i32
    %scan3A_43 = scf.for %scan3A_1313 = %scan3A_39 to %scan3A_41 step %scan3A_42 iter_args(%scan3A_1314 = %scan3A_38) -> (i32)  : i32 {
      %mul3A_1315 = arith.constant 80 : i32
      %mul3A_1316 = arith.muli %scan3A_1313, %mul3A_1315 : i32
      %add3A_1317 = arith.addi %mul3A_20, %mul3A_1316 : i32
      "tpu.region"() ({
        %run_scoped3A_1326 = tpu.sem_alloc : memref<!tpu.dma_semaphore, #tpu.memory_space<semaphore_mem>>
        %dma_start3A_1327 = tpu.memref_slice %arg2[%add3A_1317] : memref<320000xi32, #tpu.memory_space<hbm>> -> memref<80xi32, #tpu.memory_space<hbm>>
        %dma_start3A_1328 = tpu.memref_slice %arg2[%add3A_1317] : memref<320000xi32, #tpu.memory_space<hbm>> -> memref<80xi32, #tpu.memory_space<hbm>>
        tpu.enqueue_dma source(%dma_start3A_1328 : memref<80xi32, #tpu.memory_space<hbm>>) target(%arg15 : memref<80xi32, #tpu.memory_space<vmem>>) target_semaphore(%run_scoped3A_1326 : memref<!tpu.dma_semaphore, #tpu.memory_space<semaphore_mem>>)
        %dma_wait3A_1329 = tpu.memref_slice %arg2[%add3A_1317] : memref<320000xi32, #tpu.memory_space<hbm>> -> memref<80xi32, #tpu.memory_space<hbm>>
        %dma_wait3A_1330 = tpu.memref_slice %arg2[%add3A_1317] : memref<320000xi32, #tpu.memory_space<hbm>> -> memref<80xi32, #tpu.memory_space<hbm>>
        tpu.wait_dma2 semaphore(%run_scoped3A_1326 : memref<!tpu.dma_semaphore, #tpu.memory_space<semaphore_mem>>) src(%dma_wait3A_1330 : memref<80xi32, #tpu.memory_space<hbm>>) dst(%arg15 : memref<80xi32, #tpu.memory_space<vmem>>)
        tpu.yield
      }) : () -> ()
      "tpu.region"() ({
        %run_scoped3A_1326 = tpu.sem_alloc : memref<!tpu.dma_semaphore, #tpu.memory_space<semaphore_mem>>
        %dma_start3A_1327 = tpu.memref_slice %arg3[%add3A_1317] : memref<320000xi32, #tpu.memory_space<hbm>> -> memref<80xi32, #tpu.memory_space<hbm>>
        %dma_start3A_1328 = tpu.memref_slice %arg3[%add3A_1317] : memref<320000xi32, #tpu.memory_space<hbm>> -> memref<80xi32, #tpu.memory_space<hbm>>
        tpu.enqueue_dma source(%dma_start3A_1328 : memref<80xi32, #tpu.memory_space<hbm>>) target(%arg16 : memref<80xi32, #tpu.memory_space<vmem>>) target_semaphore(%run_scoped3A_1326 : memref<!tpu.dma_semaphore, #tpu.memory_space<semaphore_mem>>)
        %dma_wait3A_1329 = tpu.memref_slice %arg3[%add3A_1317] : memref<320000xi32, #tpu.memory_space<hbm>> -> memref<80xi32, #tpu.memory_space<hbm>>
        %dma_wait3A_1330 = tpu.memref_slice %arg3[%add3A_1317] : memref<320000xi32, #tpu.memory_space<hbm>> -> memref<80xi32, #tpu.memory_space<hbm>>
        tpu.wait_dma2 semaphore(%run_scoped3A_1326 : memref<!tpu.dma_semaphore, #tpu.memory_space<semaphore_mem>>) src(%dma_wait3A_1330 : memref<80xi32, #tpu.memory_space<hbm>>) dst(%arg16 : memref<80xi32, #tpu.memory_space<vmem>>)
        tpu.yield
      }) : () -> ()
      %scan3A_1318 = arith.constant 0 : i32
      %scan3A_1319 = arith.constant 0 : i32
      %scan3A_1320 = arith.constant 5 : i32
      %scan3A_1321 = arith.addi %scan3A_1319, %scan3A_1320 : i32
      %scan3A_1322 = arith.constant 1 : i32
      %scan3A_1323 = scf.for %scan3A_1326 = %scan3A_1319 to %scan3A_1321 step %scan3A_1322 iter_args(%scan3A_1327 = %scan3A_1318) -> (i32)  : i32 {
        %mul3A_1328 = arith.constant 16 : i32
        %mul3A_1329 = arith.muli %scan3A_1326, %mul3A_1328 : i32
        %get3A_1330 = arith.index_cast %mul3A_1329 : i32 to index
        %get3A_1331 = tpu.vector_load %arg15[%get3A_1330] {strides = array<i32>} : memref<80xi32, #tpu.memory_space<vmem>>, vector<16xi32>,
        %mul3A_1332 = arith.constant 16 : i32
        %mul3A_1333 = arith.muli %scan3A_1326, %mul3A_1332 : i32
        %get3A_1334 = arith.index_cast %mul3A_1333 : i32 to index
        %get3A_1335 = tpu.vector_load %arg16[%get3A_1334] {strides = array<i32>} : memref<80xi32, #tpu.memory_space<vmem>>, vector<16xi32>,
        %shift_right_arithmetic3A_1336 = arith.constant 7 : i32
        %shift_right_arithmetic3A_1337 = vector.broadcast %shift_right_arithmetic3A_1336 : i32 to vector<16xi32>
        %shift_right_arithmetic3A_1338 = arith.shrsi %get3A_1335, %shift_right_arithmetic3A_1337 : vector<16xi32>
        %and3A_1339 = arith.constant 127 : i32
        %and3A_1340 = vector.broadcast %and3A_1339 : i32 to vector<16xi32>
        %and3A_1341 = arith.andi %get3A_1335, %and3A_1340 : vector<16xi32>
        %gather3A_1342 = tpu.vector_load_idx %arg11[%shift_right_arithmetic3A_1338, %and3A_1341] : memref<80x128xf32, #tpu.memory_space<vmem>>[vector<16xi32>, vector<16xi32>], vector<16xf32>,
        %shift_right_arithmetic3A_1343 = arith.constant 7 : i32
        %shift_right_arithmetic3A_1344 = vector.broadcast %shift_right_arithmetic3A_1343 : i32 to vector<16xi32>
        %shift_right_arithmetic3A_1345 = arith.shrsi %get3A_1331, %shift_right_arithmetic3A_1344 : vector<16xi32>
        %and3A_1346 = arith.constant 127 : i32
        %and3A_1347 = vector.broadcast %and3A_1346 : i32 to vector<16xi32>
        %and3A_1348 = arith.andi %get3A_1331, %and3A_1347 : vector<16xi32>
        %gather3A_1349 = tpu.vector_load_idx %arg10[%shift_right_arithmetic3A_1345, %and3A_1348] : memref<80x128xf32, #tpu.memory_space<vmem>>[vector<16xi32>, vector<16xi32>], vector<16xf32>,
        %add3A_1350 = arith.addf %gather3A_1342, %gather3A_1349 : vector<16xf32>
        %ge3A_1351 = arith.constant 0.000000e+00 : f32
        %ge3A_1352 = vector.broadcast %ge3A_1351 : f32 to vector<16xf32>
        %ge3A_1353 = arith.cmpf oge, %add3A_1350, %ge3A_1352 : vector<16xf32>
        %mul3A_1354 = arith.constant 2.000000e-01 : f32
        %mul3A_1355 = vector.broadcast %mul3A_1354 : f32 to vector<16xf32>
        %mul3A_1356 = arith.mulf %mul3A_1355, %add3A_1350 : vector<16xf32>
        %select_n3A_1357 = arith.select %ge3A_1353, %add3A_1350, %mul3A_1356 : vector<16xi1>, vector<16xf32>
        %shift_right_arithmetic3A_1358 = arith.constant 7 : i32
        %shift_right_arithmetic3A_1359 = vector.broadcast %shift_right_arithmetic3A_1358 : i32 to vector<16xi32>
        %shift_right_arithmetic3A_1360 = arith.shrsi %get3A_1335, %shift_right_arithmetic3A_1359 : vector<16xi32>
        %and3A_1361 = arith.constant 127 : i32
        %and3A_1362 = vector.broadcast %and3A_1361 : i32 to vector<16xi32>
        %and3A_1363 = arith.andi %get3A_1335, %and3A_1362 : vector<16xi32>
        %gather3A_1364 = tpu.vector_load_idx %arg12[%shift_right_arithmetic3A_1360, %and3A_1363] : memref<80x128xf32, #tpu.memory_space<vmem>>[vector<16xi32>, vector<16xi32>], vector<16xf32>,
        %sub3A_1365 = arith.subf %select_n3A_1357, %gather3A_1364 : vector<16xf32>
        %exp3A_1366 = math.exp %sub3A_1365 : vector<16xf32>
        tpu.vector_store_idx %arg13[%shift_right_arithmetic3A_1360, %and3A_1363], %exp3A_1366 {add = true} : memref<80x128xf32, #tpu.memory_space<vmem>>[vector<16xi32>, vector<16xi32>], vector<16xf32>,
        %scan3A_1367 = arith.constant 0 : i32
        scf.yield %scan3A_1367 : i32
      }
      %scan3A_1324 = arith.constant 5 : i32
      %scan3A_1325 = arith.constant 0 : i32
      scf.yield %scan3A_1325 : i32
    }
    %scan3A_44 = arith.constant 250 : i32
    "tpu.region"() ({
      %run_scoped3A_1313 = tpu.sem_alloc : memref<!tpu.dma_semaphore, #tpu.memory_space<semaphore_mem>>
      %dma_start3A_1314 = arith.constant 0 : i32
      %dma_start3A_1315 = arith.constant 0 : i32
      %dma_start3A_1316 = tpu.memref_slice %arg8[%arg0, %arg1, %dma_start3A_1314, %dma_start3A_1315] : memref<2x16x80x128xf32, #tpu.memory_space<hbm>> -> memref<1x1x80x128xf32, #tpu.memory_space<hbm>>
      %dma_start3A_1317 = tpu.memref_squeeze %dma_start3A_1316 : memref<1x1x80x128xf32, #tpu.memory_space<hbm>> -> memref<80x128xf32, #tpu.memory_space<hbm>>
      %dma_start3A_1318 = arith.constant 0 : i32
      %dma_start3A_1319 = arith.constant 0 : i32
      %dma_start3A_1320 = tpu.memref_slice %arg8[%arg0, %arg1, %dma_start3A_1318, %dma_start3A_1319] : memref<2x16x80x128xf32, #tpu.memory_space<hbm>> -> memref<1x1x80x128xf32, #tpu.memory_space<hbm>>
      %dma_start3A_1321 = tpu.memref_squeeze %dma_start3A_1320 : memref<1x1x80x128xf32, #tpu.memory_space<hbm>> -> memref<80x128xf32, #tpu.memory_space<hbm>>
      tpu.enqueue_dma source(%arg13 : memref<80x128xf32, #tpu.memory_space<vmem>>) target(%dma_start3A_1321 : memref<80x128xf32, #tpu.memory_space<hbm>>) target_semaphore(%run_scoped3A_1313 : memref<!tpu.dma_semaphore, #tpu.memory_space<semaphore_mem>>)
      %dma_wait3A_1322 = arith.constant 0 : i32
      %dma_wait3A_1323 = arith.constant 0 : i32
      %dma_wait3A_1324 = tpu.memref_slice %arg8[%arg0, %arg1, %dma_wait3A_1322, %dma_wait3A_1323] : memref<2x16x80x128xf32, #tpu.memory_space<hbm>> -> memref<1x1x80x128xf32, #tpu.memory_space<hbm>>
      %dma_wait3A_1325 = tpu.memref_squeeze %dma_wait3A_1324 : memref<1x1x80x128xf32, #tpu.memory_space<hbm>> -> memref<80x128xf32, #tpu.memory_space<hbm>>
      %dma_wait3A_1326 = arith.constant 0 : i32
      %dma_wait3A_1327 = arith.constant 0 : i32
      %dma_wait3A_1328 = tpu.memref_slice %arg8[%arg0, %arg1, %dma_wait3A_1326, %dma_wait3A_1327] : memref<2x16x80x128xf32, #tpu.memory_space<hbm>> -> memref<1x1x80x128xf32, #tpu.memory_space<hbm>>
      %dma_wait3A_1329 = tpu.memref_squeeze %dma_wait3A_1328 : memref<1x1x80x128xf32, #tpu.memory_space<hbm>> -> memref<80x128xf32, #tpu.memory_space<hbm>>
      tpu.wait_dma2 semaphore(%run_scoped3A_1313 : memref<!tpu.dma_semaphore, #tpu.memory_space<semaphore_mem>>) src(%arg13 : memref<80x128xf32, #tpu.memory_space<vmem>>) dst(%dma_wait3A_1329 : memref<80x128xf32, #tpu.memory_space<hbm>>)
      tpu.yield
    }) : () -> ()
    %barrier3A_45 = arith.constant 0 : index
    tpu.barrier barrier_id(%barrier3A_45)
    %run_scoped3A_46 = arith.constant 0 : i32
    "tpu.region"() ({
      %run_scoped3A_1313 = tpu.sem_alloc : memref<!tpu.dma_semaphore, #tpu.memory_space<semaphore_mem>>
      %dma_start3A_1314 = arith.constant 0 : i32
      %dma_start3A_1315 = tpu.memref_slice %arg8[%arg0, %run_scoped3A_46, %mul3A_29, %dma_start3A_1314] : memref<2x16x80x128xf32, #tpu.memory_space<hbm>> -> memref<1x1x5x128xf32, #tpu.memory_space<hbm>>
      %dma_start3A_1316 = tpu.memref_squeeze %dma_start3A_1315 : memref<1x1x5x128xf32, #tpu.memory_space<hbm>> -> memref<5x128xf32, #tpu.memory_space<hbm>>
      %dma_start3A_1317 = arith.constant 0 : i32
      %dma_start3A_1318 = tpu.memref_slice %arg8[%arg0, %run_scoped3A_46, %mul3A_29, %dma_start3A_1317] : memref<2x16x80x128xf32, #tpu.memory_space<hbm>> -> memref<1x1x5x128xf32, #tpu.memory_space<hbm>>
      %dma_start3A_1319 = tpu.memref_squeeze %dma_start3A_1318 : memref<1x1x5x128xf32, #tpu.memory_space<hbm>> -> memref<5x128xf32, #tpu.memory_space<hbm>>
      tpu.enqueue_dma source(%dma_start3A_1319 : memref<5x128xf32, #tpu.memory_space<hbm>>) target(%arg14 : memref<5x128xf32, #tpu.memory_space<vmem>>) target_semaphore(%run_scoped3A_1313 : memref<!tpu.dma_semaphore, #tpu.memory_space<semaphore_mem>>)
      %dma_wait3A_1320 = arith.constant 0 : i32
      %dma_wait3A_1321 = tpu.memref_slice %arg8[%arg0, %run_scoped3A_46, %mul3A_29, %dma_wait3A_1320] : memref<2x16x80x128xf32, #tpu.memory_space<hbm>> -> memref<1x1x5x128xf32, #tpu.memory_space<hbm>>
      %dma_wait3A_1322 = tpu.memref_squeeze %dma_wait3A_1321 : memref<1x1x5x128xf32, #tpu.memory_space<hbm>> -> memref<5x128xf32, #tpu.memory_space<hbm>>
      %dma_wait3A_1323 = arith.constant 0 : i32
      %dma_wait3A_1324 = tpu.memref_slice %arg8[%arg0, %run_scoped3A_46, %mul3A_29, %dma_wait3A_1323] : memref<2x16x80x128xf32, #tpu.memory_space<hbm>> -> memref<1x1x5x128xf32, #tpu.memory_space<hbm>>
      %dma_wait3A_1325 = tpu.memref_squeeze %dma_wait3A_1324 : memref<1x1x5x128xf32, #tpu.memory_space<hbm>> -> memref<5x128xf32, #tpu.memory_space<hbm>>
      tpu.wait_dma2 semaphore(%run_scoped3A_1313 : memref<!tpu.dma_semaphore, #tpu.memory_space<semaphore_mem>>) src(%dma_wait3A_1325 : memref<5x128xf32, #tpu.memory_space<hbm>>) dst(%arg14 : memref<5x128xf32, #tpu.memory_space<vmem>>)
      tpu.yield
    }) : () -> ()
    %scan3A_47 = arith.constant 0 : i32
    %scan3A_48 = arith.constant 1 : i32
    %scan3A_49 = arith.constant 15 : i32
    %scan3A_50 = arith.addi %scan3A_48, %scan3A_49 : i32
    %scan3A_51 = arith.constant 1 : i32
    %scan3A_52 = scf.for %scan3A_1313 = %scan3A_48 to %scan3A_50 step %scan3A_51 iter_args(%scan3A_1314 = %scan3A_47) -> (i32)  : i32 {
      "tpu.region"() ({
        %run_scoped3A_1836 = tpu.sem_alloc : memref<!tpu.dma_semaphore, #tpu.memory_space<semaphore_mem>>
        %dma_start3A_1837 = arith.constant 0 : i32
        %dma_start3A_1838 = arith.constant 0 : i32
        %dma_start3A_1839 = tpu.memref_slice %arg22[%dma_start3A_1837, %dma_start3A_1838] : memref<64x128xf32, #tpu.memory_space<vmem>> -> memref<5x128xf32, #tpu.memory_space<vmem>>
        %dma_start3A_1840 = arith.constant 0 : i32
        %dma_start3A_1841 = tpu.memref_slice %arg8[%arg0, %scan3A_1313, %mul3A_29, %dma_start3A_1840] : memref<2x16x80x128xf32, #tpu.memory_space<hbm>> -> memref<1x1x5x128xf32, #tpu.memory_space<hbm>>
        %dma_start3A_1842 = tpu.memref_squeeze %dma_start3A_1841 : memref<1x1x5x128xf32, #tpu.memory_space<hbm>> -> memref<5x128xf32, #tpu.memory_space<hbm>>
        %dma_start3A_1843 = arith.constant 0 : i32
        %dma_start3A_1844 = arith.constant 0 : i32
        %dma_start3A_1845 = tpu.memref_slice %arg22[%dma_start3A_1843, %dma_start3A_1844] : memref<64x128xf32, #tpu.memory_space<vmem>> -> memref<5x128xf32, #tpu.memory_space<vmem>>
        %dma_start3A_1846 = arith.constant 0 : i32
        %dma_start3A_1847 = tpu.memref_slice %arg8[%arg0, %scan3A_1313, %mul3A_29, %dma_start3A_1846] : memref<2x16x80x128xf32, #tpu.memory_space<hbm>> -> memref<1x1x5x128xf32, #tpu.memory_space<hbm>>
        %dma_start3A_1848 = tpu.memref_squeeze %dma_start3A_1847 : memref<1x1x5x128xf32, #tpu.memory_space<hbm>> -> memref<5x128xf32, #tpu.memory_space<hbm>>
        tpu.enqueue_dma source(%dma_start3A_1848 : memref<5x128xf32, #tpu.memory_space<hbm>>) target(%dma_start3A_1845 : memref<5x128xf32, #tpu.memory_space<vmem>>) target_semaphore(%run_scoped3A_1836 : memref<!tpu.dma_semaphore, #tpu.memory_space<semaphore_mem>>)
        %dma_wait3A_1849 = arith.constant 0 : i32
        %dma_wait3A_1850 = arith.constant 0 : i32
        %dma_wait3A_1851 = tpu.memref_slice %arg22[%dma_wait3A_1849, %dma_wait3A_1850] : memref<64x128xf32, #tpu.memory_space<vmem>> -> memref<5x128xf32, #tpu.memory_space<vmem>>
        %dma_wait3A_1852 = arith.constant 0 : i32
        %dma_wait3A_1853 = tpu.memref_slice %arg8[%arg0, %scan3A_1313, %mul3A_29, %dma_wait3A_1852] : memref<2x16x80x128xf32, #tpu.memory_space<hbm>> -> memref<1x1x5x128xf32, #tpu.memory_space<hbm>>
        %dma_wait3A_1854 = tpu.memref_squeeze %dma_wait3A_1853 : memref<1x1x5x128xf32, #tpu.memory_space<hbm>> -> memref<5x128xf32, #tpu.memory_space<hbm>>
        %dma_wait3A_1855 = arith.constant 0 : i32
        %dma_wait3A_1856 = arith.constant 0 : i32
        %dma_wait3A_1857 = tpu.memref_slice %arg22[%dma_wait3A_1855, %dma_wait3A_1856] : memref<64x128xf32, #tpu.memory_space<vmem>> -> memref<5x128xf32, #tpu.memory_space<vmem>>
        %dma_wait3A_1858 = arith.constant 0 : i32
        %dma_wait3A_1859 = tpu.memref_slice %arg8[%arg0, %scan3A_1313, %mul3A_29, %dma_wait3A_1858] : memref<2x16x80x128xf32, #tpu.memory_space<hbm>> -> memref<1x1x5x128xf32, #tpu.memory_space<hbm>>
        %dma_wait3A_1860 = tpu.memref_squeeze %dma_wait3A_1859 : memref<1x1x5x128xf32, #tpu.memory_space<hbm>> -> memref<5x128xf32, #tpu.memory_space<hbm>>
        tpu.wait_dma2 semaphore(%run_scoped3A_1836 : memref<!tpu.dma_semaphore, #tpu.memory_space<semaphore_mem>>) src(%dma_wait3A_1860 : memref<5x128xf32, #tpu.memory_space<hbm>>) dst(%dma_wait3A_1857 : memref<5x128xf32, #tpu.memory_space<vmem>>)
        tpu.yield
      }) : () -> ()
      %get3A_1315 = arith.constant 0 : i32
      %get3A_1316 = arith.index_cast %get3A_1315 : i32 to index
      %get3A_1317 = arith.constant 0 : index
      %get3A_1318 = tpu.vector_load %arg14[%get3A_1316, %get3A_1317] {strides = array<i32>} : memref<5x128xf32, #tpu.memory_space<vmem>>, vector<16xf32>,
      %get3A_1319 = arith.constant 0 : i32
      %get3A_1320 = arith.index_cast %get3A_1319 : i32 to index
      %get3A_1321 = arith.constant 0 : index
      %get3A_1322 = tpu.vector_load %arg22[%get3A_1320, %get3A_1321] {strides = array<i32>} : memref<64x128xf32, #tpu.memory_space<vmem>>, vector<16xf32>,
      %add3A_1323 = arith.addf %get3A_1318, %get3A_1322 : vector<16xf32>
      %swap3A_1324 = arith.constant 0 : i32
      %swap3A_1325 = arith.index_cast %swap3A_1324 : i32 to index
      %swap3A_1326 = arith.constant 0 : index
      %swap3A_1327 = tpu.vector_load %arg14[%swap3A_1325, %swap3A_1326] {strides = array<i32>} : memref<5x128xf32, #tpu.memory_space<vmem>>, vector<16xf32>,
      tpu.vector_store %arg14[%swap3A_1325, %swap3A_1326], %add3A_1323 {strides = array<i32>} : memref<5x128xf32, #tpu.memory_space<vmem>>, vector<16xf32>,
      %get3A_1328 = arith.constant 0 : i32
      %get3A_1329 = arith.index_cast %get3A_1328 : i32 to index
      %get3A_1330 = arith.constant 16 : index
      %get3A_1331 = tpu.vector_load %arg14[%get3A_1329, %get3A_1330] {strides = array<i32>} : memref<5x128xf32, #tpu.memory_space<vmem>>, vector<16xf32>,
      %get3A_1332 = arith.constant 0 : i32
      %get3A_1333 = arith.index_cast %get3A_1332 : i32 to index
      %get3A_1334 = arith.constant 16 : index
      %get3A_1335 = tpu.vector_load %arg22[%get3A_1333, %get3A_1334] {strides = array<i32>} : memref<64x128xf32, #tpu.memory_space<vmem>>, vector<16xf32>,
      %add3A_1336 = arith.addf %get3A_1331, %get3A_1335 : vector<16xf32>
      %swap3A_1337 = arith.constant 0 : i32
      %swap3A_1338 = arith.index_cast %swap3A_1337 : i32 to index
      %swap3A_1339 = arith.constant 16 : index
      %swap3A_1340 = tpu.vector_load %arg14[%swap3A_1338, %swap3A_1339] {strides = array<i32>} : memref<5x128xf32, #tpu.memory_space<vmem>>, vector<16xf32>,
      tpu.vector_store %arg14[%swap3A_1338, %swap3A_1339], %add3A_1336 {strides = array<i32>} : memref<5x128xf32, #tpu.memory_space<vmem>>, vector<16xf32>,
      %get3A_1341 = arith.constant 0 : i32
      %get3A_1342 = arith.index_cast %get3A_1341 : i32 to index
      %get3A_1343 = arith.constant 32 : index
      %get3A_1344 = tpu.vector_load %arg14[%get3A_1342, %get3A_1343] {strides = array<i32>} : memref<5x128xf32, #tpu.memory_space<vmem>>, vector<16xf32>,
      %get3A_1345 = arith.constant 0 : i32
      %get3A_1346 = arith.index_cast %get3A_1345 : i32 to index
      %get3A_1347 = arith.constant 32 : index
      %get3A_1348 = tpu.vector_load %arg22[%get3A_1346, %get3A_1347] {strides = array<i32>} : memref<64x128xf32, #tpu.memory_space<vmem>>, vector<16xf32>,
      %add3A_1349 = arith.addf %get3A_1344, %get3A_1348 : vector<16xf32>
      %swap3A_1350 = arith.constant 0 : i32
      %swap3A_1351 = arith.index_cast %swap3A_1350 : i32 to index
      %swap3A_1352 = arith.constant 32 : index
      %swap3A_1353 = tpu.vector_load %arg14[%swap3A_1351, %swap3A_1352] {strides = array<i32>} : memref<5x128xf32, #tpu.memory_space<vmem>>, vector<16xf32>,
      tpu.vector_store %arg14[%swap3A_1351, %swap3A_1352], %add3A_1349 {strides = array<i32>} : memref<5x128xf32, #tpu.memory_space<vmem>>, vector<16xf32>,
      %get3A_1354 = arith.constant 0 : i32
      %get3A_1355 = arith.index_cast %get3A_1354 : i32 to index
      %get3A_1356 = arith.constant 48 : index
      %get3A_1357 = tpu.vector_load %arg14[%get3A_1355, %get3A_1356] {strides = array<i32>} : memref<5x128xf32, #tpu.memory_space<vmem>>, vector<16xf32>,
      %get3A_1358 = arith.constant 0 : i32
      %get3A_1359 = arith.index_cast %get3A_1358 : i32 to index
      %get3A_1360 = arith.constant 48 : index
      %get3A_1361 = tpu.vector_load %arg22[%get3A_1359, %get3A_1360] {strides = array<i32>} : memref<64x128xf32, #tpu.memory_space<vmem>>, vector<16xf32>,
      %add3A_1362 = arith.addf %get3A_1357, %get3A_1361 : vector<16xf32>
      %swap3A_1363 = arith.constant 0 : i32
      %swap3A_1364 = arith.index_cast %swap3A_1363 : i32 to index
      %swap3A_1365 = arith.constant 48 : index
      %swap3A_1366 = tpu.vector_load %arg14[%swap3A_1364, %swap3A_1365] {strides = array<i32>} : memref<5x128xf32, #tpu.memory_space<vmem>>, vector<16xf32>,
      tpu.vector_store %arg14[%swap3A_1364, %swap3A_1365], %add3A_1362 {strides = array<i32>} : memref<5x128xf32, #tpu.memory_space<vmem>>, vector<16xf32>,
      %get3A_1367 = arith.constant 0 : i32
      %get3A_1368 = arith.index_cast %get3A_1367 : i32 to index
      %get3A_1369 = arith.constant 64 : index
      %get3A_1370 = tpu.vector_load %arg14[%get3A_1368, %get3A_1369] {strides = array<i32>} : memref<5x128xf32, #tpu.memory_space<vmem>>, vector<16xf32>,
      %get3A_1371 = arith.constant 0 : i32
      %get3A_1372 = arith.index_cast %get3A_1371 : i32 to index
      %get3A_1373 = arith.constant 64 : index
      %get3A_1374 = tpu.vector_load %arg22[%get3A_1372, %get3A_1373] {strides = array<i32>} : memref<64x128xf32, #tpu.memory_space<vmem>>, vector<16xf32>,
      %add3A_1375 = arith.addf %get3A_1370, %get3A_1374 : vector<16xf32>
      %swap3A_1376 = arith.constant 0 : i32
      %swap3A_1377 = arith.index_cast %swap3A_1376 : i32 to index
      %swap3A_1378 = arith.constant 64 : index
      %swap3A_1379 = tpu.vector_load %arg14[%swap3A_1377, %swap3A_1378] {strides = array<i32>} : memref<5x128xf32, #tpu.memory_space<vmem>>, vector<16xf32>,
      tpu.vector_store %arg14[%swap3A_1377, %swap3A_1378], %add3A_1375 {strides = array<i32>} : memref<5x128xf32, #tpu.memory_space<vmem>>, vector<16xf32>,
      %get3A_1380 = arith.constant 0 : i32
      %get3A_1381 = arith.index_cast %get3A_1380 : i32 to index
      %get3A_1382 = arith.constant 80 : index
      %get3A_1383 = tpu.vector_load %arg14[%get3A_1381, %get3A_1382] {strides = array<i32>} : memref<5x128xf32, #tpu.memory_space<vmem>>, vector<16xf32>,
      %get3A_1384 = arith.constant 0 : i32
      %get3A_1385 = arith.index_cast %get3A_1384 : i32 to index
      %get3A_1386 = arith.constant 80 : index
      %get3A_1387 = tpu.vector_load %arg22[%get3A_1385, %get3A_1386] {strides = array<i32>} : memref<64x128xf32, #tpu.memory_space<vmem>>, vector<16xf32>,
      %add3A_1388 = arith.addf %get3A_1383, %get3A_1387 : vector<16xf32>
      %swap3A_1389 = arith.constant 0 : i32
      %swap3A_1390 = arith.index_cast %swap3A_1389 : i32 to index
      %swap3A_1391 = arith.constant 80 : index
      %swap3A_1392 = tpu.vector_load %arg14[%swap3A_1390, %swap3A_1391] {strides = array<i32>} : memref<5x128xf32, #tpu.memory_space<vmem>>, vector<16xf32>,
      tpu.vector_store %arg14[%swap3A_1390, %swap3A_1391], %add3A_1388 {strides = array<i32>} : memref<5x128xf32, #tpu.memory_space<vmem>>, vector<16xf32>,
      %get3A_1393 = arith.constant 0 : i32
      %get3A_1394 = arith.index_cast %get3A_1393 : i32 to index
      %get3A_1395 = arith.constant 96 : index
      %get3A_1396 = tpu.vector_load %arg14[%get3A_1394, %get3A_1395] {strides = array<i32>} : memref<5x128xf32, #tpu.memory_space<vmem>>, vector<16xf32>,
      %get3A_1397 = arith.constant 0 : i32
      %get3A_1398 = arith.index_cast %get3A_1397 : i32 to index
      %get3A_1399 = arith.constant 96 : index
      %get3A_1400 = tpu.vector_load %arg22[%get3A_1398, %get3A_1399] {strides = array<i32>} : memref<64x128xf32, #tpu.memory_space<vmem>>, vector<16xf32>,
      %add3A_1401 = arith.addf %get3A_1396, %get3A_1400 : vector<16xf32>
      %swap3A_1402 = arith.constant 0 : i32
      %swap3A_1403 = arith.index_cast %swap3A_1402 : i32 to index
      %swap3A_1404 = arith.constant 96 : index
      %swap3A_1405 = tpu.vector_load %arg14[%swap3A_1403, %swap3A_1404] {strides = array<i32>} : memref<5x128xf32, #tpu.memory_space<vmem>>, vector<16xf32>,
      tpu.vector_store %arg14[%swap3A_1403, %swap3A_1404], %add3A_1401 {strides = array<i32>} : memref<5x128xf32, #tpu.memory_space<vmem>>, vector<16xf32>,
      %get3A_1406 = arith.constant 0 : i32
      %get3A_1407 = arith.index_cast %get3A_1406 : i32 to index
      %get3A_1408 = arith.constant 112 : index
      %get3A_1409 = tpu.vector_load %arg14[%get3A_1407, %get3A_1408] {strides = array<i32>} : memref<5x128xf32, #tpu.memory_space<vmem>>, vector<16xf32>,
      %get3A_1410 = arith.constant 0 : i32
      %get3A_1411 = arith.index_cast %get3A_1410 : i32 to index
      %get3A_1412 = arith.constant 112 : index
      %get3A_1413 = tpu.vector_load %arg22[%get3A_1411, %get3A_1412] {strides = array<i32>} : memref<64x128xf32, #tpu.memory_space<vmem>>, vector<16xf32>,
      %add3A_1414 = arith.addf %get3A_1409, %get3A_1413 : vector<16xf32>
      %swap3A_1415 = arith.constant 0 : i32
      %swap3A_1416 = arith.index_cast %swap3A_1415 : i32 to index
      %swap3A_1417 = arith.constant 112 : index
      %swap3A_1418 = tpu.vector_load %arg14[%swap3A_1416, %swap3A_1417] {strides = array<i32>} : memref<5x128xf32, #tpu.memory_space<vmem>>, vector<16xf32>,
      tpu.vector_store %arg14[%swap3A_1416, %swap3A_1417], %add3A_1414 {strides = array<i32>} : memref<5x128xf32, #tpu.memory_space<vmem>>, vector<16xf32>,
      %get3A_1419 = arith.constant 1 : i32
      %get3A_1420 = arith.index_cast %get3A_1419 : i32 to index
      %get3A_1421 = arith.constant 0 : index
      %get3A_1422 = tpu.vector_load %arg14[%get3A_1420, %get3A_1421] {strides = array<i32>} : memref<5x128xf32, #tpu.memory_space<vmem>>, vector<16xf32>,
      %get3A_1423 = arith.constant 1 : i32
      %get3A_1424 = arith.index_cast %get3A_1423 : i32 to index
      %get3A_1425 = arith.constant 0 : index
      %get3A_1426 = tpu.vector_load %arg22[%get3A_1424, %get3A_1425] {strides = array<i32>} : memref<64x128xf32, #tpu.memory_space<vmem>>, vector<16xf32>,
      %add3A_1427 = arith.addf %get3A_1422, %get3A_1426 : vector<16xf32>
      %swap3A_1428 = arith.constant 1 : i32
      %swap3A_1429 = arith.index_cast %swap3A_1428 : i32 to index
      %swap3A_1430 = arith.constant 0 : index
      %swap3A_1431 = tpu.vector_load %arg14[%swap3A_1429, %swap3A_1430] {strides = array<i32>} : memref<5x128xf32, #tpu.memory_space<vmem>>, vector<16xf32>,
      tpu.vector_store %arg14[%swap3A_1429, %swap3A_1430], %add3A_1427 {strides = array<i32>} : memref<5x128xf32, #tpu.memory_space<vmem>>, vector<16xf32>,
      %get3A_1432 = arith.constant 1 : i32
      %get3A_1433 = arith.index_cast %get3A_1432 : i32 to index
      %get3A_1434 = arith.constant 16 : index
      %get3A_1435 = tpu.vector_load %arg14[%get3A_1433, %get3A_1434] {strides = array<i32>} : memref<5x128xf32, #tpu.memory_space<vmem>>, vector<16xf32>,
      %get3A_1436 = arith.constant 1 : i32
      %get3A_1437 = arith.index_cast %get3A_1436 : i32 to index
      %get3A_1438 = arith.constant 16 : index
      %get3A_1439 = tpu.vector_load %arg22[%get3A_1437, %get3A_1438] {strides = array<i32>} : memref<64x128xf32, #tpu.memory_space<vmem>>, vector<16xf32>,
      %add3A_1440 = arith.addf %get3A_1435, %get3A_1439 : vector<16xf32>
      %swap3A_1441 = arith.constant 1 : i32
      %swap3A_1442 = arith.index_cast %swap3A_1441 : i32 to index
      %swap3A_1443 = arith.constant 16 : index
      %swap3A_1444 = tpu.vector_load %arg14[%swap3A_1442, %swap3A_1443] {strides = array<i32>} : memref<5x128xf32, #tpu.memory_space<vmem>>, vector<16xf32>,
      tpu.vector_store %arg14[%swap3A_1442, %swap3A_1443], %add3A_1440 {strides = array<i32>} : memref<5x128xf32, #tpu.memory_space<vmem>>, vector<16xf32>,
      %get3A_1445 = arith.constant 1 : i32
      %get3A_1446 = arith.index_cast %get3A_1445 : i32 to index
      %get3A_1447 = arith.constant 32 : index
      %get3A_1448 = tpu.vector_load %arg14[%get3A_1446, %get3A_1447] {strides = array<i32>} : memref<5x128xf32, #tpu.memory_space<vmem>>, vector<16xf32>,
      %get3A_1449 = arith.constant 1 : i32
      %get3A_1450 = arith.index_cast %get3A_1449 : i32 to index
      %get3A_1451 = arith.constant 32 : index
      %get3A_1452 = tpu.vector_load %arg22[%get3A_1450, %get3A_1451] {strides = array<i32>} : memref<64x128xf32, #tpu.memory_space<vmem>>, vector<16xf32>,
      %add3A_1453 = arith.addf %get3A_1448, %get3A_1452 : vector<16xf32>
      %swap3A_1454 = arith.constant 1 : i32
      %swap3A_1455 = arith.index_cast %swap3A_1454 : i32 to index
      %swap3A_1456 = arith.constant 32 : index
      %swap3A_1457 = tpu.vector_load %arg14[%swap3A_1455, %swap3A_1456] {strides = array<i32>} : memref<5x128xf32, #tpu.memory_space<vmem>>, vector<16xf32>,
      tpu.vector_store %arg14[%swap3A_1455, %swap3A_1456], %add3A_1453 {strides = array<i32>} : memref<5x128xf32, #tpu.memory_space<vmem>>, vector<16xf32>,
      %get3A_1458 = arith.constant 1 : i32
      %get3A_1459 = arith.index_cast %get3A_1458 : i32 to index
      %get3A_1460 = arith.constant 48 : index
      %get3A_1461 = tpu.vector_load %arg14[%get3A_1459, %get3A_1460] {strides = array<i32>} : memref<5x128xf32, #tpu.memory_space<vmem>>, vector<16xf32>,
      %get3A_1462 = arith.constant 1 : i32
      %get3A_1463 = arith.index_cast %get3A_1462 : i32 to index
      %get3A_1464 = arith.constant 48 : index
      %get3A_1465 = tpu.vector_load %arg22[%get3A_1463, %get3A_1464] {strides = array<i32>} : memref<64x128xf32, #tpu.memory_space<vmem>>, vector<16xf32>,
      %add3A_1466 = arith.addf %get3A_1461, %get3A_1465 : vector<16xf32>
      %swap3A_1467 = arith.constant 1 : i32
      %swap3A_1468 = arith.index_cast %swap3A_1467 : i32 to index
      %swap3A_1469 = arith.constant 48 : index
      %swap3A_1470 = tpu.vector_load %arg14[%swap3A_1468, %swap3A_1469] {strides = array<i32>} : memref<5x128xf32, #tpu.memory_space<vmem>>, vector<16xf32>,
      tpu.vector_store %arg14[%swap3A_1468, %swap3A_1469], %add3A_1466 {strides = array<i32>} : memref<5x128xf32, #tpu.memory_space<vmem>>, vector<16xf32>,
      %get3A_1471 = arith.constant 1 : i32
      %get3A_1472 = arith.index_cast %get3A_1471 : i32 to index
      %get3A_1473 = arith.constant 64 : index
      %get3A_1474 = tpu.vector_load %arg14[%get3A_1472, %get3A_1473] {strides = array<i32>} : memref<5x128xf32, #tpu.memory_space<vmem>>, vector<16xf32>,
      %get3A_1475 = arith.constant 1 : i32
      %get3A_1476 = arith.index_cast %get3A_1475 : i32 to index
      %get3A_1477 = arith.constant 64 : index
      %get3A_1478 = tpu.vector_load %arg22[%get3A_1476, %get3A_1477] {strides = array<i32>} : memref<64x128xf32, #tpu.memory_space<vmem>>, vector<16xf32>,
      %add3A_1479 = arith.addf %get3A_1474, %get3A_1478 : vector<16xf32>
      %swap3A_1480 = arith.constant 1 : i32
      %swap3A_1481 = arith.index_cast %swap3A_1480 : i32 to index
      %swap3A_1482 = arith.constant 64 : index
      %swap3A_1483 = tpu.vector_load %arg14[%swap3A_1481, %swap3A_1482] {strides = array<i32>} : memref<5x128xf32, #tpu.memory_space<vmem>>, vector<16xf32>,
      tpu.vector_store %arg14[%swap3A_1481, %swap3A_1482], %add3A_1479 {strides = array<i32>} : memref<5x128xf32, #tpu.memory_space<vmem>>, vector<16xf32>,
      %get3A_1484 = arith.constant 1 : i32
      %get3A_1485 = arith.index_cast %get3A_1484 : i32 to index
      %get3A_1486 = arith.constant 80 : index
      %get3A_1487 = tpu.vector_load %arg14[%get3A_1485, %get3A_1486] {strides = array<i32>} : memref<5x128xf32, #tpu.memory_space<vmem>>, vector<16xf32>,
      %get3A_1488 = arith.constant 1 : i32
      %get3A_1489 = arith.index_cast %get3A_1488 : i32 to index
      %get3A_1490 = arith.constant 80 : index
      %get3A_1491 = tpu.vector_load %arg22[%get3A_1489, %get3A_1490] {strides = array<i32>} : memref<64x128xf32, #tpu.memory_space<vmem>>, vector<16xf32>,
      %add3A_1492 = arith.addf %get3A_1487, %get3A_1491 : vector<16xf32>
      %swap3A_1493 = arith.constant 1 : i32
      %swap3A_1494 = arith.index_cast %swap3A_1493 : i32 to index
      %swap3A_1495 = arith.constant 80 : index
      %swap3A_1496 = tpu.vector_load %arg14[%swap3A_1494, %swap3A_1495] {strides = array<i32>} : memref<5x128xf32, #tpu.memory_space<vmem>>, vector<16xf32>,
      tpu.vector_store %arg14[%swap3A_1494, %swap3A_1495], %add3A_1492 {strides = array<i32>} : memref<5x128xf32, #tpu.memory_space<vmem>>, vector<16xf32>,
      %get3A_1497 = arith.constant 1 : i32
      %get3A_1498 = arith.index_cast %get3A_1497 : i32 to index
      %get3A_1499 = arith.constant 96 : index
      %get3A_1500 = tpu.vector_load %arg14[%get3A_1498, %get3A_1499] {strides = array<i32>} : memref<5x128xf32, #tpu.memory_space<vmem>>, vector<16xf32>,
      %get3A_1501 = arith.constant 1 : i32
      %get3A_1502 = arith.index_cast %get3A_1501 : i32 to index
      %get3A_1503 = arith.constant 96 : index
      %get3A_1504 = tpu.vector_load %arg22[%get3A_1502, %get3A_1503] {strides = array<i32>} : memref<64x128xf32, #tpu.memory_space<vmem>>, vector<16xf32>,
      %add3A_1505 = arith.addf %get3A_1500, %get3A_1504 : vector<16xf32>
      %swap3A_1506 = arith.constant 1 : i32
      %swap3A_1507 = arith.index_cast %swap3A_1506 : i32 to index
      %swap3A_1508 = arith.constant 96 : index
      %swap3A_1509 = tpu.vector_load %arg14[%swap3A_1507, %swap3A_1508] {strides = array<i32>} : memref<5x128xf32, #tpu.memory_space<vmem>>, vector<16xf32>,
      tpu.vector_store %arg14[%swap3A_1507, %swap3A_1508], %add3A_1505 {strides = array<i32>} : memref<5x128xf32, #tpu.memory_space<vmem>>, vector<16xf32>,
      %get3A_1510 = arith.constant 1 : i32
      %get3A_1511 = arith.index_cast %get3A_1510 : i32 to index
      %get3A_1512 = arith.constant 112 : index
      %get3A_1513 = tpu.vector_load %arg14[%get3A_1511, %get3A_1512] {strides = array<i32>} : memref<5x128xf32, #tpu.memory_space<vmem>>, vector<16xf32>,
      %get3A_1514 = arith.constant 1 : i32
      %get3A_1515 = arith.index_cast %get3A_1514 : i32 to index
      %get3A_1516 = arith.constant 112 : index
      %get3A_1517 = tpu.vector_load %arg22[%get3A_1515, %get3A_1516] {strides = array<i32>} : memref<64x128xf32, #tpu.memory_space<vmem>>, vector<16xf32>,
      %add3A_1518 = arith.addf %get3A_1513, %get3A_1517 : vector<16xf32>
      %swap3A_1519 = arith.constant 1 : i32
      %swap3A_1520 = arith.index_cast %swap3A_1519 : i32 to index
      %swap3A_1521 = arith.constant 112 : index
      %swap3A_1522 = tpu.vector_load %arg14[%swap3A_1520, %swap3A_1521] {strides = array<i32>} : memref<5x128xf32, #tpu.memory_space<vmem>>, vector<16xf32>,
      tpu.vector_store %arg14[%swap3A_1520, %swap3A_1521], %add3A_1518 {strides = array<i32>} : memref<5x128xf32, #tpu.memory_space<vmem>>, vector<16xf32>,
      %get3A_1523 = arith.constant 2 : i32
      %get3A_1524 = arith.index_cast %get3A_1523 : i32 to index
      %get3A_1525 = arith.constant 0 : index
      %get3A_1526 = tpu.vector_load %arg14[%get3A_1524, %get3A_1525] {strides = array<i32>} : memref<5x128xf32, #tpu.memory_space<vmem>>, vector<16xf32>,
      %get3A_1527 = arith.constant 2 : i32
      %get3A_1528 = arith.index_cast %get3A_1527 : i32 to index
      %get3A_1529 = arith.constant 0 : index
      %get3A_1530 = tpu.vector_load %arg22[%get3A_1528, %get3A_1529] {strides = array<i32>} : memref<64x128xf32, #tpu.memory_space<vmem>>, vector<16xf32>,
      %add3A_1531 = arith.addf %get3A_1526, %get3A_1530 : vector<16xf32>
      %swap3A_1532 = arith.constant 2 : i32
      %swap3A_1533 = arith.index_cast %swap3A_1532 : i32 to index
      %swap3A_1534 = arith.constant 0 : index
      %swap3A_1535 = tpu.vector_load %arg14[%swap3A_1533, %swap3A_1534] {strides = array<i32>} : memref<5x128xf32, #tpu.memory_space<vmem>>, vector<16xf32>,
      tpu.vector_store %arg14[%swap3A_1533, %swap3A_1534], %add3A_1531 {strides = array<i32>} : memref<5x128xf32, #tpu.memory_space<vmem>>, vector<16xf32>,
      %get3A_1536 = arith.constant 2 : i32
      %get3A_1537 = arith.index_cast %get3A_1536 : i32 to index
      %get3A_1538 = arith.constant 16 : index
      %get3A_1539 = tpu.vector_load %arg14[%get3A_1537, %get3A_1538] {strides = array<i32>} : memref<5x128xf32, #tpu.memory_space<vmem>>, vector<16xf32>,
      %get3A_1540 = arith.constant 2 : i32
      %get3A_1541 = arith.index_cast %get3A_1540 : i32 to index
      %get3A_1542 = arith.constant 16 : index
      %get3A_1543 = tpu.vector_load %arg22[%get3A_1541, %get3A_1542] {strides = array<i32>} : memref<64x128xf32, #tpu.memory_space<vmem>>, vector<16xf32>,
      %add3A_1544 = arith.addf %get3A_1539, %get3A_1543 : vector<16xf32>
      %swap3A_1545 = arith.constant 2 : i32
      %swap3A_1546 = arith.index_cast %swap3A_1545 : i32 to index
      %swap3A_1547 = arith.constant 16 : index
      %swap3A_1548 = tpu.vector_load %arg14[%swap3A_1546, %swap3A_1547] {strides = array<i32>} : memref<5x128xf32, #tpu.memory_space<vmem>>, vector<16xf32>,
      tpu.vector_store %arg14[%swap3A_1546, %swap3A_1547], %add3A_1544 {strides = array<i32>} : memref<5x128xf32, #tpu.memory_space<vmem>>, vector<16xf32>,
      %get3A_1549 = arith.constant 2 : i32
      %get3A_1550 = arith.index_cast %get3A_1549 : i32 to index
      %get3A_1551 = arith.constant 32 : index
      %get3A_1552 = tpu.vector_load %arg14[%get3A_1550, %get3A_1551] {strides = array<i32>} : memref<5x128xf32, #tpu.memory_space<vmem>>, vector<16xf32>,
      %get3A_1553 = arith.constant 2 : i32
      %get3A_1554 = arith.index_cast %get3A_1553 : i32 to index
      %get3A_1555 = arith.constant 32 : index
      %get3A_1556 = tpu.vector_load %arg22[%get3A_1554, %get3A_1555] {strides = array<i32>} : memref<64x128xf32, #tpu.memory_space<vmem>>, vector<16xf32>,
      %add3A_1557 = arith.addf %get3A_1552, %get3A_1556 : vector<16xf32>
      %swap3A_1558 = arith.constant 2 : i32
      %swap3A_1559 = arith.index_cast %swap3A_1558 : i32 to index
      %swap3A_1560 = arith.constant 32 : index
      %swap3A_1561 = tpu.vector_load %arg14[%swap3A_1559, %swap3A_1560] {strides = array<i32>} : memref<5x128xf32, #tpu.memory_space<vmem>>, vector<16xf32>,
      tpu.vector_store %arg14[%swap3A_1559, %swap3A_1560], %add3A_1557 {strides = array<i32>} : memref<5x128xf32, #tpu.memory_space<vmem>>, vector<16xf32>,
      %get3A_1562 = arith.constant 2 : i32
      %get3A_1563 = arith.index_cast %get3A_1562 : i32 to index
      %get3A_1564 = arith.constant 48 : index
      %get3A_1565 = tpu.vector_load %arg14[%get3A_1563, %get3A_1564] {strides = array<i32>} : memref<5x128xf32, #tpu.memory_space<vmem>>, vector<16xf32>,
      %get3A_1566 = arith.constant 2 : i32
      %get3A_1567 = arith.index_cast %get3A_1566 : i32 to index
      %get3A_1568 = arith.constant 48 : index
      %get3A_1569 = tpu.vector_load %arg22[%get3A_1567, %get3A_1568] {strides = array<i32>} : memref<64x128xf32, #tpu.memory_space<vmem>>, vector<16xf32>,
      %add3A_1570 = arith.addf %get3A_1565, %get3A_1569 : vector<16xf32>
      %swap3A_1571 = arith.constant 2 : i32
      %swap3A_1572 = arith.index_cast %swap3A_1571 : i32 to index
      %swap3A_1573 = arith.constant 48 : index
      %swap3A_1574 = tpu.vector_load %arg14[%swap3A_1572, %swap3A_1573] {strides = array<i32>} : memref<5x128xf32, #tpu.memory_space<vmem>>, vector<16xf32>,
      tpu.vector_store %arg14[%swap3A_1572, %swap3A_1573], %add3A_1570 {strides = array<i32>} : memref<5x128xf32, #tpu.memory_space<vmem>>, vector<16xf32>,
      %get3A_1575 = arith.constant 2 : i32
      %get3A_1576 = arith.index_cast %get3A_1575 : i32 to index
      %get3A_1577 = arith.constant 64 : index
      %get3A_1578 = tpu.vector_load %arg14[%get3A_1576, %get3A_1577] {strides = array<i32>} : memref<5x128xf32, #tpu.memory_space<vmem>>, vector<16xf32>,
      %get3A_1579 = arith.constant 2 : i32
      %get3A_1580 = arith.index_cast %get3A_1579 : i32 to index
      %get3A_1581 = arith.constant 64 : index
      %get3A_1582 = tpu.vector_load %arg22[%get3A_1580, %get3A_1581] {strides = array<i32>} : memref<64x128xf32, #tpu.memory_space<vmem>>, vector<16xf32>,
      %add3A_1583 = arith.addf %get3A_1578, %get3A_1582 : vector<16xf32>
      %swap3A_1584 = arith.constant 2 : i32
      %swap3A_1585 = arith.index_cast %swap3A_1584 : i32 to index
      %swap3A_1586 = arith.constant 64 : index
      %swap3A_1587 = tpu.vector_load %arg14[%swap3A_1585, %swap3A_1586] {strides = array<i32>} : memref<5x128xf32, #tpu.memory_space<vmem>>, vector<16xf32>,
      tpu.vector_store %arg14[%swap3A_1585, %swap3A_1586], %add3A_1583 {strides = array<i32>} : memref<5x128xf32, #tpu.memory_space<vmem>>, vector<16xf32>,
      %get3A_1588 = arith.constant 2 : i32
      %get3A_1589 = arith.index_cast %get3A_1588 : i32 to index
      %get3A_1590 = arith.constant 80 : index
      %get3A_1591 = tpu.vector_load %arg14[%get3A_1589, %get3A_1590] {strides = array<i32>} : memref<5x128xf32, #tpu.memory_space<vmem>>, vector<16xf32>,
      %get3A_1592 = arith.constant 2 : i32
      %get3A_1593 = arith.index_cast %get3A_1592 : i32 to index
      %get3A_1594 = arith.constant 80 : index
      %get3A_1595 = tpu.vector_load %arg22[%get3A_1593, %get3A_1594] {strides = array<i32>} : memref<64x128xf32, #tpu.memory_space<vmem>>, vector<16xf32>,
      %add3A_1596 = arith.addf %get3A_1591, %get3A_1595 : vector<16xf32>
      %swap3A_1597 = arith.constant 2 : i32
      %swap3A_1598 = arith.index_cast %swap3A_1597 : i32 to index
      %swap3A_1599 = arith.constant 80 : index
      %swap3A_1600 = tpu.vector_load %arg14[%swap3A_1598, %swap3A_1599] {strides = array<i32>} : memref<5x128xf32, #tpu.memory_space<vmem>>, vector<16xf32>,
      tpu.vector_store %arg14[%swap3A_1598, %swap3A_1599], %add3A_1596 {strides = array<i32>} : memref<5x128xf32, #tpu.memory_space<vmem>>, vector<16xf32>,
      %get3A_1601 = arith.constant 2 : i32
      %get3A_1602 = arith.index_cast %get3A_1601 : i32 to index
      %get3A_1603 = arith.constant 96 : index
      %get3A_1604 = tpu.vector_load %arg14[%get3A_1602, %get3A_1603] {strides = array<i32>} : memref<5x128xf32, #tpu.memory_space<vmem>>, vector<16xf32>,
      %get3A_1605 = arith.constant 2 : i32
      %get3A_1606 = arith.index_cast %get3A_1605 : i32 to index
      %get3A_1607 = arith.constant 96 : index
      %get3A_1608 = tpu.vector_load %arg22[%get3A_1606, %get3A_1607] {strides = array<i32>} : memref<64x128xf32, #tpu.memory_space<vmem>>, vector<16xf32>,
      %add3A_1609 = arith.addf %get3A_1604, %get3A_1608 : vector<16xf32>
      %swap3A_1610 = arith.constant 2 : i32
      %swap3A_1611 = arith.index_cast %swap3A_1610 : i32 to index
      %swap3A_1612 = arith.constant 96 : index
      %swap3A_1613 = tpu.vector_load %arg14[%swap3A_1611, %swap3A_1612] {strides = array<i32>} : memref<5x128xf32, #tpu.memory_space<vmem>>, vector<16xf32>,
      tpu.vector_store %arg14[%swap3A_1611, %swap3A_1612], %add3A_1609 {strides = array<i32>} : memref<5x128xf32, #tpu.memory_space<vmem>>, vector<16xf32>,
      %get3A_1614 = arith.constant 2 : i32
      %get3A_1615 = arith.index_cast %get3A_1614 : i32 to index
      %get3A_1616 = arith.constant 112 : index
      %get3A_1617 = tpu.vector_load %arg14[%get3A_1615, %get3A_1616] {strides = array<i32>} : memref<5x128xf32, #tpu.memory_space<vmem>>, vector<16xf32>,
      %get3A_1618 = arith.constant 2 : i32
      %get3A_1619 = arith.index_cast %get3A_1618 : i32 to index
      %get3A_1620 = arith.constant 112 : index
      %get3A_1621 = tpu.vector_load %arg22[%get3A_1619, %get3A_1620] {strides = array<i32>} : memref<64x128xf32, #tpu.memory_space<vmem>>, vector<16xf32>,
      %add3A_1622 = arith.addf %get3A_1617, %get3A_1621 : vector<16xf32>
      %swap3A_1623 = arith.constant 2 : i32
      %swap3A_1624 = arith.index_cast %swap3A_1623 : i32 to index
      %swap3A_1625 = arith.constant 112 : index
      %swap3A_1626 = tpu.vector_load %arg14[%swap3A_1624, %swap3A_1625] {strides = array<i32>} : memref<5x128xf32, #tpu.memory_space<vmem>>, vector<16xf32>,
      tpu.vector_store %arg14[%swap3A_1624, %swap3A_1625], %add3A_1622 {strides = array<i32>} : memref<5x128xf32, #tpu.memory_space<vmem>>, vector<16xf32>,
      %get3A_1627 = arith.constant 3 : i32
      %get3A_1628 = arith.index_cast %get3A_1627 : i32 to index
      %get3A_1629 = arith.constant 0 : index
      %get3A_1630 = tpu.vector_load %arg14[%get3A_1628, %get3A_1629] {strides = array<i32>} : memref<5x128xf32, #tpu.memory_space<vmem>>, vector<16xf32>,
      %get3A_1631 = arith.constant 3 : i32
      %get3A_1632 = arith.index_cast %get3A_1631 : i32 to index
      %get3A_1633 = arith.constant 0 : index
      %get3A_1634 = tpu.vector_load %arg22[%get3A_1632, %get3A_1633] {strides = array<i32>} : memref<64x128xf32, #tpu.memory_space<vmem>>, vector<16xf32>,
      %add3A_1635 = arith.addf %get3A_1630, %get3A_1634 : vector<16xf32>
      %swap3A_1636 = arith.constant 3 : i32
      %swap3A_1637 = arith.index_cast %swap3A_1636 : i32 to index
      %swap3A_1638 = arith.constant 0 : index
      %swap3A_1639 = tpu.vector_load %arg14[%swap3A_1637, %swap3A_1638] {strides = array<i32>} : memref<5x128xf32, #tpu.memory_space<vmem>>, vector<16xf32>,
      tpu.vector_store %arg14[%swap3A_1637, %swap3A_1638], %add3A_1635 {strides = array<i32>} : memref<5x128xf32, #tpu.memory_space<vmem>>, vector<16xf32>,
      %get3A_1640 = arith.constant 3 : i32
      %get3A_1641 = arith.index_cast %get3A_1640 : i32 to index
      %get3A_1642 = arith.constant 16 : index
      %get3A_1643 = tpu.vector_load %arg14[%get3A_1641, %get3A_1642] {strides = array<i32>} : memref<5x128xf32, #tpu.memory_space<vmem>>, vector<16xf32>,
      %get3A_1644 = arith.constant 3 : i32
      %get3A_1645 = arith.index_cast %get3A_1644 : i32 to index
      %get3A_1646 = arith.constant 16 : index
      %get3A_1647 = tpu.vector_load %arg22[%get3A_1645, %get3A_1646] {strides = array<i32>} : memref<64x128xf32, #tpu.memory_space<vmem>>, vector<16xf32>,
      %add3A_1648 = arith.addf %get3A_1643, %get3A_1647 : vector<16xf32>
      %swap3A_1649 = arith.constant 3 : i32
      %swap3A_1650 = arith.index_cast %swap3A_1649 : i32 to index
      %swap3A_1651 = arith.constant 16 : index
      %swap3A_1652 = tpu.vector_load %arg14[%swap3A_1650, %swap3A_1651] {strides = array<i32>} : memref<5x128xf32, #tpu.memory_space<vmem>>, vector<16xf32>,
      tpu.vector_store %arg14[%swap3A_1650, %swap3A_1651], %add3A_1648 {strides = array<i32>} : memref<5x128xf32, #tpu.memory_space<vmem>>, vector<16xf32>,
      %get3A_1653 = arith.constant 3 : i32
      %get3A_1654 = arith.index_cast %get3A_1653 : i32 to index
      %get3A_1655 = arith.constant 32 : index
      %get3A_1656 = tpu.vector_load %arg14[%get3A_1654, %get3A_1655] {strides = array<i32>} : memref<5x128xf32, #tpu.memory_space<vmem>>, vector<16xf32>,
      %get3A_1657 = arith.constant 3 : i32
      %get3A_1658 = arith.index_cast %get3A_1657 : i32 to index
      %get3A_1659 = arith.constant 32 : index
      %get3A_1660 = tpu.vector_load %arg22[%get3A_1658, %get3A_1659] {strides = array<i32>} : memref<64x128xf32, #tpu.memory_space<vmem>>, vector<16xf32>,
      %add3A_1661 = arith.addf %get3A_1656, %get3A_1660 : vector<16xf32>
      %swap3A_1662 = arith.constant 3 : i32
      %swap3A_1663 = arith.index_cast %swap3A_1662 : i32 to index
      %swap3A_1664 = arith.constant 32 : index
      %swap3A_1665 = tpu.vector_load %arg14[%swap3A_1663, %swap3A_1664] {strides = array<i32>} : memref<5x128xf32, #tpu.memory_space<vmem>>, vector<16xf32>,
      tpu.vector_store %arg14[%swap3A_1663, %swap3A_1664], %add3A_1661 {strides = array<i32>} : memref<5x128xf32, #tpu.memory_space<vmem>>, vector<16xf32>,
      %get3A_1666 = arith.constant 3 : i32
      %get3A_1667 = arith.index_cast %get3A_1666 : i32 to index
      %get3A_1668 = arith.constant 48 : index
      %get3A_1669 = tpu.vector_load %arg14[%get3A_1667, %get3A_1668] {strides = array<i32>} : memref<5x128xf32, #tpu.memory_space<vmem>>, vector<16xf32>,
      %get3A_1670 = arith.constant 3 : i32
      %get3A_1671 = arith.index_cast %get3A_1670 : i32 to index
      %get3A_1672 = arith.constant 48 : index
      %get3A_1673 = tpu.vector_load %arg22[%get3A_1671, %get3A_1672] {strides = array<i32>} : memref<64x128xf32, #tpu.memory_space<vmem>>, vector<16xf32>,
      %add3A_1674 = arith.addf %get3A_1669, %get3A_1673 : vector<16xf32>
      %swap3A_1675 = arith.constant 3 : i32
      %swap3A_1676 = arith.index_cast %swap3A_1675 : i32 to index
      %swap3A_1677 = arith.constant 48 : index
      %swap3A_1678 = tpu.vector_load %arg14[%swap3A_1676, %swap3A_1677] {strides = array<i32>} : memref<5x128xf32, #tpu.memory_space<vmem>>, vector<16xf32>,
      tpu.vector_store %arg14[%swap3A_1676, %swap3A_1677], %add3A_1674 {strides = array<i32>} : memref<5x128xf32, #tpu.memory_space<vmem>>, vector<16xf32>,
      %get3A_1679 = arith.constant 3 : i32
      %get3A_1680 = arith.index_cast %get3A_1679 : i32 to index
      %get3A_1681 = arith.constant 64 : index
      %get3A_1682 = tpu.vector_load %arg14[%get3A_1680, %get3A_1681] {strides = array<i32>} : memref<5x128xf32, #tpu.memory_space<vmem>>, vector<16xf32>,
      %get3A_1683 = arith.constant 3 : i32
      %get3A_1684 = arith.index_cast %get3A_1683 : i32 to index
      %get3A_1685 = arith.constant 64 : index
      %get3A_1686 = tpu.vector_load %arg22[%get3A_1684, %get3A_1685] {strides = array<i32>} : memref<64x128xf32, #tpu.memory_space<vmem>>, vector<16xf32>,
      %add3A_1687 = arith.addf %get3A_1682, %get3A_1686 : vector<16xf32>
      %swap3A_1688 = arith.constant 3 : i32
      %swap3A_1689 = arith.index_cast %swap3A_1688 : i32 to index
      %swap3A_1690 = arith.constant 64 : index
      %swap3A_1691 = tpu.vector_load %arg14[%swap3A_1689, %swap3A_1690] {strides = array<i32>} : memref<5x128xf32, #tpu.memory_space<vmem>>, vector<16xf32>,
      tpu.vector_store %arg14[%swap3A_1689, %swap3A_1690], %add3A_1687 {strides = array<i32>} : memref<5x128xf32, #tpu.memory_space<vmem>>, vector<16xf32>,
      %get3A_1692 = arith.constant 3 : i32
      %get3A_1693 = arith.index_cast %get3A_1692 : i32 to index
      %get3A_1694 = arith.constant 80 : index
      %get3A_1695 = tpu.vector_load %arg14[%get3A_1693, %get3A_1694] {strides = array<i32>} : memref<5x128xf32, #tpu.memory_space<vmem>>, vector<16xf32>,
      %get3A_1696 = arith.constant 3 : i32
      %get3A_1697 = arith.index_cast %get3A_1696 : i32 to index
      %get3A_1698 = arith.constant 80 : index
      %get3A_1699 = tpu.vector_load %arg22[%get3A_1697, %get3A_1698] {strides = array<i32>} : memref<64x128xf32, #tpu.memory_space<vmem>>, vector<16xf32>,
      %add3A_1700 = arith.addf %get3A_1695, %get3A_1699 : vector<16xf32>
      %swap3A_1701 = arith.constant 3 : i32
      %swap3A_1702 = arith.index_cast %swap3A_1701 : i32 to index
      %swap3A_1703 = arith.constant 80 : index
      %swap3A_1704 = tpu.vector_load %arg14[%swap3A_1702, %swap3A_1703] {strides = array<i32>} : memref<5x128xf32, #tpu.memory_space<vmem>>, vector<16xf32>,
      tpu.vector_store %arg14[%swap3A_1702, %swap3A_1703], %add3A_1700 {strides = array<i32>} : memref<5x128xf32, #tpu.memory_space<vmem>>, vector<16xf32>,
      %get3A_1705 = arith.constant 3 : i32
      %get3A_1706 = arith.index_cast %get3A_1705 : i32 to index
      %get3A_1707 = arith.constant 96 : index
      %get3A_1708 = tpu.vector_load %arg14[%get3A_1706, %get3A_1707] {strides = array<i32>} : memref<5x128xf32, #tpu.memory_space<vmem>>, vector<16xf32>,
      %get3A_1709 = arith.constant 3 : i32
      %get3A_1710 = arith.index_cast %get3A_1709 : i32 to index
      %get3A_1711 = arith.constant 96 : index
      %get3A_1712 = tpu.vector_load %arg22[%get3A_1710, %get3A_1711] {strides = array<i32>} : memref<64x128xf32, #tpu.memory_space<vmem>>, vector<16xf32>,
      %add3A_1713 = arith.addf %get3A_1708, %get3A_1712 : vector<16xf32>
      %swap3A_1714 = arith.constant 3 : i32
      %swap3A_1715 = arith.index_cast %swap3A_1714 : i32 to index
      %swap3A_1716 = arith.constant 96 : index
      %swap3A_1717 = tpu.vector_load %arg14[%swap3A_1715, %swap3A_1716] {strides = array<i32>} : memref<5x128xf32, #tpu.memory_space<vmem>>, vector<16xf32>,
      tpu.vector_store %arg14[%swap3A_1715, %swap3A_1716], %add3A_1713 {strides = array<i32>} : memref<5x128xf32, #tpu.memory_space<vmem>>, vector<16xf32>,
      %get3A_1718 = arith.constant 3 : i32
      %get3A_1719 = arith.index_cast %get3A_1718 : i32 to index
      %get3A_1720 = arith.constant 112 : index
      %get3A_1721 = tpu.vector_load %arg14[%get3A_1719, %get3A_1720] {strides = array<i32>} : memref<5x128xf32, #tpu.memory_space<vmem>>, vector<16xf32>,
      %get3A_1722 = arith.constant 3 : i32
      %get3A_1723 = arith.index_cast %get3A_1722 : i32 to index
      %get3A_1724 = arith.constant 112 : index
      %get3A_1725 = tpu.vector_load %arg22[%get3A_1723, %get3A_1724] {strides = array<i32>} : memref<64x128xf32, #tpu.memory_space<vmem>>, vector<16xf32>,
      %add3A_1726 = arith.addf %get3A_1721, %get3A_1725 : vector<16xf32>
      %swap3A_1727 = arith.constant 3 : i32
      %swap3A_1728 = arith.index_cast %swap3A_1727 : i32 to index
      %swap3A_1729 = arith.constant 112 : index
      %swap3A_1730 = tpu.vector_load %arg14[%swap3A_1728, %swap3A_1729] {strides = array<i32>} : memref<5x128xf32, #tpu.memory_space<vmem>>, vector<16xf32>,
      tpu.vector_store %arg14[%swap3A_1728, %swap3A_1729], %add3A_1726 {strides = array<i32>} : memref<5x128xf32, #tpu.memory_space<vmem>>, vector<16xf32>,
      %get3A_1731 = arith.constant 4 : i32
      %get3A_1732 = arith.index_cast %get3A_1731 : i32 to index
      %get3A_1733 = arith.constant 0 : index
      %get3A_1734 = tpu.vector_load %arg14[%get3A_1732, %get3A_1733] {strides = array<i32>} : memref<5x128xf32, #tpu.memory_space<vmem>>, vector<16xf32>,
      %get3A_1735 = arith.constant 4 : i32
      %get3A_1736 = arith.index_cast %get3A_1735 : i32 to index
      %get3A_1737 = arith.constant 0 : index
      %get3A_1738 = tpu.vector_load %arg22[%get3A_1736, %get3A_1737] {strides = array<i32>} : memref<64x128xf32, #tpu.memory_space<vmem>>, vector<16xf32>,
      %add3A_1739 = arith.addf %get3A_1734, %get3A_1738 : vector<16xf32>
      %swap3A_1740 = arith.constant 4 : i32
      %swap3A_1741 = arith.index_cast %swap3A_1740 : i32 to index
      %swap3A_1742 = arith.constant 0 : index
      %swap3A_1743 = tpu.vector_load %arg14[%swap3A_1741, %swap3A_1742] {strides = array<i32>} : memref<5x128xf32, #tpu.memory_space<vmem>>, vector<16xf32>,
      tpu.vector_store %arg14[%swap3A_1741, %swap3A_1742], %add3A_1739 {strides = array<i32>} : memref<5x128xf32, #tpu.memory_space<vmem>>, vector<16xf32>,
      %get3A_1744 = arith.constant 4 : i32
      %get3A_1745 = arith.index_cast %get3A_1744 : i32 to index
      %get3A_1746 = arith.constant 16 : index
      %get3A_1747 = tpu.vector_load %arg14[%get3A_1745, %get3A_1746] {strides = array<i32>} : memref<5x128xf32, #tpu.memory_space<vmem>>, vector<16xf32>,
      %get3A_1748 = arith.constant 4 : i32
      %get3A_1749 = arith.index_cast %get3A_1748 : i32 to index
      %get3A_1750 = arith.constant 16 : index
      %get3A_1751 = tpu.vector_load %arg22[%get3A_1749, %get3A_1750] {strides = array<i32>} : memref<64x128xf32, #tpu.memory_space<vmem>>, vector<16xf32>,
      %add3A_1752 = arith.addf %get3A_1747, %get3A_1751 : vector<16xf32>
      %swap3A_1753 = arith.constant 4 : i32
      %swap3A_1754 = arith.index_cast %swap3A_1753 : i32 to index
      %swap3A_1755 = arith.constant 16 : index
      %swap3A_1756 = tpu.vector_load %arg14[%swap3A_1754, %swap3A_1755] {strides = array<i32>} : memref<5x128xf32, #tpu.memory_space<vmem>>, vector<16xf32>,
      tpu.vector_store %arg14[%swap3A_1754, %swap3A_1755], %add3A_1752 {strides = array<i32>} : memref<5x128xf32, #tpu.memory_space<vmem>>, vector<16xf32>,
      %get3A_1757 = arith.constant 4 : i32
      %get3A_1758 = arith.index_cast %get3A_1757 : i32 to index
      %get3A_1759 = arith.constant 32 : index
      %get3A_1760 = tpu.vector_load %arg14[%get3A_1758, %get3A_1759] {strides = array<i32>} : memref<5x128xf32, #tpu.memory_space<vmem>>, vector<16xf32>,
      %get3A_1761 = arith.constant 4 : i32
      %get3A_1762 = arith.index_cast %get3A_1761 : i32 to index
      %get3A_1763 = arith.constant 32 : index
      %get3A_1764 = tpu.vector_load %arg22[%get3A_1762, %get3A_1763] {strides = array<i32>} : memref<64x128xf32, #tpu.memory_space<vmem>>, vector<16xf32>,
      %add3A_1765 = arith.addf %get3A_1760, %get3A_1764 : vector<16xf32>
      %swap3A_1766 = arith.constant 4 : i32
      %swap3A_1767 = arith.index_cast %swap3A_1766 : i32 to index
      %swap3A_1768 = arith.constant 32 : index
      %swap3A_1769 = tpu.vector_load %arg14[%swap3A_1767, %swap3A_1768] {strides = array<i32>} : memref<5x128xf32, #tpu.memory_space<vmem>>, vector<16xf32>,
      tpu.vector_store %arg14[%swap3A_1767, %swap3A_1768], %add3A_1765 {strides = array<i32>} : memref<5x128xf32, #tpu.memory_space<vmem>>, vector<16xf32>,
      %get3A_1770 = arith.constant 4 : i32
      %get3A_1771 = arith.index_cast %get3A_1770 : i32 to index
      %get3A_1772 = arith.constant 48 : index
      %get3A_1773 = tpu.vector_load %arg14[%get3A_1771, %get3A_1772] {strides = array<i32>} : memref<5x128xf32, #tpu.memory_space<vmem>>, vector<16xf32>,
      %get3A_1774 = arith.constant 4 : i32
      %get3A_1775 = arith.index_cast %get3A_1774 : i32 to index
      %get3A_1776 = arith.constant 48 : index
      %get3A_1777 = tpu.vector_load %arg22[%get3A_1775, %get3A_1776] {strides = array<i32>} : memref<64x128xf32, #tpu.memory_space<vmem>>, vector<16xf32>,
      %add3A_1778 = arith.addf %get3A_1773, %get3A_1777 : vector<16xf32>
      %swap3A_1779 = arith.constant 4 : i32
      %swap3A_1780 = arith.index_cast %swap3A_1779 : i32 to index
      %swap3A_1781 = arith.constant 48 : index
      %swap3A_1782 = tpu.vector_load %arg14[%swap3A_1780, %swap3A_1781] {strides = array<i32>} : memref<5x128xf32, #tpu.memory_space<vmem>>, vector<16xf32>,
      tpu.vector_store %arg14[%swap3A_1780, %swap3A_1781], %add3A_1778 {strides = array<i32>} : memref<5x128xf32, #tpu.memory_space<vmem>>, vector<16xf32>,
      %get3A_1783 = arith.constant 4 : i32
      %get3A_1784 = arith.index_cast %get3A_1783 : i32 to index
      %get3A_1785 = arith.constant 64 : index
      %get3A_1786 = tpu.vector_load %arg14[%get3A_1784, %get3A_1785] {strides = array<i32>} : memref<5x128xf32, #tpu.memory_space<vmem>>, vector<16xf32>,
      %get3A_1787 = arith.constant 4 : i32
      %get3A_1788 = arith.index_cast %get3A_1787 : i32 to index
      %get3A_1789 = arith.constant 64 : index
      %get3A_1790 = tpu.vector_load %arg22[%get3A_1788, %get3A_1789] {strides = array<i32>} : memref<64x128xf32, #tpu.memory_space<vmem>>, vector<16xf32>,
      %add3A_1791 = arith.addf %get3A_1786, %get3A_1790 : vector<16xf32>
      %swap3A_1792 = arith.constant 4 : i32
      %swap3A_1793 = arith.index_cast %swap3A_1792 : i32 to index
      %swap3A_1794 = arith.constant 64 : index
      %swap3A_1795 = tpu.vector_load %arg14[%swap3A_1793, %swap3A_1794] {strides = array<i32>} : memref<5x128xf32, #tpu.memory_space<vmem>>, vector<16xf32>,
      tpu.vector_store %arg14[%swap3A_1793, %swap3A_1794], %add3A_1791 {strides = array<i32>} : memref<5x128xf32, #tpu.memory_space<vmem>>, vector<16xf32>,
      %get3A_1796 = arith.constant 4 : i32
      %get3A_1797 = arith.index_cast %get3A_1796 : i32 to index
      %get3A_1798 = arith.constant 80 : index
      %get3A_1799 = tpu.vector_load %arg14[%get3A_1797, %get3A_1798] {strides = array<i32>} : memref<5x128xf32, #tpu.memory_space<vmem>>, vector<16xf32>,
      %get3A_1800 = arith.constant 4 : i32
      %get3A_1801 = arith.index_cast %get3A_1800 : i32 to index
      %get3A_1802 = arith.constant 80 : index
      %get3A_1803 = tpu.vector_load %arg22[%get3A_1801, %get3A_1802] {strides = array<i32>} : memref<64x128xf32, #tpu.memory_space<vmem>>, vector<16xf32>,
      %add3A_1804 = arith.addf %get3A_1799, %get3A_1803 : vector<16xf32>
      %swap3A_1805 = arith.constant 4 : i32
      %swap3A_1806 = arith.index_cast %swap3A_1805 : i32 to index
      %swap3A_1807 = arith.constant 80 : index
      %swap3A_1808 = tpu.vector_load %arg14[%swap3A_1806, %swap3A_1807] {strides = array<i32>} : memref<5x128xf32, #tpu.memory_space<vmem>>, vector<16xf32>,
      tpu.vector_store %arg14[%swap3A_1806, %swap3A_1807], %add3A_1804 {strides = array<i32>} : memref<5x128xf32, #tpu.memory_space<vmem>>, vector<16xf32>,
      %get3A_1809 = arith.constant 4 : i32
      %get3A_1810 = arith.index_cast %get3A_1809 : i32 to index
      %get3A_1811 = arith.constant 96 : index
      %get3A_1812 = tpu.vector_load %arg14[%get3A_1810, %get3A_1811] {strides = array<i32>} : memref<5x128xf32, #tpu.memory_space<vmem>>, vector<16xf32>,
      %get3A_1813 = arith.constant 4 : i32
      %get3A_1814 = arith.index_cast %get3A_1813 : i32 to index
      %get3A_1815 = arith.constant 96 : index
      %get3A_1816 = tpu.vector_load %arg22[%get3A_1814, %get3A_1815] {strides = array<i32>} : memref<64x128xf32, #tpu.memory_space<vmem>>, vector<16xf32>,
      %add3A_1817 = arith.addf %get3A_1812, %get3A_1816 : vector<16xf32>
      %swap3A_1818 = arith.constant 4 : i32
      %swap3A_1819 = arith.index_cast %swap3A_1818 : i32 to index
      %swap3A_1820 = arith.constant 96 : index
      %swap3A_1821 = tpu.vector_load %arg14[%swap3A_1819, %swap3A_1820] {strides = array<i32>} : memref<5x128xf32, #tpu.memory_space<vmem>>, vector<16xf32>,
      tpu.vector_store %arg14[%swap3A_1819, %swap3A_1820], %add3A_1817 {strides = array<i32>} : memref<5x128xf32, #tpu.memory_space<vmem>>, vector<16xf32>,
      %get3A_1822 = arith.constant 4 : i32
      %get3A_1823 = arith.index_cast %get3A_1822 : i32 to index
      %get3A_1824 = arith.constant 112 : index
      %get3A_1825 = tpu.vector_load %arg14[%get3A_1823, %get3A_1824] {strides = array<i32>} : memref<5x128xf32, #tpu.memory_space<vmem>>, vector<16xf32>,
      %get3A_1826 = arith.constant 4 : i32
      %get3A_1827 = arith.index_cast %get3A_1826 : i32 to index
      %get3A_1828 = arith.constant 112 : index
      %get3A_1829 = tpu.vector_load %arg22[%get3A_1827, %get3A_1828] {strides = array<i32>} : memref<64x128xf32, #tpu.memory_space<vmem>>, vector<16xf32>,
      %add3A_1830 = arith.addf %get3A_1825, %get3A_1829 : vector<16xf32>
      %swap3A_1831 = arith.constant 4 : i32
      %swap3A_1832 = arith.index_cast %swap3A_1831 : i32 to index
      %swap3A_1833 = arith.constant 112 : index
      %swap3A_1834 = tpu.vector_load %arg14[%swap3A_1832, %swap3A_1833] {strides = array<i32>} : memref<5x128xf32, #tpu.memory_space<vmem>>, vector<16xf32>,
      tpu.vector_store %arg14[%swap3A_1832, %swap3A_1833], %add3A_1830 {strides = array<i32>} : memref<5x128xf32, #tpu.memory_space<vmem>>, vector<16xf32>,
      %scan3A_1835 = arith.constant 0 : i32
      scf.yield %scan3A_1835 : i32
    }
    %scan3A_53 = arith.constant 15 : i32
    "tpu.region"() ({
      %run_scoped3A_1313 = tpu.sem_alloc : memref<!tpu.dma_semaphore, #tpu.memory_space<semaphore_mem>>
      %dma_start3A_1314 = arith.constant 0 : i32
      %dma_start3A_1315 = tpu.memref_slice %arg9[%arg0, %mul3A_29, %dma_start3A_1314] : memref<2x80x128xf32, #tpu.memory_space<hbm>> -> memref<1x5x128xf32, #tpu.memory_space<hbm>>
      %dma_start3A_1316 = tpu.memref_squeeze %dma_start3A_1315 : memref<1x5x128xf32, #tpu.memory_space<hbm>> -> memref<5x128xf32, #tpu.memory_space<hbm>>
      %dma_start3A_1317 = arith.constant 0 : i32
      %dma_start3A_1318 = tpu.memref_slice %arg9[%arg0, %mul3A_29, %dma_start3A_1317] : memref<2x80x128xf32, #tpu.memory_space<hbm>> -> memref<1x5x128xf32, #tpu.memory_space<hbm>>
      %dma_start3A_1319 = tpu.memref_squeeze %dma_start3A_1318 : memref<1x5x128xf32, #tpu.memory_space<hbm>> -> memref<5x128xf32, #tpu.memory_space<hbm>>
      tpu.enqueue_dma source(%arg14 : memref<5x128xf32, #tpu.memory_space<vmem>>) target(%dma_start3A_1319 : memref<5x128xf32, #tpu.memory_space<hbm>>) target_semaphore(%run_scoped3A_1313 : memref<!tpu.dma_semaphore, #tpu.memory_space<semaphore_mem>>)
      %dma_wait3A_1320 = arith.constant 0 : i32
      %dma_wait3A_1321 = tpu.memref_slice %arg9[%arg0, %mul3A_29, %dma_wait3A_1320] : memref<2x80x128xf32, #tpu.memory_space<hbm>> -> memref<1x5x128xf32, #tpu.memory_space<hbm>>
      %dma_wait3A_1322 = tpu.memref_squeeze %dma_wait3A_1321 : memref<1x5x128xf32, #tpu.memory_space<hbm>> -> memref<5x128xf32, #tpu.memory_space<hbm>>
      %dma_wait3A_1323 = arith.constant 0 : i32
      %dma_wait3A_1324 = tpu.memref_slice %arg9[%arg0, %mul3A_29, %dma_wait3A_1323] : memref<2x80x128xf32, #tpu.memory_space<hbm>> -> memref<1x5x128xf32, #tpu.memory_space<hbm>>
      %dma_wait3A_1325 = tpu.memref_squeeze %dma_wait3A_1324 : memref<1x5x128xf32, #tpu.memory_space<hbm>> -> memref<5x128xf32, #tpu.memory_space<hbm>>
      tpu.wait_dma2 semaphore(%run_scoped3A_1313 : memref<!tpu.dma_semaphore, #tpu.memory_space<semaphore_mem>>) src(%arg14 : memref<5x128xf32, #tpu.memory_space<vmem>>) dst(%dma_wait3A_1325 : memref<5x128xf32, #tpu.memory_space<hbm>>)
      tpu.yield
    }) : () -> ()
    %barrier3A_54 = arith.constant 0 : index
    tpu.barrier barrier_id(%barrier3A_54)
    "tpu.region"() ({
      %run_scoped3A_1313 = tpu.sem_alloc : memref<!tpu.dma_semaphore, #tpu.memory_space<semaphore_mem>>
      %dma_start3A_1314 = arith.constant 0 : i32
      %dma_start3A_1315 = arith.constant 0 : i32
      %dma_start3A_1316 = tpu.memref_slice %arg9[%arg0, %dma_start3A_1314, %dma_start3A_1315] : memref<2x80x128xf32, #tpu.memory_space<hbm>> -> memref<1x80x128xf32, #tpu.memory_space<hbm>>
      %dma_start3A_1317 = tpu.memref_squeeze %dma_start3A_1316 : memref<1x80x128xf32, #tpu.memory_space<hbm>> -> memref<80x128xf32, #tpu.memory_space<hbm>>
      %dma_start3A_1318 = arith.constant 0 : i32
      %dma_start3A_1319 = arith.constant 0 : i32
      %dma_start3A_1320 = tpu.memref_slice %arg9[%arg0, %dma_start3A_1318, %dma_start3A_1319] : memref<2x80x128xf32, #tpu.memory_space<hbm>> -> memref<1x80x128xf32, #tpu.memory_space<hbm>>
      %dma_start3A_1321 = tpu.memref_squeeze %dma_start3A_1320 : memref<1x80x128xf32, #tpu.memory_space<hbm>> -> memref<80x128xf32, #tpu.memory_space<hbm>>
      tpu.enqueue_dma source(%dma_start3A_1321 : memref<80x128xf32, #tpu.memory_space<hbm>>) target(%arg13 : memref<80x128xf32, #tpu.memory_space<vmem>>) target_semaphore(%run_scoped3A_1313 : memref<!tpu.dma_semaphore, #tpu.memory_space<semaphore_mem>>)
      %dma_wait3A_1322 = arith.constant 0 : i32
      %dma_wait3A_1323 = arith.constant 0 : i32
      %dma_wait3A_1324 = tpu.memref_slice %arg9[%arg0, %dma_wait3A_1322, %dma_wait3A_1323] : memref<2x80x128xf32, #tpu.memory_space<hbm>> -> memref<1x80x128xf32, #tpu.memory_space<hbm>>
      %dma_wait3A_1325 = tpu.memref_squeeze %dma_wait3A_1324 : memref<1x80x128xf32, #tpu.memory_space<hbm>> -> memref<80x128xf32, #tpu.memory_space<hbm>>
      %dma_wait3A_1326 = arith.constant 0 : i32
      %dma_wait3A_1327 = arith.constant 0 : i32
      %dma_wait3A_1328 = tpu.memref_slice %arg9[%arg0, %dma_wait3A_1326, %dma_wait3A_1327] : memref<2x80x128xf32, #tpu.memory_space<hbm>> -> memref<1x80x128xf32, #tpu.memory_space<hbm>>
      %dma_wait3A_1329 = tpu.memref_squeeze %dma_wait3A_1328 : memref<1x80x128xf32, #tpu.memory_space<hbm>> -> memref<80x128xf32, #tpu.memory_space<hbm>>
      tpu.wait_dma2 semaphore(%run_scoped3A_1313 : memref<!tpu.dma_semaphore, #tpu.memory_space<semaphore_mem>>) src(%dma_wait3A_1329 : memref<80x128xf32, #tpu.memory_space<hbm>>) dst(%arg13 : memref<80x128xf32, #tpu.memory_space<vmem>>)
      tpu.yield
    }) : () -> ()
    %mul3A_55 = arith.constant 16 : i32
    %mul3A_56 = arith.muli %arg0, %mul3A_55 : i32
    %add3A = arith.addi %mul3A_56, %arg1 : i32
    %mul3A_57 = arith.constant 10000 : i32
    %mul3A_58 = arith.muli %add3A, %mul3A_57 : i32
    %scan3A_59 = arith.constant 0 : i32
    %scan3A_60 = arith.constant 0 : i32
    %scan3A_61 = arith.constant 156 : i32
    %scan3A_62 = arith.addi %scan3A_60, %scan3A_61 : i32
    %scan3A_63 = arith.constant 1 : i32
    %scan3A_64 = scf.for %scan3A_1313 = %scan3A_60 to %scan3A_62 step %scan3A_63 iter_args(%scan3A_1314 = %scan3A_59) -> (i32)  : i32 {
      %mul3A_1315 = arith.constant 64 : i32
      %mul3A_1316 = arith.muli %scan3A_1313, %mul3A_1315 : i32
      %add3A_1317 = arith.addi %mul3A_58, %mul3A_1316 : i32
      "tpu.region"() ({
        %run_scoped3A_1339 = tpu.sem_alloc : memref<!tpu.dma_semaphore, #tpu.memory_space<semaphore_mem>>
        %dma_start3A_1340 = tpu.memref_slice %arg2[%add3A_1317] : memref<320000xi32, #tpu.memory_space<hbm>> -> memref<64xi32, #tpu.memory_space<hbm>>
        %dma_start3A_1341 = tpu.memref_slice %arg2[%add3A_1317] : memref<320000xi32, #tpu.memory_space<hbm>> -> memref<64xi32, #tpu.memory_space<hbm>>
        tpu.enqueue_dma source(%dma_start3A_1341 : memref<64xi32, #tpu.memory_space<hbm>>) target(%arg17 : memref<64xi32, #tpu.memory_space<vmem>>) target_semaphore(%run_scoped3A_1339 : memref<!tpu.dma_semaphore, #tpu.memory_space<semaphore_mem>>)
        %dma_wait3A_1342 = tpu.memref_slice %arg2[%add3A_1317] : memref<320000xi32, #tpu.memory_space<hbm>> -> memref<64xi32, #tpu.memory_space<hbm>>
        %dma_wait3A_1343 = tpu.memref_slice %arg2[%add3A_1317] : memref<320000xi32, #tpu.memory_space<hbm>> -> memref<64xi32, #tpu.memory_space<hbm>>
        tpu.wait_dma2 semaphore(%run_scoped3A_1339 : memref<!tpu.dma_semaphore, #tpu.memory_space<semaphore_mem>>) src(%dma_wait3A_1343 : memref<64xi32, #tpu.memory_space<hbm>>) dst(%arg17 : memref<64xi32, #tpu.memory_space<vmem>>)
        tpu.yield
      }) : () -> ()
      "tpu.region"() ({
        %run_scoped3A_1339 = tpu.sem_alloc : memref<!tpu.dma_semaphore, #tpu.memory_space<semaphore_mem>>
        %dma_start3A_1340 = tpu.memref_slice %arg3[%add3A_1317] : memref<320000xi32, #tpu.memory_space<hbm>> -> memref<64xi32, #tpu.memory_space<hbm>>
        %dma_start3A_1341 = tpu.memref_slice %arg3[%add3A_1317] : memref<320000xi32, #tpu.memory_space<hbm>> -> memref<64xi32, #tpu.memory_space<hbm>>
        tpu.enqueue_dma source(%dma_start3A_1341 : memref<64xi32, #tpu.memory_space<hbm>>) target(%arg18 : memref<64xi32, #tpu.memory_space<vmem>>) target_semaphore(%run_scoped3A_1339 : memref<!tpu.dma_semaphore, #tpu.memory_space<semaphore_mem>>)
        %dma_wait3A_1342 = tpu.memref_slice %arg3[%add3A_1317] : memref<320000xi32, #tpu.memory_space<hbm>> -> memref<64xi32, #tpu.memory_space<hbm>>
        %dma_wait3A_1343 = tpu.memref_slice %arg3[%add3A_1317] : memref<320000xi32, #tpu.memory_space<hbm>> -> memref<64xi32, #tpu.memory_space<hbm>>
        tpu.wait_dma2 semaphore(%run_scoped3A_1339 : memref<!tpu.dma_semaphore, #tpu.memory_space<semaphore_mem>>) src(%dma_wait3A_1343 : memref<64xi32, #tpu.memory_space<hbm>>) dst(%arg18 : memref<64xi32, #tpu.memory_space<vmem>>)
        tpu.yield
      }) : () -> ()
      %scan3A_1318 = arith.constant 0 : i32
      %scan3A_1319 = arith.constant 0 : i32
      %scan3A_1320 = arith.constant 4 : i32
      %scan3A_1321 = arith.addi %scan3A_1319, %scan3A_1320 : i32
      %scan3A_1322 = arith.constant 1 : i32
      %scan3A_1323 = scf.for %scan3A_1339 = %scan3A_1319 to %scan3A_1321 step %scan3A_1322 iter_args(%scan3A_1340 = %scan3A_1318) -> (i32)  : i32 {
        %mul3A_1341 = arith.constant 16 : i32
        %mul3A_1342 = arith.muli %scan3A_1339, %mul3A_1341 : i32
        %get3A_1343 = arith.index_cast %mul3A_1342 : i32 to index
        %get3A_1344 = tpu.vector_load %arg17[%get3A_1343] {strides = array<i32>} : memref<64xi32, #tpu.memory_space<vmem>>, vector<16xi32>,
        %mul3A_1345 = arith.constant 16 : i32
        %mul3A_1346 = arith.muli %scan3A_1339, %mul3A_1345 : i32
        %get3A_1347 = arith.index_cast %mul3A_1346 : i32 to index
        %get3A_1348 = tpu.vector_load %arg18[%get3A_1347] {strides = array<i32>} : memref<64xi32, #tpu.memory_space<vmem>>, vector<16xi32>,
        %shift_right_arithmetic3A_1349 = arith.constant 7 : i32
        %shift_right_arithmetic3A_1350 = vector.broadcast %shift_right_arithmetic3A_1349 : i32 to vector<16xi32>
        %shift_right_arithmetic3A_1351 = arith.shrsi %get3A_1348, %shift_right_arithmetic3A_1350 : vector<16xi32>
        %and3A_1352 = arith.constant 127 : i32
        %and3A_1353 = vector.broadcast %and3A_1352 : i32 to vector<16xi32>
        %and3A_1354 = arith.andi %get3A_1348, %and3A_1353 : vector<16xi32>
        %gather3A_1355 = tpu.vector_load_idx %arg11[%shift_right_arithmetic3A_1351, %and3A_1354] : memref<80x128xf32, #tpu.memory_space<vmem>>[vector<16xi32>, vector<16xi32>], vector<16xf32>,
        %shift_right_arithmetic3A_1356 = arith.constant 7 : i32
        %shift_right_arithmetic3A_1357 = vector.broadcast %shift_right_arithmetic3A_1356 : i32 to vector<16xi32>
        %shift_right_arithmetic3A_1358 = arith.shrsi %get3A_1344, %shift_right_arithmetic3A_1357 : vector<16xi32>
        %and3A_1359 = arith.constant 127 : i32
        %and3A_1360 = vector.broadcast %and3A_1359 : i32 to vector<16xi32>
        %and3A_1361 = arith.andi %get3A_1344, %and3A_1360 : vector<16xi32>
        %gather3A_1362 = tpu.vector_load_idx %arg10[%shift_right_arithmetic3A_1358, %and3A_1361] : memref<80x128xf32, #tpu.memory_space<vmem>>[vector<16xi32>, vector<16xi32>], vector<16xf32>,
        %add3A_1363 = arith.addf %gather3A_1355, %gather3A_1362 : vector<16xf32>
        %ge3A_1364 = arith.constant 0.000000e+00 : f32
        %ge3A_1365 = vector.broadcast %ge3A_1364 : f32 to vector<16xf32>
        %ge3A_1366 = arith.cmpf oge, %add3A_1363, %ge3A_1365 : vector<16xf32>
        %mul3A_1367 = arith.constant 2.000000e-01 : f32
        %mul3A_1368 = vector.broadcast %mul3A_1367 : f32 to vector<16xf32>
        %mul3A_1369 = arith.mulf %mul3A_1368, %add3A_1363 : vector<16xf32>
        %select_n3A_1370 = arith.select %ge3A_1366, %add3A_1363, %mul3A_1369 : vector<16xi1>, vector<16xf32>
        %shift_right_arithmetic3A_1371 = arith.constant 7 : i32
        %shift_right_arithmetic3A_1372 = vector.broadcast %shift_right_arithmetic3A_1371 : i32 to vector<16xi32>
        %shift_right_arithmetic3A_1373 = arith.shrsi %get3A_1348, %shift_right_arithmetic3A_1372 : vector<16xi32>
        %and3A_1374 = arith.constant 127 : i32
        %and3A_1375 = vector.broadcast %and3A_1374 : i32 to vector<16xi32>
        %and3A_1376 = arith.andi %get3A_1348, %and3A_1375 : vector<16xi32>
        %gather3A_1377 = tpu.vector_load_idx %arg12[%shift_right_arithmetic3A_1373, %and3A_1376] : memref<80x128xf32, #tpu.memory_space<vmem>>[vector<16xi32>, vector<16xi32>], vector<16xf32>,
        %gather3A_1378 = tpu.vector_load_idx %arg13[%shift_right_arithmetic3A_1373, %and3A_1376] : memref<80x128xf32, #tpu.memory_space<vmem>>[vector<16xi32>, vector<16xi32>], vector<16xf32>,
        %sub3A_1379 = arith.subf %select_n3A_1370, %gather3A_1377 : vector<16xf32>
        %exp3A_1380 = math.exp %sub3A_1379 : vector<16xf32>
        %add3A_1381 = arith.constant 1.000000e-16 : f32
        %add3A_1382 = vector.broadcast %add3A_1381 : f32 to vector<16xf32>
        %add3A_1383 = arith.addf %gather3A_1378, %add3A_1382 : vector<16xf32>
        %div3A_1384 = arith.divf %exp3A_1380, %add3A_1383 : vector<16xf32>
        %mul3A_1385 = arith.constant 16 : i32
        %mul3A_1386 = arith.muli %scan3A_1339, %mul3A_1385 : i32
        %swap3A_1387 = arith.index_cast %mul3A_1386 : i32 to index
        %swap3A_1388 = tpu.vector_load %arg21[%swap3A_1387] {strides = array<i32>} : memref<64xf32, #tpu.memory_space<vmem>>, vector<16xf32>,
        tpu.vector_store %arg21[%swap3A_1387], %div3A_1384 {strides = array<i32>} : memref<64xf32, #tpu.memory_space<vmem>>, vector<16xf32>,
        %scan3A_1389 = arith.constant 0 : i32
        scf.yield %scan3A_1389 : i32
      }
      %scan3A_1324 = arith.constant 4 : i32
      %dma_start3A_1325 = arith.constant 0 : i32
      %dma_start3A_1326 = arith.constant 0 : i32
      %dma_start3A_1327 = tpu.memref_slice %arg6[%dma_start3A_1325, %dma_start3A_1326] : memref<10240x128xf32, #tpu.memory_space<hbm>> -> memref<10240x128xf32, #tpu.memory_space<hbm>>
      tpu.enqueue_indirect_dma source(%dma_start3A_1327 : memref<10240x128xf32, #tpu.memory_space<hbm>>) target(%arg22 : memref<64x128xf32, #tpu.memory_space<vmem>>) offsets(%arg17 : memref<64xi32, #tpu.memory_space<vmem>>) semaphore(%arg24 : memref<!tpu.dma_semaphore, #tpu.memory_space<semaphore_mem>>)
      %dma_wait3A_1328 = arith.constant 0 : i32
      %dma_wait3A_1329 = arith.constant 0 : i32
      %dma_wait3A_1330 = tpu.memref_slice %arg6[%dma_wait3A_1328, %dma_wait3A_1329] : memref<10240x128xf32, #tpu.memory_space<hbm>> -> memref<10240x128xf32, #tpu.memory_space<hbm>>
      tpu.wait_indirect_dma semaphore(%arg24 : memref<!tpu.dma_semaphore, #tpu.memory_space<semaphore_mem>>) src(%dma_wait3A_1330 : memref<10240x128xf32, #tpu.memory_space<hbm>>) dst(%arg22 : memref<64x128xf32, #tpu.memory_space<vmem>>)
      %scan3A_1331 = arith.constant 0 : i32
      %scan3A_1332 = arith.constant 0 : i32
      %scan3A_1333 = arith.constant 4 : i32
      %scan3A_1334 = arith.addi %scan3A_1332, %scan3A_1333 : i32
      %scan3A_1335 = arith.constant 1 : i32
      %scan3A_1336 = scf.for %scan3A_1339 = %scan3A_1332 to %scan3A_1334 step %scan3A_1335 iter_args(%scan3A_1340 = %scan3A_1331) -> (i32)  : i32 {
        %mul3A_1341 = arith.constant 16 : i32
        %mul3A_1342 = arith.muli %scan3A_1339, %mul3A_1341 : i32
        %get3A_1343 = arith.index_cast %mul3A_1342 : i32 to index
        %get3A_1344 = tpu.vector_load %arg21[%get3A_1343] {strides = array<i32>} : memref<64xf32, #tpu.memory_space<vmem>>, vector<16xf32>,
        %mul3A_1345 = arith.constant 16 : i32
        %mul3A_1346 = arith.muli %scan3A_1339, %mul3A_1345 : i32
        %add3A_1347 = arith.constant 0 : i32
        %add3A_1348 = arith.addi %mul3A_1346, %add3A_1347 : i32
        %slice3A_1349 = vector.extract_strided_slice %get3A_1344 {offsets = [0], sizes = [1], strides = [1]} : vector<16xf32> to vector<1xf32>
        %squeeze3A_1350 = vector.extract %slice3A_1349[0] : f32 from vector<1xf32>
        %broadcast_in_dim3A_1351 = vector.broadcast %squeeze3A_1350 : f32 to vector<16xf32>
        %get3A_1352 = arith.index_cast %add3A_1348 : i32 to index
        %get3A_1353 = arith.constant 0 : index
        %get3A_1354 = tpu.vector_load %arg22[%get3A_1352, %get3A_1353] {strides = array<i32>} : memref<64x128xf32, #tpu.memory_space<vmem>>, vector<16xf32>,
        %mul3A_1355 = arith.mulf %get3A_1354, %broadcast_in_dim3A_1351 : vector<16xf32>
        %swap3A_1356 = arith.index_cast %add3A_1348 : i32 to index
        %swap3A_1357 = arith.constant 0 : index
        %swap3A_1358 = tpu.vector_load %arg22[%swap3A_1356, %swap3A_1357] {strides = array<i32>} : memref<64x128xf32, #tpu.memory_space<vmem>>, vector<16xf32>,
        tpu.vector_store %arg22[%swap3A_1356, %swap3A_1357], %mul3A_1355 {strides = array<i32>} : memref<64x128xf32, #tpu.memory_space<vmem>>, vector<16xf32>,
        %get3A_1359 = arith.index_cast %add3A_1348 : i32 to index
        %get3A_1360 = arith.constant 16 : index
        %get3A_1361 = tpu.vector_load %arg22[%get3A_1359, %get3A_1360] {strides = array<i32>} : memref<64x128xf32, #tpu.memory_space<vmem>>, vector<16xf32>,
        %mul3A_1362 = arith.mulf %get3A_1361, %broadcast_in_dim3A_1351 : vector<16xf32>
        %swap3A_1363 = arith.index_cast %add3A_1348 : i32 to index
        %swap3A_1364 = arith.constant 16 : index
        %swap3A_1365 = tpu.vector_load %arg22[%swap3A_1363, %swap3A_1364] {strides = array<i32>} : memref<64x128xf32, #tpu.memory_space<vmem>>, vector<16xf32>,
        tpu.vector_store %arg22[%swap3A_1363, %swap3A_1364], %mul3A_1362 {strides = array<i32>} : memref<64x128xf32, #tpu.memory_space<vmem>>, vector<16xf32>,
        %get3A_1366 = arith.index_cast %add3A_1348 : i32 to index
        %get3A_1367 = arith.constant 32 : index
        %get3A_1368 = tpu.vector_load %arg22[%get3A_1366, %get3A_1367] {strides = array<i32>} : memref<64x128xf32, #tpu.memory_space<vmem>>, vector<16xf32>,
        %mul3A_1369 = arith.mulf %get3A_1368, %broadcast_in_dim3A_1351 : vector<16xf32>
        %swap3A_1370 = arith.index_cast %add3A_1348 : i32 to index
        %swap3A_1371 = arith.constant 32 : index
        %swap3A_1372 = tpu.vector_load %arg22[%swap3A_1370, %swap3A_1371] {strides = array<i32>} : memref<64x128xf32, #tpu.memory_space<vmem>>, vector<16xf32>,
        tpu.vector_store %arg22[%swap3A_1370, %swap3A_1371], %mul3A_1369 {strides = array<i32>} : memref<64x128xf32, #tpu.memory_space<vmem>>, vector<16xf32>,
        %get3A_1373 = arith.index_cast %add3A_1348 : i32 to index
        %get3A_1374 = arith.constant 48 : index
        %get3A_1375 = tpu.vector_load %arg22[%get3A_1373, %get3A_1374] {strides = array<i32>} : memref<64x128xf32, #tpu.memory_space<vmem>>, vector<16xf32>,
        %mul3A_1376 = arith.mulf %get3A_1375, %broadcast_in_dim3A_1351 : vector<16xf32>
        %swap3A_1377 = arith.index_cast %add3A_1348 : i32 to index
        %swap3A_1378 = arith.constant 48 : index
        %swap3A_1379 = tpu.vector_load %arg22[%swap3A_1377, %swap3A_1378] {strides = array<i32>} : memref<64x128xf32, #tpu.memory_space<vmem>>, vector<16xf32>,
        tpu.vector_store %arg22[%swap3A_1377, %swap3A_1378], %mul3A_1376 {strides = array<i32>} : memref<64x128xf32, #tpu.memory_space<vmem>>, vector<16xf32>,
        %get3A_1380 = arith.index_cast %add3A_1348 : i32 to index
        %get3A_1381 = arith.constant 64 : index
        %get3A_1382 = tpu.vector_load %arg22[%get3A_1380, %get3A_1381] {strides = array<i32>} : memref<64x128xf32, #tpu.memory_space<vmem>>, vector<16xf32>,
        %mul3A_1383 = arith.mulf %get3A_1382, %broadcast_in_dim3A_1351 : vector<16xf32>
        %swap3A_1384 = arith.index_cast %add3A_1348 : i32 to index
        %swap3A_1385 = arith.constant 64 : index
        %swap3A_1386 = tpu.vector_load %arg22[%swap3A_1384, %swap3A_1385] {strides = array<i32>} : memref<64x128xf32, #tpu.memory_space<vmem>>, vector<16xf32>,
        tpu.vector_store %arg22[%swap3A_1384, %swap3A_1385], %mul3A_1383 {strides = array<i32>} : memref<64x128xf32, #tpu.memory_space<vmem>>, vector<16xf32>,
        %get3A_1387 = arith.index_cast %add3A_1348 : i32 to index
        %get3A_1388 = arith.constant 80 : index
        %get3A_1389 = tpu.vector_load %arg22[%get3A_1387, %get3A_1388] {strides = array<i32>} : memref<64x128xf32, #tpu.memory_space<vmem>>, vector<16xf32>,
        %mul3A_1390 = arith.mulf %get3A_1389, %broadcast_in_dim3A_1351 : vector<16xf32>
        %swap3A_1391 = arith.index_cast %add3A_1348 : i32 to index
        %swap3A_1392 = arith.constant 80 : index
        %swap3A_1393 = tpu.vector_load %arg22[%swap3A_1391, %swap3A_1392] {strides = array<i32>} : memref<64x128xf32, #tpu.memory_space<vmem>>, vector<16xf32>,
        tpu.vector_store %arg22[%swap3A_1391, %swap3A_1392], %mul3A_1390 {strides = array<i32>} : memref<64x128xf32, #tpu.memory_space<vmem>>, vector<16xf32>,
        %get3A_1394 = arith.index_cast %add3A_1348 : i32 to index
        %get3A_1395 = arith.constant 96 : index
        %get3A_1396 = tpu.vector_load %arg22[%get3A_1394, %get3A_1395] {strides = array<i32>} : memref<64x128xf32, #tpu.memory_space<vmem>>, vector<16xf32>,
        %mul3A_1397 = arith.mulf %get3A_1396, %broadcast_in_dim3A_1351 : vector<16xf32>
        %swap3A_1398 = arith.index_cast %add3A_1348 : i32 to index
        %swap3A_1399 = arith.constant 96 : index
        %swap3A_1400 = tpu.vector_load %arg22[%swap3A_1398, %swap3A_1399] {strides = array<i32>} : memref<64x128xf32, #tpu.memory_space<vmem>>, vector<16xf32>,
        tpu.vector_store %arg22[%swap3A_1398, %swap3A_1399], %mul3A_1397 {strides = array<i32>} : memref<64x128xf32, #tpu.memory_space<vmem>>, vector<16xf32>,
        %get3A_1401 = arith.index_cast %add3A_1348 : i32 to index
        %get3A_1402 = arith.constant 112 : index
        %get3A_1403 = tpu.vector_load %arg22[%get3A_1401, %get3A_1402] {strides = array<i32>} : memref<64x128xf32, #tpu.memory_space<vmem>>, vector<16xf32>,
        %mul3A_1404 = arith.mulf %get3A_1403, %broadcast_in_dim3A_1351 : vector<16xf32>
        %swap3A_1405 = arith.index_cast %add3A_1348 : i32 to index
        %swap3A_1406 = arith.constant 112 : index
        %swap3A_1407 = tpu.vector_load %arg22[%swap3A_1405, %swap3A_1406] {strides = array<i32>} : memref<64x128xf32, #tpu.memory_space<vmem>>, vector<16xf32>,
        tpu.vector_store %arg22[%swap3A_1405, %swap3A_1406], %mul3A_1404 {strides = array<i32>} : memref<64x128xf32, #tpu.memory_space<vmem>>, vector<16xf32>,
        %mul3A_1408 = arith.constant 16 : i32
        %mul3A_1409 = arith.muli %scan3A_1339, %mul3A_1408 : i32
        %add3A_1410 = arith.constant 1 : i32
        %add3A_1411 = arith.addi %mul3A_1409, %add3A_1410 : i32
        %slice3A_1412 = vector.extract_strided_slice %get3A_1344 {offsets = [1], sizes = [1], strides = [1]} : vector<16xf32> to vector<1xf32>
        %squeeze3A_1413 = vector.extract %slice3A_1412[0] : f32 from vector<1xf32>
        %broadcast_in_dim3A_1414 = vector.broadcast %squeeze3A_1413 : f32 to vector<16xf32>
        %get3A_1415 = arith.index_cast %add3A_1411 : i32 to index
        %get3A_1416 = arith.constant 0 : index
        %get3A_1417 = tpu.vector_load %arg22[%get3A_1415, %get3A_1416] {strides = array<i32>} : memref<64x128xf32, #tpu.memory_space<vmem>>, vector<16xf32>,
        %mul3A_1418 = arith.mulf %get3A_1417, %broadcast_in_dim3A_1414 : vector<16xf32>
        %swap3A_1419 = arith.index_cast %add3A_1411 : i32 to index
        %swap3A_1420 = arith.constant 0 : index
        %swap3A_1421 = tpu.vector_load %arg22[%swap3A_1419, %swap3A_1420] {strides = array<i32>} : memref<64x128xf32, #tpu.memory_space<vmem>>, vector<16xf32>,
        tpu.vector_store %arg22[%swap3A_1419, %swap3A_1420], %mul3A_1418 {strides = array<i32>} : memref<64x128xf32, #tpu.memory_space<vmem>>, vector<16xf32>,
        %get3A_1422 = arith.index_cast %add3A_1411 : i32 to index
        %get3A_1423 = arith.constant 16 : index
        %get3A_1424 = tpu.vector_load %arg22[%get3A_1422, %get3A_1423] {strides = array<i32>} : memref<64x128xf32, #tpu.memory_space<vmem>>, vector<16xf32>,
        %mul3A_1425 = arith.mulf %get3A_1424, %broadcast_in_dim3A_1414 : vector<16xf32>
        %swap3A_1426 = arith.index_cast %add3A_1411 : i32 to index
        %swap3A_1427 = arith.constant 16 : index
        %swap3A_1428 = tpu.vector_load %arg22[%swap3A_1426, %swap3A_1427] {strides = array<i32>} : memref<64x128xf32, #tpu.memory_space<vmem>>, vector<16xf32>,
        tpu.vector_store %arg22[%swap3A_1426, %swap3A_1427], %mul3A_1425 {strides = array<i32>} : memref<64x128xf32, #tpu.memory_space<vmem>>, vector<16xf32>,
        %get3A_1429 = arith.index_cast %add3A_1411 : i32 to index
        %get3A_1430 = arith.constant 32 : index
        %get3A_1431 = tpu.vector_load %arg22[%get3A_1429, %get3A_1430] {strides = array<i32>} : memref<64x128xf32, #tpu.memory_space<vmem>>, vector<16xf32>,
        %mul3A_1432 = arith.mulf %get3A_1431, %broadcast_in_dim3A_1414 : vector<16xf32>
        %swap3A_1433 = arith.index_cast %add3A_1411 : i32 to index
        %swap3A_1434 = arith.constant 32 : index
        %swap3A_1435 = tpu.vector_load %arg22[%swap3A_1433, %swap3A_1434] {strides = array<i32>} : memref<64x128xf32, #tpu.memory_space<vmem>>, vector<16xf32>,
        tpu.vector_store %arg22[%swap3A_1433, %swap3A_1434], %mul3A_1432 {strides = array<i32>} : memref<64x128xf32, #tpu.memory_space<vmem>>, vector<16xf32>,
        %get3A_1436 = arith.index_cast %add3A_1411 : i32 to index
        %get3A_1437 = arith.constant 48 : index
        %get3A_1438 = tpu.vector_load %arg22[%get3A_1436, %get3A_1437] {strides = array<i32>} : memref<64x128xf32, #tpu.memory_space<vmem>>, vector<16xf32>,
        %mul3A_1439 = arith.mulf %get3A_1438, %broadcast_in_dim3A_1414 : vector<16xf32>
        %swap3A_1440 = arith.index_cast %add3A_1411 : i32 to index
        %swap3A_1441 = arith.constant 48 : index
        %swap3A_1442 = tpu.vector_load %arg22[%swap3A_1440, %swap3A_1441] {strides = array<i32>} : memref<64x128xf32, #tpu.memory_space<vmem>>, vector<16xf32>,
        tpu.vector_store %arg22[%swap3A_1440, %swap3A_1441], %mul3A_1439 {strides = array<i32>} : memref<64x128xf32, #tpu.memory_space<vmem>>, vector<16xf32>,
        %get3A_1443 = arith.index_cast %add3A_1411 : i32 to index
        %get3A_1444 = arith.constant 64 : index
        %get3A_1445 = tpu.vector_load %arg22[%get3A_1443, %get3A_1444] {strides = array<i32>} : memref<64x128xf32, #tpu.memory_space<vmem>>, vector<16xf32>,
        %mul3A_1446 = arith.mulf %get3A_1445, %broadcast_in_dim3A_1414 : vector<16xf32>
        %swap3A_1447 = arith.index_cast %add3A_1411 : i32 to index
        %swap3A_1448 = arith.constant 64 : index
        %swap3A_1449 = tpu.vector_load %arg22[%swap3A_1447, %swap3A_1448] {strides = array<i32>} : memref<64x128xf32, #tpu.memory_space<vmem>>, vector<16xf32>,
        tpu.vector_store %arg22[%swap3A_1447, %swap3A_1448], %mul3A_1446 {strides = array<i32>} : memref<64x128xf32, #tpu.memory_space<vmem>>, vector<16xf32>,
        %get3A_1450 = arith.index_cast %add3A_1411 : i32 to index
        %get3A_1451 = arith.constant 80 : index
        %get3A_1452 = tpu.vector_load %arg22[%get3A_1450, %get3A_1451] {strides = array<i32>} : memref<64x128xf32, #tpu.memory_space<vmem>>, vector<16xf32>,
        %mul3A_1453 = arith.mulf %get3A_1452, %broadcast_in_dim3A_1414 : vector<16xf32>
        %swap3A_1454 = arith.index_cast %add3A_1411 : i32 to index
        %swap3A_1455 = arith.constant 80 : index
        %swap3A_1456 = tpu.vector_load %arg22[%swap3A_1454, %swap3A_1455] {strides = array<i32>} : memref<64x128xf32, #tpu.memory_space<vmem>>, vector<16xf32>,
        tpu.vector_store %arg22[%swap3A_1454, %swap3A_1455], %mul3A_1453 {strides = array<i32>} : memref<64x128xf32, #tpu.memory_space<vmem>>, vector<16xf32>,
        %get3A_1457 = arith.index_cast %add3A_1411 : i32 to index
        %get3A_1458 = arith.constant 96 : index
        %get3A_1459 = tpu.vector_load %arg22[%get3A_1457, %get3A_1458] {strides = array<i32>} : memref<64x128xf32, #tpu.memory_space<vmem>>, vector<16xf32>,
        %mul3A_1460 = arith.mulf %get3A_1459, %broadcast_in_dim3A_1414 : vector<16xf32>
        %swap3A_1461 = arith.index_cast %add3A_1411 : i32 to index
        %swap3A_1462 = arith.constant 96 : index
        %swap3A_1463 = tpu.vector_load %arg22[%swap3A_1461, %swap3A_1462] {strides = array<i32>} : memref<64x128xf32, #tpu.memory_space<vmem>>, vector<16xf32>,
        tpu.vector_store %arg22[%swap3A_1461, %swap3A_1462], %mul3A_1460 {strides = array<i32>} : memref<64x128xf32, #tpu.memory_space<vmem>>, vector<16xf32>,
        %get3A_1464 = arith.index_cast %add3A_1411 : i32 to index
        %get3A_1465 = arith.constant 112 : index
        %get3A_1466 = tpu.vector_load %arg22[%get3A_1464, %get3A_1465] {strides = array<i32>} : memref<64x128xf32, #tpu.memory_space<vmem>>, vector<16xf32>,
        %mul3A_1467 = arith.mulf %get3A_1466, %broadcast_in_dim3A_1414 : vector<16xf32>
        %swap3A_1468 = arith.index_cast %add3A_1411 : i32 to index
        %swap3A_1469 = arith.constant 112 : index
        %swap3A_1470 = tpu.vector_load %arg22[%swap3A_1468, %swap3A_1469] {strides = array<i32>} : memref<64x128xf32, #tpu.memory_space<vmem>>, vector<16xf32>,
        tpu.vector_store %arg22[%swap3A_1468, %swap3A_1469], %mul3A_1467 {strides = array<i32>} : memref<64x128xf32, #tpu.memory_space<vmem>>, vector<16xf32>,
        %mul3A_1471 = arith.constant 16 : i32
        %mul3A_1472 = arith.muli %scan3A_1339, %mul3A_1471 : i32
        %add3A_1473 = arith.constant 2 : i32
        %add3A_1474 = arith.addi %mul3A_1472, %add3A_1473 : i32
        %slice3A_1475 = vector.extract_strided_slice %get3A_1344 {offsets = [2], sizes = [1], strides = [1]} : vector<16xf32> to vector<1xf32>
        %squeeze3A_1476 = vector.extract %slice3A_1475[0] : f32 from vector<1xf32>
        %broadcast_in_dim3A_1477 = vector.broadcast %squeeze3A_1476 : f32 to vector<16xf32>
        %get3A_1478 = arith.index_cast %add3A_1474 : i32 to index
        %get3A_1479 = arith.constant 0 : index
        %get3A_1480 = tpu.vector_load %arg22[%get3A_1478, %get3A_1479] {strides = array<i32>} : memref<64x128xf32, #tpu.memory_space<vmem>>, vector<16xf32>,
        %mul3A_1481 = arith.mulf %get3A_1480, %broadcast_in_dim3A_1477 : vector<16xf32>
        %swap3A_1482 = arith.index_cast %add3A_1474 : i32 to index
        %swap3A_1483 = arith.constant 0 : index
        %swap3A_1484 = tpu.vector_load %arg22[%swap3A_1482, %swap3A_1483] {strides = array<i32>} : memref<64x128xf32, #tpu.memory_space<vmem>>, vector<16xf32>,
        tpu.vector_store %arg22[%swap3A_1482, %swap3A_1483], %mul3A_1481 {strides = array<i32>} : memref<64x128xf32, #tpu.memory_space<vmem>>, vector<16xf32>,
        %get3A_1485 = arith.index_cast %add3A_1474 : i32 to index
        %get3A_1486 = arith.constant 16 : index
        %get3A_1487 = tpu.vector_load %arg22[%get3A_1485, %get3A_1486] {strides = array<i32>} : memref<64x128xf32, #tpu.memory_space<vmem>>, vector<16xf32>,
        %mul3A_1488 = arith.mulf %get3A_1487, %broadcast_in_dim3A_1477 : vector<16xf32>
        %swap3A_1489 = arith.index_cast %add3A_1474 : i32 to index
        %swap3A_1490 = arith.constant 16 : index
        %swap3A_1491 = tpu.vector_load %arg22[%swap3A_1489, %swap3A_1490] {strides = array<i32>} : memref<64x128xf32, #tpu.memory_space<vmem>>, vector<16xf32>,
        tpu.vector_store %arg22[%swap3A_1489, %swap3A_1490], %mul3A_1488 {strides = array<i32>} : memref<64x128xf32, #tpu.memory_space<vmem>>, vector<16xf32>,
        %get3A_1492 = arith.index_cast %add3A_1474 : i32 to index
        %get3A_1493 = arith.constant 32 : index
        %get3A_1494 = tpu.vector_load %arg22[%get3A_1492, %get3A_1493] {strides = array<i32>} : memref<64x128xf32, #tpu.memory_space<vmem>>, vector<16xf32>,
        %mul3A_1495 = arith.mulf %get3A_1494, %broadcast_in_dim3A_1477 : vector<16xf32>
        %swap3A_1496 = arith.index_cast %add3A_1474 : i32 to index
        %swap3A_1497 = arith.constant 32 : index
        %swap3A_1498 = tpu.vector_load %arg22[%swap3A_1496, %swap3A_1497] {strides = array<i32>} : memref<64x128xf32, #tpu.memory_space<vmem>>, vector<16xf32>,
        tpu.vector_store %arg22[%swap3A_1496, %swap3A_1497], %mul3A_1495 {strides = array<i32>} : memref<64x128xf32, #tpu.memory_space<vmem>>, vector<16xf32>,
        %get3A_1499 = arith.index_cast %add3A_1474 : i32 to index
        %get3A_1500 = arith.constant 48 : index
        %get3A_1501 = tpu.vector_load %arg22[%get3A_1499, %get3A_1500] {strides = array<i32>} : memref<64x128xf32, #tpu.memory_space<vmem>>, vector<16xf32>,
        %mul3A_1502 = arith.mulf %get3A_1501, %broadcast_in_dim3A_1477 : vector<16xf32>
        %swap3A_1503 = arith.index_cast %add3A_1474 : i32 to index
        %swap3A_1504 = arith.constant 48 : index
        %swap3A_1505 = tpu.vector_load %arg22[%swap3A_1503, %swap3A_1504] {strides = array<i32>} : memref<64x128xf32, #tpu.memory_space<vmem>>, vector<16xf32>,
        tpu.vector_store %arg22[%swap3A_1503, %swap3A_1504], %mul3A_1502 {strides = array<i32>} : memref<64x128xf32, #tpu.memory_space<vmem>>, vector<16xf32>,
        %get3A_1506 = arith.index_cast %add3A_1474 : i32 to index
        %get3A_1507 = arith.constant 64 : index
        %get3A_1508 = tpu.vector_load %arg22[%get3A_1506, %get3A_1507] {strides = array<i32>} : memref<64x128xf32, #tpu.memory_space<vmem>>, vector<16xf32>,
        %mul3A_1509 = arith.mulf %get3A_1508, %broadcast_in_dim3A_1477 : vector<16xf32>
        %swap3A_1510 = arith.index_cast %add3A_1474 : i32 to index
        %swap3A_1511 = arith.constant 64 : index
        %swap3A_1512 = tpu.vector_load %arg22[%swap3A_1510, %swap3A_1511] {strides = array<i32>} : memref<64x128xf32, #tpu.memory_space<vmem>>, vector<16xf32>,
        tpu.vector_store %arg22[%swap3A_1510, %swap3A_1511], %mul3A_1509 {strides = array<i32>} : memref<64x128xf32, #tpu.memory_space<vmem>>, vector<16xf32>,
        %get3A_1513 = arith.index_cast %add3A_1474 : i32 to index
        %get3A_1514 = arith.constant 80 : index
        %get3A_1515 = tpu.vector_load %arg22[%get3A_1513, %get3A_1514] {strides = array<i32>} : memref<64x128xf32, #tpu.memory_space<vmem>>, vector<16xf32>,
        %mul3A_1516 = arith.mulf %get3A_1515, %broadcast_in_dim3A_1477 : vector<16xf32>
        %swap3A_1517 = arith.index_cast %add3A_1474 : i32 to index
        %swap3A_1518 = arith.constant 80 : index
        %swap3A_1519 = tpu.vector_load %arg22[%swap3A_1517, %swap3A_1518] {strides = array<i32>} : memref<64x128xf32, #tpu.memory_space<vmem>>, vector<16xf32>,
        tpu.vector_store %arg22[%swap3A_1517, %swap3A_1518], %mul3A_1516 {strides = array<i32>} : memref<64x128xf32, #tpu.memory_space<vmem>>, vector<16xf32>,
        %get3A_1520 = arith.index_cast %add3A_1474 : i32 to index
        %get3A_1521 = arith.constant 96 : index
        %get3A_1522 = tpu.vector_load %arg22[%get3A_1520, %get3A_1521] {strides = array<i32>} : memref<64x128xf32, #tpu.memory_space<vmem>>, vector<16xf32>,
        %mul3A_1523 = arith.mulf %get3A_1522, %broadcast_in_dim3A_1477 : vector<16xf32>
        %swap3A_1524 = arith.index_cast %add3A_1474 : i32 to index
        %swap3A_1525 = arith.constant 96 : index
        %swap3A_1526 = tpu.vector_load %arg22[%swap3A_1524, %swap3A_1525] {strides = array<i32>} : memref<64x128xf32, #tpu.memory_space<vmem>>, vector<16xf32>,
        tpu.vector_store %arg22[%swap3A_1524, %swap3A_1525], %mul3A_1523 {strides = array<i32>} : memref<64x128xf32, #tpu.memory_space<vmem>>, vector<16xf32>,
        %get3A_1527 = arith.index_cast %add3A_1474 : i32 to index
        %get3A_1528 = arith.constant 112 : index
        %get3A_1529 = tpu.vector_load %arg22[%get3A_1527, %get3A_1528] {strides = array<i32>} : memref<64x128xf32, #tpu.memory_space<vmem>>, vector<16xf32>,
        %mul3A_1530 = arith.mulf %get3A_1529, %broadcast_in_dim3A_1477 : vector<16xf32>
        %swap3A_1531 = arith.index_cast %add3A_1474 : i32 to index
        %swap3A_1532 = arith.constant 112 : index
        %swap3A_1533 = tpu.vector_load %arg22[%swap3A_1531, %swap3A_1532] {strides = array<i32>} : memref<64x128xf32, #tpu.memory_space<vmem>>, vector<16xf32>,
        tpu.vector_store %arg22[%swap3A_1531, %swap3A_1532], %mul3A_1530 {strides = array<i32>} : memref<64x128xf32, #tpu.memory_space<vmem>>, vector<16xf32>,
        %mul3A_1534 = arith.constant 16 : i32
        %mul3A_1535 = arith.muli %scan3A_1339, %mul3A_1534 : i32
        %add3A_1536 = arith.constant 3 : i32
        %add3A_1537 = arith.addi %mul3A_1535, %add3A_1536 : i32
        %slice3A_1538 = vector.extract_strided_slice %get3A_1344 {offsets = [3], sizes = [1], strides = [1]} : vector<16xf32> to vector<1xf32>
        %squeeze3A_1539 = vector.extract %slice3A_1538[0] : f32 from vector<1xf32>
        %broadcast_in_dim3A_1540 = vector.broadcast %squeeze3A_1539 : f32 to vector<16xf32>
        %get3A_1541 = arith.index_cast %add3A_1537 : i32 to index
        %get3A_1542 = arith.constant 0 : index
        %get3A_1543 = tpu.vector_load %arg22[%get3A_1541, %get3A_1542] {strides = array<i32>} : memref<64x128xf32, #tpu.memory_space<vmem>>, vector<16xf32>,
        %mul3A_1544 = arith.mulf %get3A_1543, %broadcast_in_dim3A_1540 : vector<16xf32>
        %swap3A_1545 = arith.index_cast %add3A_1537 : i32 to index
        %swap3A_1546 = arith.constant 0 : index
        %swap3A_1547 = tpu.vector_load %arg22[%swap3A_1545, %swap3A_1546] {strides = array<i32>} : memref<64x128xf32, #tpu.memory_space<vmem>>, vector<16xf32>,
        tpu.vector_store %arg22[%swap3A_1545, %swap3A_1546], %mul3A_1544 {strides = array<i32>} : memref<64x128xf32, #tpu.memory_space<vmem>>, vector<16xf32>,
        %get3A_1548 = arith.index_cast %add3A_1537 : i32 to index
        %get3A_1549 = arith.constant 16 : index
        %get3A_1550 = tpu.vector_load %arg22[%get3A_1548, %get3A_1549] {strides = array<i32>} : memref<64x128xf32, #tpu.memory_space<vmem>>, vector<16xf32>,
        %mul3A_1551 = arith.mulf %get3A_1550, %broadcast_in_dim3A_1540 : vector<16xf32>
        %swap3A_1552 = arith.index_cast %add3A_1537 : i32 to index
        %swap3A_1553 = arith.constant 16 : index
        %swap3A_1554 = tpu.vector_load %arg22[%swap3A_1552, %swap3A_1553] {strides = array<i32>} : memref<64x128xf32, #tpu.memory_space<vmem>>, vector<16xf32>,
        tpu.vector_store %arg22[%swap3A_1552, %swap3A_1553], %mul3A_1551 {strides = array<i32>} : memref<64x128xf32, #tpu.memory_space<vmem>>, vector<16xf32>,
        %get3A_1555 = arith.index_cast %add3A_1537 : i32 to index
        %get3A_1556 = arith.constant 32 : index
        %get3A_1557 = tpu.vector_load %arg22[%get3A_1555, %get3A_1556] {strides = array<i32>} : memref<64x128xf32, #tpu.memory_space<vmem>>, vector<16xf32>,
        %mul3A_1558 = arith.mulf %get3A_1557, %broadcast_in_dim3A_1540 : vector<16xf32>
        %swap3A_1559 = arith.index_cast %add3A_1537 : i32 to index
        %swap3A_1560 = arith.constant 32 : index
        %swap3A_1561 = tpu.vector_load %arg22[%swap3A_1559, %swap3A_1560] {strides = array<i32>} : memref<64x128xf32, #tpu.memory_space<vmem>>, vector<16xf32>,
        tpu.vector_store %arg22[%swap3A_1559, %swap3A_1560], %mul3A_1558 {strides = array<i32>} : memref<64x128xf32, #tpu.memory_space<vmem>>, vector<16xf32>,
        %get3A_1562 = arith.index_cast %add3A_1537 : i32 to index
        %get3A_1563 = arith.constant 48 : index
        %get3A_1564 = tpu.vector_load %arg22[%get3A_1562, %get3A_1563] {strides = array<i32>} : memref<64x128xf32, #tpu.memory_space<vmem>>, vector<16xf32>,
        %mul3A_1565 = arith.mulf %get3A_1564, %broadcast_in_dim3A_1540 : vector<16xf32>
        %swap3A_1566 = arith.index_cast %add3A_1537 : i32 to index
        %swap3A_1567 = arith.constant 48 : index
        %swap3A_1568 = tpu.vector_load %arg22[%swap3A_1566, %swap3A_1567] {strides = array<i32>} : memref<64x128xf32, #tpu.memory_space<vmem>>, vector<16xf32>,
        tpu.vector_store %arg22[%swap3A_1566, %swap3A_1567], %mul3A_1565 {strides = array<i32>} : memref<64x128xf32, #tpu.memory_space<vmem>>, vector<16xf32>,
        %get3A_1569 = arith.index_cast %add3A_1537 : i32 to index
        %get3A_1570 = arith.constant 64 : index
        %get3A_1571 = tpu.vector_load %arg22[%get3A_1569, %get3A_1570] {strides = array<i32>} : memref<64x128xf32, #tpu.memory_space<vmem>>, vector<16xf32>,
        %mul3A_1572 = arith.mulf %get3A_1571, %broadcast_in_dim3A_1540 : vector<16xf32>
        %swap3A_1573 = arith.index_cast %add3A_1537 : i32 to index
        %swap3A_1574 = arith.constant 64 : index
        %swap3A_1575 = tpu.vector_load %arg22[%swap3A_1573, %swap3A_1574] {strides = array<i32>} : memref<64x128xf32, #tpu.memory_space<vmem>>, vector<16xf32>,
        tpu.vector_store %arg22[%swap3A_1573, %swap3A_1574], %mul3A_1572 {strides = array<i32>} : memref<64x128xf32, #tpu.memory_space<vmem>>, vector<16xf32>,
        %get3A_1576 = arith.index_cast %add3A_1537 : i32 to index
        %get3A_1577 = arith.constant 80 : index
        %get3A_1578 = tpu.vector_load %arg22[%get3A_1576, %get3A_1577] {strides = array<i32>} : memref<64x128xf32, #tpu.memory_space<vmem>>, vector<16xf32>,
        %mul3A_1579 = arith.mulf %get3A_1578, %broadcast_in_dim3A_1540 : vector<16xf32>
        %swap3A_1580 = arith.index_cast %add3A_1537 : i32 to index
        %swap3A_1581 = arith.constant 80 : index
        %swap3A_1582 = tpu.vector_load %arg22[%swap3A_1580, %swap3A_1581] {strides = array<i32>} : memref<64x128xf32, #tpu.memory_space<vmem>>, vector<16xf32>,
        tpu.vector_store %arg22[%swap3A_1580, %swap3A_1581], %mul3A_1579 {strides = array<i32>} : memref<64x128xf32, #tpu.memory_space<vmem>>, vector<16xf32>,
        %get3A_1583 = arith.index_cast %add3A_1537 : i32 to index
        %get3A_1584 = arith.constant 96 : index
        %get3A_1585 = tpu.vector_load %arg22[%get3A_1583, %get3A_1584] {strides = array<i32>} : memref<64x128xf32, #tpu.memory_space<vmem>>, vector<16xf32>,
        %mul3A_1586 = arith.mulf %get3A_1585, %broadcast_in_dim3A_1540 : vector<16xf32>
        %swap3A_1587 = arith.index_cast %add3A_1537 : i32 to index
        %swap3A_1588 = arith.constant 96 : index
        %swap3A_1589 = tpu.vector_load %arg22[%swap3A_1587, %swap3A_1588] {strides = array<i32>} : memref<64x128xf32, #tpu.memory_space<vmem>>, vector<16xf32>,
        tpu.vector_store %arg22[%swap3A_1587, %swap3A_1588], %mul3A_1586 {strides = array<i32>} : memref<64x128xf32, #tpu.memory_space<vmem>>, vector<16xf32>,
        %get3A_1590 = arith.index_cast %add3A_1537 : i32 to index
        %get3A_1591 = arith.constant 112 : index
        %get3A_1592 = tpu.vector_load %arg22[%get3A_1590, %get3A_1591] {strides = array<i32>} : memref<64x128xf32, #tpu.memory_space<vmem>>, vector<16xf32>,
        %mul3A_1593 = arith.mulf %get3A_1592, %broadcast_in_dim3A_1540 : vector<16xf32>
        %swap3A_1594 = arith.index_cast %add3A_1537 : i32 to index
        %swap3A_1595 = arith.constant 112 : index
        %swap3A_1596 = tpu.vector_load %arg22[%swap3A_1594, %swap3A_1595] {strides = array<i32>} : memref<64x128xf32, #tpu.memory_space<vmem>>, vector<16xf32>,
        tpu.vector_store %arg22[%swap3A_1594, %swap3A_1595], %mul3A_1593 {strides = array<i32>} : memref<64x128xf32, #tpu.memory_space<vmem>>, vector<16xf32>,
        %mul3A_1597 = arith.constant 16 : i32
        %mul3A_1598 = arith.muli %scan3A_1339, %mul3A_1597 : i32
        %add3A_1599 = arith.constant 4 : i32
        %add3A_1600 = arith.addi %mul3A_1598, %add3A_1599 : i32
        %slice3A_1601 = vector.extract_strided_slice %get3A_1344 {offsets = [4], sizes = [1], strides = [1]} : vector<16xf32> to vector<1xf32>
        %squeeze3A_1602 = vector.extract %slice3A_1601[0] : f32 from vector<1xf32>
        %broadcast_in_dim3A_1603 = vector.broadcast %squeeze3A_1602 : f32 to vector<16xf32>
        %get3A_1604 = arith.index_cast %add3A_1600 : i32 to index
        %get3A_1605 = arith.constant 0 : index
        %get3A_1606 = tpu.vector_load %arg22[%get3A_1604, %get3A_1605] {strides = array<i32>} : memref<64x128xf32, #tpu.memory_space<vmem>>, vector<16xf32>,
        %mul3A_1607 = arith.mulf %get3A_1606, %broadcast_in_dim3A_1603 : vector<16xf32>
        %swap3A_1608 = arith.index_cast %add3A_1600 : i32 to index
        %swap3A_1609 = arith.constant 0 : index
        %swap3A_1610 = tpu.vector_load %arg22[%swap3A_1608, %swap3A_1609] {strides = array<i32>} : memref<64x128xf32, #tpu.memory_space<vmem>>, vector<16xf32>,
        tpu.vector_store %arg22[%swap3A_1608, %swap3A_1609], %mul3A_1607 {strides = array<i32>} : memref<64x128xf32, #tpu.memory_space<vmem>>, vector<16xf32>,
        %get3A_1611 = arith.index_cast %add3A_1600 : i32 to index
        %get3A_1612 = arith.constant 16 : index
        %get3A_1613 = tpu.vector_load %arg22[%get3A_1611, %get3A_1612] {strides = array<i32>} : memref<64x128xf32, #tpu.memory_space<vmem>>, vector<16xf32>,
        %mul3A_1614 = arith.mulf %get3A_1613, %broadcast_in_dim3A_1603 : vector<16xf32>
        %swap3A_1615 = arith.index_cast %add3A_1600 : i32 to index
        %swap3A_1616 = arith.constant 16 : index
        %swap3A_1617 = tpu.vector_load %arg22[%swap3A_1615, %swap3A_1616] {strides = array<i32>} : memref<64x128xf32, #tpu.memory_space<vmem>>, vector<16xf32>,
        tpu.vector_store %arg22[%swap3A_1615, %swap3A_1616], %mul3A_1614 {strides = array<i32>} : memref<64x128xf32, #tpu.memory_space<vmem>>, vector<16xf32>,
        %get3A_1618 = arith.index_cast %add3A_1600 : i32 to index
        %get3A_1619 = arith.constant 32 : index
        %get3A_1620 = tpu.vector_load %arg22[%get3A_1618, %get3A_1619] {strides = array<i32>} : memref<64x128xf32, #tpu.memory_space<vmem>>, vector<16xf32>,
        %mul3A_1621 = arith.mulf %get3A_1620, %broadcast_in_dim3A_1603 : vector<16xf32>
        %swap3A_1622 = arith.index_cast %add3A_1600 : i32 to index
        %swap3A_1623 = arith.constant 32 : index
        %swap3A_1624 = tpu.vector_load %arg22[%swap3A_1622, %swap3A_1623] {strides = array<i32>} : memref<64x128xf32, #tpu.memory_space<vmem>>, vector<16xf32>,
        tpu.vector_store %arg22[%swap3A_1622, %swap3A_1623], %mul3A_1621 {strides = array<i32>} : memref<64x128xf32, #tpu.memory_space<vmem>>, vector<16xf32>,
        %get3A_1625 = arith.index_cast %add3A_1600 : i32 to index
        %get3A_1626 = arith.constant 48 : index
        %get3A_1627 = tpu.vector_load %arg22[%get3A_1625, %get3A_1626] {strides = array<i32>} : memref<64x128xf32, #tpu.memory_space<vmem>>, vector<16xf32>,
        %mul3A_1628 = arith.mulf %get3A_1627, %broadcast_in_dim3A_1603 : vector<16xf32>
        %swap3A_1629 = arith.index_cast %add3A_1600 : i32 to index
        %swap3A_1630 = arith.constant 48 : index
        %swap3A_1631 = tpu.vector_load %arg22[%swap3A_1629, %swap3A_1630] {strides = array<i32>} : memref<64x128xf32, #tpu.memory_space<vmem>>, vector<16xf32>,
        tpu.vector_store %arg22[%swap3A_1629, %swap3A_1630], %mul3A_1628 {strides = array<i32>} : memref<64x128xf32, #tpu.memory_space<vmem>>, vector<16xf32>,
        %get3A_1632 = arith.index_cast %add3A_1600 : i32 to index
        %get3A_1633 = arith.constant 64 : index
        %get3A_1634 = tpu.vector_load %arg22[%get3A_1632, %get3A_1633] {strides = array<i32>} : memref<64x128xf32, #tpu.memory_space<vmem>>, vector<16xf32>,
        %mul3A_1635 = arith.mulf %get3A_1634, %broadcast_in_dim3A_1603 : vector<16xf32>
        %swap3A_1636 = arith.index_cast %add3A_1600 : i32 to index
        %swap3A_1637 = arith.constant 64 : index
        %swap3A_1638 = tpu.vector_load %arg22[%swap3A_1636, %swap3A_1637] {strides = array<i32>} : memref<64x128xf32, #tpu.memory_space<vmem>>, vector<16xf32>,
        tpu.vector_store %arg22[%swap3A_1636, %swap3A_1637], %mul3A_1635 {strides = array<i32>} : memref<64x128xf32, #tpu.memory_space<vmem>>, vector<16xf32>,
        %get3A_1639 = arith.index_cast %add3A_1600 : i32 to index
        %get3A_1640 = arith.constant 80 : index
        %get3A_1641 = tpu.vector_load %arg22[%get3A_1639, %get3A_1640] {strides = array<i32>} : memref<64x128xf32, #tpu.memory_space<vmem>>, vector<16xf32>,
        %mul3A_1642 = arith.mulf %get3A_1641, %broadcast_in_dim3A_1603 : vector<16xf32>
        %swap3A_1643 = arith.index_cast %add3A_1600 : i32 to index
        %swap3A_1644 = arith.constant 80 : index
        %swap3A_1645 = tpu.vector_load %arg22[%swap3A_1643, %swap3A_1644] {strides = array<i32>} : memref<64x128xf32, #tpu.memory_space<vmem>>, vector<16xf32>,
        tpu.vector_store %arg22[%swap3A_1643, %swap3A_1644], %mul3A_1642 {strides = array<i32>} : memref<64x128xf32, #tpu.memory_space<vmem>>, vector<16xf32>,
        %get3A_1646 = arith.index_cast %add3A_1600 : i32 to index
        %get3A_1647 = arith.constant 96 : index
        %get3A_1648 = tpu.vector_load %arg22[%get3A_1646, %get3A_1647] {strides = array<i32>} : memref<64x128xf32, #tpu.memory_space<vmem>>, vector<16xf32>,
        %mul3A_1649 = arith.mulf %get3A_1648, %broadcast_in_dim3A_1603 : vector<16xf32>
        %swap3A_1650 = arith.index_cast %add3A_1600 : i32 to index
        %swap3A_1651 = arith.constant 96 : index
        %swap3A_1652 = tpu.vector_load %arg22[%swap3A_1650, %swap3A_1651] {strides = array<i32>} : memref<64x128xf32, #tpu.memory_space<vmem>>, vector<16xf32>,
        tpu.vector_store %arg22[%swap3A_1650, %swap3A_1651], %mul3A_1649 {strides = array<i32>} : memref<64x128xf32, #tpu.memory_space<vmem>>, vector<16xf32>,
        %get3A_1653 = arith.index_cast %add3A_1600 : i32 to index
        %get3A_1654 = arith.constant 112 : index
        %get3A_1655 = tpu.vector_load %arg22[%get3A_1653, %get3A_1654] {strides = array<i32>} : memref<64x128xf32, #tpu.memory_space<vmem>>, vector<16xf32>,
        %mul3A_1656 = arith.mulf %get3A_1655, %broadcast_in_dim3A_1603 : vector<16xf32>
        %swap3A_1657 = arith.index_cast %add3A_1600 : i32 to index
        %swap3A_1658 = arith.constant 112 : index
        %swap3A_1659 = tpu.vector_load %arg22[%swap3A_1657, %swap3A_1658] {strides = array<i32>} : memref<64x128xf32, #tpu.memory_space<vmem>>, vector<16xf32>,
        tpu.vector_store %arg22[%swap3A_1657, %swap3A_1658], %mul3A_1656 {strides = array<i32>} : memref<64x128xf32, #tpu.memory_space<vmem>>, vector<16xf32>,
        %mul3A_1660 = arith.constant 16 : i32
        %mul3A_1661 = arith.muli %scan3A_1339, %mul3A_1660 : i32
        %add3A_1662 = arith.constant 5 : i32
        %add3A_1663 = arith.addi %mul3A_1661, %add3A_1662 : i32
        %slice3A_1664 = vector.extract_strided_slice %get3A_1344 {offsets = [5], sizes = [1], strides = [1]} : vector<16xf32> to vector<1xf32>
        %squeeze3A_1665 = vector.extract %slice3A_1664[0] : f32 from vector<1xf32>
        %broadcast_in_dim3A_1666 = vector.broadcast %squeeze3A_1665 : f32 to vector<16xf32>
        %get3A_1667 = arith.index_cast %add3A_1663 : i32 to index
        %get3A_1668 = arith.constant 0 : index
        %get3A_1669 = tpu.vector_load %arg22[%get3A_1667, %get3A_1668] {strides = array<i32>} : memref<64x128xf32, #tpu.memory_space<vmem>>, vector<16xf32>,
        %mul3A_1670 = arith.mulf %get3A_1669, %broadcast_in_dim3A_1666 : vector<16xf32>
        %swap3A_1671 = arith.index_cast %add3A_1663 : i32 to index
        %swap3A_1672 = arith.constant 0 : index
        %swap3A_1673 = tpu.vector_load %arg22[%swap3A_1671, %swap3A_1672] {strides = array<i32>} : memref<64x128xf32, #tpu.memory_space<vmem>>, vector<16xf32>,
        tpu.vector_store %arg22[%swap3A_1671, %swap3A_1672], %mul3A_1670 {strides = array<i32>} : memref<64x128xf32, #tpu.memory_space<vmem>>, vector<16xf32>,
        %get3A_1674 = arith.index_cast %add3A_1663 : i32 to index
        %get3A_1675 = arith.constant 16 : index
        %get3A_1676 = tpu.vector_load %arg22[%get3A_1674, %get3A_1675] {strides = array<i32>} : memref<64x128xf32, #tpu.memory_space<vmem>>, vector<16xf32>,
        %mul3A_1677 = arith.mulf %get3A_1676, %broadcast_in_dim3A_1666 : vector<16xf32>
        %swap3A_1678 = arith.index_cast %add3A_1663 : i32 to index
        %swap3A_1679 = arith.constant 16 : index
        %swap3A_1680 = tpu.vector_load %arg22[%swap3A_1678, %swap3A_1679] {strides = array<i32>} : memref<64x128xf32, #tpu.memory_space<vmem>>, vector<16xf32>,
        tpu.vector_store %arg22[%swap3A_1678, %swap3A_1679], %mul3A_1677 {strides = array<i32>} : memref<64x128xf32, #tpu.memory_space<vmem>>, vector<16xf32>,
        %get3A_1681 = arith.index_cast %add3A_1663 : i32 to index
        %get3A_1682 = arith.constant 32 : index
        %get3A_1683 = tpu.vector_load %arg22[%get3A_1681, %get3A_1682] {strides = array<i32>} : memref<64x128xf32, #tpu.memory_space<vmem>>, vector<16xf32>,
        %mul3A_1684 = arith.mulf %get3A_1683, %broadcast_in_dim3A_1666 : vector<16xf32>
        %swap3A_1685 = arith.index_cast %add3A_1663 : i32 to index
        %swap3A_1686 = arith.constant 32 : index
        %swap3A_1687 = tpu.vector_load %arg22[%swap3A_1685, %swap3A_1686] {strides = array<i32>} : memref<64x128xf32, #tpu.memory_space<vmem>>, vector<16xf32>,
        tpu.vector_store %arg22[%swap3A_1685, %swap3A_1686], %mul3A_1684 {strides = array<i32>} : memref<64x128xf32, #tpu.memory_space<vmem>>, vector<16xf32>,
        %get3A_1688 = arith.index_cast %add3A_1663 : i32 to index
        %get3A_1689 = arith.constant 48 : index
        %get3A_1690 = tpu.vector_load %arg22[%get3A_1688, %get3A_1689] {strides = array<i32>} : memref<64x128xf32, #tpu.memory_space<vmem>>, vector<16xf32>,
        %mul3A_1691 = arith.mulf %get3A_1690, %broadcast_in_dim3A_1666 : vector<16xf32>
        %swap3A_1692 = arith.index_cast %add3A_1663 : i32 to index
        %swap3A_1693 = arith.constant 48 : index
        %swap3A_1694 = tpu.vector_load %arg22[%swap3A_1692, %swap3A_1693] {strides = array<i32>} : memref<64x128xf32, #tpu.memory_space<vmem>>, vector<16xf32>,
        tpu.vector_store %arg22[%swap3A_1692, %swap3A_1693], %mul3A_1691 {strides = array<i32>} : memref<64x128xf32, #tpu.memory_space<vmem>>, vector<16xf32>,
        %get3A_1695 = arith.index_cast %add3A_1663 : i32 to index
        %get3A_1696 = arith.constant 64 : index
        %get3A_1697 = tpu.vector_load %arg22[%get3A_1695, %get3A_1696] {strides = array<i32>} : memref<64x128xf32, #tpu.memory_space<vmem>>, vector<16xf32>,
        %mul3A_1698 = arith.mulf %get3A_1697, %broadcast_in_dim3A_1666 : vector<16xf32>
        %swap3A_1699 = arith.index_cast %add3A_1663 : i32 to index
        %swap3A_1700 = arith.constant 64 : index
        %swap3A_1701 = tpu.vector_load %arg22[%swap3A_1699, %swap3A_1700] {strides = array<i32>} : memref<64x128xf32, #tpu.memory_space<vmem>>, vector<16xf32>,
        tpu.vector_store %arg22[%swap3A_1699, %swap3A_1700], %mul3A_1698 {strides = array<i32>} : memref<64x128xf32, #tpu.memory_space<vmem>>, vector<16xf32>,
        %get3A_1702 = arith.index_cast %add3A_1663 : i32 to index
        %get3A_1703 = arith.constant 80 : index
        %get3A_1704 = tpu.vector_load %arg22[%get3A_1702, %get3A_1703] {strides = array<i32>} : memref<64x128xf32, #tpu.memory_space<vmem>>, vector<16xf32>,
        %mul3A_1705 = arith.mulf %get3A_1704, %broadcast_in_dim3A_1666 : vector<16xf32>
        %swap3A_1706 = arith.index_cast %add3A_1663 : i32 to index
        %swap3A_1707 = arith.constant 80 : index
        %swap3A_1708 = tpu.vector_load %arg22[%swap3A_1706, %swap3A_1707] {strides = array<i32>} : memref<64x128xf32, #tpu.memory_space<vmem>>, vector<16xf32>,
        tpu.vector_store %arg22[%swap3A_1706, %swap3A_1707], %mul3A_1705 {strides = array<i32>} : memref<64x128xf32, #tpu.memory_space<vmem>>, vector<16xf32>,
        %get3A_1709 = arith.index_cast %add3A_1663 : i32 to index
        %get3A_1710 = arith.constant 96 : index
        %get3A_1711 = tpu.vector_load %arg22[%get3A_1709, %get3A_1710] {strides = array<i32>} : memref<64x128xf32, #tpu.memory_space<vmem>>, vector<16xf32>,
        %mul3A_1712 = arith.mulf %get3A_1711, %broadcast_in_dim3A_1666 : vector<16xf32>
        %swap3A_1713 = arith.index_cast %add3A_1663 : i32 to index
        %swap3A_1714 = arith.constant 96 : index
        %swap3A_1715 = tpu.vector_load %arg22[%swap3A_1713, %swap3A_1714] {strides = array<i32>} : memref<64x128xf32, #tpu.memory_space<vmem>>, vector<16xf32>,
        tpu.vector_store %arg22[%swap3A_1713, %swap3A_1714], %mul3A_1712 {strides = array<i32>} : memref<64x128xf32, #tpu.memory_space<vmem>>, vector<16xf32>,
        %get3A_1716 = arith.index_cast %add3A_1663 : i32 to index
        %get3A_1717 = arith.constant 112 : index
        %get3A_1718 = tpu.vector_load %arg22[%get3A_1716, %get3A_1717] {strides = array<i32>} : memref<64x128xf32, #tpu.memory_space<vmem>>, vector<16xf32>,
        %mul3A_1719 = arith.mulf %get3A_1718, %broadcast_in_dim3A_1666 : vector<16xf32>
        %swap3A_1720 = arith.index_cast %add3A_1663 : i32 to index
        %swap3A_1721 = arith.constant 112 : index
        %swap3A_1722 = tpu.vector_load %arg22[%swap3A_1720, %swap3A_1721] {strides = array<i32>} : memref<64x128xf32, #tpu.memory_space<vmem>>, vector<16xf32>,
        tpu.vector_store %arg22[%swap3A_1720, %swap3A_1721], %mul3A_1719 {strides = array<i32>} : memref<64x128xf32, #tpu.memory_space<vmem>>, vector<16xf32>,
        %mul3A_1723 = arith.constant 16 : i32
        %mul3A_1724 = arith.muli %scan3A_1339, %mul3A_1723 : i32
        %add3A_1725 = arith.constant 6 : i32
        %add3A_1726 = arith.addi %mul3A_1724, %add3A_1725 : i32
        %slice3A_1727 = vector.extract_strided_slice %get3A_1344 {offsets = [6], sizes = [1], strides = [1]} : vector<16xf32> to vector<1xf32>
        %squeeze3A_1728 = vector.extract %slice3A_1727[0] : f32 from vector<1xf32>
        %broadcast_in_dim3A_1729 = vector.broadcast %squeeze3A_1728 : f32 to vector<16xf32>
        %get3A_1730 = arith.index_cast %add3A_1726 : i32 to index
        %get3A_1731 = arith.constant 0 : index
        %get3A_1732 = tpu.vector_load %arg22[%get3A_1730, %get3A_1731] {strides = array<i32>} : memref<64x128xf32, #tpu.memory_space<vmem>>, vector<16xf32>,
        %mul3A_1733 = arith.mulf %get3A_1732, %broadcast_in_dim3A_1729 : vector<16xf32>
        %swap3A_1734 = arith.index_cast %add3A_1726 : i32 to index
        %swap3A_1735 = arith.constant 0 : index
        %swap3A_1736 = tpu.vector_load %arg22[%swap3A_1734, %swap3A_1735] {strides = array<i32>} : memref<64x128xf32, #tpu.memory_space<vmem>>, vector<16xf32>,
        tpu.vector_store %arg22[%swap3A_1734, %swap3A_1735], %mul3A_1733 {strides = array<i32>} : memref<64x128xf32, #tpu.memory_space<vmem>>, vector<16xf32>,
        %get3A_1737 = arith.index_cast %add3A_1726 : i32 to index
        %get3A_1738 = arith.constant 16 : index
        %get3A_1739 = tpu.vector_load %arg22[%get3A_1737, %get3A_1738] {strides = array<i32>} : memref<64x128xf32, #tpu.memory_space<vmem>>, vector<16xf32>,
        %mul3A_1740 = arith.mulf %get3A_1739, %broadcast_in_dim3A_1729 : vector<16xf32>
        %swap3A_1741 = arith.index_cast %add3A_1726 : i32 to index
        %swap3A_1742 = arith.constant 16 : index
        %swap3A_1743 = tpu.vector_load %arg22[%swap3A_1741, %swap3A_1742] {strides = array<i32>} : memref<64x128xf32, #tpu.memory_space<vmem>>, vector<16xf32>,
        tpu.vector_store %arg22[%swap3A_1741, %swap3A_1742], %mul3A_1740 {strides = array<i32>} : memref<64x128xf32, #tpu.memory_space<vmem>>, vector<16xf32>,
        %get3A_1744 = arith.index_cast %add3A_1726 : i32 to index
        %get3A_1745 = arith.constant 32 : index
        %get3A_1746 = tpu.vector_load %arg22[%get3A_1744, %get3A_1745] {strides = array<i32>} : memref<64x128xf32, #tpu.memory_space<vmem>>, vector<16xf32>,
        %mul3A_1747 = arith.mulf %get3A_1746, %broadcast_in_dim3A_1729 : vector<16xf32>
        %swap3A_1748 = arith.index_cast %add3A_1726 : i32 to index
        %swap3A_1749 = arith.constant 32 : index
        %swap3A_1750 = tpu.vector_load %arg22[%swap3A_1748, %swap3A_1749] {strides = array<i32>} : memref<64x128xf32, #tpu.memory_space<vmem>>, vector<16xf32>,
        tpu.vector_store %arg22[%swap3A_1748, %swap3A_1749], %mul3A_1747 {strides = array<i32>} : memref<64x128xf32, #tpu.memory_space<vmem>>, vector<16xf32>,
        %get3A_1751 = arith.index_cast %add3A_1726 : i32 to index
        %get3A_1752 = arith.constant 48 : index
        %get3A_1753 = tpu.vector_load %arg22[%get3A_1751, %get3A_1752] {strides = array<i32>} : memref<64x128xf32, #tpu.memory_space<vmem>>, vector<16xf32>,
        %mul3A_1754 = arith.mulf %get3A_1753, %broadcast_in_dim3A_1729 : vector<16xf32>
        %swap3A_1755 = arith.index_cast %add3A_1726 : i32 to index
        %swap3A_1756 = arith.constant 48 : index
        %swap3A_1757 = tpu.vector_load %arg22[%swap3A_1755, %swap3A_1756] {strides = array<i32>} : memref<64x128xf32, #tpu.memory_space<vmem>>, vector<16xf32>,
        tpu.vector_store %arg22[%swap3A_1755, %swap3A_1756], %mul3A_1754 {strides = array<i32>} : memref<64x128xf32, #tpu.memory_space<vmem>>, vector<16xf32>,
        %get3A_1758 = arith.index_cast %add3A_1726 : i32 to index
        %get3A_1759 = arith.constant 64 : index
        %get3A_1760 = tpu.vector_load %arg22[%get3A_1758, %get3A_1759] {strides = array<i32>} : memref<64x128xf32, #tpu.memory_space<vmem>>, vector<16xf32>,
        %mul3A_1761 = arith.mulf %get3A_1760, %broadcast_in_dim3A_1729 : vector<16xf32>
        %swap3A_1762 = arith.index_cast %add3A_1726 : i32 to index
        %swap3A_1763 = arith.constant 64 : index
        %swap3A_1764 = tpu.vector_load %arg22[%swap3A_1762, %swap3A_1763] {strides = array<i32>} : memref<64x128xf32, #tpu.memory_space<vmem>>, vector<16xf32>,
        tpu.vector_store %arg22[%swap3A_1762, %swap3A_1763], %mul3A_1761 {strides = array<i32>} : memref<64x128xf32, #tpu.memory_space<vmem>>, vector<16xf32>,
        %get3A_1765 = arith.index_cast %add3A_1726 : i32 to index
        %get3A_1766 = arith.constant 80 : index
        %get3A_1767 = tpu.vector_load %arg22[%get3A_1765, %get3A_1766] {strides = array<i32>} : memref<64x128xf32, #tpu.memory_space<vmem>>, vector<16xf32>,
        %mul3A_1768 = arith.mulf %get3A_1767, %broadcast_in_dim3A_1729 : vector<16xf32>
        %swap3A_1769 = arith.index_cast %add3A_1726 : i32 to index
        %swap3A_1770 = arith.constant 80 : index
        %swap3A_1771 = tpu.vector_load %arg22[%swap3A_1769, %swap3A_1770] {strides = array<i32>} : memref<64x128xf32, #tpu.memory_space<vmem>>, vector<16xf32>,
        tpu.vector_store %arg22[%swap3A_1769, %swap3A_1770], %mul3A_1768 {strides = array<i32>} : memref<64x128xf32, #tpu.memory_space<vmem>>, vector<16xf32>,
        %get3A_1772 = arith.index_cast %add3A_1726 : i32 to index
        %get3A_1773 = arith.constant 96 : index
        %get3A_1774 = tpu.vector_load %arg22[%get3A_1772, %get3A_1773] {strides = array<i32>} : memref<64x128xf32, #tpu.memory_space<vmem>>, vector<16xf32>,
        %mul3A_1775 = arith.mulf %get3A_1774, %broadcast_in_dim3A_1729 : vector<16xf32>
        %swap3A_1776 = arith.index_cast %add3A_1726 : i32 to index
        %swap3A_1777 = arith.constant 96 : index
        %swap3A_1778 = tpu.vector_load %arg22[%swap3A_1776, %swap3A_1777] {strides = array<i32>} : memref<64x128xf32, #tpu.memory_space<vmem>>, vector<16xf32>,
        tpu.vector_store %arg22[%swap3A_1776, %swap3A_1777], %mul3A_1775 {strides = array<i32>} : memref<64x128xf32, #tpu.memory_space<vmem>>, vector<16xf32>,
        %get3A_1779 = arith.index_cast %add3A_1726 : i32 to index
        %get3A_1780 = arith.constant 112 : index
        %get3A_1781 = tpu.vector_load %arg22[%get3A_1779, %get3A_1780] {strides = array<i32>} : memref<64x128xf32, #tpu.memory_space<vmem>>, vector<16xf32>,
        %mul3A_1782 = arith.mulf %get3A_1781, %broadcast_in_dim3A_1729 : vector<16xf32>
        %swap3A_1783 = arith.index_cast %add3A_1726 : i32 to index
        %swap3A_1784 = arith.constant 112 : index
        %swap3A_1785 = tpu.vector_load %arg22[%swap3A_1783, %swap3A_1784] {strides = array<i32>} : memref<64x128xf32, #tpu.memory_space<vmem>>, vector<16xf32>,
        tpu.vector_store %arg22[%swap3A_1783, %swap3A_1784], %mul3A_1782 {strides = array<i32>} : memref<64x128xf32, #tpu.memory_space<vmem>>, vector<16xf32>,
        %mul3A_1786 = arith.constant 16 : i32
        %mul3A_1787 = arith.muli %scan3A_1339, %mul3A_1786 : i32
        %add3A_1788 = arith.constant 7 : i32
        %add3A_1789 = arith.addi %mul3A_1787, %add3A_1788 : i32
        %slice3A_1790 = vector.extract_strided_slice %get3A_1344 {offsets = [7], sizes = [1], strides = [1]} : vector<16xf32> to vector<1xf32>
        %squeeze3A_1791 = vector.extract %slice3A_1790[0] : f32 from vector<1xf32>
        %broadcast_in_dim3A_1792 = vector.broadcast %squeeze3A_1791 : f32 to vector<16xf32>
        %get3A_1793 = arith.index_cast %add3A_1789 : i32 to index
        %get3A_1794 = arith.constant 0 : index
        %get3A_1795 = tpu.vector_load %arg22[%get3A_1793, %get3A_1794] {strides = array<i32>} : memref<64x128xf32, #tpu.memory_space<vmem>>, vector<16xf32>,
        %mul3A_1796 = arith.mulf %get3A_1795, %broadcast_in_dim3A_1792 : vector<16xf32>
        %swap3A_1797 = arith.index_cast %add3A_1789 : i32 to index
        %swap3A_1798 = arith.constant 0 : index
        %swap3A_1799 = tpu.vector_load %arg22[%swap3A_1797, %swap3A_1798] {strides = array<i32>} : memref<64x128xf32, #tpu.memory_space<vmem>>, vector<16xf32>,
        tpu.vector_store %arg22[%swap3A_1797, %swap3A_1798], %mul3A_1796 {strides = array<i32>} : memref<64x128xf32, #tpu.memory_space<vmem>>, vector<16xf32>,
        %get3A_1800 = arith.index_cast %add3A_1789 : i32 to index
        %get3A_1801 = arith.constant 16 : index
        %get3A_1802 = tpu.vector_load %arg22[%get3A_1800, %get3A_1801] {strides = array<i32>} : memref<64x128xf32, #tpu.memory_space<vmem>>, vector<16xf32>,
        %mul3A_1803 = arith.mulf %get3A_1802, %broadcast_in_dim3A_1792 : vector<16xf32>
        %swap3A_1804 = arith.index_cast %add3A_1789 : i32 to index
        %swap3A_1805 = arith.constant 16 : index
        %swap3A_1806 = tpu.vector_load %arg22[%swap3A_1804, %swap3A_1805] {strides = array<i32>} : memref<64x128xf32, #tpu.memory_space<vmem>>, vector<16xf32>,
        tpu.vector_store %arg22[%swap3A_1804, %swap3A_1805], %mul3A_1803 {strides = array<i32>} : memref<64x128xf32, #tpu.memory_space<vmem>>, vector<16xf32>,
        %get3A_1807 = arith.index_cast %add3A_1789 : i32 to index
        %get3A_1808 = arith.constant 32 : index
        %get3A_1809 = tpu.vector_load %arg22[%get3A_1807, %get3A_1808] {strides = array<i32>} : memref<64x128xf32, #tpu.memory_space<vmem>>, vector<16xf32>,
        %mul3A_1810 = arith.mulf %get3A_1809, %broadcast_in_dim3A_1792 : vector<16xf32>
        %swap3A_1811 = arith.index_cast %add3A_1789 : i32 to index
        %swap3A_1812 = arith.constant 32 : index
        %swap3A_1813 = tpu.vector_load %arg22[%swap3A_1811, %swap3A_1812] {strides = array<i32>} : memref<64x128xf32, #tpu.memory_space<vmem>>, vector<16xf32>,
        tpu.vector_store %arg22[%swap3A_1811, %swap3A_1812], %mul3A_1810 {strides = array<i32>} : memref<64x128xf32, #tpu.memory_space<vmem>>, vector<16xf32>,
        %get3A_1814 = arith.index_cast %add3A_1789 : i32 to index
        %get3A_1815 = arith.constant 48 : index
        %get3A_1816 = tpu.vector_load %arg22[%get3A_1814, %get3A_1815] {strides = array<i32>} : memref<64x128xf32, #tpu.memory_space<vmem>>, vector<16xf32>,
        %mul3A_1817 = arith.mulf %get3A_1816, %broadcast_in_dim3A_1792 : vector<16xf32>
        %swap3A_1818 = arith.index_cast %add3A_1789 : i32 to index
        %swap3A_1819 = arith.constant 48 : index
        %swap3A_1820 = tpu.vector_load %arg22[%swap3A_1818, %swap3A_1819] {strides = array<i32>} : memref<64x128xf32, #tpu.memory_space<vmem>>, vector<16xf32>,
        tpu.vector_store %arg22[%swap3A_1818, %swap3A_1819], %mul3A_1817 {strides = array<i32>} : memref<64x128xf32, #tpu.memory_space<vmem>>, vector<16xf32>,
        %get3A_1821 = arith.index_cast %add3A_1789 : i32 to index
        %get3A_1822 = arith.constant 64 : index
        %get3A_1823 = tpu.vector_load %arg22[%get3A_1821, %get3A_1822] {strides = array<i32>} : memref<64x128xf32, #tpu.memory_space<vmem>>, vector<16xf32>,
        %mul3A_1824 = arith.mulf %get3A_1823, %broadcast_in_dim3A_1792 : vector<16xf32>
        %swap3A_1825 = arith.index_cast %add3A_1789 : i32 to index
        %swap3A_1826 = arith.constant 64 : index
        %swap3A_1827 = tpu.vector_load %arg22[%swap3A_1825, %swap3A_1826] {strides = array<i32>} : memref<64x128xf32, #tpu.memory_space<vmem>>, vector<16xf32>,
        tpu.vector_store %arg22[%swap3A_1825, %swap3A_1826], %mul3A_1824 {strides = array<i32>} : memref<64x128xf32, #tpu.memory_space<vmem>>, vector<16xf32>,
        %get3A_1828 = arith.index_cast %add3A_1789 : i32 to index
        %get3A_1829 = arith.constant 80 : index
        %get3A_1830 = tpu.vector_load %arg22[%get3A_1828, %get3A_1829] {strides = array<i32>} : memref<64x128xf32, #tpu.memory_space<vmem>>, vector<16xf32>,
        %mul3A_1831 = arith.mulf %get3A_1830, %broadcast_in_dim3A_1792 : vector<16xf32>
        %swap3A_1832 = arith.index_cast %add3A_1789 : i32 to index
        %swap3A_1833 = arith.constant 80 : index
        %swap3A_1834 = tpu.vector_load %arg22[%swap3A_1832, %swap3A_1833] {strides = array<i32>} : memref<64x128xf32, #tpu.memory_space<vmem>>, vector<16xf32>,
        tpu.vector_store %arg22[%swap3A_1832, %swap3A_1833], %mul3A_1831 {strides = array<i32>} : memref<64x128xf32, #tpu.memory_space<vmem>>, vector<16xf32>,
        %get3A_1835 = arith.index_cast %add3A_1789 : i32 to index
        %get3A_1836 = arith.constant 96 : index
        %get3A_1837 = tpu.vector_load %arg22[%get3A_1835, %get3A_1836] {strides = array<i32>} : memref<64x128xf32, #tpu.memory_space<vmem>>, vector<16xf32>,
        %mul3A_1838 = arith.mulf %get3A_1837, %broadcast_in_dim3A_1792 : vector<16xf32>
        %swap3A_1839 = arith.index_cast %add3A_1789 : i32 to index
        %swap3A_1840 = arith.constant 96 : index
        %swap3A_1841 = tpu.vector_load %arg22[%swap3A_1839, %swap3A_1840] {strides = array<i32>} : memref<64x128xf32, #tpu.memory_space<vmem>>, vector<16xf32>,
        tpu.vector_store %arg22[%swap3A_1839, %swap3A_1840], %mul3A_1838 {strides = array<i32>} : memref<64x128xf32, #tpu.memory_space<vmem>>, vector<16xf32>,
        %get3A_1842 = arith.index_cast %add3A_1789 : i32 to index
        %get3A_1843 = arith.constant 112 : index
        %get3A_1844 = tpu.vector_load %arg22[%get3A_1842, %get3A_1843] {strides = array<i32>} : memref<64x128xf32, #tpu.memory_space<vmem>>, vector<16xf32>,
        %mul3A_1845 = arith.mulf %get3A_1844, %broadcast_in_dim3A_1792 : vector<16xf32>
        %swap3A_1846 = arith.index_cast %add3A_1789 : i32 to index
        %swap3A_1847 = arith.constant 112 : index
        %swap3A_1848 = tpu.vector_load %arg22[%swap3A_1846, %swap3A_1847] {strides = array<i32>} : memref<64x128xf32, #tpu.memory_space<vmem>>, vector<16xf32>,
        tpu.vector_store %arg22[%swap3A_1846, %swap3A_1847], %mul3A_1845 {strides = array<i32>} : memref<64x128xf32, #tpu.memory_space<vmem>>, vector<16xf32>,
        %mul3A_1849 = arith.constant 16 : i32
        %mul3A_1850 = arith.muli %scan3A_1339, %mul3A_1849 : i32
        %add3A_1851 = arith.constant 8 : i32
        %add3A_1852 = arith.addi %mul3A_1850, %add3A_1851 : i32
        %slice3A_1853 = vector.extract_strided_slice %get3A_1344 {offsets = [8], sizes = [1], strides = [1]} : vector<16xf32> to vector<1xf32>
        %squeeze3A_1854 = vector.extract %slice3A_1853[0] : f32 from vector<1xf32>
        %broadcast_in_dim3A_1855 = vector.broadcast %squeeze3A_1854 : f32 to vector<16xf32>
        %get3A_1856 = arith.index_cast %add3A_1852 : i32 to index
        %get3A_1857 = arith.constant 0 : index
        %get3A_1858 = tpu.vector_load %arg22[%get3A_1856, %get3A_1857] {strides = array<i32>} : memref<64x128xf32, #tpu.memory_space<vmem>>, vector<16xf32>,
        %mul3A_1859 = arith.mulf %get3A_1858, %broadcast_in_dim3A_1855 : vector<16xf32>
        %swap3A_1860 = arith.index_cast %add3A_1852 : i32 to index
        %swap3A_1861 = arith.constant 0 : index
        %swap3A_1862 = tpu.vector_load %arg22[%swap3A_1860, %swap3A_1861] {strides = array<i32>} : memref<64x128xf32, #tpu.memory_space<vmem>>, vector<16xf32>,
        tpu.vector_store %arg22[%swap3A_1860, %swap3A_1861], %mul3A_1859 {strides = array<i32>} : memref<64x128xf32, #tpu.memory_space<vmem>>, vector<16xf32>,
        %get3A_1863 = arith.index_cast %add3A_1852 : i32 to index
        %get3A_1864 = arith.constant 16 : index
        %get3A_1865 = tpu.vector_load %arg22[%get3A_1863, %get3A_1864] {strides = array<i32>} : memref<64x128xf32, #tpu.memory_space<vmem>>, vector<16xf32>,
        %mul3A_1866 = arith.mulf %get3A_1865, %broadcast_in_dim3A_1855 : vector<16xf32>
        %swap3A_1867 = arith.index_cast %add3A_1852 : i32 to index
        %swap3A_1868 = arith.constant 16 : index
        %swap3A_1869 = tpu.vector_load %arg22[%swap3A_1867, %swap3A_1868] {strides = array<i32>} : memref<64x128xf32, #tpu.memory_space<vmem>>, vector<16xf32>,
        tpu.vector_store %arg22[%swap3A_1867, %swap3A_1868], %mul3A_1866 {strides = array<i32>} : memref<64x128xf32, #tpu.memory_space<vmem>>, vector<16xf32>,
        %get3A_1870 = arith.index_cast %add3A_1852 : i32 to index
        %get3A_1871 = arith.constant 32 : index
        %get3A_1872 = tpu.vector_load %arg22[%get3A_1870, %get3A_1871] {strides = array<i32>} : memref<64x128xf32, #tpu.memory_space<vmem>>, vector<16xf32>,
        %mul3A_1873 = arith.mulf %get3A_1872, %broadcast_in_dim3A_1855 : vector<16xf32>
        %swap3A_1874 = arith.index_cast %add3A_1852 : i32 to index
        %swap3A_1875 = arith.constant 32 : index
        %swap3A_1876 = tpu.vector_load %arg22[%swap3A_1874, %swap3A_1875] {strides = array<i32>} : memref<64x128xf32, #tpu.memory_space<vmem>>, vector<16xf32>,
        tpu.vector_store %arg22[%swap3A_1874, %swap3A_1875], %mul3A_1873 {strides = array<i32>} : memref<64x128xf32, #tpu.memory_space<vmem>>, vector<16xf32>,
        %get3A_1877 = arith.index_cast %add3A_1852 : i32 to index
        %get3A_1878 = arith.constant 48 : index
        %get3A_1879 = tpu.vector_load %arg22[%get3A_1877, %get3A_1878] {strides = array<i32>} : memref<64x128xf32, #tpu.memory_space<vmem>>, vector<16xf32>,
        %mul3A_1880 = arith.mulf %get3A_1879, %broadcast_in_dim3A_1855 : vector<16xf32>
        %swap3A_1881 = arith.index_cast %add3A_1852 : i32 to index
        %swap3A_1882 = arith.constant 48 : index
        %swap3A_1883 = tpu.vector_load %arg22[%swap3A_1881, %swap3A_1882] {strides = array<i32>} : memref<64x128xf32, #tpu.memory_space<vmem>>, vector<16xf32>,
        tpu.vector_store %arg22[%swap3A_1881, %swap3A_1882], %mul3A_1880 {strides = array<i32>} : memref<64x128xf32, #tpu.memory_space<vmem>>, vector<16xf32>,
        %get3A_1884 = arith.index_cast %add3A_1852 : i32 to index
        %get3A_1885 = arith.constant 64 : index
        %get3A_1886 = tpu.vector_load %arg22[%get3A_1884, %get3A_1885] {strides = array<i32>} : memref<64x128xf32, #tpu.memory_space<vmem>>, vector<16xf32>,
        %mul3A_1887 = arith.mulf %get3A_1886, %broadcast_in_dim3A_1855 : vector<16xf32>
        %swap3A_1888 = arith.index_cast %add3A_1852 : i32 to index
        %swap3A_1889 = arith.constant 64 : index
        %swap3A_1890 = tpu.vector_load %arg22[%swap3A_1888, %swap3A_1889] {strides = array<i32>} : memref<64x128xf32, #tpu.memory_space<vmem>>, vector<16xf32>,
        tpu.vector_store %arg22[%swap3A_1888, %swap3A_1889], %mul3A_1887 {strides = array<i32>} : memref<64x128xf32, #tpu.memory_space<vmem>>, vector<16xf32>,
        %get3A_1891 = arith.index_cast %add3A_1852 : i32 to index
        %get3A_1892 = arith.constant 80 : index
        %get3A_1893 = tpu.vector_load %arg22[%get3A_1891, %get3A_1892] {strides = array<i32>} : memref<64x128xf32, #tpu.memory_space<vmem>>, vector<16xf32>,
        %mul3A_1894 = arith.mulf %get3A_1893, %broadcast_in_dim3A_1855 : vector<16xf32>
        %swap3A_1895 = arith.index_cast %add3A_1852 : i32 to index
        %swap3A_1896 = arith.constant 80 : index
        %swap3A_1897 = tpu.vector_load %arg22[%swap3A_1895, %swap3A_1896] {strides = array<i32>} : memref<64x128xf32, #tpu.memory_space<vmem>>, vector<16xf32>,
        tpu.vector_store %arg22[%swap3A_1895, %swap3A_1896], %mul3A_1894 {strides = array<i32>} : memref<64x128xf32, #tpu.memory_space<vmem>>, vector<16xf32>,
        %get3A_1898 = arith.index_cast %add3A_1852 : i32 to index
        %get3A_1899 = arith.constant 96 : index
        %get3A_1900 = tpu.vector_load %arg22[%get3A_1898, %get3A_1899] {strides = array<i32>} : memref<64x128xf32, #tpu.memory_space<vmem>>, vector<16xf32>,
        %mul3A_1901 = arith.mulf %get3A_1900, %broadcast_in_dim3A_1855 : vector<16xf32>
        %swap3A_1902 = arith.index_cast %add3A_1852 : i32 to index
        %swap3A_1903 = arith.constant 96 : index
        %swap3A_1904 = tpu.vector_load %arg22[%swap3A_1902, %swap3A_1903] {strides = array<i32>} : memref<64x128xf32, #tpu.memory_space<vmem>>, vector<16xf32>,
        tpu.vector_store %arg22[%swap3A_1902, %swap3A_1903], %mul3A_1901 {strides = array<i32>} : memref<64x128xf32, #tpu.memory_space<vmem>>, vector<16xf32>,
        %get3A_1905 = arith.index_cast %add3A_1852 : i32 to index
        %get3A_1906 = arith.constant 112 : index
        %get3A_1907 = tpu.vector_load %arg22[%get3A_1905, %get3A_1906] {strides = array<i32>} : memref<64x128xf32, #tpu.memory_space<vmem>>, vector<16xf32>,
        %mul3A_1908 = arith.mulf %get3A_1907, %broadcast_in_dim3A_1855 : vector<16xf32>
        %swap3A_1909 = arith.index_cast %add3A_1852 : i32 to index
        %swap3A_1910 = arith.constant 112 : index
        %swap3A_1911 = tpu.vector_load %arg22[%swap3A_1909, %swap3A_1910] {strides = array<i32>} : memref<64x128xf32, #tpu.memory_space<vmem>>, vector<16xf32>,
        tpu.vector_store %arg22[%swap3A_1909, %swap3A_1910], %mul3A_1908 {strides = array<i32>} : memref<64x128xf32, #tpu.memory_space<vmem>>, vector<16xf32>,
        %mul3A_1912 = arith.constant 16 : i32
        %mul3A_1913 = arith.muli %scan3A_1339, %mul3A_1912 : i32
        %add3A_1914 = arith.constant 9 : i32
        %add3A_1915 = arith.addi %mul3A_1913, %add3A_1914 : i32
        %slice3A_1916 = vector.extract_strided_slice %get3A_1344 {offsets = [9], sizes = [1], strides = [1]} : vector<16xf32> to vector<1xf32>
        %squeeze3A_1917 = vector.extract %slice3A_1916[0] : f32 from vector<1xf32>
        %broadcast_in_dim3A_1918 = vector.broadcast %squeeze3A_1917 : f32 to vector<16xf32>
        %get3A_1919 = arith.index_cast %add3A_1915 : i32 to index
        %get3A_1920 = arith.constant 0 : index
        %get3A_1921 = tpu.vector_load %arg22[%get3A_1919, %get3A_1920] {strides = array<i32>} : memref<64x128xf32, #tpu.memory_space<vmem>>, vector<16xf32>,
        %mul3A_1922 = arith.mulf %get3A_1921, %broadcast_in_dim3A_1918 : vector<16xf32>
        %swap3A_1923 = arith.index_cast %add3A_1915 : i32 to index
        %swap3A_1924 = arith.constant 0 : index
        %swap3A_1925 = tpu.vector_load %arg22[%swap3A_1923, %swap3A_1924] {strides = array<i32>} : memref<64x128xf32, #tpu.memory_space<vmem>>, vector<16xf32>,
        tpu.vector_store %arg22[%swap3A_1923, %swap3A_1924], %mul3A_1922 {strides = array<i32>} : memref<64x128xf32, #tpu.memory_space<vmem>>, vector<16xf32>,
        %get3A_1926 = arith.index_cast %add3A_1915 : i32 to index
        %get3A_1927 = arith.constant 16 : index
        %get3A_1928 = tpu.vector_load %arg22[%get3A_1926, %get3A_1927] {strides = array<i32>} : memref<64x128xf32, #tpu.memory_space<vmem>>, vector<16xf32>,
        %mul3A_1929 = arith.mulf %get3A_1928, %broadcast_in_dim3A_1918 : vector<16xf32>
        %swap3A_1930 = arith.index_cast %add3A_1915 : i32 to index
        %swap3A_1931 = arith.constant 16 : index
        %swap3A_1932 = tpu.vector_load %arg22[%swap3A_1930, %swap3A_1931] {strides = array<i32>} : memref<64x128xf32, #tpu.memory_space<vmem>>, vector<16xf32>,
        tpu.vector_store %arg22[%swap3A_1930, %swap3A_1931], %mul3A_1929 {strides = array<i32>} : memref<64x128xf32, #tpu.memory_space<vmem>>, vector<16xf32>,
        %get3A_1933 = arith.index_cast %add3A_1915 : i32 to index
        %get3A_1934 = arith.constant 32 : index
        %get3A_1935 = tpu.vector_load %arg22[%get3A_1933, %get3A_1934] {strides = array<i32>} : memref<64x128xf32, #tpu.memory_space<vmem>>, vector<16xf32>,
        %mul3A_1936 = arith.mulf %get3A_1935, %broadcast_in_dim3A_1918 : vector<16xf32>
        %swap3A_1937 = arith.index_cast %add3A_1915 : i32 to index
        %swap3A_1938 = arith.constant 32 : index
        %swap3A_1939 = tpu.vector_load %arg22[%swap3A_1937, %swap3A_1938] {strides = array<i32>} : memref<64x128xf32, #tpu.memory_space<vmem>>, vector<16xf32>,
        tpu.vector_store %arg22[%swap3A_1937, %swap3A_1938], %mul3A_1936 {strides = array<i32>} : memref<64x128xf32, #tpu.memory_space<vmem>>, vector<16xf32>,
        %get3A_1940 = arith.index_cast %add3A_1915 : i32 to index
        %get3A_1941 = arith.constant 48 : index
        %get3A_1942 = tpu.vector_load %arg22[%get3A_1940, %get3A_1941] {strides = array<i32>} : memref<64x128xf32, #tpu.memory_space<vmem>>, vector<16xf32>,
        %mul3A_1943 = arith.mulf %get3A_1942, %broadcast_in_dim3A_1918 : vector<16xf32>
        %swap3A_1944 = arith.index_cast %add3A_1915 : i32 to index
        %swap3A_1945 = arith.constant 48 : index
        %swap3A_1946 = tpu.vector_load %arg22[%swap3A_1944, %swap3A_1945] {strides = array<i32>} : memref<64x128xf32, #tpu.memory_space<vmem>>, vector<16xf32>,
        tpu.vector_store %arg22[%swap3A_1944, %swap3A_1945], %mul3A_1943 {strides = array<i32>} : memref<64x128xf32, #tpu.memory_space<vmem>>, vector<16xf32>,
        %get3A_1947 = arith.index_cast %add3A_1915 : i32 to index
        %get3A_1948 = arith.constant 64 : index
        %get3A_1949 = tpu.vector_load %arg22[%get3A_1947, %get3A_1948] {strides = array<i32>} : memref<64x128xf32, #tpu.memory_space<vmem>>, vector<16xf32>,
        %mul3A_1950 = arith.mulf %get3A_1949, %broadcast_in_dim3A_1918 : vector<16xf32>
        %swap3A_1951 = arith.index_cast %add3A_1915 : i32 to index
        %swap3A_1952 = arith.constant 64 : index
        %swap3A_1953 = tpu.vector_load %arg22[%swap3A_1951, %swap3A_1952] {strides = array<i32>} : memref<64x128xf32, #tpu.memory_space<vmem>>, vector<16xf32>,
        tpu.vector_store %arg22[%swap3A_1951, %swap3A_1952], %mul3A_1950 {strides = array<i32>} : memref<64x128xf32, #tpu.memory_space<vmem>>, vector<16xf32>,
        %get3A_1954 = arith.index_cast %add3A_1915 : i32 to index
        %get3A_1955 = arith.constant 80 : index
        %get3A_1956 = tpu.vector_load %arg22[%get3A_1954, %get3A_1955] {strides = array<i32>} : memref<64x128xf32, #tpu.memory_space<vmem>>, vector<16xf32>,
        %mul3A_1957 = arith.mulf %get3A_1956, %broadcast_in_dim3A_1918 : vector<16xf32>
        %swap3A_1958 = arith.index_cast %add3A_1915 : i32 to index
        %swap3A_1959 = arith.constant 80 : index
        %swap3A_1960 = tpu.vector_load %arg22[%swap3A_1958, %swap3A_1959] {strides = array<i32>} : memref<64x128xf32, #tpu.memory_space<vmem>>, vector<16xf32>,
        tpu.vector_store %arg22[%swap3A_1958, %swap3A_1959], %mul3A_1957 {strides = array<i32>} : memref<64x128xf32, #tpu.memory_space<vmem>>, vector<16xf32>,
        %get3A_1961 = arith.index_cast %add3A_1915 : i32 to index
        %get3A_1962 = arith.constant 96 : index
        %get3A_1963 = tpu.vector_load %arg22[%get3A_1961, %get3A_1962] {strides = array<i32>} : memref<64x128xf32, #tpu.memory_space<vmem>>, vector<16xf32>,
        %mul3A_1964 = arith.mulf %get3A_1963, %broadcast_in_dim3A_1918 : vector<16xf32>
        %swap3A_1965 = arith.index_cast %add3A_1915 : i32 to index
        %swap3A_1966 = arith.constant 96 : index
        %swap3A_1967 = tpu.vector_load %arg22[%swap3A_1965, %swap3A_1966] {strides = array<i32>} : memref<64x128xf32, #tpu.memory_space<vmem>>, vector<16xf32>,
        tpu.vector_store %arg22[%swap3A_1965, %swap3A_1966], %mul3A_1964 {strides = array<i32>} : memref<64x128xf32, #tpu.memory_space<vmem>>, vector<16xf32>,
        %get3A_1968 = arith.index_cast %add3A_1915 : i32 to index
        %get3A_1969 = arith.constant 112 : index
        %get3A_1970 = tpu.vector_load %arg22[%get3A_1968, %get3A_1969] {strides = array<i32>} : memref<64x128xf32, #tpu.memory_space<vmem>>, vector<16xf32>,
        %mul3A_1971 = arith.mulf %get3A_1970, %broadcast_in_dim3A_1918 : vector<16xf32>
        %swap3A_1972 = arith.index_cast %add3A_1915 : i32 to index
        %swap3A_1973 = arith.constant 112 : index
        %swap3A_1974 = tpu.vector_load %arg22[%swap3A_1972, %swap3A_1973] {strides = array<i32>} : memref<64x128xf32, #tpu.memory_space<vmem>>, vector<16xf32>,
        tpu.vector_store %arg22[%swap3A_1972, %swap3A_1973], %mul3A_1971 {strides = array<i32>} : memref<64x128xf32, #tpu.memory_space<vmem>>, vector<16xf32>,
        %mul3A_1975 = arith.constant 16 : i32
        %mul3A_1976 = arith.muli %scan3A_1339, %mul3A_1975 : i32
        %add3A_1977 = arith.constant 10 : i32
        %add3A_1978 = arith.addi %mul3A_1976, %add3A_1977 : i32
        %slice3A_1979 = vector.extract_strided_slice %get3A_1344 {offsets = [10], sizes = [1], strides = [1]} : vector<16xf32> to vector<1xf32>
        %squeeze3A_1980 = vector.extract %slice3A_1979[0] : f32 from vector<1xf32>
        %broadcast_in_dim3A_1981 = vector.broadcast %squeeze3A_1980 : f32 to vector<16xf32>
        %get3A_1982 = arith.index_cast %add3A_1978 : i32 to index
        %get3A_1983 = arith.constant 0 : index
        %get3A_1984 = tpu.vector_load %arg22[%get3A_1982, %get3A_1983] {strides = array<i32>} : memref<64x128xf32, #tpu.memory_space<vmem>>, vector<16xf32>,
        %mul3A_1985 = arith.mulf %get3A_1984, %broadcast_in_dim3A_1981 : vector<16xf32>
        %swap3A_1986 = arith.index_cast %add3A_1978 : i32 to index
        %swap3A_1987 = arith.constant 0 : index
        %swap3A_1988 = tpu.vector_load %arg22[%swap3A_1986, %swap3A_1987] {strides = array<i32>} : memref<64x128xf32, #tpu.memory_space<vmem>>, vector<16xf32>,
        tpu.vector_store %arg22[%swap3A_1986, %swap3A_1987], %mul3A_1985 {strides = array<i32>} : memref<64x128xf32, #tpu.memory_space<vmem>>, vector<16xf32>,
        %get3A_1989 = arith.index_cast %add3A_1978 : i32 to index
        %get3A_1990 = arith.constant 16 : index
        %get3A_1991 = tpu.vector_load %arg22[%get3A_1989, %get3A_1990] {strides = array<i32>} : memref<64x128xf32, #tpu.memory_space<vmem>>, vector<16xf32>,
        %mul3A_1992 = arith.mulf %get3A_1991, %broadcast_in_dim3A_1981 : vector<16xf32>
        %swap3A_1993 = arith.index_cast %add3A_1978 : i32 to index
        %swap3A_1994 = arith.constant 16 : index
        %swap3A_1995 = tpu.vector_load %arg22[%swap3A_1993, %swap3A_1994] {strides = array<i32>} : memref<64x128xf32, #tpu.memory_space<vmem>>, vector<16xf32>,
        tpu.vector_store %arg22[%swap3A_1993, %swap3A_1994], %mul3A_1992 {strides = array<i32>} : memref<64x128xf32, #tpu.memory_space<vmem>>, vector<16xf32>,
        %get3A_1996 = arith.index_cast %add3A_1978 : i32 to index
        %get3A_1997 = arith.constant 32 : index
        %get3A_1998 = tpu.vector_load %arg22[%get3A_1996, %get3A_1997] {strides = array<i32>} : memref<64x128xf32, #tpu.memory_space<vmem>>, vector<16xf32>,
        %mul3A_1999 = arith.mulf %get3A_1998, %broadcast_in_dim3A_1981 : vector<16xf32>
        %swap3A_2000 = arith.index_cast %add3A_1978 : i32 to index
        %swap3A_2001 = arith.constant 32 : index
        %swap3A_2002 = tpu.vector_load %arg22[%swap3A_2000, %swap3A_2001] {strides = array<i32>} : memref<64x128xf32, #tpu.memory_space<vmem>>, vector<16xf32>,
        tpu.vector_store %arg22[%swap3A_2000, %swap3A_2001], %mul3A_1999 {strides = array<i32>} : memref<64x128xf32, #tpu.memory_space<vmem>>, vector<16xf32>,
        %get3A_2003 = arith.index_cast %add3A_1978 : i32 to index
        %get3A_2004 = arith.constant 48 : index
        %get3A_2005 = tpu.vector_load %arg22[%get3A_2003, %get3A_2004] {strides = array<i32>} : memref<64x128xf32, #tpu.memory_space<vmem>>, vector<16xf32>,
        %mul3A_2006 = arith.mulf %get3A_2005, %broadcast_in_dim3A_1981 : vector<16xf32>
        %swap3A_2007 = arith.index_cast %add3A_1978 : i32 to index
        %swap3A_2008 = arith.constant 48 : index
        %swap3A_2009 = tpu.vector_load %arg22[%swap3A_2007, %swap3A_2008] {strides = array<i32>} : memref<64x128xf32, #tpu.memory_space<vmem>>, vector<16xf32>,
        tpu.vector_store %arg22[%swap3A_2007, %swap3A_2008], %mul3A_2006 {strides = array<i32>} : memref<64x128xf32, #tpu.memory_space<vmem>>, vector<16xf32>,
        %get3A_2010 = arith.index_cast %add3A_1978 : i32 to index
        %get3A_2011 = arith.constant 64 : index
        %get3A_2012 = tpu.vector_load %arg22[%get3A_2010, %get3A_2011] {strides = array<i32>} : memref<64x128xf32, #tpu.memory_space<vmem>>, vector<16xf32>,
        %mul3A_2013 = arith.mulf %get3A_2012, %broadcast_in_dim3A_1981 : vector<16xf32>
        %swap3A_2014 = arith.index_cast %add3A_1978 : i32 to index
        %swap3A_2015 = arith.constant 64 : index
        %swap3A_2016 = tpu.vector_load %arg22[%swap3A_2014, %swap3A_2015] {strides = array<i32>} : memref<64x128xf32, #tpu.memory_space<vmem>>, vector<16xf32>,
        tpu.vector_store %arg22[%swap3A_2014, %swap3A_2015], %mul3A_2013 {strides = array<i32>} : memref<64x128xf32, #tpu.memory_space<vmem>>, vector<16xf32>,
        %get3A_2017 = arith.index_cast %add3A_1978 : i32 to index
        %get3A_2018 = arith.constant 80 : index
        %get3A_2019 = tpu.vector_load %arg22[%get3A_2017, %get3A_2018] {strides = array<i32>} : memref<64x128xf32, #tpu.memory_space<vmem>>, vector<16xf32>,
        %mul3A_2020 = arith.mulf %get3A_2019, %broadcast_in_dim3A_1981 : vector<16xf32>
        %swap3A_2021 = arith.index_cast %add3A_1978 : i32 to index
        %swap3A_2022 = arith.constant 80 : index
        %swap3A_2023 = tpu.vector_load %arg22[%swap3A_2021, %swap3A_2022] {strides = array<i32>} : memref<64x128xf32, #tpu.memory_space<vmem>>, vector<16xf32>,
        tpu.vector_store %arg22[%swap3A_2021, %swap3A_2022], %mul3A_2020 {strides = array<i32>} : memref<64x128xf32, #tpu.memory_space<vmem>>, vector<16xf32>,
        %get3A_2024 = arith.index_cast %add3A_1978 : i32 to index
        %get3A_2025 = arith.constant 96 : index
        %get3A_2026 = tpu.vector_load %arg22[%get3A_2024, %get3A_2025] {strides = array<i32>} : memref<64x128xf32, #tpu.memory_space<vmem>>, vector<16xf32>,
        %mul3A_2027 = arith.mulf %get3A_2026, %broadcast_in_dim3A_1981 : vector<16xf32>
        %swap3A_2028 = arith.index_cast %add3A_1978 : i32 to index
        %swap3A_2029 = arith.constant 96 : index
        %swap3A_2030 = tpu.vector_load %arg22[%swap3A_2028, %swap3A_2029] {strides = array<i32>} : memref<64x128xf32, #tpu.memory_space<vmem>>, vector<16xf32>,
        tpu.vector_store %arg22[%swap3A_2028, %swap3A_2029], %mul3A_2027 {strides = array<i32>} : memref<64x128xf32, #tpu.memory_space<vmem>>, vector<16xf32>,
        %get3A_2031 = arith.index_cast %add3A_1978 : i32 to index
        %get3A_2032 = arith.constant 112 : index
        %get3A_2033 = tpu.vector_load %arg22[%get3A_2031, %get3A_2032] {strides = array<i32>} : memref<64x128xf32, #tpu.memory_space<vmem>>, vector<16xf32>,
        %mul3A_2034 = arith.mulf %get3A_2033, %broadcast_in_dim3A_1981 : vector<16xf32>
        %swap3A_2035 = arith.index_cast %add3A_1978 : i32 to index
        %swap3A_2036 = arith.constant 112 : index
        %swap3A_2037 = tpu.vector_load %arg22[%swap3A_2035, %swap3A_2036] {strides = array<i32>} : memref<64x128xf32, #tpu.memory_space<vmem>>, vector<16xf32>,
        tpu.vector_store %arg22[%swap3A_2035, %swap3A_2036], %mul3A_2034 {strides = array<i32>} : memref<64x128xf32, #tpu.memory_space<vmem>>, vector<16xf32>,
        %mul3A_2038 = arith.constant 16 : i32
        %mul3A_2039 = arith.muli %scan3A_1339, %mul3A_2038 : i32
        %add3A_2040 = arith.constant 11 : i32
        %add3A_2041 = arith.addi %mul3A_2039, %add3A_2040 : i32
        %slice3A_2042 = vector.extract_strided_slice %get3A_1344 {offsets = [11], sizes = [1], strides = [1]} : vector<16xf32> to vector<1xf32>
        %squeeze3A_2043 = vector.extract %slice3A_2042[0] : f32 from vector<1xf32>
        %broadcast_in_dim3A_2044 = vector.broadcast %squeeze3A_2043 : f32 to vector<16xf32>
        %get3A_2045 = arith.index_cast %add3A_2041 : i32 to index
        %get3A_2046 = arith.constant 0 : index
        %get3A_2047 = tpu.vector_load %arg22[%get3A_2045, %get3A_2046] {strides = array<i32>} : memref<64x128xf32, #tpu.memory_space<vmem>>, vector<16xf32>,
        %mul3A_2048 = arith.mulf %get3A_2047, %broadcast_in_dim3A_2044 : vector<16xf32>
        %swap3A_2049 = arith.index_cast %add3A_2041 : i32 to index
        %swap3A_2050 = arith.constant 0 : index
        %swap3A_2051 = tpu.vector_load %arg22[%swap3A_2049, %swap3A_2050] {strides = array<i32>} : memref<64x128xf32, #tpu.memory_space<vmem>>, vector<16xf32>,
        tpu.vector_store %arg22[%swap3A_2049, %swap3A_2050], %mul3A_2048 {strides = array<i32>} : memref<64x128xf32, #tpu.memory_space<vmem>>, vector<16xf32>,
        %get3A_2052 = arith.index_cast %add3A_2041 : i32 to index
        %get3A_2053 = arith.constant 16 : index
        %get3A_2054 = tpu.vector_load %arg22[%get3A_2052, %get3A_2053] {strides = array<i32>} : memref<64x128xf32, #tpu.memory_space<vmem>>, vector<16xf32>,
        %mul3A_2055 = arith.mulf %get3A_2054, %broadcast_in_dim3A_2044 : vector<16xf32>
        %swap3A_2056 = arith.index_cast %add3A_2041 : i32 to index
        %swap3A_2057 = arith.constant 16 : index
        %swap3A_2058 = tpu.vector_load %arg22[%swap3A_2056, %swap3A_2057] {strides = array<i32>} : memref<64x128xf32, #tpu.memory_space<vmem>>, vector<16xf32>,
        tpu.vector_store %arg22[%swap3A_2056, %swap3A_2057], %mul3A_2055 {strides = array<i32>} : memref<64x128xf32, #tpu.memory_space<vmem>>, vector<16xf32>,
        %get3A_2059 = arith.index_cast %add3A_2041 : i32 to index
        %get3A_2060 = arith.constant 32 : index
        %get3A_2061 = tpu.vector_load %arg22[%get3A_2059, %get3A_2060] {strides = array<i32>} : memref<64x128xf32, #tpu.memory_space<vmem>>, vector<16xf32>,
        %mul3A_2062 = arith.mulf %get3A_2061, %broadcast_in_dim3A_2044 : vector<16xf32>
        %swap3A_2063 = arith.index_cast %add3A_2041 : i32 to index
        %swap3A_2064 = arith.constant 32 : index
        %swap3A_2065 = tpu.vector_load %arg22[%swap3A_2063, %swap3A_2064] {strides = array<i32>} : memref<64x128xf32, #tpu.memory_space<vmem>>, vector<16xf32>,
        tpu.vector_store %arg22[%swap3A_2063, %swap3A_2064], %mul3A_2062 {strides = array<i32>} : memref<64x128xf32, #tpu.memory_space<vmem>>, vector<16xf32>,
        %get3A_2066 = arith.index_cast %add3A_2041 : i32 to index
        %get3A_2067 = arith.constant 48 : index
        %get3A_2068 = tpu.vector_load %arg22[%get3A_2066, %get3A_2067] {strides = array<i32>} : memref<64x128xf32, #tpu.memory_space<vmem>>, vector<16xf32>,
        %mul3A_2069 = arith.mulf %get3A_2068, %broadcast_in_dim3A_2044 : vector<16xf32>
        %swap3A_2070 = arith.index_cast %add3A_2041 : i32 to index
        %swap3A_2071 = arith.constant 48 : index
        %swap3A_2072 = tpu.vector_load %arg22[%swap3A_2070, %swap3A_2071] {strides = array<i32>} : memref<64x128xf32, #tpu.memory_space<vmem>>, vector<16xf32>,
        tpu.vector_store %arg22[%swap3A_2070, %swap3A_2071], %mul3A_2069 {strides = array<i32>} : memref<64x128xf32, #tpu.memory_space<vmem>>, vector<16xf32>,
        %get3A_2073 = arith.index_cast %add3A_2041 : i32 to index
        %get3A_2074 = arith.constant 64 : index
        %get3A_2075 = tpu.vector_load %arg22[%get3A_2073, %get3A_2074] {strides = array<i32>} : memref<64x128xf32, #tpu.memory_space<vmem>>, vector<16xf32>,
        %mul3A_2076 = arith.mulf %get3A_2075, %broadcast_in_dim3A_2044 : vector<16xf32>
        %swap3A_2077 = arith.index_cast %add3A_2041 : i32 to index
        %swap3A_2078 = arith.constant 64 : index
        %swap3A_2079 = tpu.vector_load %arg22[%swap3A_2077, %swap3A_2078] {strides = array<i32>} : memref<64x128xf32, #tpu.memory_space<vmem>>, vector<16xf32>,
        tpu.vector_store %arg22[%swap3A_2077, %swap3A_2078], %mul3A_2076 {strides = array<i32>} : memref<64x128xf32, #tpu.memory_space<vmem>>, vector<16xf32>,
        %get3A_2080 = arith.index_cast %add3A_2041 : i32 to index
        %get3A_2081 = arith.constant 80 : index
        %get3A_2082 = tpu.vector_load %arg22[%get3A_2080, %get3A_2081] {strides = array<i32>} : memref<64x128xf32, #tpu.memory_space<vmem>>, vector<16xf32>,
        %mul3A_2083 = arith.mulf %get3A_2082, %broadcast_in_dim3A_2044 : vector<16xf32>
        %swap3A_2084 = arith.index_cast %add3A_2041 : i32 to index
        %swap3A_2085 = arith.constant 80 : index
        %swap3A_2086 = tpu.vector_load %arg22[%swap3A_2084, %swap3A_2085] {strides = array<i32>} : memref<64x128xf32, #tpu.memory_space<vmem>>, vector<16xf32>,
        tpu.vector_store %arg22[%swap3A_2084, %swap3A_2085], %mul3A_2083 {strides = array<i32>} : memref<64x128xf32, #tpu.memory_space<vmem>>, vector<16xf32>,
        %get3A_2087 = arith.index_cast %add3A_2041 : i32 to index
        %get3A_2088 = arith.constant 96 : index
        %get3A_2089 = tpu.vector_load %arg22[%get3A_2087, %get3A_2088] {strides = array<i32>} : memref<64x128xf32, #tpu.memory_space<vmem>>, vector<16xf32>,
        %mul3A_2090 = arith.mulf %get3A_2089, %broadcast_in_dim3A_2044 : vector<16xf32>
        %swap3A_2091 = arith.index_cast %add3A_2041 : i32 to index
        %swap3A_2092 = arith.constant 96 : index
        %swap3A_2093 = tpu.vector_load %arg22[%swap3A_2091, %swap3A_2092] {strides = array<i32>} : memref<64x128xf32, #tpu.memory_space<vmem>>, vector<16xf32>,
        tpu.vector_store %arg22[%swap3A_2091, %swap3A_2092], %mul3A_2090 {strides = array<i32>} : memref<64x128xf32, #tpu.memory_space<vmem>>, vector<16xf32>,
        %get3A_2094 = arith.index_cast %add3A_2041 : i32 to index
        %get3A_2095 = arith.constant 112 : index
        %get3A_2096 = tpu.vector_load %arg22[%get3A_2094, %get3A_2095] {strides = array<i32>} : memref<64x128xf32, #tpu.memory_space<vmem>>, vector<16xf32>,
        %mul3A_2097 = arith.mulf %get3A_2096, %broadcast_in_dim3A_2044 : vector<16xf32>
        %swap3A_2098 = arith.index_cast %add3A_2041 : i32 to index
        %swap3A_2099 = arith.constant 112 : index
        %swap3A_2100 = tpu.vector_load %arg22[%swap3A_2098, %swap3A_2099] {strides = array<i32>} : memref<64x128xf32, #tpu.memory_space<vmem>>, vector<16xf32>,
        tpu.vector_store %arg22[%swap3A_2098, %swap3A_2099], %mul3A_2097 {strides = array<i32>} : memref<64x128xf32, #tpu.memory_space<vmem>>, vector<16xf32>,
        %mul3A_2101 = arith.constant 16 : i32
        %mul3A_2102 = arith.muli %scan3A_1339, %mul3A_2101 : i32
        %add3A_2103 = arith.constant 12 : i32
        %add3A_2104 = arith.addi %mul3A_2102, %add3A_2103 : i32
        %slice3A_2105 = vector.extract_strided_slice %get3A_1344 {offsets = [12], sizes = [1], strides = [1]} : vector<16xf32> to vector<1xf32>
        %squeeze3A_2106 = vector.extract %slice3A_2105[0] : f32 from vector<1xf32>
        %broadcast_in_dim3A_2107 = vector.broadcast %squeeze3A_2106 : f32 to vector<16xf32>
        %get3A_2108 = arith.index_cast %add3A_2104 : i32 to index
        %get3A_2109 = arith.constant 0 : index
        %get3A_2110 = tpu.vector_load %arg22[%get3A_2108, %get3A_2109] {strides = array<i32>} : memref<64x128xf32, #tpu.memory_space<vmem>>, vector<16xf32>,
        %mul3A_2111 = arith.mulf %get3A_2110, %broadcast_in_dim3A_2107 : vector<16xf32>
        %swap3A_2112 = arith.index_cast %add3A_2104 : i32 to index
        %swap3A_2113 = arith.constant 0 : index
        %swap3A_2114 = tpu.vector_load %arg22[%swap3A_2112, %swap3A_2113] {strides = array<i32>} : memref<64x128xf32, #tpu.memory_space<vmem>>, vector<16xf32>,
        tpu.vector_store %arg22[%swap3A_2112, %swap3A_2113], %mul3A_2111 {strides = array<i32>} : memref<64x128xf32, #tpu.memory_space<vmem>>, vector<16xf32>,
        %get3A_2115 = arith.index_cast %add3A_2104 : i32 to index
        %get3A_2116 = arith.constant 16 : index
        %get3A_2117 = tpu.vector_load %arg22[%get3A_2115, %get3A_2116] {strides = array<i32>} : memref<64x128xf32, #tpu.memory_space<vmem>>, vector<16xf32>,
        %mul3A_2118 = arith.mulf %get3A_2117, %broadcast_in_dim3A_2107 : vector<16xf32>
        %swap3A_2119 = arith.index_cast %add3A_2104 : i32 to index
        %swap3A_2120 = arith.constant 16 : index
        %swap3A_2121 = tpu.vector_load %arg22[%swap3A_2119, %swap3A_2120] {strides = array<i32>} : memref<64x128xf32, #tpu.memory_space<vmem>>, vector<16xf32>,
        tpu.vector_store %arg22[%swap3A_2119, %swap3A_2120], %mul3A_2118 {strides = array<i32>} : memref<64x128xf32, #tpu.memory_space<vmem>>, vector<16xf32>,
        %get3A_2122 = arith.index_cast %add3A_2104 : i32 to index
        %get3A_2123 = arith.constant 32 : index
        %get3A_2124 = tpu.vector_load %arg22[%get3A_2122, %get3A_2123] {strides = array<i32>} : memref<64x128xf32, #tpu.memory_space<vmem>>, vector<16xf32>,
        %mul3A_2125 = arith.mulf %get3A_2124, %broadcast_in_dim3A_2107 : vector<16xf32>
        %swap3A_2126 = arith.index_cast %add3A_2104 : i32 to index
        %swap3A_2127 = arith.constant 32 : index
        %swap3A_2128 = tpu.vector_load %arg22[%swap3A_2126, %swap3A_2127] {strides = array<i32>} : memref<64x128xf32, #tpu.memory_space<vmem>>, vector<16xf32>,
        tpu.vector_store %arg22[%swap3A_2126, %swap3A_2127], %mul3A_2125 {strides = array<i32>} : memref<64x128xf32, #tpu.memory_space<vmem>>, vector<16xf32>,
        %get3A_2129 = arith.index_cast %add3A_2104 : i32 to index
        %get3A_2130 = arith.constant 48 : index
        %get3A_2131 = tpu.vector_load %arg22[%get3A_2129, %get3A_2130] {strides = array<i32>} : memref<64x128xf32, #tpu.memory_space<vmem>>, vector<16xf32>,
        %mul3A_2132 = arith.mulf %get3A_2131, %broadcast_in_dim3A_2107 : vector<16xf32>
        %swap3A_2133 = arith.index_cast %add3A_2104 : i32 to index
        %swap3A_2134 = arith.constant 48 : index
        %swap3A_2135 = tpu.vector_load %arg22[%swap3A_2133, %swap3A_2134] {strides = array<i32>} : memref<64x128xf32, #tpu.memory_space<vmem>>, vector<16xf32>,
        tpu.vector_store %arg22[%swap3A_2133, %swap3A_2134], %mul3A_2132 {strides = array<i32>} : memref<64x128xf32, #tpu.memory_space<vmem>>, vector<16xf32>,
        %get3A_2136 = arith.index_cast %add3A_2104 : i32 to index
        %get3A_2137 = arith.constant 64 : index
        %get3A_2138 = tpu.vector_load %arg22[%get3A_2136, %get3A_2137] {strides = array<i32>} : memref<64x128xf32, #tpu.memory_space<vmem>>, vector<16xf32>,
        %mul3A_2139 = arith.mulf %get3A_2138, %broadcast_in_dim3A_2107 : vector<16xf32>
        %swap3A_2140 = arith.index_cast %add3A_2104 : i32 to index
        %swap3A_2141 = arith.constant 64 : index
        %swap3A_2142 = tpu.vector_load %arg22[%swap3A_2140, %swap3A_2141] {strides = array<i32>} : memref<64x128xf32, #tpu.memory_space<vmem>>, vector<16xf32>,
        tpu.vector_store %arg22[%swap3A_2140, %swap3A_2141], %mul3A_2139 {strides = array<i32>} : memref<64x128xf32, #tpu.memory_space<vmem>>, vector<16xf32>,
        %get3A_2143 = arith.index_cast %add3A_2104 : i32 to index
        %get3A_2144 = arith.constant 80 : index
        %get3A_2145 = tpu.vector_load %arg22[%get3A_2143, %get3A_2144] {strides = array<i32>} : memref<64x128xf32, #tpu.memory_space<vmem>>, vector<16xf32>,
        %mul3A_2146 = arith.mulf %get3A_2145, %broadcast_in_dim3A_2107 : vector<16xf32>
        %swap3A_2147 = arith.index_cast %add3A_2104 : i32 to index
        %swap3A_2148 = arith.constant 80 : index
        %swap3A_2149 = tpu.vector_load %arg22[%swap3A_2147, %swap3A_2148] {strides = array<i32>} : memref<64x128xf32, #tpu.memory_space<vmem>>, vector<16xf32>,
        tpu.vector_store %arg22[%swap3A_2147, %swap3A_2148], %mul3A_2146 {strides = array<i32>} : memref<64x128xf32, #tpu.memory_space<vmem>>, vector<16xf32>,
        %get3A_2150 = arith.index_cast %add3A_2104 : i32 to index
        %get3A_2151 = arith.constant 96 : index
        %get3A_2152 = tpu.vector_load %arg22[%get3A_2150, %get3A_2151] {strides = array<i32>} : memref<64x128xf32, #tpu.memory_space<vmem>>, vector<16xf32>,
        %mul3A_2153 = arith.mulf %get3A_2152, %broadcast_in_dim3A_2107 : vector<16xf32>
        %swap3A_2154 = arith.index_cast %add3A_2104 : i32 to index
        %swap3A_2155 = arith.constant 96 : index
        %swap3A_2156 = tpu.vector_load %arg22[%swap3A_2154, %swap3A_2155] {strides = array<i32>} : memref<64x128xf32, #tpu.memory_space<vmem>>, vector<16xf32>,
        tpu.vector_store %arg22[%swap3A_2154, %swap3A_2155], %mul3A_2153 {strides = array<i32>} : memref<64x128xf32, #tpu.memory_space<vmem>>, vector<16xf32>,
        %get3A_2157 = arith.index_cast %add3A_2104 : i32 to index
        %get3A_2158 = arith.constant 112 : index
        %get3A_2159 = tpu.vector_load %arg22[%get3A_2157, %get3A_2158] {strides = array<i32>} : memref<64x128xf32, #tpu.memory_space<vmem>>, vector<16xf32>,
        %mul3A_2160 = arith.mulf %get3A_2159, %broadcast_in_dim3A_2107 : vector<16xf32>
        %swap3A_2161 = arith.index_cast %add3A_2104 : i32 to index
        %swap3A_2162 = arith.constant 112 : index
        %swap3A_2163 = tpu.vector_load %arg22[%swap3A_2161, %swap3A_2162] {strides = array<i32>} : memref<64x128xf32, #tpu.memory_space<vmem>>, vector<16xf32>,
        tpu.vector_store %arg22[%swap3A_2161, %swap3A_2162], %mul3A_2160 {strides = array<i32>} : memref<64x128xf32, #tpu.memory_space<vmem>>, vector<16xf32>,
        %mul3A_2164 = arith.constant 16 : i32
        %mul3A_2165 = arith.muli %scan3A_1339, %mul3A_2164 : i32
        %add3A_2166 = arith.constant 13 : i32
        %add3A_2167 = arith.addi %mul3A_2165, %add3A_2166 : i32
        %slice3A_2168 = vector.extract_strided_slice %get3A_1344 {offsets = [13], sizes = [1], strides = [1]} : vector<16xf32> to vector<1xf32>
        %squeeze3A_2169 = vector.extract %slice3A_2168[0] : f32 from vector<1xf32>
        %broadcast_in_dim3A_2170 = vector.broadcast %squeeze3A_2169 : f32 to vector<16xf32>
        %get3A_2171 = arith.index_cast %add3A_2167 : i32 to index
        %get3A_2172 = arith.constant 0 : index
        %get3A_2173 = tpu.vector_load %arg22[%get3A_2171, %get3A_2172] {strides = array<i32>} : memref<64x128xf32, #tpu.memory_space<vmem>>, vector<16xf32>,
        %mul3A_2174 = arith.mulf %get3A_2173, %broadcast_in_dim3A_2170 : vector<16xf32>
        %swap3A_2175 = arith.index_cast %add3A_2167 : i32 to index
        %swap3A_2176 = arith.constant 0 : index
        %swap3A_2177 = tpu.vector_load %arg22[%swap3A_2175, %swap3A_2176] {strides = array<i32>} : memref<64x128xf32, #tpu.memory_space<vmem>>, vector<16xf32>,
        tpu.vector_store %arg22[%swap3A_2175, %swap3A_2176], %mul3A_2174 {strides = array<i32>} : memref<64x128xf32, #tpu.memory_space<vmem>>, vector<16xf32>,
        %get3A_2178 = arith.index_cast %add3A_2167 : i32 to index
        %get3A_2179 = arith.constant 16 : index
        %get3A_2180 = tpu.vector_load %arg22[%get3A_2178, %get3A_2179] {strides = array<i32>} : memref<64x128xf32, #tpu.memory_space<vmem>>, vector<16xf32>,
        %mul3A_2181 = arith.mulf %get3A_2180, %broadcast_in_dim3A_2170 : vector<16xf32>
        %swap3A_2182 = arith.index_cast %add3A_2167 : i32 to index
        %swap3A_2183 = arith.constant 16 : index
        %swap3A_2184 = tpu.vector_load %arg22[%swap3A_2182, %swap3A_2183] {strides = array<i32>} : memref<64x128xf32, #tpu.memory_space<vmem>>, vector<16xf32>,
        tpu.vector_store %arg22[%swap3A_2182, %swap3A_2183], %mul3A_2181 {strides = array<i32>} : memref<64x128xf32, #tpu.memory_space<vmem>>, vector<16xf32>,
        %get3A_2185 = arith.index_cast %add3A_2167 : i32 to index
        %get3A_2186 = arith.constant 32 : index
        %get3A_2187 = tpu.vector_load %arg22[%get3A_2185, %get3A_2186] {strides = array<i32>} : memref<64x128xf32, #tpu.memory_space<vmem>>, vector<16xf32>,
        %mul3A_2188 = arith.mulf %get3A_2187, %broadcast_in_dim3A_2170 : vector<16xf32>
        %swap3A_2189 = arith.index_cast %add3A_2167 : i32 to index
        %swap3A_2190 = arith.constant 32 : index
        %swap3A_2191 = tpu.vector_load %arg22[%swap3A_2189, %swap3A_2190] {strides = array<i32>} : memref<64x128xf32, #tpu.memory_space<vmem>>, vector<16xf32>,
        tpu.vector_store %arg22[%swap3A_2189, %swap3A_2190], %mul3A_2188 {strides = array<i32>} : memref<64x128xf32, #tpu.memory_space<vmem>>, vector<16xf32>,
        %get3A_2192 = arith.index_cast %add3A_2167 : i32 to index
        %get3A_2193 = arith.constant 48 : index
        %get3A_2194 = tpu.vector_load %arg22[%get3A_2192, %get3A_2193] {strides = array<i32>} : memref<64x128xf32, #tpu.memory_space<vmem>>, vector<16xf32>,
        %mul3A_2195 = arith.mulf %get3A_2194, %broadcast_in_dim3A_2170 : vector<16xf32>
        %swap3A_2196 = arith.index_cast %add3A_2167 : i32 to index
        %swap3A_2197 = arith.constant 48 : index
        %swap3A_2198 = tpu.vector_load %arg22[%swap3A_2196, %swap3A_2197] {strides = array<i32>} : memref<64x128xf32, #tpu.memory_space<vmem>>, vector<16xf32>,
        tpu.vector_store %arg22[%swap3A_2196, %swap3A_2197], %mul3A_2195 {strides = array<i32>} : memref<64x128xf32, #tpu.memory_space<vmem>>, vector<16xf32>,
        %get3A_2199 = arith.index_cast %add3A_2167 : i32 to index
        %get3A_2200 = arith.constant 64 : index
        %get3A_2201 = tpu.vector_load %arg22[%get3A_2199, %get3A_2200] {strides = array<i32>} : memref<64x128xf32, #tpu.memory_space<vmem>>, vector<16xf32>,
        %mul3A_2202 = arith.mulf %get3A_2201, %broadcast_in_dim3A_2170 : vector<16xf32>
        %swap3A_2203 = arith.index_cast %add3A_2167 : i32 to index
        %swap3A_2204 = arith.constant 64 : index
        %swap3A_2205 = tpu.vector_load %arg22[%swap3A_2203, %swap3A_2204] {strides = array<i32>} : memref<64x128xf32, #tpu.memory_space<vmem>>, vector<16xf32>,
        tpu.vector_store %arg22[%swap3A_2203, %swap3A_2204], %mul3A_2202 {strides = array<i32>} : memref<64x128xf32, #tpu.memory_space<vmem>>, vector<16xf32>,
        %get3A_2206 = arith.index_cast %add3A_2167 : i32 to index
        %get3A_2207 = arith.constant 80 : index
        %get3A_2208 = tpu.vector_load %arg22[%get3A_2206, %get3A_2207] {strides = array<i32>} : memref<64x128xf32, #tpu.memory_space<vmem>>, vector<16xf32>,
        %mul3A_2209 = arith.mulf %get3A_2208, %broadcast_in_dim3A_2170 : vector<16xf32>
        %swap3A_2210 = arith.index_cast %add3A_2167 : i32 to index
        %swap3A_2211 = arith.constant 80 : index
        %swap3A_2212 = tpu.vector_load %arg22[%swap3A_2210, %swap3A_2211] {strides = array<i32>} : memref<64x128xf32, #tpu.memory_space<vmem>>, vector<16xf32>,
        tpu.vector_store %arg22[%swap3A_2210, %swap3A_2211], %mul3A_2209 {strides = array<i32>} : memref<64x128xf32, #tpu.memory_space<vmem>>, vector<16xf32>,
        %get3A_2213 = arith.index_cast %add3A_2167 : i32 to index
        %get3A_2214 = arith.constant 96 : index
        %get3A_2215 = tpu.vector_load %arg22[%get3A_2213, %get3A_2214] {strides = array<i32>} : memref<64x128xf32, #tpu.memory_space<vmem>>, vector<16xf32>,
        %mul3A_2216 = arith.mulf %get3A_2215, %broadcast_in_dim3A_2170 : vector<16xf32>
        %swap3A_2217 = arith.index_cast %add3A_2167 : i32 to index
        %swap3A_2218 = arith.constant 96 : index
        %swap3A_2219 = tpu.vector_load %arg22[%swap3A_2217, %swap3A_2218] {strides = array<i32>} : memref<64x128xf32, #tpu.memory_space<vmem>>, vector<16xf32>,
        tpu.vector_store %arg22[%swap3A_2217, %swap3A_2218], %mul3A_2216 {strides = array<i32>} : memref<64x128xf32, #tpu.memory_space<vmem>>, vector<16xf32>,
        %get3A_2220 = arith.index_cast %add3A_2167 : i32 to index
        %get3A_2221 = arith.constant 112 : index
        %get3A_2222 = tpu.vector_load %arg22[%get3A_2220, %get3A_2221] {strides = array<i32>} : memref<64x128xf32, #tpu.memory_space<vmem>>, vector<16xf32>,
        %mul3A_2223 = arith.mulf %get3A_2222, %broadcast_in_dim3A_2170 : vector<16xf32>
        %swap3A_2224 = arith.index_cast %add3A_2167 : i32 to index
        %swap3A_2225 = arith.constant 112 : index
        %swap3A_2226 = tpu.vector_load %arg22[%swap3A_2224, %swap3A_2225] {strides = array<i32>} : memref<64x128xf32, #tpu.memory_space<vmem>>, vector<16xf32>,
        tpu.vector_store %arg22[%swap3A_2224, %swap3A_2225], %mul3A_2223 {strides = array<i32>} : memref<64x128xf32, #tpu.memory_space<vmem>>, vector<16xf32>,
        %mul3A_2227 = arith.constant 16 : i32
        %mul3A_2228 = arith.muli %scan3A_1339, %mul3A_2227 : i32
        %add3A_2229 = arith.constant 14 : i32
        %add3A_2230 = arith.addi %mul3A_2228, %add3A_2229 : i32
        %slice3A_2231 = vector.extract_strided_slice %get3A_1344 {offsets = [14], sizes = [1], strides = [1]} : vector<16xf32> to vector<1xf32>
        %squeeze3A_2232 = vector.extract %slice3A_2231[0] : f32 from vector<1xf32>
        %broadcast_in_dim3A_2233 = vector.broadcast %squeeze3A_2232 : f32 to vector<16xf32>
        %get3A_2234 = arith.index_cast %add3A_2230 : i32 to index
        %get3A_2235 = arith.constant 0 : index
        %get3A_2236 = tpu.vector_load %arg22[%get3A_2234, %get3A_2235] {strides = array<i32>} : memref<64x128xf32, #tpu.memory_space<vmem>>, vector<16xf32>,
        %mul3A_2237 = arith.mulf %get3A_2236, %broadcast_in_dim3A_2233 : vector<16xf32>
        %swap3A_2238 = arith.index_cast %add3A_2230 : i32 to index
        %swap3A_2239 = arith.constant 0 : index
        %swap3A_2240 = tpu.vector_load %arg22[%swap3A_2238, %swap3A_2239] {strides = array<i32>} : memref<64x128xf32, #tpu.memory_space<vmem>>, vector<16xf32>,
        tpu.vector_store %arg22[%swap3A_2238, %swap3A_2239], %mul3A_2237 {strides = array<i32>} : memref<64x128xf32, #tpu.memory_space<vmem>>, vector<16xf32>,
        %get3A_2241 = arith.index_cast %add3A_2230 : i32 to index
        %get3A_2242 = arith.constant 16 : index
        %get3A_2243 = tpu.vector_load %arg22[%get3A_2241, %get3A_2242] {strides = array<i32>} : memref<64x128xf32, #tpu.memory_space<vmem>>, vector<16xf32>,
        %mul3A_2244 = arith.mulf %get3A_2243, %broadcast_in_dim3A_2233 : vector<16xf32>
        %swap3A_2245 = arith.index_cast %add3A_2230 : i32 to index
        %swap3A_2246 = arith.constant 16 : index
        %swap3A_2247 = tpu.vector_load %arg22[%swap3A_2245, %swap3A_2246] {strides = array<i32>} : memref<64x128xf32, #tpu.memory_space<vmem>>, vector<16xf32>,
        tpu.vector_store %arg22[%swap3A_2245, %swap3A_2246], %mul3A_2244 {strides = array<i32>} : memref<64x128xf32, #tpu.memory_space<vmem>>, vector<16xf32>,
        %get3A_2248 = arith.index_cast %add3A_2230 : i32 to index
        %get3A_2249 = arith.constant 32 : index
        %get3A_2250 = tpu.vector_load %arg22[%get3A_2248, %get3A_2249] {strides = array<i32>} : memref<64x128xf32, #tpu.memory_space<vmem>>, vector<16xf32>,
        %mul3A_2251 = arith.mulf %get3A_2250, %broadcast_in_dim3A_2233 : vector<16xf32>
        %swap3A_2252 = arith.index_cast %add3A_2230 : i32 to index
        %swap3A_2253 = arith.constant 32 : index
        %swap3A_2254 = tpu.vector_load %arg22[%swap3A_2252, %swap3A_2253] {strides = array<i32>} : memref<64x128xf32, #tpu.memory_space<vmem>>, vector<16xf32>,
        tpu.vector_store %arg22[%swap3A_2252, %swap3A_2253], %mul3A_2251 {strides = array<i32>} : memref<64x128xf32, #tpu.memory_space<vmem>>, vector<16xf32>,
        %get3A_2255 = arith.index_cast %add3A_2230 : i32 to index
        %get3A_2256 = arith.constant 48 : index
        %get3A_2257 = tpu.vector_load %arg22[%get3A_2255, %get3A_2256] {strides = array<i32>} : memref<64x128xf32, #tpu.memory_space<vmem>>, vector<16xf32>,
        %mul3A_2258 = arith.mulf %get3A_2257, %broadcast_in_dim3A_2233 : vector<16xf32>
        %swap3A_2259 = arith.index_cast %add3A_2230 : i32 to index
        %swap3A_2260 = arith.constant 48 : index
        %swap3A_2261 = tpu.vector_load %arg22[%swap3A_2259, %swap3A_2260] {strides = array<i32>} : memref<64x128xf32, #tpu.memory_space<vmem>>, vector<16xf32>,
        tpu.vector_store %arg22[%swap3A_2259, %swap3A_2260], %mul3A_2258 {strides = array<i32>} : memref<64x128xf32, #tpu.memory_space<vmem>>, vector<16xf32>,
        %get3A_2262 = arith.index_cast %add3A_2230 : i32 to index
        %get3A_2263 = arith.constant 64 : index
        %get3A_2264 = tpu.vector_load %arg22[%get3A_2262, %get3A_2263] {strides = array<i32>} : memref<64x128xf32, #tpu.memory_space<vmem>>, vector<16xf32>,
        %mul3A_2265 = arith.mulf %get3A_2264, %broadcast_in_dim3A_2233 : vector<16xf32>
        %swap3A_2266 = arith.index_cast %add3A_2230 : i32 to index
        %swap3A_2267 = arith.constant 64 : index
        %swap3A_2268 = tpu.vector_load %arg22[%swap3A_2266, %swap3A_2267] {strides = array<i32>} : memref<64x128xf32, #tpu.memory_space<vmem>>, vector<16xf32>,
        tpu.vector_store %arg22[%swap3A_2266, %swap3A_2267], %mul3A_2265 {strides = array<i32>} : memref<64x128xf32, #tpu.memory_space<vmem>>, vector<16xf32>,
        %get3A_2269 = arith.index_cast %add3A_2230 : i32 to index
        %get3A_2270 = arith.constant 80 : index
        %get3A_2271 = tpu.vector_load %arg22[%get3A_2269, %get3A_2270] {strides = array<i32>} : memref<64x128xf32, #tpu.memory_space<vmem>>, vector<16xf32>,
        %mul3A_2272 = arith.mulf %get3A_2271, %broadcast_in_dim3A_2233 : vector<16xf32>
        %swap3A_2273 = arith.index_cast %add3A_2230 : i32 to index
        %swap3A_2274 = arith.constant 80 : index
        %swap3A_2275 = tpu.vector_load %arg22[%swap3A_2273, %swap3A_2274] {strides = array<i32>} : memref<64x128xf32, #tpu.memory_space<vmem>>, vector<16xf32>,
        tpu.vector_store %arg22[%swap3A_2273, %swap3A_2274], %mul3A_2272 {strides = array<i32>} : memref<64x128xf32, #tpu.memory_space<vmem>>, vector<16xf32>,
        %get3A_2276 = arith.index_cast %add3A_2230 : i32 to index
        %get3A_2277 = arith.constant 96 : index
        %get3A_2278 = tpu.vector_load %arg22[%get3A_2276, %get3A_2277] {strides = array<i32>} : memref<64x128xf32, #tpu.memory_space<vmem>>, vector<16xf32>,
        %mul3A_2279 = arith.mulf %get3A_2278, %broadcast_in_dim3A_2233 : vector<16xf32>
        %swap3A_2280 = arith.index_cast %add3A_2230 : i32 to index
        %swap3A_2281 = arith.constant 96 : index
        %swap3A_2282 = tpu.vector_load %arg22[%swap3A_2280, %swap3A_2281] {strides = array<i32>} : memref<64x128xf32, #tpu.memory_space<vmem>>, vector<16xf32>,
        tpu.vector_store %arg22[%swap3A_2280, %swap3A_2281], %mul3A_2279 {strides = array<i32>} : memref<64x128xf32, #tpu.memory_space<vmem>>, vector<16xf32>,
        %get3A_2283 = arith.index_cast %add3A_2230 : i32 to index
        %get3A_2284 = arith.constant 112 : index
        %get3A_2285 = tpu.vector_load %arg22[%get3A_2283, %get3A_2284] {strides = array<i32>} : memref<64x128xf32, #tpu.memory_space<vmem>>, vector<16xf32>,
        %mul3A_2286 = arith.mulf %get3A_2285, %broadcast_in_dim3A_2233 : vector<16xf32>
        %swap3A_2287 = arith.index_cast %add3A_2230 : i32 to index
        %swap3A_2288 = arith.constant 112 : index
        %swap3A_2289 = tpu.vector_load %arg22[%swap3A_2287, %swap3A_2288] {strides = array<i32>} : memref<64x128xf32, #tpu.memory_space<vmem>>, vector<16xf32>,
        tpu.vector_store %arg22[%swap3A_2287, %swap3A_2288], %mul3A_2286 {strides = array<i32>} : memref<64x128xf32, #tpu.memory_space<vmem>>, vector<16xf32>,
        %mul3A_2290 = arith.constant 16 : i32
        %mul3A_2291 = arith.muli %scan3A_1339, %mul3A_2290 : i32
        %add3A_2292 = arith.constant 15 : i32
        %add3A_2293 = arith.addi %mul3A_2291, %add3A_2292 : i32
        %slice3A_2294 = vector.extract_strided_slice %get3A_1344 {offsets = [15], sizes = [1], strides = [1]} : vector<16xf32> to vector<1xf32>
        %squeeze3A_2295 = vector.extract %slice3A_2294[0] : f32 from vector<1xf32>
        %broadcast_in_dim3A_2296 = vector.broadcast %squeeze3A_2295 : f32 to vector<16xf32>
        %get3A_2297 = arith.index_cast %add3A_2293 : i32 to index
        %get3A_2298 = arith.constant 0 : index
        %get3A_2299 = tpu.vector_load %arg22[%get3A_2297, %get3A_2298] {strides = array<i32>} : memref<64x128xf32, #tpu.memory_space<vmem>>, vector<16xf32>,
        %mul3A_2300 = arith.mulf %get3A_2299, %broadcast_in_dim3A_2296 : vector<16xf32>
        %swap3A_2301 = arith.index_cast %add3A_2293 : i32 to index
        %swap3A_2302 = arith.constant 0 : index
        %swap3A_2303 = tpu.vector_load %arg22[%swap3A_2301, %swap3A_2302] {strides = array<i32>} : memref<64x128xf32, #tpu.memory_space<vmem>>, vector<16xf32>,
        tpu.vector_store %arg22[%swap3A_2301, %swap3A_2302], %mul3A_2300 {strides = array<i32>} : memref<64x128xf32, #tpu.memory_space<vmem>>, vector<16xf32>,
        %get3A_2304 = arith.index_cast %add3A_2293 : i32 to index
        %get3A_2305 = arith.constant 16 : index
        %get3A_2306 = tpu.vector_load %arg22[%get3A_2304, %get3A_2305] {strides = array<i32>} : memref<64x128xf32, #tpu.memory_space<vmem>>, vector<16xf32>,
        %mul3A_2307 = arith.mulf %get3A_2306, %broadcast_in_dim3A_2296 : vector<16xf32>
        %swap3A_2308 = arith.index_cast %add3A_2293 : i32 to index
        %swap3A_2309 = arith.constant 16 : index
        %swap3A_2310 = tpu.vector_load %arg22[%swap3A_2308, %swap3A_2309] {strides = array<i32>} : memref<64x128xf32, #tpu.memory_space<vmem>>, vector<16xf32>,
        tpu.vector_store %arg22[%swap3A_2308, %swap3A_2309], %mul3A_2307 {strides = array<i32>} : memref<64x128xf32, #tpu.memory_space<vmem>>, vector<16xf32>,
        %get3A_2311 = arith.index_cast %add3A_2293 : i32 to index
        %get3A_2312 = arith.constant 32 : index
        %get3A_2313 = tpu.vector_load %arg22[%get3A_2311, %get3A_2312] {strides = array<i32>} : memref<64x128xf32, #tpu.memory_space<vmem>>, vector<16xf32>,
        %mul3A_2314 = arith.mulf %get3A_2313, %broadcast_in_dim3A_2296 : vector<16xf32>
        %swap3A_2315 = arith.index_cast %add3A_2293 : i32 to index
        %swap3A_2316 = arith.constant 32 : index
        %swap3A_2317 = tpu.vector_load %arg22[%swap3A_2315, %swap3A_2316] {strides = array<i32>} : memref<64x128xf32, #tpu.memory_space<vmem>>, vector<16xf32>,
        tpu.vector_store %arg22[%swap3A_2315, %swap3A_2316], %mul3A_2314 {strides = array<i32>} : memref<64x128xf32, #tpu.memory_space<vmem>>, vector<16xf32>,
        %get3A_2318 = arith.index_cast %add3A_2293 : i32 to index
        %get3A_2319 = arith.constant 48 : index
        %get3A_2320 = tpu.vector_load %arg22[%get3A_2318, %get3A_2319] {strides = array<i32>} : memref<64x128xf32, #tpu.memory_space<vmem>>, vector<16xf32>,
        %mul3A_2321 = arith.mulf %get3A_2320, %broadcast_in_dim3A_2296 : vector<16xf32>
        %swap3A_2322 = arith.index_cast %add3A_2293 : i32 to index
        %swap3A_2323 = arith.constant 48 : index
        %swap3A_2324 = tpu.vector_load %arg22[%swap3A_2322, %swap3A_2323] {strides = array<i32>} : memref<64x128xf32, #tpu.memory_space<vmem>>, vector<16xf32>,
        tpu.vector_store %arg22[%swap3A_2322, %swap3A_2323], %mul3A_2321 {strides = array<i32>} : memref<64x128xf32, #tpu.memory_space<vmem>>, vector<16xf32>,
        %get3A_2325 = arith.index_cast %add3A_2293 : i32 to index
        %get3A_2326 = arith.constant 64 : index
        %get3A_2327 = tpu.vector_load %arg22[%get3A_2325, %get3A_2326] {strides = array<i32>} : memref<64x128xf32, #tpu.memory_space<vmem>>, vector<16xf32>,
        %mul3A_2328 = arith.mulf %get3A_2327, %broadcast_in_dim3A_2296 : vector<16xf32>
        %swap3A_2329 = arith.index_cast %add3A_2293 : i32 to index
        %swap3A_2330 = arith.constant 64 : index
        %swap3A_2331 = tpu.vector_load %arg22[%swap3A_2329, %swap3A_2330] {strides = array<i32>} : memref<64x128xf32, #tpu.memory_space<vmem>>, vector<16xf32>,
        tpu.vector_store %arg22[%swap3A_2329, %swap3A_2330], %mul3A_2328 {strides = array<i32>} : memref<64x128xf32, #tpu.memory_space<vmem>>, vector<16xf32>,
        %get3A_2332 = arith.index_cast %add3A_2293 : i32 to index
        %get3A_2333 = arith.constant 80 : index
        %get3A_2334 = tpu.vector_load %arg22[%get3A_2332, %get3A_2333] {strides = array<i32>} : memref<64x128xf32, #tpu.memory_space<vmem>>, vector<16xf32>,
        %mul3A_2335 = arith.mulf %get3A_2334, %broadcast_in_dim3A_2296 : vector<16xf32>
        %swap3A_2336 = arith.index_cast %add3A_2293 : i32 to index
        %swap3A_2337 = arith.constant 80 : index
        %swap3A_2338 = tpu.vector_load %arg22[%swap3A_2336, %swap3A_2337] {strides = array<i32>} : memref<64x128xf32, #tpu.memory_space<vmem>>, vector<16xf32>,
        tpu.vector_store %arg22[%swap3A_2336, %swap3A_2337], %mul3A_2335 {strides = array<i32>} : memref<64x128xf32, #tpu.memory_space<vmem>>, vector<16xf32>,
        %get3A_2339 = arith.index_cast %add3A_2293 : i32 to index
        %get3A_2340 = arith.constant 96 : index
        %get3A_2341 = tpu.vector_load %arg22[%get3A_2339, %get3A_2340] {strides = array<i32>} : memref<64x128xf32, #tpu.memory_space<vmem>>, vector<16xf32>,
        %mul3A_2342 = arith.mulf %get3A_2341, %broadcast_in_dim3A_2296 : vector<16xf32>
        %swap3A_2343 = arith.index_cast %add3A_2293 : i32 to index
        %swap3A_2344 = arith.constant 96 : index
        %swap3A_2345 = tpu.vector_load %arg22[%swap3A_2343, %swap3A_2344] {strides = array<i32>} : memref<64x128xf32, #tpu.memory_space<vmem>>, vector<16xf32>,
        tpu.vector_store %arg22[%swap3A_2343, %swap3A_2344], %mul3A_2342 {strides = array<i32>} : memref<64x128xf32, #tpu.memory_space<vmem>>, vector<16xf32>,
        %get3A_2346 = arith.index_cast %add3A_2293 : i32 to index
        %get3A_2347 = arith.constant 112 : index
        %get3A_2348 = tpu.vector_load %arg22[%get3A_2346, %get3A_2347] {strides = array<i32>} : memref<64x128xf32, #tpu.memory_space<vmem>>, vector<16xf32>,
        %mul3A_2349 = arith.mulf %get3A_2348, %broadcast_in_dim3A_2296 : vector<16xf32>
        %swap3A_2350 = arith.index_cast %add3A_2293 : i32 to index
        %swap3A_2351 = arith.constant 112 : index
        %swap3A_2352 = tpu.vector_load %arg22[%swap3A_2350, %swap3A_2351] {strides = array<i32>} : memref<64x128xf32, #tpu.memory_space<vmem>>, vector<16xf32>,
        tpu.vector_store %arg22[%swap3A_2350, %swap3A_2351], %mul3A_2349 {strides = array<i32>} : memref<64x128xf32, #tpu.memory_space<vmem>>, vector<16xf32>,
        %scan3A_2353 = arith.constant 0 : i32
        scf.yield %scan3A_2353 : i32
      }
      %scan3A_1337 = arith.constant 4 : i32
      "tpu.region"() ({
        %run_scoped3A_1339 = tpu.sem_alloc : memref<!tpu.dma_semaphore, #tpu.memory_space<semaphore_mem>>
        %dma_start3A_1340 = arith.constant 0 : i32
        %dma_start3A_1341 = arith.constant 0 : i32
        %dma_start3A_1342 = tpu.memref_slice %arg23[%dma_start3A_1340, %dma_start3A_1341] : memref<10000x128xf32, #tpu.memory_space<vmem_shared>> -> memref<10000x128xf32, #tpu.memory_space<vmem_shared>>
        tpu.enqueue_indirect_dma source(%arg22 : memref<64x128xf32, #tpu.memory_space<vmem>>) target(%dma_start3A_1342 : memref<10000x128xf32, #tpu.memory_space<vmem_shared>>) offsets(%arg18 : memref<64xi32, #tpu.memory_space<vmem>>) semaphore(%run_scoped3A_1339 : memref<!tpu.dma_semaphore, #tpu.memory_space<semaphore_mem>>) {add = true}
        %dma_wait3A_1343 = arith.constant 0 : i32
        %dma_wait3A_1344 = arith.constant 0 : i32
        %dma_wait3A_1345 = tpu.memref_slice %arg23[%dma_wait3A_1343, %dma_wait3A_1344] : memref<10000x128xf32, #tpu.memory_space<vmem_shared>> -> memref<10000x128xf32, #tpu.memory_space<vmem_shared>>
        tpu.wait_indirect_dma semaphore(%run_scoped3A_1339 : memref<!tpu.dma_semaphore, #tpu.memory_space<semaphore_mem>>) src(%arg22 : memref<64x128xf32, #tpu.memory_space<vmem>>) dst(%dma_wait3A_1345 : memref<10000x128xf32, #tpu.memory_space<vmem_shared>>)
        tpu.yield
      }) : () -> ()
      %scan3A_1338 = arith.constant 0 : i32
      scf.yield %scan3A_1338 : i32
    }
    %scan3A_65 = arith.constant 156 : i32
    %add3A_66 = arith.constant 9984 : i32
    %add3A_67 = arith.addi %mul3A_58, %add3A_66 : i32
    "tpu.region"() ({
      %run_scoped3A_1313 = tpu.sem_alloc : memref<!tpu.dma_semaphore, #tpu.memory_space<semaphore_mem>>
      %dma_start3A_1314 = tpu.memref_slice %arg2[%add3A_67] : memref<320000xi32, #tpu.memory_space<hbm>> -> memref<16xi32, #tpu.memory_space<hbm>>
      %dma_start3A_1315 = tpu.memref_slice %arg2[%add3A_67] : memref<320000xi32, #tpu.memory_space<hbm>> -> memref<16xi32, #tpu.memory_space<hbm>>
      tpu.enqueue_dma source(%dma_start3A_1315 : memref<16xi32, #tpu.memory_space<hbm>>) target(%arg19 : memref<16xi32, #tpu.memory_space<vmem>>) target_semaphore(%run_scoped3A_1313 : memref<!tpu.dma_semaphore, #tpu.memory_space<semaphore_mem>>)
      %dma_wait3A_1316 = tpu.memref_slice %arg2[%add3A_67] : memref<320000xi32, #tpu.memory_space<hbm>> -> memref<16xi32, #tpu.memory_space<hbm>>
      %dma_wait3A_1317 = tpu.memref_slice %arg2[%add3A_67] : memref<320000xi32, #tpu.memory_space<hbm>> -> memref<16xi32, #tpu.memory_space<hbm>>
      tpu.wait_dma2 semaphore(%run_scoped3A_1313 : memref<!tpu.dma_semaphore, #tpu.memory_space<semaphore_mem>>) src(%dma_wait3A_1317 : memref<16xi32, #tpu.memory_space<hbm>>) dst(%arg19 : memref<16xi32, #tpu.memory_space<vmem>>)
      tpu.yield
    }) : () -> ()
    "tpu.region"() ({
      %run_scoped3A_1313 = tpu.sem_alloc : memref<!tpu.dma_semaphore, #tpu.memory_space<semaphore_mem>>
      %dma_start3A_1314 = tpu.memref_slice %arg3[%add3A_67] : memref<320000xi32, #tpu.memory_space<hbm>> -> memref<16xi32, #tpu.memory_space<hbm>>
      %dma_start3A_1315 = tpu.memref_slice %arg3[%add3A_67] : memref<320000xi32, #tpu.memory_space<hbm>> -> memref<16xi32, #tpu.memory_space<hbm>>
      tpu.enqueue_dma source(%dma_start3A_1315 : memref<16xi32, #tpu.memory_space<hbm>>) target(%arg20 : memref<16xi32, #tpu.memory_space<vmem>>) target_semaphore(%run_scoped3A_1313 : memref<!tpu.dma_semaphore, #tpu.memory_space<semaphore_mem>>)
      %dma_wait3A_1316 = tpu.memref_slice %arg3[%add3A_67] : memref<320000xi32, #tpu.memory_space<hbm>> -> memref<16xi32, #tpu.memory_space<hbm>>
      %dma_wait3A_1317 = tpu.memref_slice %arg3[%add3A_67] : memref<320000xi32, #tpu.memory_space<hbm>> -> memref<16xi32, #tpu.memory_space<hbm>>
      tpu.wait_dma2 semaphore(%run_scoped3A_1313 : memref<!tpu.dma_semaphore, #tpu.memory_space<semaphore_mem>>) src(%dma_wait3A_1317 : memref<16xi32, #tpu.memory_space<hbm>>) dst(%arg20 : memref<16xi32, #tpu.memory_space<vmem>>)
      tpu.yield
    }) : () -> ()
    %get3A = arith.constant 0 : index
    %get3A_68 = tpu.vector_load %arg19[%get3A] {strides = array<i32>} : memref<16xi32, #tpu.memory_space<vmem>>, vector<16xi32>,
    %get3A_69 = arith.constant 0 : index
    %get3A_70 = tpu.vector_load %arg20[%get3A_69] {strides = array<i32>} : memref<16xi32, #tpu.memory_space<vmem>>, vector<16xi32>,
    %shift_right_arithmetic3A = arith.constant 7 : i32
    %shift_right_arithmetic3A_71 = vector.broadcast %shift_right_arithmetic3A : i32 to vector<16xi32>
    %shift_right_arithmetic3A_72 = arith.shrsi %get3A_70, %shift_right_arithmetic3A_71 : vector<16xi32>
    %and3A = arith.constant 127 : i32
    %and3A_73 = vector.broadcast %and3A : i32 to vector<16xi32>
    %and3A_74 = arith.andi %get3A_70, %and3A_73 : vector<16xi32>
    %gather3A = tpu.vector_load_idx %arg11[%shift_right_arithmetic3A_72, %and3A_74] : memref<80x128xf32, #tpu.memory_space<vmem>>[vector<16xi32>, vector<16xi32>], vector<16xf32>,
    %shift_right_arithmetic3A_75 = arith.constant 7 : i32
    %shift_right_arithmetic3A_76 = vector.broadcast %shift_right_arithmetic3A_75 : i32 to vector<16xi32>
    %shift_right_arithmetic3A_77 = arith.shrsi %get3A_68, %shift_right_arithmetic3A_76 : vector<16xi32>
    %and3A_78 = arith.constant 127 : i32
    %and3A_79 = vector.broadcast %and3A_78 : i32 to vector<16xi32>
    %and3A_80 = arith.andi %get3A_68, %and3A_79 : vector<16xi32>
    %gather3A_81 = tpu.vector_load_idx %arg10[%shift_right_arithmetic3A_77, %and3A_80] : memref<80x128xf32, #tpu.memory_space<vmem>>[vector<16xi32>, vector<16xi32>], vector<16xf32>,
    %add3A_82 = arith.addf %gather3A, %gather3A_81 : vector<16xf32>
    %ge3A = arith.constant 0.000000e+00 : f32
    %ge3A_83 = vector.broadcast %ge3A : f32 to vector<16xf32>
    %ge3A_84 = arith.cmpf oge, %add3A_82, %ge3A_83 : vector<16xf32>
    %mul3A_85 = arith.constant 2.000000e-01 : f32
    %mul3A_86 = vector.broadcast %mul3A_85 : f32 to vector<16xf32>
    %mul3A_87 = arith.mulf %mul3A_86, %add3A_82 : vector<16xf32>
    %select_n3A = arith.select %ge3A_84, %add3A_82, %mul3A_87 : vector<16xi1>, vector<16xf32>
    %shift_right_arithmetic3A_88 = arith.constant 7 : i32
    %shift_right_arithmetic3A_89 = vector.broadcast %shift_right_arithmetic3A_88 : i32 to vector<16xi32>
    %shift_right_arithmetic3A_90 = arith.shrsi %get3A_70, %shift_right_arithmetic3A_89 : vector<16xi32>
    %and3A_91 = arith.constant 127 : i32
    %and3A_92 = vector.broadcast %and3A_91 : i32 to vector<16xi32>
    %and3A_93 = arith.andi %get3A_70, %and3A_92 : vector<16xi32>
    %gather3A_94 = tpu.vector_load_idx %arg12[%shift_right_arithmetic3A_90, %and3A_93] : memref<80x128xf32, #tpu.memory_space<vmem>>[vector<16xi32>, vector<16xi32>], vector<16xf32>,
    %gather3A_95 = tpu.vector_load_idx %arg13[%shift_right_arithmetic3A_90, %and3A_93] : memref<80x128xf32, #tpu.memory_space<vmem>>[vector<16xi32>, vector<16xi32>], vector<16xf32>,
    %sub3A = arith.subf %select_n3A, %gather3A_94 : vector<16xf32>
    %exp3A = math.exp %sub3A : vector<16xf32>
    %add3A_96 = arith.constant 1.000000e-16 : f32
    %add3A_97 = vector.broadcast %add3A_96 : f32 to vector<16xf32>
    %add3A_98 = arith.addf %gather3A_95, %add3A_97 : vector<16xf32>
    %div3A = arith.divf %exp3A, %add3A_98 : vector<16xf32>
    %dma_start3A = arith.constant 0 : i32
    %dma_start3A_99 = arith.constant 0 : i32
    %dma_start3A_100 = tpu.memref_slice %arg22[%dma_start3A, %dma_start3A_99] : memref<64x128xf32, #tpu.memory_space<vmem>> -> memref<16x128xf32, #tpu.memory_space<vmem>>
    %dma_start3A_101 = arith.constant 0 : i32
    %dma_start3A_102 = arith.constant 0 : i32
    %dma_start3A_103 = tpu.memref_slice %arg6[%dma_start3A_101, %dma_start3A_102] : memref<10240x128xf32, #tpu.memory_space<hbm>> -> memref<10240x128xf32, #tpu.memory_space<hbm>>
    tpu.enqueue_indirect_dma source(%dma_start3A_103 : memref<10240x128xf32, #tpu.memory_space<hbm>>) target(%dma_start3A_100 : memref<16x128xf32, #tpu.memory_space<vmem>>) offsets(%arg19 : memref<16xi32, #tpu.memory_space<vmem>>) semaphore(%arg24 : memref<!tpu.dma_semaphore, #tpu.memory_space<semaphore_mem>>)
    %dma_wait3A = arith.constant 0 : i32
    %dma_wait3A_104 = arith.constant 0 : i32
    %dma_wait3A_105 = tpu.memref_slice %arg22[%dma_wait3A, %dma_wait3A_104] : memref<64x128xf32, #tpu.memory_space<vmem>> -> memref<16x128xf32, #tpu.memory_space<vmem>>
    %dma_wait3A_106 = arith.constant 0 : i32
    %dma_wait3A_107 = arith.constant 0 : i32
    %dma_wait3A_108 = tpu.memref_slice %arg6[%dma_wait3A_106, %dma_wait3A_107] : memref<10240x128xf32, #tpu.memory_space<hbm>> -> memref<10240x128xf32, #tpu.memory_space<hbm>>
    tpu.wait_indirect_dma semaphore(%arg24 : memref<!tpu.dma_semaphore, #tpu.memory_space<semaphore_mem>>) src(%dma_wait3A_108 : memref<10240x128xf32, #tpu.memory_space<hbm>>) dst(%dma_wait3A_105 : memref<16x128xf32, #tpu.memory_space<vmem>>)
    %slice3A = vector.extract_strided_slice %div3A {offsets = [0], sizes = [1], strides = [1]} : vector<16xf32> to vector<1xf32>
    %squeeze3A = vector.extract %slice3A[0] : f32 from vector<1xf32>
    %broadcast_in_dim3A = vector.broadcast %squeeze3A : f32 to vector<16xf32>
    %get3A_109 = arith.constant 0 : i32
    %get3A_110 = arith.index_cast %get3A_109 : i32 to index
    %get3A_111 = arith.constant 0 : index
    %get3A_112 = tpu.vector_load %arg22[%get3A_110, %get3A_111] {strides = array<i32>} : memref<64x128xf32, #tpu.memory_space<vmem>>, vector<16xf32>,
    %mul3A_113 = arith.mulf %get3A_112, %broadcast_in_dim3A : vector<16xf32>
    %swap3A = arith.constant 0 : i32
    %swap3A_114 = arith.index_cast %swap3A : i32 to index
    %swap3A_115 = arith.constant 0 : index
    %swap3A_116 = tpu.vector_load %arg22[%swap3A_114, %swap3A_115] {strides = array<i32>} : memref<64x128xf32, #tpu.memory_space<vmem>>, vector<16xf32>,
    tpu.vector_store %arg22[%swap3A_114, %swap3A_115], %mul3A_113 {strides = array<i32>} : memref<64x128xf32, #tpu.memory_space<vmem>>, vector<16xf32>,
    %get3A_117 = arith.constant 0 : i32
    %get3A_118 = arith.index_cast %get3A_117 : i32 to index
    %get3A_119 = arith.constant 16 : index
    %get3A_120 = tpu.vector_load %arg22[%get3A_118, %get3A_119] {strides = array<i32>} : memref<64x128xf32, #tpu.memory_space<vmem>>, vector<16xf32>,
    %mul3A_121 = arith.mulf %get3A_120, %broadcast_in_dim3A : vector<16xf32>
    %swap3A_122 = arith.constant 0 : i32
    %swap3A_123 = arith.index_cast %swap3A_122 : i32 to index
    %swap3A_124 = arith.constant 16 : index
    %swap3A_125 = tpu.vector_load %arg22[%swap3A_123, %swap3A_124] {strides = array<i32>} : memref<64x128xf32, #tpu.memory_space<vmem>>, vector<16xf32>,
    tpu.vector_store %arg22[%swap3A_123, %swap3A_124], %mul3A_121 {strides = array<i32>} : memref<64x128xf32, #tpu.memory_space<vmem>>, vector<16xf32>,
    %get3A_126 = arith.constant 0 : i32
    %get3A_127 = arith.index_cast %get3A_126 : i32 to index
    %get3A_128 = arith.constant 32 : index
    %get3A_129 = tpu.vector_load %arg22[%get3A_127, %get3A_128] {strides = array<i32>} : memref<64x128xf32, #tpu.memory_space<vmem>>, vector<16xf32>,
    %mul3A_130 = arith.mulf %get3A_129, %broadcast_in_dim3A : vector<16xf32>
    %swap3A_131 = arith.constant 0 : i32
    %swap3A_132 = arith.index_cast %swap3A_131 : i32 to index
    %swap3A_133 = arith.constant 32 : index
    %swap3A_134 = tpu.vector_load %arg22[%swap3A_132, %swap3A_133] {strides = array<i32>} : memref<64x128xf32, #tpu.memory_space<vmem>>, vector<16xf32>,
    tpu.vector_store %arg22[%swap3A_132, %swap3A_133], %mul3A_130 {strides = array<i32>} : memref<64x128xf32, #tpu.memory_space<vmem>>, vector<16xf32>,
    %get3A_135 = arith.constant 0 : i32
    %get3A_136 = arith.index_cast %get3A_135 : i32 to index
    %get3A_137 = arith.constant 48 : index
    %get3A_138 = tpu.vector_load %arg22[%get3A_136, %get3A_137] {strides = array<i32>} : memref<64x128xf32, #tpu.memory_space<vmem>>, vector<16xf32>,
    %mul3A_139 = arith.mulf %get3A_138, %broadcast_in_dim3A : vector<16xf32>
    %swap3A_140 = arith.constant 0 : i32
    %swap3A_141 = arith.index_cast %swap3A_140 : i32 to index
    %swap3A_142 = arith.constant 48 : index
    %swap3A_143 = tpu.vector_load %arg22[%swap3A_141, %swap3A_142] {strides = array<i32>} : memref<64x128xf32, #tpu.memory_space<vmem>>, vector<16xf32>,
    tpu.vector_store %arg22[%swap3A_141, %swap3A_142], %mul3A_139 {strides = array<i32>} : memref<64x128xf32, #tpu.memory_space<vmem>>, vector<16xf32>,
    %get3A_144 = arith.constant 0 : i32
    %get3A_145 = arith.index_cast %get3A_144 : i32 to index
    %get3A_146 = arith.constant 64 : index
    %get3A_147 = tpu.vector_load %arg22[%get3A_145, %get3A_146] {strides = array<i32>} : memref<64x128xf32, #tpu.memory_space<vmem>>, vector<16xf32>,
    %mul3A_148 = arith.mulf %get3A_147, %broadcast_in_dim3A : vector<16xf32>
    %swap3A_149 = arith.constant 0 : i32
    %swap3A_150 = arith.index_cast %swap3A_149 : i32 to index
    %swap3A_151 = arith.constant 64 : index
    %swap3A_152 = tpu.vector_load %arg22[%swap3A_150, %swap3A_151] {strides = array<i32>} : memref<64x128xf32, #tpu.memory_space<vmem>>, vector<16xf32>,
    tpu.vector_store %arg22[%swap3A_150, %swap3A_151], %mul3A_148 {strides = array<i32>} : memref<64x128xf32, #tpu.memory_space<vmem>>, vector<16xf32>,
    %get3A_153 = arith.constant 0 : i32
    %get3A_154 = arith.index_cast %get3A_153 : i32 to index
    %get3A_155 = arith.constant 80 : index
    %get3A_156 = tpu.vector_load %arg22[%get3A_154, %get3A_155] {strides = array<i32>} : memref<64x128xf32, #tpu.memory_space<vmem>>, vector<16xf32>,
    %mul3A_157 = arith.mulf %get3A_156, %broadcast_in_dim3A : vector<16xf32>
    %swap3A_158 = arith.constant 0 : i32
    %swap3A_159 = arith.index_cast %swap3A_158 : i32 to index
    %swap3A_160 = arith.constant 80 : index
    %swap3A_161 = tpu.vector_load %arg22[%swap3A_159, %swap3A_160] {strides = array<i32>} : memref<64x128xf32, #tpu.memory_space<vmem>>, vector<16xf32>,
    tpu.vector_store %arg22[%swap3A_159, %swap3A_160], %mul3A_157 {strides = array<i32>} : memref<64x128xf32, #tpu.memory_space<vmem>>, vector<16xf32>,
    %get3A_162 = arith.constant 0 : i32
    %get3A_163 = arith.index_cast %get3A_162 : i32 to index
    %get3A_164 = arith.constant 96 : index
    %get3A_165 = tpu.vector_load %arg22[%get3A_163, %get3A_164] {strides = array<i32>} : memref<64x128xf32, #tpu.memory_space<vmem>>, vector<16xf32>,
    %mul3A_166 = arith.mulf %get3A_165, %broadcast_in_dim3A : vector<16xf32>
    %swap3A_167 = arith.constant 0 : i32
    %swap3A_168 = arith.index_cast %swap3A_167 : i32 to index
    %swap3A_169 = arith.constant 96 : index
    %swap3A_170 = tpu.vector_load %arg22[%swap3A_168, %swap3A_169] {strides = array<i32>} : memref<64x128xf32, #tpu.memory_space<vmem>>, vector<16xf32>,
    tpu.vector_store %arg22[%swap3A_168, %swap3A_169], %mul3A_166 {strides = array<i32>} : memref<64x128xf32, #tpu.memory_space<vmem>>, vector<16xf32>,
    %get3A_171 = arith.constant 0 : i32
    %get3A_172 = arith.index_cast %get3A_171 : i32 to index
    %get3A_173 = arith.constant 112 : index
    %get3A_174 = tpu.vector_load %arg22[%get3A_172, %get3A_173] {strides = array<i32>} : memref<64x128xf32, #tpu.memory_space<vmem>>, vector<16xf32>,
    %mul3A_175 = arith.mulf %get3A_174, %broadcast_in_dim3A : vector<16xf32>
    %swap3A_176 = arith.constant 0 : i32
    %swap3A_177 = arith.index_cast %swap3A_176 : i32 to index
    %swap3A_178 = arith.constant 112 : index
    %swap3A_179 = tpu.vector_load %arg22[%swap3A_177, %swap3A_178] {strides = array<i32>} : memref<64x128xf32, #tpu.memory_space<vmem>>, vector<16xf32>,
    tpu.vector_store %arg22[%swap3A_177, %swap3A_178], %mul3A_175 {strides = array<i32>} : memref<64x128xf32, #tpu.memory_space<vmem>>, vector<16xf32>,
    %slice3A_180 = vector.extract_strided_slice %div3A {offsets = [1], sizes = [1], strides = [1]} : vector<16xf32> to vector<1xf32>
    %squeeze3A_181 = vector.extract %slice3A_180[0] : f32 from vector<1xf32>
    %broadcast_in_dim3A_182 = vector.broadcast %squeeze3A_181 : f32 to vector<16xf32>
    %get3A_183 = arith.constant 1 : i32
    %get3A_184 = arith.index_cast %get3A_183 : i32 to index
    %get3A_185 = arith.constant 0 : index
    %get3A_186 = tpu.vector_load %arg22[%get3A_184, %get3A_185] {strides = array<i32>} : memref<64x128xf32, #tpu.memory_space<vmem>>, vector<16xf32>,
    %mul3A_187 = arith.mulf %get3A_186, %broadcast_in_dim3A_182 : vector<16xf32>
    %swap3A_188 = arith.constant 1 : i32
    %swap3A_189 = arith.index_cast %swap3A_188 : i32 to index
    %swap3A_190 = arith.constant 0 : index
    %swap3A_191 = tpu.vector_load %arg22[%swap3A_189, %swap3A_190] {strides = array<i32>} : memref<64x128xf32, #tpu.memory_space<vmem>>, vector<16xf32>,
    tpu.vector_store %arg22[%swap3A_189, %swap3A_190], %mul3A_187 {strides = array<i32>} : memref<64x128xf32, #tpu.memory_space<vmem>>, vector<16xf32>,
    %get3A_192 = arith.constant 1 : i32
    %get3A_193 = arith.index_cast %get3A_192 : i32 to index
    %get3A_194 = arith.constant 16 : index
    %get3A_195 = tpu.vector_load %arg22[%get3A_193, %get3A_194] {strides = array<i32>} : memref<64x128xf32, #tpu.memory_space<vmem>>, vector<16xf32>,
    %mul3A_196 = arith.mulf %get3A_195, %broadcast_in_dim3A_182 : vector<16xf32>
    %swap3A_197 = arith.constant 1 : i32
    %swap3A_198 = arith.index_cast %swap3A_197 : i32 to index
    %swap3A_199 = arith.constant 16 : index
    %swap3A_200 = tpu.vector_load %arg22[%swap3A_198, %swap3A_199] {strides = array<i32>} : memref<64x128xf32, #tpu.memory_space<vmem>>, vector<16xf32>,
    tpu.vector_store %arg22[%swap3A_198, %swap3A_199], %mul3A_196 {strides = array<i32>} : memref<64x128xf32, #tpu.memory_space<vmem>>, vector<16xf32>,
    %get3A_201 = arith.constant 1 : i32
    %get3A_202 = arith.index_cast %get3A_201 : i32 to index
    %get3A_203 = arith.constant 32 : index
    %get3A_204 = tpu.vector_load %arg22[%get3A_202, %get3A_203] {strides = array<i32>} : memref<64x128xf32, #tpu.memory_space<vmem>>, vector<16xf32>,
    %mul3A_205 = arith.mulf %get3A_204, %broadcast_in_dim3A_182 : vector<16xf32>
    %swap3A_206 = arith.constant 1 : i32
    %swap3A_207 = arith.index_cast %swap3A_206 : i32 to index
    %swap3A_208 = arith.constant 32 : index
    %swap3A_209 = tpu.vector_load %arg22[%swap3A_207, %swap3A_208] {strides = array<i32>} : memref<64x128xf32, #tpu.memory_space<vmem>>, vector<16xf32>,
    tpu.vector_store %arg22[%swap3A_207, %swap3A_208], %mul3A_205 {strides = array<i32>} : memref<64x128xf32, #tpu.memory_space<vmem>>, vector<16xf32>,
    %get3A_210 = arith.constant 1 : i32
    %get3A_211 = arith.index_cast %get3A_210 : i32 to index
    %get3A_212 = arith.constant 48 : index
    %get3A_213 = tpu.vector_load %arg22[%get3A_211, %get3A_212] {strides = array<i32>} : memref<64x128xf32, #tpu.memory_space<vmem>>, vector<16xf32>,
    %mul3A_214 = arith.mulf %get3A_213, %broadcast_in_dim3A_182 : vector<16xf32>
    %swap3A_215 = arith.constant 1 : i32
    %swap3A_216 = arith.index_cast %swap3A_215 : i32 to index
    %swap3A_217 = arith.constant 48 : index
    %swap3A_218 = tpu.vector_load %arg22[%swap3A_216, %swap3A_217] {strides = array<i32>} : memref<64x128xf32, #tpu.memory_space<vmem>>, vector<16xf32>,
    tpu.vector_store %arg22[%swap3A_216, %swap3A_217], %mul3A_214 {strides = array<i32>} : memref<64x128xf32, #tpu.memory_space<vmem>>, vector<16xf32>,
    %get3A_219 = arith.constant 1 : i32
    %get3A_220 = arith.index_cast %get3A_219 : i32 to index
    %get3A_221 = arith.constant 64 : index
    %get3A_222 = tpu.vector_load %arg22[%get3A_220, %get3A_221] {strides = array<i32>} : memref<64x128xf32, #tpu.memory_space<vmem>>, vector<16xf32>,
    %mul3A_223 = arith.mulf %get3A_222, %broadcast_in_dim3A_182 : vector<16xf32>
    %swap3A_224 = arith.constant 1 : i32
    %swap3A_225 = arith.index_cast %swap3A_224 : i32 to index
    %swap3A_226 = arith.constant 64 : index
    %swap3A_227 = tpu.vector_load %arg22[%swap3A_225, %swap3A_226] {strides = array<i32>} : memref<64x128xf32, #tpu.memory_space<vmem>>, vector<16xf32>,
    tpu.vector_store %arg22[%swap3A_225, %swap3A_226], %mul3A_223 {strides = array<i32>} : memref<64x128xf32, #tpu.memory_space<vmem>>, vector<16xf32>,
    %get3A_228 = arith.constant 1 : i32
    %get3A_229 = arith.index_cast %get3A_228 : i32 to index
    %get3A_230 = arith.constant 80 : index
    %get3A_231 = tpu.vector_load %arg22[%get3A_229, %get3A_230] {strides = array<i32>} : memref<64x128xf32, #tpu.memory_space<vmem>>, vector<16xf32>,
    %mul3A_232 = arith.mulf %get3A_231, %broadcast_in_dim3A_182 : vector<16xf32>
    %swap3A_233 = arith.constant 1 : i32
    %swap3A_234 = arith.index_cast %swap3A_233 : i32 to index
    %swap3A_235 = arith.constant 80 : index
    %swap3A_236 = tpu.vector_load %arg22[%swap3A_234, %swap3A_235] {strides = array<i32>} : memref<64x128xf32, #tpu.memory_space<vmem>>, vector<16xf32>,
    tpu.vector_store %arg22[%swap3A_234, %swap3A_235], %mul3A_232 {strides = array<i32>} : memref<64x128xf32, #tpu.memory_space<vmem>>, vector<16xf32>,
    %get3A_237 = arith.constant 1 : i32
    %get3A_238 = arith.index_cast %get3A_237 : i32 to index
    %get3A_239 = arith.constant 96 : index
    %get3A_240 = tpu.vector_load %arg22[%get3A_238, %get3A_239] {strides = array<i32>} : memref<64x128xf32, #tpu.memory_space<vmem>>, vector<16xf32>,
    %mul3A_241 = arith.mulf %get3A_240, %broadcast_in_dim3A_182 : vector<16xf32>
    %swap3A_242 = arith.constant 1 : i32
    %swap3A_243 = arith.index_cast %swap3A_242 : i32 to index
    %swap3A_244 = arith.constant 96 : index
    %swap3A_245 = tpu.vector_load %arg22[%swap3A_243, %swap3A_244] {strides = array<i32>} : memref<64x128xf32, #tpu.memory_space<vmem>>, vector<16xf32>,
    tpu.vector_store %arg22[%swap3A_243, %swap3A_244], %mul3A_241 {strides = array<i32>} : memref<64x128xf32, #tpu.memory_space<vmem>>, vector<16xf32>,
    %get3A_246 = arith.constant 1 : i32
    %get3A_247 = arith.index_cast %get3A_246 : i32 to index
    %get3A_248 = arith.constant 112 : index
    %get3A_249 = tpu.vector_load %arg22[%get3A_247, %get3A_248] {strides = array<i32>} : memref<64x128xf32, #tpu.memory_space<vmem>>, vector<16xf32>,
    %mul3A_250 = arith.mulf %get3A_249, %broadcast_in_dim3A_182 : vector<16xf32>
    %swap3A_251 = arith.constant 1 : i32
    %swap3A_252 = arith.index_cast %swap3A_251 : i32 to index
    %swap3A_253 = arith.constant 112 : index
    %swap3A_254 = tpu.vector_load %arg22[%swap3A_252, %swap3A_253] {strides = array<i32>} : memref<64x128xf32, #tpu.memory_space<vmem>>, vector<16xf32>,
    tpu.vector_store %arg22[%swap3A_252, %swap3A_253], %mul3A_250 {strides = array<i32>} : memref<64x128xf32, #tpu.memory_space<vmem>>, vector<16xf32>,
    %slice3A_255 = vector.extract_strided_slice %div3A {offsets = [2], sizes = [1], strides = [1]} : vector<16xf32> to vector<1xf32>
    %squeeze3A_256 = vector.extract %slice3A_255[0] : f32 from vector<1xf32>
    %broadcast_in_dim3A_257 = vector.broadcast %squeeze3A_256 : f32 to vector<16xf32>
    %get3A_258 = arith.constant 2 : i32
    %get3A_259 = arith.index_cast %get3A_258 : i32 to index
    %get3A_260 = arith.constant 0 : index
    %get3A_261 = tpu.vector_load %arg22[%get3A_259, %get3A_260] {strides = array<i32>} : memref<64x128xf32, #tpu.memory_space<vmem>>, vector<16xf32>,
    %mul3A_262 = arith.mulf %get3A_261, %broadcast_in_dim3A_257 : vector<16xf32>
    %swap3A_263 = arith.constant 2 : i32
    %swap3A_264 = arith.index_cast %swap3A_263 : i32 to index
    %swap3A_265 = arith.constant 0 : index
    %swap3A_266 = tpu.vector_load %arg22[%swap3A_264, %swap3A_265] {strides = array<i32>} : memref<64x128xf32, #tpu.memory_space<vmem>>, vector<16xf32>,
    tpu.vector_store %arg22[%swap3A_264, %swap3A_265], %mul3A_262 {strides = array<i32>} : memref<64x128xf32, #tpu.memory_space<vmem>>, vector<16xf32>,
    %get3A_267 = arith.constant 2 : i32
    %get3A_268 = arith.index_cast %get3A_267 : i32 to index
    %get3A_269 = arith.constant 16 : index
    %get3A_270 = tpu.vector_load %arg22[%get3A_268, %get3A_269] {strides = array<i32>} : memref<64x128xf32, #tpu.memory_space<vmem>>, vector<16xf32>,
    %mul3A_271 = arith.mulf %get3A_270, %broadcast_in_dim3A_257 : vector<16xf32>
    %swap3A_272 = arith.constant 2 : i32
    %swap3A_273 = arith.index_cast %swap3A_272 : i32 to index
    %swap3A_274 = arith.constant 16 : index
    %swap3A_275 = tpu.vector_load %arg22[%swap3A_273, %swap3A_274] {strides = array<i32>} : memref<64x128xf32, #tpu.memory_space<vmem>>, vector<16xf32>,
    tpu.vector_store %arg22[%swap3A_273, %swap3A_274], %mul3A_271 {strides = array<i32>} : memref<64x128xf32, #tpu.memory_space<vmem>>, vector<16xf32>,
    %get3A_276 = arith.constant 2 : i32
    %get3A_277 = arith.index_cast %get3A_276 : i32 to index
    %get3A_278 = arith.constant 32 : index
    %get3A_279 = tpu.vector_load %arg22[%get3A_277, %get3A_278] {strides = array<i32>} : memref<64x128xf32, #tpu.memory_space<vmem>>, vector<16xf32>,
    %mul3A_280 = arith.mulf %get3A_279, %broadcast_in_dim3A_257 : vector<16xf32>
    %swap3A_281 = arith.constant 2 : i32
    %swap3A_282 = arith.index_cast %swap3A_281 : i32 to index
    %swap3A_283 = arith.constant 32 : index
    %swap3A_284 = tpu.vector_load %arg22[%swap3A_282, %swap3A_283] {strides = array<i32>} : memref<64x128xf32, #tpu.memory_space<vmem>>, vector<16xf32>,
    tpu.vector_store %arg22[%swap3A_282, %swap3A_283], %mul3A_280 {strides = array<i32>} : memref<64x128xf32, #tpu.memory_space<vmem>>, vector<16xf32>,
    %get3A_285 = arith.constant 2 : i32
    %get3A_286 = arith.index_cast %get3A_285 : i32 to index
    %get3A_287 = arith.constant 48 : index
    %get3A_288 = tpu.vector_load %arg22[%get3A_286, %get3A_287] {strides = array<i32>} : memref<64x128xf32, #tpu.memory_space<vmem>>, vector<16xf32>,
    %mul3A_289 = arith.mulf %get3A_288, %broadcast_in_dim3A_257 : vector<16xf32>
    %swap3A_290 = arith.constant 2 : i32
    %swap3A_291 = arith.index_cast %swap3A_290 : i32 to index
    %swap3A_292 = arith.constant 48 : index
    %swap3A_293 = tpu.vector_load %arg22[%swap3A_291, %swap3A_292] {strides = array<i32>} : memref<64x128xf32, #tpu.memory_space<vmem>>, vector<16xf32>,
    tpu.vector_store %arg22[%swap3A_291, %swap3A_292], %mul3A_289 {strides = array<i32>} : memref<64x128xf32, #tpu.memory_space<vmem>>, vector<16xf32>,
    %get3A_294 = arith.constant 2 : i32
    %get3A_295 = arith.index_cast %get3A_294 : i32 to index
    %get3A_296 = arith.constant 64 : index
    %get3A_297 = tpu.vector_load %arg22[%get3A_295, %get3A_296] {strides = array<i32>} : memref<64x128xf32, #tpu.memory_space<vmem>>, vector<16xf32>,
    %mul3A_298 = arith.mulf %get3A_297, %broadcast_in_dim3A_257 : vector<16xf32>
    %swap3A_299 = arith.constant 2 : i32
    %swap3A_300 = arith.index_cast %swap3A_299 : i32 to index
    %swap3A_301 = arith.constant 64 : index
    %swap3A_302 = tpu.vector_load %arg22[%swap3A_300, %swap3A_301] {strides = array<i32>} : memref<64x128xf32, #tpu.memory_space<vmem>>, vector<16xf32>,
    tpu.vector_store %arg22[%swap3A_300, %swap3A_301], %mul3A_298 {strides = array<i32>} : memref<64x128xf32, #tpu.memory_space<vmem>>, vector<16xf32>,
    %get3A_303 = arith.constant 2 : i32
    %get3A_304 = arith.index_cast %get3A_303 : i32 to index
    %get3A_305 = arith.constant 80 : index
    %get3A_306 = tpu.vector_load %arg22[%get3A_304, %get3A_305] {strides = array<i32>} : memref<64x128xf32, #tpu.memory_space<vmem>>, vector<16xf32>,
    %mul3A_307 = arith.mulf %get3A_306, %broadcast_in_dim3A_257 : vector<16xf32>
    %swap3A_308 = arith.constant 2 : i32
    %swap3A_309 = arith.index_cast %swap3A_308 : i32 to index
    %swap3A_310 = arith.constant 80 : index
    %swap3A_311 = tpu.vector_load %arg22[%swap3A_309, %swap3A_310] {strides = array<i32>} : memref<64x128xf32, #tpu.memory_space<vmem>>, vector<16xf32>,
    tpu.vector_store %arg22[%swap3A_309, %swap3A_310], %mul3A_307 {strides = array<i32>} : memref<64x128xf32, #tpu.memory_space<vmem>>, vector<16xf32>,
    %get3A_312 = arith.constant 2 : i32
    %get3A_313 = arith.index_cast %get3A_312 : i32 to index
    %get3A_314 = arith.constant 96 : index
    %get3A_315 = tpu.vector_load %arg22[%get3A_313, %get3A_314] {strides = array<i32>} : memref<64x128xf32, #tpu.memory_space<vmem>>, vector<16xf32>,
    %mul3A_316 = arith.mulf %get3A_315, %broadcast_in_dim3A_257 : vector<16xf32>
    %swap3A_317 = arith.constant 2 : i32
    %swap3A_318 = arith.index_cast %swap3A_317 : i32 to index
    %swap3A_319 = arith.constant 96 : index
    %swap3A_320 = tpu.vector_load %arg22[%swap3A_318, %swap3A_319] {strides = array<i32>} : memref<64x128xf32, #tpu.memory_space<vmem>>, vector<16xf32>,
    tpu.vector_store %arg22[%swap3A_318, %swap3A_319], %mul3A_316 {strides = array<i32>} : memref<64x128xf32, #tpu.memory_space<vmem>>, vector<16xf32>,
    %get3A_321 = arith.constant 2 : i32
    %get3A_322 = arith.index_cast %get3A_321 : i32 to index
    %get3A_323 = arith.constant 112 : index
    %get3A_324 = tpu.vector_load %arg22[%get3A_322, %get3A_323] {strides = array<i32>} : memref<64x128xf32, #tpu.memory_space<vmem>>, vector<16xf32>,
    %mul3A_325 = arith.mulf %get3A_324, %broadcast_in_dim3A_257 : vector<16xf32>
    %swap3A_326 = arith.constant 2 : i32
    %swap3A_327 = arith.index_cast %swap3A_326 : i32 to index
    %swap3A_328 = arith.constant 112 : index
    %swap3A_329 = tpu.vector_load %arg22[%swap3A_327, %swap3A_328] {strides = array<i32>} : memref<64x128xf32, #tpu.memory_space<vmem>>, vector<16xf32>,
    tpu.vector_store %arg22[%swap3A_327, %swap3A_328], %mul3A_325 {strides = array<i32>} : memref<64x128xf32, #tpu.memory_space<vmem>>, vector<16xf32>,
    %slice3A_330 = vector.extract_strided_slice %div3A {offsets = [3], sizes = [1], strides = [1]} : vector<16xf32> to vector<1xf32>
    %squeeze3A_331 = vector.extract %slice3A_330[0] : f32 from vector<1xf32>
    %broadcast_in_dim3A_332 = vector.broadcast %squeeze3A_331 : f32 to vector<16xf32>
    %get3A_333 = arith.constant 3 : i32
    %get3A_334 = arith.index_cast %get3A_333 : i32 to index
    %get3A_335 = arith.constant 0 : index
    %get3A_336 = tpu.vector_load %arg22[%get3A_334, %get3A_335] {strides = array<i32>} : memref<64x128xf32, #tpu.memory_space<vmem>>, vector<16xf32>,
    %mul3A_337 = arith.mulf %get3A_336, %broadcast_in_dim3A_332 : vector<16xf32>
    %swap3A_338 = arith.constant 3 : i32
    %swap3A_339 = arith.index_cast %swap3A_338 : i32 to index
    %swap3A_340 = arith.constant 0 : index
    %swap3A_341 = tpu.vector_load %arg22[%swap3A_339, %swap3A_340] {strides = array<i32>} : memref<64x128xf32, #tpu.memory_space<vmem>>, vector<16xf32>,
    tpu.vector_store %arg22[%swap3A_339, %swap3A_340], %mul3A_337 {strides = array<i32>} : memref<64x128xf32, #tpu.memory_space<vmem>>, vector<16xf32>,
    %get3A_342 = arith.constant 3 : i32
    %get3A_343 = arith.index_cast %get3A_342 : i32 to index
    %get3A_344 = arith.constant 16 : index
    %get3A_345 = tpu.vector_load %arg22[%get3A_343, %get3A_344] {strides = array<i32>} : memref<64x128xf32, #tpu.memory_space<vmem>>, vector<16xf32>,
    %mul3A_346 = arith.mulf %get3A_345, %broadcast_in_dim3A_332 : vector<16xf32>
    %swap3A_347 = arith.constant 3 : i32
    %swap3A_348 = arith.index_cast %swap3A_347 : i32 to index
    %swap3A_349 = arith.constant 16 : index
    %swap3A_350 = tpu.vector_load %arg22[%swap3A_348, %swap3A_349] {strides = array<i32>} : memref<64x128xf32, #tpu.memory_space<vmem>>, vector<16xf32>,
    tpu.vector_store %arg22[%swap3A_348, %swap3A_349], %mul3A_346 {strides = array<i32>} : memref<64x128xf32, #tpu.memory_space<vmem>>, vector<16xf32>,
    %get3A_351 = arith.constant 3 : i32
    %get3A_352 = arith.index_cast %get3A_351 : i32 to index
    %get3A_353 = arith.constant 32 : index
    %get3A_354 = tpu.vector_load %arg22[%get3A_352, %get3A_353] {strides = array<i32>} : memref<64x128xf32, #tpu.memory_space<vmem>>, vector<16xf32>,
    %mul3A_355 = arith.mulf %get3A_354, %broadcast_in_dim3A_332 : vector<16xf32>
    %swap3A_356 = arith.constant 3 : i32
    %swap3A_357 = arith.index_cast %swap3A_356 : i32 to index
    %swap3A_358 = arith.constant 32 : index
    %swap3A_359 = tpu.vector_load %arg22[%swap3A_357, %swap3A_358] {strides = array<i32>} : memref<64x128xf32, #tpu.memory_space<vmem>>, vector<16xf32>,
    tpu.vector_store %arg22[%swap3A_357, %swap3A_358], %mul3A_355 {strides = array<i32>} : memref<64x128xf32, #tpu.memory_space<vmem>>, vector<16xf32>,
    %get3A_360 = arith.constant 3 : i32
    %get3A_361 = arith.index_cast %get3A_360 : i32 to index
    %get3A_362 = arith.constant 48 : index
    %get3A_363 = tpu.vector_load %arg22[%get3A_361, %get3A_362] {strides = array<i32>} : memref<64x128xf32, #tpu.memory_space<vmem>>, vector<16xf32>,
    %mul3A_364 = arith.mulf %get3A_363, %broadcast_in_dim3A_332 : vector<16xf32>
    %swap3A_365 = arith.constant 3 : i32
    %swap3A_366 = arith.index_cast %swap3A_365 : i32 to index
    %swap3A_367 = arith.constant 48 : index
    %swap3A_368 = tpu.vector_load %arg22[%swap3A_366, %swap3A_367] {strides = array<i32>} : memref<64x128xf32, #tpu.memory_space<vmem>>, vector<16xf32>,
    tpu.vector_store %arg22[%swap3A_366, %swap3A_367], %mul3A_364 {strides = array<i32>} : memref<64x128xf32, #tpu.memory_space<vmem>>, vector<16xf32>,
    %get3A_369 = arith.constant 3 : i32
    %get3A_370 = arith.index_cast %get3A_369 : i32 to index
    %get3A_371 = arith.constant 64 : index
    %get3A_372 = tpu.vector_load %arg22[%get3A_370, %get3A_371] {strides = array<i32>} : memref<64x128xf32, #tpu.memory_space<vmem>>, vector<16xf32>,
    %mul3A_373 = arith.mulf %get3A_372, %broadcast_in_dim3A_332 : vector<16xf32>
    %swap3A_374 = arith.constant 3 : i32
    %swap3A_375 = arith.index_cast %swap3A_374 : i32 to index
    %swap3A_376 = arith.constant 64 : index
    %swap3A_377 = tpu.vector_load %arg22[%swap3A_375, %swap3A_376] {strides = array<i32>} : memref<64x128xf32, #tpu.memory_space<vmem>>, vector<16xf32>,
    tpu.vector_store %arg22[%swap3A_375, %swap3A_376], %mul3A_373 {strides = array<i32>} : memref<64x128xf32, #tpu.memory_space<vmem>>, vector<16xf32>,
    %get3A_378 = arith.constant 3 : i32
    %get3A_379 = arith.index_cast %get3A_378 : i32 to index
    %get3A_380 = arith.constant 80 : index
    %get3A_381 = tpu.vector_load %arg22[%get3A_379, %get3A_380] {strides = array<i32>} : memref<64x128xf32, #tpu.memory_space<vmem>>, vector<16xf32>,
    %mul3A_382 = arith.mulf %get3A_381, %broadcast_in_dim3A_332 : vector<16xf32>
    %swap3A_383 = arith.constant 3 : i32
    %swap3A_384 = arith.index_cast %swap3A_383 : i32 to index
    %swap3A_385 = arith.constant 80 : index
    %swap3A_386 = tpu.vector_load %arg22[%swap3A_384, %swap3A_385] {strides = array<i32>} : memref<64x128xf32, #tpu.memory_space<vmem>>, vector<16xf32>,
    tpu.vector_store %arg22[%swap3A_384, %swap3A_385], %mul3A_382 {strides = array<i32>} : memref<64x128xf32, #tpu.memory_space<vmem>>, vector<16xf32>,
    %get3A_387 = arith.constant 3 : i32
    %get3A_388 = arith.index_cast %get3A_387 : i32 to index
    %get3A_389 = arith.constant 96 : index
    %get3A_390 = tpu.vector_load %arg22[%get3A_388, %get3A_389] {strides = array<i32>} : memref<64x128xf32, #tpu.memory_space<vmem>>, vector<16xf32>,
    %mul3A_391 = arith.mulf %get3A_390, %broadcast_in_dim3A_332 : vector<16xf32>
    %swap3A_392 = arith.constant 3 : i32
    %swap3A_393 = arith.index_cast %swap3A_392 : i32 to index
    %swap3A_394 = arith.constant 96 : index
    %swap3A_395 = tpu.vector_load %arg22[%swap3A_393, %swap3A_394] {strides = array<i32>} : memref<64x128xf32, #tpu.memory_space<vmem>>, vector<16xf32>,
    tpu.vector_store %arg22[%swap3A_393, %swap3A_394], %mul3A_391 {strides = array<i32>} : memref<64x128xf32, #tpu.memory_space<vmem>>, vector<16xf32>,
    %get3A_396 = arith.constant 3 : i32
    %get3A_397 = arith.index_cast %get3A_396 : i32 to index
    %get3A_398 = arith.constant 112 : index
    %get3A_399 = tpu.vector_load %arg22[%get3A_397, %get3A_398] {strides = array<i32>} : memref<64x128xf32, #tpu.memory_space<vmem>>, vector<16xf32>,
    %mul3A_400 = arith.mulf %get3A_399, %broadcast_in_dim3A_332 : vector<16xf32>
    %swap3A_401 = arith.constant 3 : i32
    %swap3A_402 = arith.index_cast %swap3A_401 : i32 to index
    %swap3A_403 = arith.constant 112 : index
    %swap3A_404 = tpu.vector_load %arg22[%swap3A_402, %swap3A_403] {strides = array<i32>} : memref<64x128xf32, #tpu.memory_space<vmem>>, vector<16xf32>,
    tpu.vector_store %arg22[%swap3A_402, %swap3A_403], %mul3A_400 {strides = array<i32>} : memref<64x128xf32, #tpu.memory_space<vmem>>, vector<16xf32>,
    %slice3A_405 = vector.extract_strided_slice %div3A {offsets = [4], sizes = [1], strides = [1]} : vector<16xf32> to vector<1xf32>
    %squeeze3A_406 = vector.extract %slice3A_405[0] : f32 from vector<1xf32>
    %broadcast_in_dim3A_407 = vector.broadcast %squeeze3A_406 : f32 to vector<16xf32>
    %get3A_408 = arith.constant 4 : i32
    %get3A_409 = arith.index_cast %get3A_408 : i32 to index
    %get3A_410 = arith.constant 0 : index
    %get3A_411 = tpu.vector_load %arg22[%get3A_409, %get3A_410] {strides = array<i32>} : memref<64x128xf32, #tpu.memory_space<vmem>>, vector<16xf32>,
    %mul3A_412 = arith.mulf %get3A_411, %broadcast_in_dim3A_407 : vector<16xf32>
    %swap3A_413 = arith.constant 4 : i32
    %swap3A_414 = arith.index_cast %swap3A_413 : i32 to index
    %swap3A_415 = arith.constant 0 : index
    %swap3A_416 = tpu.vector_load %arg22[%swap3A_414, %swap3A_415] {strides = array<i32>} : memref<64x128xf32, #tpu.memory_space<vmem>>, vector<16xf32>,
    tpu.vector_store %arg22[%swap3A_414, %swap3A_415], %mul3A_412 {strides = array<i32>} : memref<64x128xf32, #tpu.memory_space<vmem>>, vector<16xf32>,
    %get3A_417 = arith.constant 4 : i32
    %get3A_418 = arith.index_cast %get3A_417 : i32 to index
    %get3A_419 = arith.constant 16 : index
    %get3A_420 = tpu.vector_load %arg22[%get3A_418, %get3A_419] {strides = array<i32>} : memref<64x128xf32, #tpu.memory_space<vmem>>, vector<16xf32>,
    %mul3A_421 = arith.mulf %get3A_420, %broadcast_in_dim3A_407 : vector<16xf32>
    %swap3A_422 = arith.constant 4 : i32
    %swap3A_423 = arith.index_cast %swap3A_422 : i32 to index
    %swap3A_424 = arith.constant 16 : index
    %swap3A_425 = tpu.vector_load %arg22[%swap3A_423, %swap3A_424] {strides = array<i32>} : memref<64x128xf32, #tpu.memory_space<vmem>>, vector<16xf32>,
    tpu.vector_store %arg22[%swap3A_423, %swap3A_424], %mul3A_421 {strides = array<i32>} : memref<64x128xf32, #tpu.memory_space<vmem>>, vector<16xf32>,
    %get3A_426 = arith.constant 4 : i32
    %get3A_427 = arith.index_cast %get3A_426 : i32 to index
    %get3A_428 = arith.constant 32 : index
    %get3A_429 = tpu.vector_load %arg22[%get3A_427, %get3A_428] {strides = array<i32>} : memref<64x128xf32, #tpu.memory_space<vmem>>, vector<16xf32>,
    %mul3A_430 = arith.mulf %get3A_429, %broadcast_in_dim3A_407 : vector<16xf32>
    %swap3A_431 = arith.constant 4 : i32
    %swap3A_432 = arith.index_cast %swap3A_431 : i32 to index
    %swap3A_433 = arith.constant 32 : index
    %swap3A_434 = tpu.vector_load %arg22[%swap3A_432, %swap3A_433] {strides = array<i32>} : memref<64x128xf32, #tpu.memory_space<vmem>>, vector<16xf32>,
    tpu.vector_store %arg22[%swap3A_432, %swap3A_433], %mul3A_430 {strides = array<i32>} : memref<64x128xf32, #tpu.memory_space<vmem>>, vector<16xf32>,
    %get3A_435 = arith.constant 4 : i32
    %get3A_436 = arith.index_cast %get3A_435 : i32 to index
    %get3A_437 = arith.constant 48 : index
    %get3A_438 = tpu.vector_load %arg22[%get3A_436, %get3A_437] {strides = array<i32>} : memref<64x128xf32, #tpu.memory_space<vmem>>, vector<16xf32>,
    %mul3A_439 = arith.mulf %get3A_438, %broadcast_in_dim3A_407 : vector<16xf32>
    %swap3A_440 = arith.constant 4 : i32
    %swap3A_441 = arith.index_cast %swap3A_440 : i32 to index
    %swap3A_442 = arith.constant 48 : index
    %swap3A_443 = tpu.vector_load %arg22[%swap3A_441, %swap3A_442] {strides = array<i32>} : memref<64x128xf32, #tpu.memory_space<vmem>>, vector<16xf32>,
    tpu.vector_store %arg22[%swap3A_441, %swap3A_442], %mul3A_439 {strides = array<i32>} : memref<64x128xf32, #tpu.memory_space<vmem>>, vector<16xf32>,
    %get3A_444 = arith.constant 4 : i32
    %get3A_445 = arith.index_cast %get3A_444 : i32 to index
    %get3A_446 = arith.constant 64 : index
    %get3A_447 = tpu.vector_load %arg22[%get3A_445, %get3A_446] {strides = array<i32>} : memref<64x128xf32, #tpu.memory_space<vmem>>, vector<16xf32>,
    %mul3A_448 = arith.mulf %get3A_447, %broadcast_in_dim3A_407 : vector<16xf32>
    %swap3A_449 = arith.constant 4 : i32
    %swap3A_450 = arith.index_cast %swap3A_449 : i32 to index
    %swap3A_451 = arith.constant 64 : index
    %swap3A_452 = tpu.vector_load %arg22[%swap3A_450, %swap3A_451] {strides = array<i32>} : memref<64x128xf32, #tpu.memory_space<vmem>>, vector<16xf32>,
    tpu.vector_store %arg22[%swap3A_450, %swap3A_451], %mul3A_448 {strides = array<i32>} : memref<64x128xf32, #tpu.memory_space<vmem>>, vector<16xf32>,
    %get3A_453 = arith.constant 4 : i32
    %get3A_454 = arith.index_cast %get3A_453 : i32 to index
    %get3A_455 = arith.constant 80 : index
    %get3A_456 = tpu.vector_load %arg22[%get3A_454, %get3A_455] {strides = array<i32>} : memref<64x128xf32, #tpu.memory_space<vmem>>, vector<16xf32>,
    %mul3A_457 = arith.mulf %get3A_456, %broadcast_in_dim3A_407 : vector<16xf32>
    %swap3A_458 = arith.constant 4 : i32
    %swap3A_459 = arith.index_cast %swap3A_458 : i32 to index
    %swap3A_460 = arith.constant 80 : index
    %swap3A_461 = tpu.vector_load %arg22[%swap3A_459, %swap3A_460] {strides = array<i32>} : memref<64x128xf32, #tpu.memory_space<vmem>>, vector<16xf32>,
    tpu.vector_store %arg22[%swap3A_459, %swap3A_460], %mul3A_457 {strides = array<i32>} : memref<64x128xf32, #tpu.memory_space<vmem>>, vector<16xf32>,
    %get3A_462 = arith.constant 4 : i32
    %get3A_463 = arith.index_cast %get3A_462 : i32 to index
    %get3A_464 = arith.constant 96 : index
    %get3A_465 = tpu.vector_load %arg22[%get3A_463, %get3A_464] {strides = array<i32>} : memref<64x128xf32, #tpu.memory_space<vmem>>, vector<16xf32>,
    %mul3A_466 = arith.mulf %get3A_465, %broadcast_in_dim3A_407 : vector<16xf32>
    %swap3A_467 = arith.constant 4 : i32
    %swap3A_468 = arith.index_cast %swap3A_467 : i32 to index
    %swap3A_469 = arith.constant 96 : index
    %swap3A_470 = tpu.vector_load %arg22[%swap3A_468, %swap3A_469] {strides = array<i32>} : memref<64x128xf32, #tpu.memory_space<vmem>>, vector<16xf32>,
    tpu.vector_store %arg22[%swap3A_468, %swap3A_469], %mul3A_466 {strides = array<i32>} : memref<64x128xf32, #tpu.memory_space<vmem>>, vector<16xf32>,
    %get3A_471 = arith.constant 4 : i32
    %get3A_472 = arith.index_cast %get3A_471 : i32 to index
    %get3A_473 = arith.constant 112 : index
    %get3A_474 = tpu.vector_load %arg22[%get3A_472, %get3A_473] {strides = array<i32>} : memref<64x128xf32, #tpu.memory_space<vmem>>, vector<16xf32>,
    %mul3A_475 = arith.mulf %get3A_474, %broadcast_in_dim3A_407 : vector<16xf32>
    %swap3A_476 = arith.constant 4 : i32
    %swap3A_477 = arith.index_cast %swap3A_476 : i32 to index
    %swap3A_478 = arith.constant 112 : index
    %swap3A_479 = tpu.vector_load %arg22[%swap3A_477, %swap3A_478] {strides = array<i32>} : memref<64x128xf32, #tpu.memory_space<vmem>>, vector<16xf32>,
    tpu.vector_store %arg22[%swap3A_477, %swap3A_478], %mul3A_475 {strides = array<i32>} : memref<64x128xf32, #tpu.memory_space<vmem>>, vector<16xf32>,
    %slice3A_480 = vector.extract_strided_slice %div3A {offsets = [5], sizes = [1], strides = [1]} : vector<16xf32> to vector<1xf32>
    %squeeze3A_481 = vector.extract %slice3A_480[0] : f32 from vector<1xf32>
    %broadcast_in_dim3A_482 = vector.broadcast %squeeze3A_481 : f32 to vector<16xf32>
    %get3A_483 = arith.constant 5 : i32
    %get3A_484 = arith.index_cast %get3A_483 : i32 to index
    %get3A_485 = arith.constant 0 : index
    %get3A_486 = tpu.vector_load %arg22[%get3A_484, %get3A_485] {strides = array<i32>} : memref<64x128xf32, #tpu.memory_space<vmem>>, vector<16xf32>,
    %mul3A_487 = arith.mulf %get3A_486, %broadcast_in_dim3A_482 : vector<16xf32>
    %swap3A_488 = arith.constant 5 : i32
    %swap3A_489 = arith.index_cast %swap3A_488 : i32 to index
    %swap3A_490 = arith.constant 0 : index
    %swap3A_491 = tpu.vector_load %arg22[%swap3A_489, %swap3A_490] {strides = array<i32>} : memref<64x128xf32, #tpu.memory_space<vmem>>, vector<16xf32>,
    tpu.vector_store %arg22[%swap3A_489, %swap3A_490], %mul3A_487 {strides = array<i32>} : memref<64x128xf32, #tpu.memory_space<vmem>>, vector<16xf32>,
    %get3A_492 = arith.constant 5 : i32
    %get3A_493 = arith.index_cast %get3A_492 : i32 to index
    %get3A_494 = arith.constant 16 : index
    %get3A_495 = tpu.vector_load %arg22[%get3A_493, %get3A_494] {strides = array<i32>} : memref<64x128xf32, #tpu.memory_space<vmem>>, vector<16xf32>,
    %mul3A_496 = arith.mulf %get3A_495, %broadcast_in_dim3A_482 : vector<16xf32>
    %swap3A_497 = arith.constant 5 : i32
    %swap3A_498 = arith.index_cast %swap3A_497 : i32 to index
    %swap3A_499 = arith.constant 16 : index
    %swap3A_500 = tpu.vector_load %arg22[%swap3A_498, %swap3A_499] {strides = array<i32>} : memref<64x128xf32, #tpu.memory_space<vmem>>, vector<16xf32>,
    tpu.vector_store %arg22[%swap3A_498, %swap3A_499], %mul3A_496 {strides = array<i32>} : memref<64x128xf32, #tpu.memory_space<vmem>>, vector<16xf32>,
    %get3A_501 = arith.constant 5 : i32
    %get3A_502 = arith.index_cast %get3A_501 : i32 to index
    %get3A_503 = arith.constant 32 : index
    %get3A_504 = tpu.vector_load %arg22[%get3A_502, %get3A_503] {strides = array<i32>} : memref<64x128xf32, #tpu.memory_space<vmem>>, vector<16xf32>,
    %mul3A_505 = arith.mulf %get3A_504, %broadcast_in_dim3A_482 : vector<16xf32>
    %swap3A_506 = arith.constant 5 : i32
    %swap3A_507 = arith.index_cast %swap3A_506 : i32 to index
    %swap3A_508 = arith.constant 32 : index
    %swap3A_509 = tpu.vector_load %arg22[%swap3A_507, %swap3A_508] {strides = array<i32>} : memref<64x128xf32, #tpu.memory_space<vmem>>, vector<16xf32>,
    tpu.vector_store %arg22[%swap3A_507, %swap3A_508], %mul3A_505 {strides = array<i32>} : memref<64x128xf32, #tpu.memory_space<vmem>>, vector<16xf32>,
    %get3A_510 = arith.constant 5 : i32
    %get3A_511 = arith.index_cast %get3A_510 : i32 to index
    %get3A_512 = arith.constant 48 : index
    %get3A_513 = tpu.vector_load %arg22[%get3A_511, %get3A_512] {strides = array<i32>} : memref<64x128xf32, #tpu.memory_space<vmem>>, vector<16xf32>,
    %mul3A_514 = arith.mulf %get3A_513, %broadcast_in_dim3A_482 : vector<16xf32>
    %swap3A_515 = arith.constant 5 : i32
    %swap3A_516 = arith.index_cast %swap3A_515 : i32 to index
    %swap3A_517 = arith.constant 48 : index
    %swap3A_518 = tpu.vector_load %arg22[%swap3A_516, %swap3A_517] {strides = array<i32>} : memref<64x128xf32, #tpu.memory_space<vmem>>, vector<16xf32>,
    tpu.vector_store %arg22[%swap3A_516, %swap3A_517], %mul3A_514 {strides = array<i32>} : memref<64x128xf32, #tpu.memory_space<vmem>>, vector<16xf32>,
    %get3A_519 = arith.constant 5 : i32
    %get3A_520 = arith.index_cast %get3A_519 : i32 to index
    %get3A_521 = arith.constant 64 : index
    %get3A_522 = tpu.vector_load %arg22[%get3A_520, %get3A_521] {strides = array<i32>} : memref<64x128xf32, #tpu.memory_space<vmem>>, vector<16xf32>,
    %mul3A_523 = arith.mulf %get3A_522, %broadcast_in_dim3A_482 : vector<16xf32>
    %swap3A_524 = arith.constant 5 : i32
    %swap3A_525 = arith.index_cast %swap3A_524 : i32 to index
    %swap3A_526 = arith.constant 64 : index
    %swap3A_527 = tpu.vector_load %arg22[%swap3A_525, %swap3A_526] {strides = array<i32>} : memref<64x128xf32, #tpu.memory_space<vmem>>, vector<16xf32>,
    tpu.vector_store %arg22[%swap3A_525, %swap3A_526], %mul3A_523 {strides = array<i32>} : memref<64x128xf32, #tpu.memory_space<vmem>>, vector<16xf32>,
    %get3A_528 = arith.constant 5 : i32
    %get3A_529 = arith.index_cast %get3A_528 : i32 to index
    %get3A_530 = arith.constant 80 : index
    %get3A_531 = tpu.vector_load %arg22[%get3A_529, %get3A_530] {strides = array<i32>} : memref<64x128xf32, #tpu.memory_space<vmem>>, vector<16xf32>,
    %mul3A_532 = arith.mulf %get3A_531, %broadcast_in_dim3A_482 : vector<16xf32>
    %swap3A_533 = arith.constant 5 : i32
    %swap3A_534 = arith.index_cast %swap3A_533 : i32 to index
    %swap3A_535 = arith.constant 80 : index
    %swap3A_536 = tpu.vector_load %arg22[%swap3A_534, %swap3A_535] {strides = array<i32>} : memref<64x128xf32, #tpu.memory_space<vmem>>, vector<16xf32>,
    tpu.vector_store %arg22[%swap3A_534, %swap3A_535], %mul3A_532 {strides = array<i32>} : memref<64x128xf32, #tpu.memory_space<vmem>>, vector<16xf32>,
    %get3A_537 = arith.constant 5 : i32
    %get3A_538 = arith.index_cast %get3A_537 : i32 to index
    %get3A_539 = arith.constant 96 : index
    %get3A_540 = tpu.vector_load %arg22[%get3A_538, %get3A_539] {strides = array<i32>} : memref<64x128xf32, #tpu.memory_space<vmem>>, vector<16xf32>,
    %mul3A_541 = arith.mulf %get3A_540, %broadcast_in_dim3A_482 : vector<16xf32>
    %swap3A_542 = arith.constant 5 : i32
    %swap3A_543 = arith.index_cast %swap3A_542 : i32 to index
    %swap3A_544 = arith.constant 96 : index
    %swap3A_545 = tpu.vector_load %arg22[%swap3A_543, %swap3A_544] {strides = array<i32>} : memref<64x128xf32, #tpu.memory_space<vmem>>, vector<16xf32>,
    tpu.vector_store %arg22[%swap3A_543, %swap3A_544], %mul3A_541 {strides = array<i32>} : memref<64x128xf32, #tpu.memory_space<vmem>>, vector<16xf32>,
    %get3A_546 = arith.constant 5 : i32
    %get3A_547 = arith.index_cast %get3A_546 : i32 to index
    %get3A_548 = arith.constant 112 : index
    %get3A_549 = tpu.vector_load %arg22[%get3A_547, %get3A_548] {strides = array<i32>} : memref<64x128xf32, #tpu.memory_space<vmem>>, vector<16xf32>,
    %mul3A_550 = arith.mulf %get3A_549, %broadcast_in_dim3A_482 : vector<16xf32>
    %swap3A_551 = arith.constant 5 : i32
    %swap3A_552 = arith.index_cast %swap3A_551 : i32 to index
    %swap3A_553 = arith.constant 112 : index
    %swap3A_554 = tpu.vector_load %arg22[%swap3A_552, %swap3A_553] {strides = array<i32>} : memref<64x128xf32, #tpu.memory_space<vmem>>, vector<16xf32>,
    tpu.vector_store %arg22[%swap3A_552, %swap3A_553], %mul3A_550 {strides = array<i32>} : memref<64x128xf32, #tpu.memory_space<vmem>>, vector<16xf32>,
    %slice3A_555 = vector.extract_strided_slice %div3A {offsets = [6], sizes = [1], strides = [1]} : vector<16xf32> to vector<1xf32>
    %squeeze3A_556 = vector.extract %slice3A_555[0] : f32 from vector<1xf32>
    %broadcast_in_dim3A_557 = vector.broadcast %squeeze3A_556 : f32 to vector<16xf32>
    %get3A_558 = arith.constant 6 : i32
    %get3A_559 = arith.index_cast %get3A_558 : i32 to index
    %get3A_560 = arith.constant 0 : index
    %get3A_561 = tpu.vector_load %arg22[%get3A_559, %get3A_560] {strides = array<i32>} : memref<64x128xf32, #tpu.memory_space<vmem>>, vector<16xf32>,
    %mul3A_562 = arith.mulf %get3A_561, %broadcast_in_dim3A_557 : vector<16xf32>
    %swap3A_563 = arith.constant 6 : i32
    %swap3A_564 = arith.index_cast %swap3A_563 : i32 to index
    %swap3A_565 = arith.constant 0 : index
    %swap3A_566 = tpu.vector_load %arg22[%swap3A_564, %swap3A_565] {strides = array<i32>} : memref<64x128xf32, #tpu.memory_space<vmem>>, vector<16xf32>,
    tpu.vector_store %arg22[%swap3A_564, %swap3A_565], %mul3A_562 {strides = array<i32>} : memref<64x128xf32, #tpu.memory_space<vmem>>, vector<16xf32>,
    %get3A_567 = arith.constant 6 : i32
    %get3A_568 = arith.index_cast %get3A_567 : i32 to index
    %get3A_569 = arith.constant 16 : index
    %get3A_570 = tpu.vector_load %arg22[%get3A_568, %get3A_569] {strides = array<i32>} : memref<64x128xf32, #tpu.memory_space<vmem>>, vector<16xf32>,
    %mul3A_571 = arith.mulf %get3A_570, %broadcast_in_dim3A_557 : vector<16xf32>
    %swap3A_572 = arith.constant 6 : i32
    %swap3A_573 = arith.index_cast %swap3A_572 : i32 to index
    %swap3A_574 = arith.constant 16 : index
    %swap3A_575 = tpu.vector_load %arg22[%swap3A_573, %swap3A_574] {strides = array<i32>} : memref<64x128xf32, #tpu.memory_space<vmem>>, vector<16xf32>,
    tpu.vector_store %arg22[%swap3A_573, %swap3A_574], %mul3A_571 {strides = array<i32>} : memref<64x128xf32, #tpu.memory_space<vmem>>, vector<16xf32>,
    %get3A_576 = arith.constant 6 : i32
    %get3A_577 = arith.index_cast %get3A_576 : i32 to index
    %get3A_578 = arith.constant 32 : index
    %get3A_579 = tpu.vector_load %arg22[%get3A_577, %get3A_578] {strides = array<i32>} : memref<64x128xf32, #tpu.memory_space<vmem>>, vector<16xf32>,
    %mul3A_580 = arith.mulf %get3A_579, %broadcast_in_dim3A_557 : vector<16xf32>
    %swap3A_581 = arith.constant 6 : i32
    %swap3A_582 = arith.index_cast %swap3A_581 : i32 to index
    %swap3A_583 = arith.constant 32 : index
    %swap3A_584 = tpu.vector_load %arg22[%swap3A_582, %swap3A_583] {strides = array<i32>} : memref<64x128xf32, #tpu.memory_space<vmem>>, vector<16xf32>,
    tpu.vector_store %arg22[%swap3A_582, %swap3A_583], %mul3A_580 {strides = array<i32>} : memref<64x128xf32, #tpu.memory_space<vmem>>, vector<16xf32>,
    %get3A_585 = arith.constant 6 : i32
    %get3A_586 = arith.index_cast %get3A_585 : i32 to index
    %get3A_587 = arith.constant 48 : index
    %get3A_588 = tpu.vector_load %arg22[%get3A_586, %get3A_587] {strides = array<i32>} : memref<64x128xf32, #tpu.memory_space<vmem>>, vector<16xf32>,
    %mul3A_589 = arith.mulf %get3A_588, %broadcast_in_dim3A_557 : vector<16xf32>
    %swap3A_590 = arith.constant 6 : i32
    %swap3A_591 = arith.index_cast %swap3A_590 : i32 to index
    %swap3A_592 = arith.constant 48 : index
    %swap3A_593 = tpu.vector_load %arg22[%swap3A_591, %swap3A_592] {strides = array<i32>} : memref<64x128xf32, #tpu.memory_space<vmem>>, vector<16xf32>,
    tpu.vector_store %arg22[%swap3A_591, %swap3A_592], %mul3A_589 {strides = array<i32>} : memref<64x128xf32, #tpu.memory_space<vmem>>, vector<16xf32>,
    %get3A_594 = arith.constant 6 : i32
    %get3A_595 = arith.index_cast %get3A_594 : i32 to index
    %get3A_596 = arith.constant 64 : index
    %get3A_597 = tpu.vector_load %arg22[%get3A_595, %get3A_596] {strides = array<i32>} : memref<64x128xf32, #tpu.memory_space<vmem>>, vector<16xf32>,
    %mul3A_598 = arith.mulf %get3A_597, %broadcast_in_dim3A_557 : vector<16xf32>
    %swap3A_599 = arith.constant 6 : i32
    %swap3A_600 = arith.index_cast %swap3A_599 : i32 to index
    %swap3A_601 = arith.constant 64 : index
    %swap3A_602 = tpu.vector_load %arg22[%swap3A_600, %swap3A_601] {strides = array<i32>} : memref<64x128xf32, #tpu.memory_space<vmem>>, vector<16xf32>,
    tpu.vector_store %arg22[%swap3A_600, %swap3A_601], %mul3A_598 {strides = array<i32>} : memref<64x128xf32, #tpu.memory_space<vmem>>, vector<16xf32>,
    %get3A_603 = arith.constant 6 : i32
    %get3A_604 = arith.index_cast %get3A_603 : i32 to index
    %get3A_605 = arith.constant 80 : index
    %get3A_606 = tpu.vector_load %arg22[%get3A_604, %get3A_605] {strides = array<i32>} : memref<64x128xf32, #tpu.memory_space<vmem>>, vector<16xf32>,
    %mul3A_607 = arith.mulf %get3A_606, %broadcast_in_dim3A_557 : vector<16xf32>
    %swap3A_608 = arith.constant 6 : i32
    %swap3A_609 = arith.index_cast %swap3A_608 : i32 to index
    %swap3A_610 = arith.constant 80 : index
    %swap3A_611 = tpu.vector_load %arg22[%swap3A_609, %swap3A_610] {strides = array<i32>} : memref<64x128xf32, #tpu.memory_space<vmem>>, vector<16xf32>,
    tpu.vector_store %arg22[%swap3A_609, %swap3A_610], %mul3A_607 {strides = array<i32>} : memref<64x128xf32, #tpu.memory_space<vmem>>, vector<16xf32>,
    %get3A_612 = arith.constant 6 : i32
    %get3A_613 = arith.index_cast %get3A_612 : i32 to index
    %get3A_614 = arith.constant 96 : index
    %get3A_615 = tpu.vector_load %arg22[%get3A_613, %get3A_614] {strides = array<i32>} : memref<64x128xf32, #tpu.memory_space<vmem>>, vector<16xf32>,
    %mul3A_616 = arith.mulf %get3A_615, %broadcast_in_dim3A_557 : vector<16xf32>
    %swap3A_617 = arith.constant 6 : i32
    %swap3A_618 = arith.index_cast %swap3A_617 : i32 to index
    %swap3A_619 = arith.constant 96 : index
    %swap3A_620 = tpu.vector_load %arg22[%swap3A_618, %swap3A_619] {strides = array<i32>} : memref<64x128xf32, #tpu.memory_space<vmem>>, vector<16xf32>,
    tpu.vector_store %arg22[%swap3A_618, %swap3A_619], %mul3A_616 {strides = array<i32>} : memref<64x128xf32, #tpu.memory_space<vmem>>, vector<16xf32>,
    %get3A_621 = arith.constant 6 : i32
    %get3A_622 = arith.index_cast %get3A_621 : i32 to index
    %get3A_623 = arith.constant 112 : index
    %get3A_624 = tpu.vector_load %arg22[%get3A_622, %get3A_623] {strides = array<i32>} : memref<64x128xf32, #tpu.memory_space<vmem>>, vector<16xf32>,
    %mul3A_625 = arith.mulf %get3A_624, %broadcast_in_dim3A_557 : vector<16xf32>
    %swap3A_626 = arith.constant 6 : i32
    %swap3A_627 = arith.index_cast %swap3A_626 : i32 to index
    %swap3A_628 = arith.constant 112 : index
    %swap3A_629 = tpu.vector_load %arg22[%swap3A_627, %swap3A_628] {strides = array<i32>} : memref<64x128xf32, #tpu.memory_space<vmem>>, vector<16xf32>,
    tpu.vector_store %arg22[%swap3A_627, %swap3A_628], %mul3A_625 {strides = array<i32>} : memref<64x128xf32, #tpu.memory_space<vmem>>, vector<16xf32>,
    %slice3A_630 = vector.extract_strided_slice %div3A {offsets = [7], sizes = [1], strides = [1]} : vector<16xf32> to vector<1xf32>
    %squeeze3A_631 = vector.extract %slice3A_630[0] : f32 from vector<1xf32>
    %broadcast_in_dim3A_632 = vector.broadcast %squeeze3A_631 : f32 to vector<16xf32>
    %get3A_633 = arith.constant 7 : i32
    %get3A_634 = arith.index_cast %get3A_633 : i32 to index
    %get3A_635 = arith.constant 0 : index
    %get3A_636 = tpu.vector_load %arg22[%get3A_634, %get3A_635] {strides = array<i32>} : memref<64x128xf32, #tpu.memory_space<vmem>>, vector<16xf32>,
    %mul3A_637 = arith.mulf %get3A_636, %broadcast_in_dim3A_632 : vector<16xf32>
    %swap3A_638 = arith.constant 7 : i32
    %swap3A_639 = arith.index_cast %swap3A_638 : i32 to index
    %swap3A_640 = arith.constant 0 : index
    %swap3A_641 = tpu.vector_load %arg22[%swap3A_639, %swap3A_640] {strides = array<i32>} : memref<64x128xf32, #tpu.memory_space<vmem>>, vector<16xf32>,
    tpu.vector_store %arg22[%swap3A_639, %swap3A_640], %mul3A_637 {strides = array<i32>} : memref<64x128xf32, #tpu.memory_space<vmem>>, vector<16xf32>,
    %get3A_642 = arith.constant 7 : i32
    %get3A_643 = arith.index_cast %get3A_642 : i32 to index
    %get3A_644 = arith.constant 16 : index
    %get3A_645 = tpu.vector_load %arg22[%get3A_643, %get3A_644] {strides = array<i32>} : memref<64x128xf32, #tpu.memory_space<vmem>>, vector<16xf32>,
    %mul3A_646 = arith.mulf %get3A_645, %broadcast_in_dim3A_632 : vector<16xf32>
    %swap3A_647 = arith.constant 7 : i32
    %swap3A_648 = arith.index_cast %swap3A_647 : i32 to index
    %swap3A_649 = arith.constant 16 : index
    %swap3A_650 = tpu.vector_load %arg22[%swap3A_648, %swap3A_649] {strides = array<i32>} : memref<64x128xf32, #tpu.memory_space<vmem>>, vector<16xf32>,
    tpu.vector_store %arg22[%swap3A_648, %swap3A_649], %mul3A_646 {strides = array<i32>} : memref<64x128xf32, #tpu.memory_space<vmem>>, vector<16xf32>,
    %get3A_651 = arith.constant 7 : i32
    %get3A_652 = arith.index_cast %get3A_651 : i32 to index
    %get3A_653 = arith.constant 32 : index
    %get3A_654 = tpu.vector_load %arg22[%get3A_652, %get3A_653] {strides = array<i32>} : memref<64x128xf32, #tpu.memory_space<vmem>>, vector<16xf32>,
    %mul3A_655 = arith.mulf %get3A_654, %broadcast_in_dim3A_632 : vector<16xf32>
    %swap3A_656 = arith.constant 7 : i32
    %swap3A_657 = arith.index_cast %swap3A_656 : i32 to index
    %swap3A_658 = arith.constant 32 : index
    %swap3A_659 = tpu.vector_load %arg22[%swap3A_657, %swap3A_658] {strides = array<i32>} : memref<64x128xf32, #tpu.memory_space<vmem>>, vector<16xf32>,
    tpu.vector_store %arg22[%swap3A_657, %swap3A_658], %mul3A_655 {strides = array<i32>} : memref<64x128xf32, #tpu.memory_space<vmem>>, vector<16xf32>,
    %get3A_660 = arith.constant 7 : i32
    %get3A_661 = arith.index_cast %get3A_660 : i32 to index
    %get3A_662 = arith.constant 48 : index
    %get3A_663 = tpu.vector_load %arg22[%get3A_661, %get3A_662] {strides = array<i32>} : memref<64x128xf32, #tpu.memory_space<vmem>>, vector<16xf32>,
    %mul3A_664 = arith.mulf %get3A_663, %broadcast_in_dim3A_632 : vector<16xf32>
    %swap3A_665 = arith.constant 7 : i32
    %swap3A_666 = arith.index_cast %swap3A_665 : i32 to index
    %swap3A_667 = arith.constant 48 : index
    %swap3A_668 = tpu.vector_load %arg22[%swap3A_666, %swap3A_667] {strides = array<i32>} : memref<64x128xf32, #tpu.memory_space<vmem>>, vector<16xf32>,
    tpu.vector_store %arg22[%swap3A_666, %swap3A_667], %mul3A_664 {strides = array<i32>} : memref<64x128xf32, #tpu.memory_space<vmem>>, vector<16xf32>,
    %get3A_669 = arith.constant 7 : i32
    %get3A_670 = arith.index_cast %get3A_669 : i32 to index
    %get3A_671 = arith.constant 64 : index
    %get3A_672 = tpu.vector_load %arg22[%get3A_670, %get3A_671] {strides = array<i32>} : memref<64x128xf32, #tpu.memory_space<vmem>>, vector<16xf32>,
    %mul3A_673 = arith.mulf %get3A_672, %broadcast_in_dim3A_632 : vector<16xf32>
    %swap3A_674 = arith.constant 7 : i32
    %swap3A_675 = arith.index_cast %swap3A_674 : i32 to index
    %swap3A_676 = arith.constant 64 : index
    %swap3A_677 = tpu.vector_load %arg22[%swap3A_675, %swap3A_676] {strides = array<i32>} : memref<64x128xf32, #tpu.memory_space<vmem>>, vector<16xf32>,
    tpu.vector_store %arg22[%swap3A_675, %swap3A_676], %mul3A_673 {strides = array<i32>} : memref<64x128xf32, #tpu.memory_space<vmem>>, vector<16xf32>,
    %get3A_678 = arith.constant 7 : i32
    %get3A_679 = arith.index_cast %get3A_678 : i32 to index
    %get3A_680 = arith.constant 80 : index
    %get3A_681 = tpu.vector_load %arg22[%get3A_679, %get3A_680] {strides = array<i32>} : memref<64x128xf32, #tpu.memory_space<vmem>>, vector<16xf32>,
    %mul3A_682 = arith.mulf %get3A_681, %broadcast_in_dim3A_632 : vector<16xf32>
    %swap3A_683 = arith.constant 7 : i32
    %swap3A_684 = arith.index_cast %swap3A_683 : i32 to index
    %swap3A_685 = arith.constant 80 : index
    %swap3A_686 = tpu.vector_load %arg22[%swap3A_684, %swap3A_685] {strides = array<i32>} : memref<64x128xf32, #tpu.memory_space<vmem>>, vector<16xf32>,
    tpu.vector_store %arg22[%swap3A_684, %swap3A_685], %mul3A_682 {strides = array<i32>} : memref<64x128xf32, #tpu.memory_space<vmem>>, vector<16xf32>,
    %get3A_687 = arith.constant 7 : i32
    %get3A_688 = arith.index_cast %get3A_687 : i32 to index
    %get3A_689 = arith.constant 96 : index
    %get3A_690 = tpu.vector_load %arg22[%get3A_688, %get3A_689] {strides = array<i32>} : memref<64x128xf32, #tpu.memory_space<vmem>>, vector<16xf32>,
    %mul3A_691 = arith.mulf %get3A_690, %broadcast_in_dim3A_632 : vector<16xf32>
    %swap3A_692 = arith.constant 7 : i32
    %swap3A_693 = arith.index_cast %swap3A_692 : i32 to index
    %swap3A_694 = arith.constant 96 : index
    %swap3A_695 = tpu.vector_load %arg22[%swap3A_693, %swap3A_694] {strides = array<i32>} : memref<64x128xf32, #tpu.memory_space<vmem>>, vector<16xf32>,
    tpu.vector_store %arg22[%swap3A_693, %swap3A_694], %mul3A_691 {strides = array<i32>} : memref<64x128xf32, #tpu.memory_space<vmem>>, vector<16xf32>,
    %get3A_696 = arith.constant 7 : i32
    %get3A_697 = arith.index_cast %get3A_696 : i32 to index
    %get3A_698 = arith.constant 112 : index
    %get3A_699 = tpu.vector_load %arg22[%get3A_697, %get3A_698] {strides = array<i32>} : memref<64x128xf32, #tpu.memory_space<vmem>>, vector<16xf32>,
    %mul3A_700 = arith.mulf %get3A_699, %broadcast_in_dim3A_632 : vector<16xf32>
    %swap3A_701 = arith.constant 7 : i32
    %swap3A_702 = arith.index_cast %swap3A_701 : i32 to index
    %swap3A_703 = arith.constant 112 : index
    %swap3A_704 = tpu.vector_load %arg22[%swap3A_702, %swap3A_703] {strides = array<i32>} : memref<64x128xf32, #tpu.memory_space<vmem>>, vector<16xf32>,
    tpu.vector_store %arg22[%swap3A_702, %swap3A_703], %mul3A_700 {strides = array<i32>} : memref<64x128xf32, #tpu.memory_space<vmem>>, vector<16xf32>,
    %slice3A_705 = vector.extract_strided_slice %div3A {offsets = [8], sizes = [1], strides = [1]} : vector<16xf32> to vector<1xf32>
    %squeeze3A_706 = vector.extract %slice3A_705[0] : f32 from vector<1xf32>
    %broadcast_in_dim3A_707 = vector.broadcast %squeeze3A_706 : f32 to vector<16xf32>
    %get3A_708 = arith.constant 8 : i32
    %get3A_709 = arith.index_cast %get3A_708 : i32 to index
    %get3A_710 = arith.constant 0 : index
    %get3A_711 = tpu.vector_load %arg22[%get3A_709, %get3A_710] {strides = array<i32>} : memref<64x128xf32, #tpu.memory_space<vmem>>, vector<16xf32>,
    %mul3A_712 = arith.mulf %get3A_711, %broadcast_in_dim3A_707 : vector<16xf32>
    %swap3A_713 = arith.constant 8 : i32
    %swap3A_714 = arith.index_cast %swap3A_713 : i32 to index
    %swap3A_715 = arith.constant 0 : index
    %swap3A_716 = tpu.vector_load %arg22[%swap3A_714, %swap3A_715] {strides = array<i32>} : memref<64x128xf32, #tpu.memory_space<vmem>>, vector<16xf32>,
    tpu.vector_store %arg22[%swap3A_714, %swap3A_715], %mul3A_712 {strides = array<i32>} : memref<64x128xf32, #tpu.memory_space<vmem>>, vector<16xf32>,
    %get3A_717 = arith.constant 8 : i32
    %get3A_718 = arith.index_cast %get3A_717 : i32 to index
    %get3A_719 = arith.constant 16 : index
    %get3A_720 = tpu.vector_load %arg22[%get3A_718, %get3A_719] {strides = array<i32>} : memref<64x128xf32, #tpu.memory_space<vmem>>, vector<16xf32>,
    %mul3A_721 = arith.mulf %get3A_720, %broadcast_in_dim3A_707 : vector<16xf32>
    %swap3A_722 = arith.constant 8 : i32
    %swap3A_723 = arith.index_cast %swap3A_722 : i32 to index
    %swap3A_724 = arith.constant 16 : index
    %swap3A_725 = tpu.vector_load %arg22[%swap3A_723, %swap3A_724] {strides = array<i32>} : memref<64x128xf32, #tpu.memory_space<vmem>>, vector<16xf32>,
    tpu.vector_store %arg22[%swap3A_723, %swap3A_724], %mul3A_721 {strides = array<i32>} : memref<64x128xf32, #tpu.memory_space<vmem>>, vector<16xf32>,
    %get3A_726 = arith.constant 8 : i32
    %get3A_727 = arith.index_cast %get3A_726 : i32 to index
    %get3A_728 = arith.constant 32 : index
    %get3A_729 = tpu.vector_load %arg22[%get3A_727, %get3A_728] {strides = array<i32>} : memref<64x128xf32, #tpu.memory_space<vmem>>, vector<16xf32>,
    %mul3A_730 = arith.mulf %get3A_729, %broadcast_in_dim3A_707 : vector<16xf32>
    %swap3A_731 = arith.constant 8 : i32
    %swap3A_732 = arith.index_cast %swap3A_731 : i32 to index
    %swap3A_733 = arith.constant 32 : index
    %swap3A_734 = tpu.vector_load %arg22[%swap3A_732, %swap3A_733] {strides = array<i32>} : memref<64x128xf32, #tpu.memory_space<vmem>>, vector<16xf32>,
    tpu.vector_store %arg22[%swap3A_732, %swap3A_733], %mul3A_730 {strides = array<i32>} : memref<64x128xf32, #tpu.memory_space<vmem>>, vector<16xf32>,
    %get3A_735 = arith.constant 8 : i32
    %get3A_736 = arith.index_cast %get3A_735 : i32 to index
    %get3A_737 = arith.constant 48 : index
    %get3A_738 = tpu.vector_load %arg22[%get3A_736, %get3A_737] {strides = array<i32>} : memref<64x128xf32, #tpu.memory_space<vmem>>, vector<16xf32>,
    %mul3A_739 = arith.mulf %get3A_738, %broadcast_in_dim3A_707 : vector<16xf32>
    %swap3A_740 = arith.constant 8 : i32
    %swap3A_741 = arith.index_cast %swap3A_740 : i32 to index
    %swap3A_742 = arith.constant 48 : index
    %swap3A_743 = tpu.vector_load %arg22[%swap3A_741, %swap3A_742] {strides = array<i32>} : memref<64x128xf32, #tpu.memory_space<vmem>>, vector<16xf32>,
    tpu.vector_store %arg22[%swap3A_741, %swap3A_742], %mul3A_739 {strides = array<i32>} : memref<64x128xf32, #tpu.memory_space<vmem>>, vector<16xf32>,
    %get3A_744 = arith.constant 8 : i32
    %get3A_745 = arith.index_cast %get3A_744 : i32 to index
    %get3A_746 = arith.constant 64 : index
    %get3A_747 = tpu.vector_load %arg22[%get3A_745, %get3A_746] {strides = array<i32>} : memref<64x128xf32, #tpu.memory_space<vmem>>, vector<16xf32>,
    %mul3A_748 = arith.mulf %get3A_747, %broadcast_in_dim3A_707 : vector<16xf32>
    %swap3A_749 = arith.constant 8 : i32
    %swap3A_750 = arith.index_cast %swap3A_749 : i32 to index
    %swap3A_751 = arith.constant 64 : index
    %swap3A_752 = tpu.vector_load %arg22[%swap3A_750, %swap3A_751] {strides = array<i32>} : memref<64x128xf32, #tpu.memory_space<vmem>>, vector<16xf32>,
    tpu.vector_store %arg22[%swap3A_750, %swap3A_751], %mul3A_748 {strides = array<i32>} : memref<64x128xf32, #tpu.memory_space<vmem>>, vector<16xf32>,
    %get3A_753 = arith.constant 8 : i32
    %get3A_754 = arith.index_cast %get3A_753 : i32 to index
    %get3A_755 = arith.constant 80 : index
    %get3A_756 = tpu.vector_load %arg22[%get3A_754, %get3A_755] {strides = array<i32>} : memref<64x128xf32, #tpu.memory_space<vmem>>, vector<16xf32>,
    %mul3A_757 = arith.mulf %get3A_756, %broadcast_in_dim3A_707 : vector<16xf32>
    %swap3A_758 = arith.constant 8 : i32
    %swap3A_759 = arith.index_cast %swap3A_758 : i32 to index
    %swap3A_760 = arith.constant 80 : index
    %swap3A_761 = tpu.vector_load %arg22[%swap3A_759, %swap3A_760] {strides = array<i32>} : memref<64x128xf32, #tpu.memory_space<vmem>>, vector<16xf32>,
    tpu.vector_store %arg22[%swap3A_759, %swap3A_760], %mul3A_757 {strides = array<i32>} : memref<64x128xf32, #tpu.memory_space<vmem>>, vector<16xf32>,
    %get3A_762 = arith.constant 8 : i32
    %get3A_763 = arith.index_cast %get3A_762 : i32 to index
    %get3A_764 = arith.constant 96 : index
    %get3A_765 = tpu.vector_load %arg22[%get3A_763, %get3A_764] {strides = array<i32>} : memref<64x128xf32, #tpu.memory_space<vmem>>, vector<16xf32>,
    %mul3A_766 = arith.mulf %get3A_765, %broadcast_in_dim3A_707 : vector<16xf32>
    %swap3A_767 = arith.constant 8 : i32
    %swap3A_768 = arith.index_cast %swap3A_767 : i32 to index
    %swap3A_769 = arith.constant 96 : index
    %swap3A_770 = tpu.vector_load %arg22[%swap3A_768, %swap3A_769] {strides = array<i32>} : memref<64x128xf32, #tpu.memory_space<vmem>>, vector<16xf32>,
    tpu.vector_store %arg22[%swap3A_768, %swap3A_769], %mul3A_766 {strides = array<i32>} : memref<64x128xf32, #tpu.memory_space<vmem>>, vector<16xf32>,
    %get3A_771 = arith.constant 8 : i32
    %get3A_772 = arith.index_cast %get3A_771 : i32 to index
    %get3A_773 = arith.constant 112 : index
    %get3A_774 = tpu.vector_load %arg22[%get3A_772, %get3A_773] {strides = array<i32>} : memref<64x128xf32, #tpu.memory_space<vmem>>, vector<16xf32>,
    %mul3A_775 = arith.mulf %get3A_774, %broadcast_in_dim3A_707 : vector<16xf32>
    %swap3A_776 = arith.constant 8 : i32
    %swap3A_777 = arith.index_cast %swap3A_776 : i32 to index
    %swap3A_778 = arith.constant 112 : index
    %swap3A_779 = tpu.vector_load %arg22[%swap3A_777, %swap3A_778] {strides = array<i32>} : memref<64x128xf32, #tpu.memory_space<vmem>>, vector<16xf32>,
    tpu.vector_store %arg22[%swap3A_777, %swap3A_778], %mul3A_775 {strides = array<i32>} : memref<64x128xf32, #tpu.memory_space<vmem>>, vector<16xf32>,
    %slice3A_780 = vector.extract_strided_slice %div3A {offsets = [9], sizes = [1], strides = [1]} : vector<16xf32> to vector<1xf32>
    %squeeze3A_781 = vector.extract %slice3A_780[0] : f32 from vector<1xf32>
    %broadcast_in_dim3A_782 = vector.broadcast %squeeze3A_781 : f32 to vector<16xf32>
    %get3A_783 = arith.constant 9 : i32
    %get3A_784 = arith.index_cast %get3A_783 : i32 to index
    %get3A_785 = arith.constant 0 : index
    %get3A_786 = tpu.vector_load %arg22[%get3A_784, %get3A_785] {strides = array<i32>} : memref<64x128xf32, #tpu.memory_space<vmem>>, vector<16xf32>,
    %mul3A_787 = arith.mulf %get3A_786, %broadcast_in_dim3A_782 : vector<16xf32>
    %swap3A_788 = arith.constant 9 : i32
    %swap3A_789 = arith.index_cast %swap3A_788 : i32 to index
    %swap3A_790 = arith.constant 0 : index
    %swap3A_791 = tpu.vector_load %arg22[%swap3A_789, %swap3A_790] {strides = array<i32>} : memref<64x128xf32, #tpu.memory_space<vmem>>, vector<16xf32>,
    tpu.vector_store %arg22[%swap3A_789, %swap3A_790], %mul3A_787 {strides = array<i32>} : memref<64x128xf32, #tpu.memory_space<vmem>>, vector<16xf32>,
    %get3A_792 = arith.constant 9 : i32
    %get3A_793 = arith.index_cast %get3A_792 : i32 to index
    %get3A_794 = arith.constant 16 : index
    %get3A_795 = tpu.vector_load %arg22[%get3A_793, %get3A_794] {strides = array<i32>} : memref<64x128xf32, #tpu.memory_space<vmem>>, vector<16xf32>,
    %mul3A_796 = arith.mulf %get3A_795, %broadcast_in_dim3A_782 : vector<16xf32>
    %swap3A_797 = arith.constant 9 : i32
    %swap3A_798 = arith.index_cast %swap3A_797 : i32 to index
    %swap3A_799 = arith.constant 16 : index
    %swap3A_800 = tpu.vector_load %arg22[%swap3A_798, %swap3A_799] {strides = array<i32>} : memref<64x128xf32, #tpu.memory_space<vmem>>, vector<16xf32>,
    tpu.vector_store %arg22[%swap3A_798, %swap3A_799], %mul3A_796 {strides = array<i32>} : memref<64x128xf32, #tpu.memory_space<vmem>>, vector<16xf32>,
    %get3A_801 = arith.constant 9 : i32
    %get3A_802 = arith.index_cast %get3A_801 : i32 to index
    %get3A_803 = arith.constant 32 : index
    %get3A_804 = tpu.vector_load %arg22[%get3A_802, %get3A_803] {strides = array<i32>} : memref<64x128xf32, #tpu.memory_space<vmem>>, vector<16xf32>,
    %mul3A_805 = arith.mulf %get3A_804, %broadcast_in_dim3A_782 : vector<16xf32>
    %swap3A_806 = arith.constant 9 : i32
    %swap3A_807 = arith.index_cast %swap3A_806 : i32 to index
    %swap3A_808 = arith.constant 32 : index
    %swap3A_809 = tpu.vector_load %arg22[%swap3A_807, %swap3A_808] {strides = array<i32>} : memref<64x128xf32, #tpu.memory_space<vmem>>, vector<16xf32>,
    tpu.vector_store %arg22[%swap3A_807, %swap3A_808], %mul3A_805 {strides = array<i32>} : memref<64x128xf32, #tpu.memory_space<vmem>>, vector<16xf32>,
    %get3A_810 = arith.constant 9 : i32
    %get3A_811 = arith.index_cast %get3A_810 : i32 to index
    %get3A_812 = arith.constant 48 : index
    %get3A_813 = tpu.vector_load %arg22[%get3A_811, %get3A_812] {strides = array<i32>} : memref<64x128xf32, #tpu.memory_space<vmem>>, vector<16xf32>,
    %mul3A_814 = arith.mulf %get3A_813, %broadcast_in_dim3A_782 : vector<16xf32>
    %swap3A_815 = arith.constant 9 : i32
    %swap3A_816 = arith.index_cast %swap3A_815 : i32 to index
    %swap3A_817 = arith.constant 48 : index
    %swap3A_818 = tpu.vector_load %arg22[%swap3A_816, %swap3A_817] {strides = array<i32>} : memref<64x128xf32, #tpu.memory_space<vmem>>, vector<16xf32>,
    tpu.vector_store %arg22[%swap3A_816, %swap3A_817], %mul3A_814 {strides = array<i32>} : memref<64x128xf32, #tpu.memory_space<vmem>>, vector<16xf32>,
    %get3A_819 = arith.constant 9 : i32
    %get3A_820 = arith.index_cast %get3A_819 : i32 to index
    %get3A_821 = arith.constant 64 : index
    %get3A_822 = tpu.vector_load %arg22[%get3A_820, %get3A_821] {strides = array<i32>} : memref<64x128xf32, #tpu.memory_space<vmem>>, vector<16xf32>,
    %mul3A_823 = arith.mulf %get3A_822, %broadcast_in_dim3A_782 : vector<16xf32>
    %swap3A_824 = arith.constant 9 : i32
    %swap3A_825 = arith.index_cast %swap3A_824 : i32 to index
    %swap3A_826 = arith.constant 64 : index
    %swap3A_827 = tpu.vector_load %arg22[%swap3A_825, %swap3A_826] {strides = array<i32>} : memref<64x128xf32, #tpu.memory_space<vmem>>, vector<16xf32>,
    tpu.vector_store %arg22[%swap3A_825, %swap3A_826], %mul3A_823 {strides = array<i32>} : memref<64x128xf32, #tpu.memory_space<vmem>>, vector<16xf32>,
    %get3A_828 = arith.constant 9 : i32
    %get3A_829 = arith.index_cast %get3A_828 : i32 to index
    %get3A_830 = arith.constant 80 : index
    %get3A_831 = tpu.vector_load %arg22[%get3A_829, %get3A_830] {strides = array<i32>} : memref<64x128xf32, #tpu.memory_space<vmem>>, vector<16xf32>,
    %mul3A_832 = arith.mulf %get3A_831, %broadcast_in_dim3A_782 : vector<16xf32>
    %swap3A_833 = arith.constant 9 : i32
    %swap3A_834 = arith.index_cast %swap3A_833 : i32 to index
    %swap3A_835 = arith.constant 80 : index
    %swap3A_836 = tpu.vector_load %arg22[%swap3A_834, %swap3A_835] {strides = array<i32>} : memref<64x128xf32, #tpu.memory_space<vmem>>, vector<16xf32>,
    tpu.vector_store %arg22[%swap3A_834, %swap3A_835], %mul3A_832 {strides = array<i32>} : memref<64x128xf32, #tpu.memory_space<vmem>>, vector<16xf32>,
    %get3A_837 = arith.constant 9 : i32
    %get3A_838 = arith.index_cast %get3A_837 : i32 to index
    %get3A_839 = arith.constant 96 : index
    %get3A_840 = tpu.vector_load %arg22[%get3A_838, %get3A_839] {strides = array<i32>} : memref<64x128xf32, #tpu.memory_space<vmem>>, vector<16xf32>,
    %mul3A_841 = arith.mulf %get3A_840, %broadcast_in_dim3A_782 : vector<16xf32>
    %swap3A_842 = arith.constant 9 : i32
    %swap3A_843 = arith.index_cast %swap3A_842 : i32 to index
    %swap3A_844 = arith.constant 96 : index
    %swap3A_845 = tpu.vector_load %arg22[%swap3A_843, %swap3A_844] {strides = array<i32>} : memref<64x128xf32, #tpu.memory_space<vmem>>, vector<16xf32>,
    tpu.vector_store %arg22[%swap3A_843, %swap3A_844], %mul3A_841 {strides = array<i32>} : memref<64x128xf32, #tpu.memory_space<vmem>>, vector<16xf32>,
    %get3A_846 = arith.constant 9 : i32
    %get3A_847 = arith.index_cast %get3A_846 : i32 to index
    %get3A_848 = arith.constant 112 : index
    %get3A_849 = tpu.vector_load %arg22[%get3A_847, %get3A_848] {strides = array<i32>} : memref<64x128xf32, #tpu.memory_space<vmem>>, vector<16xf32>,
    %mul3A_850 = arith.mulf %get3A_849, %broadcast_in_dim3A_782 : vector<16xf32>
    %swap3A_851 = arith.constant 9 : i32
    %swap3A_852 = arith.index_cast %swap3A_851 : i32 to index
    %swap3A_853 = arith.constant 112 : index
    %swap3A_854 = tpu.vector_load %arg22[%swap3A_852, %swap3A_853] {strides = array<i32>} : memref<64x128xf32, #tpu.memory_space<vmem>>, vector<16xf32>,
    tpu.vector_store %arg22[%swap3A_852, %swap3A_853], %mul3A_850 {strides = array<i32>} : memref<64x128xf32, #tpu.memory_space<vmem>>, vector<16xf32>,
    %slice3A_855 = vector.extract_strided_slice %div3A {offsets = [10], sizes = [1], strides = [1]} : vector<16xf32> to vector<1xf32>
    %squeeze3A_856 = vector.extract %slice3A_855[0] : f32 from vector<1xf32>
    %broadcast_in_dim3A_857 = vector.broadcast %squeeze3A_856 : f32 to vector<16xf32>
    %get3A_858 = arith.constant 10 : i32
    %get3A_859 = arith.index_cast %get3A_858 : i32 to index
    %get3A_860 = arith.constant 0 : index
    %get3A_861 = tpu.vector_load %arg22[%get3A_859, %get3A_860] {strides = array<i32>} : memref<64x128xf32, #tpu.memory_space<vmem>>, vector<16xf32>,
    %mul3A_862 = arith.mulf %get3A_861, %broadcast_in_dim3A_857 : vector<16xf32>
    %swap3A_863 = arith.constant 10 : i32
    %swap3A_864 = arith.index_cast %swap3A_863 : i32 to index
    %swap3A_865 = arith.constant 0 : index
    %swap3A_866 = tpu.vector_load %arg22[%swap3A_864, %swap3A_865] {strides = array<i32>} : memref<64x128xf32, #tpu.memory_space<vmem>>, vector<16xf32>,
    tpu.vector_store %arg22[%swap3A_864, %swap3A_865], %mul3A_862 {strides = array<i32>} : memref<64x128xf32, #tpu.memory_space<vmem>>, vector<16xf32>,
    %get3A_867 = arith.constant 10 : i32
    %get3A_868 = arith.index_cast %get3A_867 : i32 to index
    %get3A_869 = arith.constant 16 : index
    %get3A_870 = tpu.vector_load %arg22[%get3A_868, %get3A_869] {strides = array<i32>} : memref<64x128xf32, #tpu.memory_space<vmem>>, vector<16xf32>,
    %mul3A_871 = arith.mulf %get3A_870, %broadcast_in_dim3A_857 : vector<16xf32>
    %swap3A_872 = arith.constant 10 : i32
    %swap3A_873 = arith.index_cast %swap3A_872 : i32 to index
    %swap3A_874 = arith.constant 16 : index
    %swap3A_875 = tpu.vector_load %arg22[%swap3A_873, %swap3A_874] {strides = array<i32>} : memref<64x128xf32, #tpu.memory_space<vmem>>, vector<16xf32>,
    tpu.vector_store %arg22[%swap3A_873, %swap3A_874], %mul3A_871 {strides = array<i32>} : memref<64x128xf32, #tpu.memory_space<vmem>>, vector<16xf32>,
    %get3A_876 = arith.constant 10 : i32
    %get3A_877 = arith.index_cast %get3A_876 : i32 to index
    %get3A_878 = arith.constant 32 : index
    %get3A_879 = tpu.vector_load %arg22[%get3A_877, %get3A_878] {strides = array<i32>} : memref<64x128xf32, #tpu.memory_space<vmem>>, vector<16xf32>,
    %mul3A_880 = arith.mulf %get3A_879, %broadcast_in_dim3A_857 : vector<16xf32>
    %swap3A_881 = arith.constant 10 : i32
    %swap3A_882 = arith.index_cast %swap3A_881 : i32 to index
    %swap3A_883 = arith.constant 32 : index
    %swap3A_884 = tpu.vector_load %arg22[%swap3A_882, %swap3A_883] {strides = array<i32>} : memref<64x128xf32, #tpu.memory_space<vmem>>, vector<16xf32>,
    tpu.vector_store %arg22[%swap3A_882, %swap3A_883], %mul3A_880 {strides = array<i32>} : memref<64x128xf32, #tpu.memory_space<vmem>>, vector<16xf32>,
    %get3A_885 = arith.constant 10 : i32
    %get3A_886 = arith.index_cast %get3A_885 : i32 to index
    %get3A_887 = arith.constant 48 : index
    %get3A_888 = tpu.vector_load %arg22[%get3A_886, %get3A_887] {strides = array<i32>} : memref<64x128xf32, #tpu.memory_space<vmem>>, vector<16xf32>,
    %mul3A_889 = arith.mulf %get3A_888, %broadcast_in_dim3A_857 : vector<16xf32>
    %swap3A_890 = arith.constant 10 : i32
    %swap3A_891 = arith.index_cast %swap3A_890 : i32 to index
    %swap3A_892 = arith.constant 48 : index
    %swap3A_893 = tpu.vector_load %arg22[%swap3A_891, %swap3A_892] {strides = array<i32>} : memref<64x128xf32, #tpu.memory_space<vmem>>, vector<16xf32>,
    tpu.vector_store %arg22[%swap3A_891, %swap3A_892], %mul3A_889 {strides = array<i32>} : memref<64x128xf32, #tpu.memory_space<vmem>>, vector<16xf32>,
    %get3A_894 = arith.constant 10 : i32
    %get3A_895 = arith.index_cast %get3A_894 : i32 to index
    %get3A_896 = arith.constant 64 : index
    %get3A_897 = tpu.vector_load %arg22[%get3A_895, %get3A_896] {strides = array<i32>} : memref<64x128xf32, #tpu.memory_space<vmem>>, vector<16xf32>,
    %mul3A_898 = arith.mulf %get3A_897, %broadcast_in_dim3A_857 : vector<16xf32>
    %swap3A_899 = arith.constant 10 : i32
    %swap3A_900 = arith.index_cast %swap3A_899 : i32 to index
    %swap3A_901 = arith.constant 64 : index
    %swap3A_902 = tpu.vector_load %arg22[%swap3A_900, %swap3A_901] {strides = array<i32>} : memref<64x128xf32, #tpu.memory_space<vmem>>, vector<16xf32>,
    tpu.vector_store %arg22[%swap3A_900, %swap3A_901], %mul3A_898 {strides = array<i32>} : memref<64x128xf32, #tpu.memory_space<vmem>>, vector<16xf32>,
    %get3A_903 = arith.constant 10 : i32
    %get3A_904 = arith.index_cast %get3A_903 : i32 to index
    %get3A_905 = arith.constant 80 : index
    %get3A_906 = tpu.vector_load %arg22[%get3A_904, %get3A_905] {strides = array<i32>} : memref<64x128xf32, #tpu.memory_space<vmem>>, vector<16xf32>,
    %mul3A_907 = arith.mulf %get3A_906, %broadcast_in_dim3A_857 : vector<16xf32>
    %swap3A_908 = arith.constant 10 : i32
    %swap3A_909 = arith.index_cast %swap3A_908 : i32 to index
    %swap3A_910 = arith.constant 80 : index
    %swap3A_911 = tpu.vector_load %arg22[%swap3A_909, %swap3A_910] {strides = array<i32>} : memref<64x128xf32, #tpu.memory_space<vmem>>, vector<16xf32>,
    tpu.vector_store %arg22[%swap3A_909, %swap3A_910], %mul3A_907 {strides = array<i32>} : memref<64x128xf32, #tpu.memory_space<vmem>>, vector<16xf32>,
    %get3A_912 = arith.constant 10 : i32
    %get3A_913 = arith.index_cast %get3A_912 : i32 to index
    %get3A_914 = arith.constant 96 : index
    %get3A_915 = tpu.vector_load %arg22[%get3A_913, %get3A_914] {strides = array<i32>} : memref<64x128xf32, #tpu.memory_space<vmem>>, vector<16xf32>,
    %mul3A_916 = arith.mulf %get3A_915, %broadcast_in_dim3A_857 : vector<16xf32>
    %swap3A_917 = arith.constant 10 : i32
    %swap3A_918 = arith.index_cast %swap3A_917 : i32 to index
    %swap3A_919 = arith.constant 96 : index
    %swap3A_920 = tpu.vector_load %arg22[%swap3A_918, %swap3A_919] {strides = array<i32>} : memref<64x128xf32, #tpu.memory_space<vmem>>, vector<16xf32>,
    tpu.vector_store %arg22[%swap3A_918, %swap3A_919], %mul3A_916 {strides = array<i32>} : memref<64x128xf32, #tpu.memory_space<vmem>>, vector<16xf32>,
    %get3A_921 = arith.constant 10 : i32
    %get3A_922 = arith.index_cast %get3A_921 : i32 to index
    %get3A_923 = arith.constant 112 : index
    %get3A_924 = tpu.vector_load %arg22[%get3A_922, %get3A_923] {strides = array<i32>} : memref<64x128xf32, #tpu.memory_space<vmem>>, vector<16xf32>,
    %mul3A_925 = arith.mulf %get3A_924, %broadcast_in_dim3A_857 : vector<16xf32>
    %swap3A_926 = arith.constant 10 : i32
    %swap3A_927 = arith.index_cast %swap3A_926 : i32 to index
    %swap3A_928 = arith.constant 112 : index
    %swap3A_929 = tpu.vector_load %arg22[%swap3A_927, %swap3A_928] {strides = array<i32>} : memref<64x128xf32, #tpu.memory_space<vmem>>, vector<16xf32>,
    tpu.vector_store %arg22[%swap3A_927, %swap3A_928], %mul3A_925 {strides = array<i32>} : memref<64x128xf32, #tpu.memory_space<vmem>>, vector<16xf32>,
    %slice3A_930 = vector.extract_strided_slice %div3A {offsets = [11], sizes = [1], strides = [1]} : vector<16xf32> to vector<1xf32>
    %squeeze3A_931 = vector.extract %slice3A_930[0] : f32 from vector<1xf32>
    %broadcast_in_dim3A_932 = vector.broadcast %squeeze3A_931 : f32 to vector<16xf32>
    %get3A_933 = arith.constant 11 : i32
    %get3A_934 = arith.index_cast %get3A_933 : i32 to index
    %get3A_935 = arith.constant 0 : index
    %get3A_936 = tpu.vector_load %arg22[%get3A_934, %get3A_935] {strides = array<i32>} : memref<64x128xf32, #tpu.memory_space<vmem>>, vector<16xf32>,
    %mul3A_937 = arith.mulf %get3A_936, %broadcast_in_dim3A_932 : vector<16xf32>
    %swap3A_938 = arith.constant 11 : i32
    %swap3A_939 = arith.index_cast %swap3A_938 : i32 to index
    %swap3A_940 = arith.constant 0 : index
    %swap3A_941 = tpu.vector_load %arg22[%swap3A_939, %swap3A_940] {strides = array<i32>} : memref<64x128xf32, #tpu.memory_space<vmem>>, vector<16xf32>,
    tpu.vector_store %arg22[%swap3A_939, %swap3A_940], %mul3A_937 {strides = array<i32>} : memref<64x128xf32, #tpu.memory_space<vmem>>, vector<16xf32>,
    %get3A_942 = arith.constant 11 : i32
    %get3A_943 = arith.index_cast %get3A_942 : i32 to index
    %get3A_944 = arith.constant 16 : index
    %get3A_945 = tpu.vector_load %arg22[%get3A_943, %get3A_944] {strides = array<i32>} : memref<64x128xf32, #tpu.memory_space<vmem>>, vector<16xf32>,
    %mul3A_946 = arith.mulf %get3A_945, %broadcast_in_dim3A_932 : vector<16xf32>
    %swap3A_947 = arith.constant 11 : i32
    %swap3A_948 = arith.index_cast %swap3A_947 : i32 to index
    %swap3A_949 = arith.constant 16 : index
    %swap3A_950 = tpu.vector_load %arg22[%swap3A_948, %swap3A_949] {strides = array<i32>} : memref<64x128xf32, #tpu.memory_space<vmem>>, vector<16xf32>,
    tpu.vector_store %arg22[%swap3A_948, %swap3A_949], %mul3A_946 {strides = array<i32>} : memref<64x128xf32, #tpu.memory_space<vmem>>, vector<16xf32>,
    %get3A_951 = arith.constant 11 : i32
    %get3A_952 = arith.index_cast %get3A_951 : i32 to index
    %get3A_953 = arith.constant 32 : index
    %get3A_954 = tpu.vector_load %arg22[%get3A_952, %get3A_953] {strides = array<i32>} : memref<64x128xf32, #tpu.memory_space<vmem>>, vector<16xf32>,
    %mul3A_955 = arith.mulf %get3A_954, %broadcast_in_dim3A_932 : vector<16xf32>
    %swap3A_956 = arith.constant 11 : i32
    %swap3A_957 = arith.index_cast %swap3A_956 : i32 to index
    %swap3A_958 = arith.constant 32 : index
    %swap3A_959 = tpu.vector_load %arg22[%swap3A_957, %swap3A_958] {strides = array<i32>} : memref<64x128xf32, #tpu.memory_space<vmem>>, vector<16xf32>,
    tpu.vector_store %arg22[%swap3A_957, %swap3A_958], %mul3A_955 {strides = array<i32>} : memref<64x128xf32, #tpu.memory_space<vmem>>, vector<16xf32>,
    %get3A_960 = arith.constant 11 : i32
    %get3A_961 = arith.index_cast %get3A_960 : i32 to index
    %get3A_962 = arith.constant 48 : index
    %get3A_963 = tpu.vector_load %arg22[%get3A_961, %get3A_962] {strides = array<i32>} : memref<64x128xf32, #tpu.memory_space<vmem>>, vector<16xf32>,
    %mul3A_964 = arith.mulf %get3A_963, %broadcast_in_dim3A_932 : vector<16xf32>
    %swap3A_965 = arith.constant 11 : i32
    %swap3A_966 = arith.index_cast %swap3A_965 : i32 to index
    %swap3A_967 = arith.constant 48 : index
    %swap3A_968 = tpu.vector_load %arg22[%swap3A_966, %swap3A_967] {strides = array<i32>} : memref<64x128xf32, #tpu.memory_space<vmem>>, vector<16xf32>,
    tpu.vector_store %arg22[%swap3A_966, %swap3A_967], %mul3A_964 {strides = array<i32>} : memref<64x128xf32, #tpu.memory_space<vmem>>, vector<16xf32>,
    %get3A_969 = arith.constant 11 : i32
    %get3A_970 = arith.index_cast %get3A_969 : i32 to index
    %get3A_971 = arith.constant 64 : index
    %get3A_972 = tpu.vector_load %arg22[%get3A_970, %get3A_971] {strides = array<i32>} : memref<64x128xf32, #tpu.memory_space<vmem>>, vector<16xf32>,
    %mul3A_973 = arith.mulf %get3A_972, %broadcast_in_dim3A_932 : vector<16xf32>
    %swap3A_974 = arith.constant 11 : i32
    %swap3A_975 = arith.index_cast %swap3A_974 : i32 to index
    %swap3A_976 = arith.constant 64 : index
    %swap3A_977 = tpu.vector_load %arg22[%swap3A_975, %swap3A_976] {strides = array<i32>} : memref<64x128xf32, #tpu.memory_space<vmem>>, vector<16xf32>,
    tpu.vector_store %arg22[%swap3A_975, %swap3A_976], %mul3A_973 {strides = array<i32>} : memref<64x128xf32, #tpu.memory_space<vmem>>, vector<16xf32>,
    %get3A_978 = arith.constant 11 : i32
    %get3A_979 = arith.index_cast %get3A_978 : i32 to index
    %get3A_980 = arith.constant 80 : index
    %get3A_981 = tpu.vector_load %arg22[%get3A_979, %get3A_980] {strides = array<i32>} : memref<64x128xf32, #tpu.memory_space<vmem>>, vector<16xf32>,
    %mul3A_982 = arith.mulf %get3A_981, %broadcast_in_dim3A_932 : vector<16xf32>
    %swap3A_983 = arith.constant 11 : i32
    %swap3A_984 = arith.index_cast %swap3A_983 : i32 to index
    %swap3A_985 = arith.constant 80 : index
    %swap3A_986 = tpu.vector_load %arg22[%swap3A_984, %swap3A_985] {strides = array<i32>} : memref<64x128xf32, #tpu.memory_space<vmem>>, vector<16xf32>,
    tpu.vector_store %arg22[%swap3A_984, %swap3A_985], %mul3A_982 {strides = array<i32>} : memref<64x128xf32, #tpu.memory_space<vmem>>, vector<16xf32>,
    %get3A_987 = arith.constant 11 : i32
    %get3A_988 = arith.index_cast %get3A_987 : i32 to index
    %get3A_989 = arith.constant 96 : index
    %get3A_990 = tpu.vector_load %arg22[%get3A_988, %get3A_989] {strides = array<i32>} : memref<64x128xf32, #tpu.memory_space<vmem>>, vector<16xf32>,
    %mul3A_991 = arith.mulf %get3A_990, %broadcast_in_dim3A_932 : vector<16xf32>
    %swap3A_992 = arith.constant 11 : i32
    %swap3A_993 = arith.index_cast %swap3A_992 : i32 to index
    %swap3A_994 = arith.constant 96 : index
    %swap3A_995 = tpu.vector_load %arg22[%swap3A_993, %swap3A_994] {strides = array<i32>} : memref<64x128xf32, #tpu.memory_space<vmem>>, vector<16xf32>,
    tpu.vector_store %arg22[%swap3A_993, %swap3A_994], %mul3A_991 {strides = array<i32>} : memref<64x128xf32, #tpu.memory_space<vmem>>, vector<16xf32>,
    %get3A_996 = arith.constant 11 : i32
    %get3A_997 = arith.index_cast %get3A_996 : i32 to index
    %get3A_998 = arith.constant 112 : index
    %get3A_999 = tpu.vector_load %arg22[%get3A_997, %get3A_998] {strides = array<i32>} : memref<64x128xf32, #tpu.memory_space<vmem>>, vector<16xf32>,
    %mul3A_1000 = arith.mulf %get3A_999, %broadcast_in_dim3A_932 : vector<16xf32>
    %swap3A_1001 = arith.constant 11 : i32
    %swap3A_1002 = arith.index_cast %swap3A_1001 : i32 to index
    %swap3A_1003 = arith.constant 112 : index
    %swap3A_1004 = tpu.vector_load %arg22[%swap3A_1002, %swap3A_1003] {strides = array<i32>} : memref<64x128xf32, #tpu.memory_space<vmem>>, vector<16xf32>,
    tpu.vector_store %arg22[%swap3A_1002, %swap3A_1003], %mul3A_1000 {strides = array<i32>} : memref<64x128xf32, #tpu.memory_space<vmem>>, vector<16xf32>,
    %slice3A_1005 = vector.extract_strided_slice %div3A {offsets = [12], sizes = [1], strides = [1]} : vector<16xf32> to vector<1xf32>
    %squeeze3A_1006 = vector.extract %slice3A_1005[0] : f32 from vector<1xf32>
    %broadcast_in_dim3A_1007 = vector.broadcast %squeeze3A_1006 : f32 to vector<16xf32>
    %get3A_1008 = arith.constant 12 : i32
    %get3A_1009 = arith.index_cast %get3A_1008 : i32 to index
    %get3A_1010 = arith.constant 0 : index
    %get3A_1011 = tpu.vector_load %arg22[%get3A_1009, %get3A_1010] {strides = array<i32>} : memref<64x128xf32, #tpu.memory_space<vmem>>, vector<16xf32>,
    %mul3A_1012 = arith.mulf %get3A_1011, %broadcast_in_dim3A_1007 : vector<16xf32>
    %swap3A_1013 = arith.constant 12 : i32
    %swap3A_1014 = arith.index_cast %swap3A_1013 : i32 to index
    %swap3A_1015 = arith.constant 0 : index
    %swap3A_1016 = tpu.vector_load %arg22[%swap3A_1014, %swap3A_1015] {strides = array<i32>} : memref<64x128xf32, #tpu.memory_space<vmem>>, vector<16xf32>,
    tpu.vector_store %arg22[%swap3A_1014, %swap3A_1015], %mul3A_1012 {strides = array<i32>} : memref<64x128xf32, #tpu.memory_space<vmem>>, vector<16xf32>,
    %get3A_1017 = arith.constant 12 : i32
    %get3A_1018 = arith.index_cast %get3A_1017 : i32 to index
    %get3A_1019 = arith.constant 16 : index
    %get3A_1020 = tpu.vector_load %arg22[%get3A_1018, %get3A_1019] {strides = array<i32>} : memref<64x128xf32, #tpu.memory_space<vmem>>, vector<16xf32>,
    %mul3A_1021 = arith.mulf %get3A_1020, %broadcast_in_dim3A_1007 : vector<16xf32>
    %swap3A_1022 = arith.constant 12 : i32
    %swap3A_1023 = arith.index_cast %swap3A_1022 : i32 to index
    %swap3A_1024 = arith.constant 16 : index
    %swap3A_1025 = tpu.vector_load %arg22[%swap3A_1023, %swap3A_1024] {strides = array<i32>} : memref<64x128xf32, #tpu.memory_space<vmem>>, vector<16xf32>,
    tpu.vector_store %arg22[%swap3A_1023, %swap3A_1024], %mul3A_1021 {strides = array<i32>} : memref<64x128xf32, #tpu.memory_space<vmem>>, vector<16xf32>,
    %get3A_1026 = arith.constant 12 : i32
    %get3A_1027 = arith.index_cast %get3A_1026 : i32 to index
    %get3A_1028 = arith.constant 32 : index
    %get3A_1029 = tpu.vector_load %arg22[%get3A_1027, %get3A_1028] {strides = array<i32>} : memref<64x128xf32, #tpu.memory_space<vmem>>, vector<16xf32>,
    %mul3A_1030 = arith.mulf %get3A_1029, %broadcast_in_dim3A_1007 : vector<16xf32>
    %swap3A_1031 = arith.constant 12 : i32
    %swap3A_1032 = arith.index_cast %swap3A_1031 : i32 to index
    %swap3A_1033 = arith.constant 32 : index
    %swap3A_1034 = tpu.vector_load %arg22[%swap3A_1032, %swap3A_1033] {strides = array<i32>} : memref<64x128xf32, #tpu.memory_space<vmem>>, vector<16xf32>,
    tpu.vector_store %arg22[%swap3A_1032, %swap3A_1033], %mul3A_1030 {strides = array<i32>} : memref<64x128xf32, #tpu.memory_space<vmem>>, vector<16xf32>,
    %get3A_1035 = arith.constant 12 : i32
    %get3A_1036 = arith.index_cast %get3A_1035 : i32 to index
    %get3A_1037 = arith.constant 48 : index
    %get3A_1038 = tpu.vector_load %arg22[%get3A_1036, %get3A_1037] {strides = array<i32>} : memref<64x128xf32, #tpu.memory_space<vmem>>, vector<16xf32>,
    %mul3A_1039 = arith.mulf %get3A_1038, %broadcast_in_dim3A_1007 : vector<16xf32>
    %swap3A_1040 = arith.constant 12 : i32
    %swap3A_1041 = arith.index_cast %swap3A_1040 : i32 to index
    %swap3A_1042 = arith.constant 48 : index
    %swap3A_1043 = tpu.vector_load %arg22[%swap3A_1041, %swap3A_1042] {strides = array<i32>} : memref<64x128xf32, #tpu.memory_space<vmem>>, vector<16xf32>,
    tpu.vector_store %arg22[%swap3A_1041, %swap3A_1042], %mul3A_1039 {strides = array<i32>} : memref<64x128xf32, #tpu.memory_space<vmem>>, vector<16xf32>,
    %get3A_1044 = arith.constant 12 : i32
    %get3A_1045 = arith.index_cast %get3A_1044 : i32 to index
    %get3A_1046 = arith.constant 64 : index
    %get3A_1047 = tpu.vector_load %arg22[%get3A_1045, %get3A_1046] {strides = array<i32>} : memref<64x128xf32, #tpu.memory_space<vmem>>, vector<16xf32>,
    %mul3A_1048 = arith.mulf %get3A_1047, %broadcast_in_dim3A_1007 : vector<16xf32>
    %swap3A_1049 = arith.constant 12 : i32
    %swap3A_1050 = arith.index_cast %swap3A_1049 : i32 to index
    %swap3A_1051 = arith.constant 64 : index
    %swap3A_1052 = tpu.vector_load %arg22[%swap3A_1050, %swap3A_1051] {strides = array<i32>} : memref<64x128xf32, #tpu.memory_space<vmem>>, vector<16xf32>,
    tpu.vector_store %arg22[%swap3A_1050, %swap3A_1051], %mul3A_1048 {strides = array<i32>} : memref<64x128xf32, #tpu.memory_space<vmem>>, vector<16xf32>,
    %get3A_1053 = arith.constant 12 : i32
    %get3A_1054 = arith.index_cast %get3A_1053 : i32 to index
    %get3A_1055 = arith.constant 80 : index
    %get3A_1056 = tpu.vector_load %arg22[%get3A_1054, %get3A_1055] {strides = array<i32>} : memref<64x128xf32, #tpu.memory_space<vmem>>, vector<16xf32>,
    %mul3A_1057 = arith.mulf %get3A_1056, %broadcast_in_dim3A_1007 : vector<16xf32>
    %swap3A_1058 = arith.constant 12 : i32
    %swap3A_1059 = arith.index_cast %swap3A_1058 : i32 to index
    %swap3A_1060 = arith.constant 80 : index
    %swap3A_1061 = tpu.vector_load %arg22[%swap3A_1059, %swap3A_1060] {strides = array<i32>} : memref<64x128xf32, #tpu.memory_space<vmem>>, vector<16xf32>,
    tpu.vector_store %arg22[%swap3A_1059, %swap3A_1060], %mul3A_1057 {strides = array<i32>} : memref<64x128xf32, #tpu.memory_space<vmem>>, vector<16xf32>,
    %get3A_1062 = arith.constant 12 : i32
    %get3A_1063 = arith.index_cast %get3A_1062 : i32 to index
    %get3A_1064 = arith.constant 96 : index
    %get3A_1065 = tpu.vector_load %arg22[%get3A_1063, %get3A_1064] {strides = array<i32>} : memref<64x128xf32, #tpu.memory_space<vmem>>, vector<16xf32>,
    %mul3A_1066 = arith.mulf %get3A_1065, %broadcast_in_dim3A_1007 : vector<16xf32>
    %swap3A_1067 = arith.constant 12 : i32
    %swap3A_1068 = arith.index_cast %swap3A_1067 : i32 to index
    %swap3A_1069 = arith.constant 96 : index
    %swap3A_1070 = tpu.vector_load %arg22[%swap3A_1068, %swap3A_1069] {strides = array<i32>} : memref<64x128xf32, #tpu.memory_space<vmem>>, vector<16xf32>,
    tpu.vector_store %arg22[%swap3A_1068, %swap3A_1069], %mul3A_1066 {strides = array<i32>} : memref<64x128xf32, #tpu.memory_space<vmem>>, vector<16xf32>,
    %get3A_1071 = arith.constant 12 : i32
    %get3A_1072 = arith.index_cast %get3A_1071 : i32 to index
    %get3A_1073 = arith.constant 112 : index
    %get3A_1074 = tpu.vector_load %arg22[%get3A_1072, %get3A_1073] {strides = array<i32>} : memref<64x128xf32, #tpu.memory_space<vmem>>, vector<16xf32>,
    %mul3A_1075 = arith.mulf %get3A_1074, %broadcast_in_dim3A_1007 : vector<16xf32>
    %swap3A_1076 = arith.constant 12 : i32
    %swap3A_1077 = arith.index_cast %swap3A_1076 : i32 to index
    %swap3A_1078 = arith.constant 112 : index
    %swap3A_1079 = tpu.vector_load %arg22[%swap3A_1077, %swap3A_1078] {strides = array<i32>} : memref<64x128xf32, #tpu.memory_space<vmem>>, vector<16xf32>,
    tpu.vector_store %arg22[%swap3A_1077, %swap3A_1078], %mul3A_1075 {strides = array<i32>} : memref<64x128xf32, #tpu.memory_space<vmem>>, vector<16xf32>,
    %slice3A_1080 = vector.extract_strided_slice %div3A {offsets = [13], sizes = [1], strides = [1]} : vector<16xf32> to vector<1xf32>
    %squeeze3A_1081 = vector.extract %slice3A_1080[0] : f32 from vector<1xf32>
    %broadcast_in_dim3A_1082 = vector.broadcast %squeeze3A_1081 : f32 to vector<16xf32>
    %get3A_1083 = arith.constant 13 : i32
    %get3A_1084 = arith.index_cast %get3A_1083 : i32 to index
    %get3A_1085 = arith.constant 0 : index
    %get3A_1086 = tpu.vector_load %arg22[%get3A_1084, %get3A_1085] {strides = array<i32>} : memref<64x128xf32, #tpu.memory_space<vmem>>, vector<16xf32>,
    %mul3A_1087 = arith.mulf %get3A_1086, %broadcast_in_dim3A_1082 : vector<16xf32>
    %swap3A_1088 = arith.constant 13 : i32
    %swap3A_1089 = arith.index_cast %swap3A_1088 : i32 to index
    %swap3A_1090 = arith.constant 0 : index
    %swap3A_1091 = tpu.vector_load %arg22[%swap3A_1089, %swap3A_1090] {strides = array<i32>} : memref<64x128xf32, #tpu.memory_space<vmem>>, vector<16xf32>,
    tpu.vector_store %arg22[%swap3A_1089, %swap3A_1090], %mul3A_1087 {strides = array<i32>} : memref<64x128xf32, #tpu.memory_space<vmem>>, vector<16xf32>,
    %get3A_1092 = arith.constant 13 : i32
    %get3A_1093 = arith.index_cast %get3A_1092 : i32 to index
    %get3A_1094 = arith.constant 16 : index
    %get3A_1095 = tpu.vector_load %arg22[%get3A_1093, %get3A_1094] {strides = array<i32>} : memref<64x128xf32, #tpu.memory_space<vmem>>, vector<16xf32>,
    %mul3A_1096 = arith.mulf %get3A_1095, %broadcast_in_dim3A_1082 : vector<16xf32>
    %swap3A_1097 = arith.constant 13 : i32
    %swap3A_1098 = arith.index_cast %swap3A_1097 : i32 to index
    %swap3A_1099 = arith.constant 16 : index
    %swap3A_1100 = tpu.vector_load %arg22[%swap3A_1098, %swap3A_1099] {strides = array<i32>} : memref<64x128xf32, #tpu.memory_space<vmem>>, vector<16xf32>,
    tpu.vector_store %arg22[%swap3A_1098, %swap3A_1099], %mul3A_1096 {strides = array<i32>} : memref<64x128xf32, #tpu.memory_space<vmem>>, vector<16xf32>,
    %get3A_1101 = arith.constant 13 : i32
    %get3A_1102 = arith.index_cast %get3A_1101 : i32 to index
    %get3A_1103 = arith.constant 32 : index
    %get3A_1104 = tpu.vector_load %arg22[%get3A_1102, %get3A_1103] {strides = array<i32>} : memref<64x128xf32, #tpu.memory_space<vmem>>, vector<16xf32>,
    %mul3A_1105 = arith.mulf %get3A_1104, %broadcast_in_dim3A_1082 : vector<16xf32>
    %swap3A_1106 = arith.constant 13 : i32
    %swap3A_1107 = arith.index_cast %swap3A_1106 : i32 to index
    %swap3A_1108 = arith.constant 32 : index
    %swap3A_1109 = tpu.vector_load %arg22[%swap3A_1107, %swap3A_1108] {strides = array<i32>} : memref<64x128xf32, #tpu.memory_space<vmem>>, vector<16xf32>,
    tpu.vector_store %arg22[%swap3A_1107, %swap3A_1108], %mul3A_1105 {strides = array<i32>} : memref<64x128xf32, #tpu.memory_space<vmem>>, vector<16xf32>,
    %get3A_1110 = arith.constant 13 : i32
    %get3A_1111 = arith.index_cast %get3A_1110 : i32 to index
    %get3A_1112 = arith.constant 48 : index
    %get3A_1113 = tpu.vector_load %arg22[%get3A_1111, %get3A_1112] {strides = array<i32>} : memref<64x128xf32, #tpu.memory_space<vmem>>, vector<16xf32>,
    %mul3A_1114 = arith.mulf %get3A_1113, %broadcast_in_dim3A_1082 : vector<16xf32>
    %swap3A_1115 = arith.constant 13 : i32
    %swap3A_1116 = arith.index_cast %swap3A_1115 : i32 to index
    %swap3A_1117 = arith.constant 48 : index
    %swap3A_1118 = tpu.vector_load %arg22[%swap3A_1116, %swap3A_1117] {strides = array<i32>} : memref<64x128xf32, #tpu.memory_space<vmem>>, vector<16xf32>,
    tpu.vector_store %arg22[%swap3A_1116, %swap3A_1117], %mul3A_1114 {strides = array<i32>} : memref<64x128xf32, #tpu.memory_space<vmem>>, vector<16xf32>,
    %get3A_1119 = arith.constant 13 : i32
    %get3A_1120 = arith.index_cast %get3A_1119 : i32 to index
    %get3A_1121 = arith.constant 64 : index
    %get3A_1122 = tpu.vector_load %arg22[%get3A_1120, %get3A_1121] {strides = array<i32>} : memref<64x128xf32, #tpu.memory_space<vmem>>, vector<16xf32>,
    %mul3A_1123 = arith.mulf %get3A_1122, %broadcast_in_dim3A_1082 : vector<16xf32>
    %swap3A_1124 = arith.constant 13 : i32
    %swap3A_1125 = arith.index_cast %swap3A_1124 : i32 to index
    %swap3A_1126 = arith.constant 64 : index
    %swap3A_1127 = tpu.vector_load %arg22[%swap3A_1125, %swap3A_1126] {strides = array<i32>} : memref<64x128xf32, #tpu.memory_space<vmem>>, vector<16xf32>,
    tpu.vector_store %arg22[%swap3A_1125, %swap3A_1126], %mul3A_1123 {strides = array<i32>} : memref<64x128xf32, #tpu.memory_space<vmem>>, vector<16xf32>,
    %get3A_1128 = arith.constant 13 : i32
    %get3A_1129 = arith.index_cast %get3A_1128 : i32 to index
    %get3A_1130 = arith.constant 80 : index
    %get3A_1131 = tpu.vector_load %arg22[%get3A_1129, %get3A_1130] {strides = array<i32>} : memref<64x128xf32, #tpu.memory_space<vmem>>, vector<16xf32>,
    %mul3A_1132 = arith.mulf %get3A_1131, %broadcast_in_dim3A_1082 : vector<16xf32>
    %swap3A_1133 = arith.constant 13 : i32
    %swap3A_1134 = arith.index_cast %swap3A_1133 : i32 to index
    %swap3A_1135 = arith.constant 80 : index
    %swap3A_1136 = tpu.vector_load %arg22[%swap3A_1134, %swap3A_1135] {strides = array<i32>} : memref<64x128xf32, #tpu.memory_space<vmem>>, vector<16xf32>,
    tpu.vector_store %arg22[%swap3A_1134, %swap3A_1135], %mul3A_1132 {strides = array<i32>} : memref<64x128xf32, #tpu.memory_space<vmem>>, vector<16xf32>,
    %get3A_1137 = arith.constant 13 : i32
    %get3A_1138 = arith.index_cast %get3A_1137 : i32 to index
    %get3A_1139 = arith.constant 96 : index
    %get3A_1140 = tpu.vector_load %arg22[%get3A_1138, %get3A_1139] {strides = array<i32>} : memref<64x128xf32, #tpu.memory_space<vmem>>, vector<16xf32>,
    %mul3A_1141 = arith.mulf %get3A_1140, %broadcast_in_dim3A_1082 : vector<16xf32>
    %swap3A_1142 = arith.constant 13 : i32
    %swap3A_1143 = arith.index_cast %swap3A_1142 : i32 to index
    %swap3A_1144 = arith.constant 96 : index
    %swap3A_1145 = tpu.vector_load %arg22[%swap3A_1143, %swap3A_1144] {strides = array<i32>} : memref<64x128xf32, #tpu.memory_space<vmem>>, vector<16xf32>,
    tpu.vector_store %arg22[%swap3A_1143, %swap3A_1144], %mul3A_1141 {strides = array<i32>} : memref<64x128xf32, #tpu.memory_space<vmem>>, vector<16xf32>,
    %get3A_1146 = arith.constant 13 : i32
    %get3A_1147 = arith.index_cast %get3A_1146 : i32 to index
    %get3A_1148 = arith.constant 112 : index
    %get3A_1149 = tpu.vector_load %arg22[%get3A_1147, %get3A_1148] {strides = array<i32>} : memref<64x128xf32, #tpu.memory_space<vmem>>, vector<16xf32>,
    %mul3A_1150 = arith.mulf %get3A_1149, %broadcast_in_dim3A_1082 : vector<16xf32>
    %swap3A_1151 = arith.constant 13 : i32
    %swap3A_1152 = arith.index_cast %swap3A_1151 : i32 to index
    %swap3A_1153 = arith.constant 112 : index
    %swap3A_1154 = tpu.vector_load %arg22[%swap3A_1152, %swap3A_1153] {strides = array<i32>} : memref<64x128xf32, #tpu.memory_space<vmem>>, vector<16xf32>,
    tpu.vector_store %arg22[%swap3A_1152, %swap3A_1153], %mul3A_1150 {strides = array<i32>} : memref<64x128xf32, #tpu.memory_space<vmem>>, vector<16xf32>,
    %slice3A_1155 = vector.extract_strided_slice %div3A {offsets = [14], sizes = [1], strides = [1]} : vector<16xf32> to vector<1xf32>
    %squeeze3A_1156 = vector.extract %slice3A_1155[0] : f32 from vector<1xf32>
    %broadcast_in_dim3A_1157 = vector.broadcast %squeeze3A_1156 : f32 to vector<16xf32>
    %get3A_1158 = arith.constant 14 : i32
    %get3A_1159 = arith.index_cast %get3A_1158 : i32 to index
    %get3A_1160 = arith.constant 0 : index
    %get3A_1161 = tpu.vector_load %arg22[%get3A_1159, %get3A_1160] {strides = array<i32>} : memref<64x128xf32, #tpu.memory_space<vmem>>, vector<16xf32>,
    %mul3A_1162 = arith.mulf %get3A_1161, %broadcast_in_dim3A_1157 : vector<16xf32>
    %swap3A_1163 = arith.constant 14 : i32
    %swap3A_1164 = arith.index_cast %swap3A_1163 : i32 to index
    %swap3A_1165 = arith.constant 0 : index
    %swap3A_1166 = tpu.vector_load %arg22[%swap3A_1164, %swap3A_1165] {strides = array<i32>} : memref<64x128xf32, #tpu.memory_space<vmem>>, vector<16xf32>,
    tpu.vector_store %arg22[%swap3A_1164, %swap3A_1165], %mul3A_1162 {strides = array<i32>} : memref<64x128xf32, #tpu.memory_space<vmem>>, vector<16xf32>,
    %get3A_1167 = arith.constant 14 : i32
    %get3A_1168 = arith.index_cast %get3A_1167 : i32 to index
    %get3A_1169 = arith.constant 16 : index
    %get3A_1170 = tpu.vector_load %arg22[%get3A_1168, %get3A_1169] {strides = array<i32>} : memref<64x128xf32, #tpu.memory_space<vmem>>, vector<16xf32>,
    %mul3A_1171 = arith.mulf %get3A_1170, %broadcast_in_dim3A_1157 : vector<16xf32>
    %swap3A_1172 = arith.constant 14 : i32
    %swap3A_1173 = arith.index_cast %swap3A_1172 : i32 to index
    %swap3A_1174 = arith.constant 16 : index
    %swap3A_1175 = tpu.vector_load %arg22[%swap3A_1173, %swap3A_1174] {strides = array<i32>} : memref<64x128xf32, #tpu.memory_space<vmem>>, vector<16xf32>,
    tpu.vector_store %arg22[%swap3A_1173, %swap3A_1174], %mul3A_1171 {strides = array<i32>} : memref<64x128xf32, #tpu.memory_space<vmem>>, vector<16xf32>,
    %get3A_1176 = arith.constant 14 : i32
    %get3A_1177 = arith.index_cast %get3A_1176 : i32 to index
    %get3A_1178 = arith.constant 32 : index
    %get3A_1179 = tpu.vector_load %arg22[%get3A_1177, %get3A_1178] {strides = array<i32>} : memref<64x128xf32, #tpu.memory_space<vmem>>, vector<16xf32>,
    %mul3A_1180 = arith.mulf %get3A_1179, %broadcast_in_dim3A_1157 : vector<16xf32>
    %swap3A_1181 = arith.constant 14 : i32
    %swap3A_1182 = arith.index_cast %swap3A_1181 : i32 to index
    %swap3A_1183 = arith.constant 32 : index
    %swap3A_1184 = tpu.vector_load %arg22[%swap3A_1182, %swap3A_1183] {strides = array<i32>} : memref<64x128xf32, #tpu.memory_space<vmem>>, vector<16xf32>,
    tpu.vector_store %arg22[%swap3A_1182, %swap3A_1183], %mul3A_1180 {strides = array<i32>} : memref<64x128xf32, #tpu.memory_space<vmem>>, vector<16xf32>,
    %get3A_1185 = arith.constant 14 : i32
    %get3A_1186 = arith.index_cast %get3A_1185 : i32 to index
    %get3A_1187 = arith.constant 48 : index
    %get3A_1188 = tpu.vector_load %arg22[%get3A_1186, %get3A_1187] {strides = array<i32>} : memref<64x128xf32, #tpu.memory_space<vmem>>, vector<16xf32>,
    %mul3A_1189 = arith.mulf %get3A_1188, %broadcast_in_dim3A_1157 : vector<16xf32>
    %swap3A_1190 = arith.constant 14 : i32
    %swap3A_1191 = arith.index_cast %swap3A_1190 : i32 to index
    %swap3A_1192 = arith.constant 48 : index
    %swap3A_1193 = tpu.vector_load %arg22[%swap3A_1191, %swap3A_1192] {strides = array<i32>} : memref<64x128xf32, #tpu.memory_space<vmem>>, vector<16xf32>,
    tpu.vector_store %arg22[%swap3A_1191, %swap3A_1192], %mul3A_1189 {strides = array<i32>} : memref<64x128xf32, #tpu.memory_space<vmem>>, vector<16xf32>,
    %get3A_1194 = arith.constant 14 : i32
    %get3A_1195 = arith.index_cast %get3A_1194 : i32 to index
    %get3A_1196 = arith.constant 64 : index
    %get3A_1197 = tpu.vector_load %arg22[%get3A_1195, %get3A_1196] {strides = array<i32>} : memref<64x128xf32, #tpu.memory_space<vmem>>, vector<16xf32>,
    %mul3A_1198 = arith.mulf %get3A_1197, %broadcast_in_dim3A_1157 : vector<16xf32>
    %swap3A_1199 = arith.constant 14 : i32
    %swap3A_1200 = arith.index_cast %swap3A_1199 : i32 to index
    %swap3A_1201 = arith.constant 64 : index
    %swap3A_1202 = tpu.vector_load %arg22[%swap3A_1200, %swap3A_1201] {strides = array<i32>} : memref<64x128xf32, #tpu.memory_space<vmem>>, vector<16xf32>,
    tpu.vector_store %arg22[%swap3A_1200, %swap3A_1201], %mul3A_1198 {strides = array<i32>} : memref<64x128xf32, #tpu.memory_space<vmem>>, vector<16xf32>,
    %get3A_1203 = arith.constant 14 : i32
    %get3A_1204 = arith.index_cast %get3A_1203 : i32 to index
    %get3A_1205 = arith.constant 80 : index
    %get3A_1206 = tpu.vector_load %arg22[%get3A_1204, %get3A_1205] {strides = array<i32>} : memref<64x128xf32, #tpu.memory_space<vmem>>, vector<16xf32>,
    %mul3A_1207 = arith.mulf %get3A_1206, %broadcast_in_dim3A_1157 : vector<16xf32>
    %swap3A_1208 = arith.constant 14 : i32
    %swap3A_1209 = arith.index_cast %swap3A_1208 : i32 to index
    %swap3A_1210 = arith.constant 80 : index
    %swap3A_1211 = tpu.vector_load %arg22[%swap3A_1209, %swap3A_1210] {strides = array<i32>} : memref<64x128xf32, #tpu.memory_space<vmem>>, vector<16xf32>,
    tpu.vector_store %arg22[%swap3A_1209, %swap3A_1210], %mul3A_1207 {strides = array<i32>} : memref<64x128xf32, #tpu.memory_space<vmem>>, vector<16xf32>,
    %get3A_1212 = arith.constant 14 : i32
    %get3A_1213 = arith.index_cast %get3A_1212 : i32 to index
    %get3A_1214 = arith.constant 96 : index
    %get3A_1215 = tpu.vector_load %arg22[%get3A_1213, %get3A_1214] {strides = array<i32>} : memref<64x128xf32, #tpu.memory_space<vmem>>, vector<16xf32>,
    %mul3A_1216 = arith.mulf %get3A_1215, %broadcast_in_dim3A_1157 : vector<16xf32>
    %swap3A_1217 = arith.constant 14 : i32
    %swap3A_1218 = arith.index_cast %swap3A_1217 : i32 to index
    %swap3A_1219 = arith.constant 96 : index
    %swap3A_1220 = tpu.vector_load %arg22[%swap3A_1218, %swap3A_1219] {strides = array<i32>} : memref<64x128xf32, #tpu.memory_space<vmem>>, vector<16xf32>,
    tpu.vector_store %arg22[%swap3A_1218, %swap3A_1219], %mul3A_1216 {strides = array<i32>} : memref<64x128xf32, #tpu.memory_space<vmem>>, vector<16xf32>,
    %get3A_1221 = arith.constant 14 : i32
    %get3A_1222 = arith.index_cast %get3A_1221 : i32 to index
    %get3A_1223 = arith.constant 112 : index
    %get3A_1224 = tpu.vector_load %arg22[%get3A_1222, %get3A_1223] {strides = array<i32>} : memref<64x128xf32, #tpu.memory_space<vmem>>, vector<16xf32>,
    %mul3A_1225 = arith.mulf %get3A_1224, %broadcast_in_dim3A_1157 : vector<16xf32>
    %swap3A_1226 = arith.constant 14 : i32
    %swap3A_1227 = arith.index_cast %swap3A_1226 : i32 to index
    %swap3A_1228 = arith.constant 112 : index
    %swap3A_1229 = tpu.vector_load %arg22[%swap3A_1227, %swap3A_1228] {strides = array<i32>} : memref<64x128xf32, #tpu.memory_space<vmem>>, vector<16xf32>,
    tpu.vector_store %arg22[%swap3A_1227, %swap3A_1228], %mul3A_1225 {strides = array<i32>} : memref<64x128xf32, #tpu.memory_space<vmem>>, vector<16xf32>,
    %slice3A_1230 = vector.extract_strided_slice %div3A {offsets = [15], sizes = [1], strides = [1]} : vector<16xf32> to vector<1xf32>
    %squeeze3A_1231 = vector.extract %slice3A_1230[0] : f32 from vector<1xf32>
    %broadcast_in_dim3A_1232 = vector.broadcast %squeeze3A_1231 : f32 to vector<16xf32>
    %get3A_1233 = arith.constant 15 : i32
    %get3A_1234 = arith.index_cast %get3A_1233 : i32 to index
    %get3A_1235 = arith.constant 0 : index
    %get3A_1236 = tpu.vector_load %arg22[%get3A_1234, %get3A_1235] {strides = array<i32>} : memref<64x128xf32, #tpu.memory_space<vmem>>, vector<16xf32>,
    %mul3A_1237 = arith.mulf %get3A_1236, %broadcast_in_dim3A_1232 : vector<16xf32>
    %swap3A_1238 = arith.constant 15 : i32
    %swap3A_1239 = arith.index_cast %swap3A_1238 : i32 to index
    %swap3A_1240 = arith.constant 0 : index
    %swap3A_1241 = tpu.vector_load %arg22[%swap3A_1239, %swap3A_1240] {strides = array<i32>} : memref<64x128xf32, #tpu.memory_space<vmem>>, vector<16xf32>,
    tpu.vector_store %arg22[%swap3A_1239, %swap3A_1240], %mul3A_1237 {strides = array<i32>} : memref<64x128xf32, #tpu.memory_space<vmem>>, vector<16xf32>,
    %get3A_1242 = arith.constant 15 : i32
    %get3A_1243 = arith.index_cast %get3A_1242 : i32 to index
    %get3A_1244 = arith.constant 16 : index
    %get3A_1245 = tpu.vector_load %arg22[%get3A_1243, %get3A_1244] {strides = array<i32>} : memref<64x128xf32, #tpu.memory_space<vmem>>, vector<16xf32>,
    %mul3A_1246 = arith.mulf %get3A_1245, %broadcast_in_dim3A_1232 : vector<16xf32>
    %swap3A_1247 = arith.constant 15 : i32
    %swap3A_1248 = arith.index_cast %swap3A_1247 : i32 to index
    %swap3A_1249 = arith.constant 16 : index
    %swap3A_1250 = tpu.vector_load %arg22[%swap3A_1248, %swap3A_1249] {strides = array<i32>} : memref<64x128xf32, #tpu.memory_space<vmem>>, vector<16xf32>,
    tpu.vector_store %arg22[%swap3A_1248, %swap3A_1249], %mul3A_1246 {strides = array<i32>} : memref<64x128xf32, #tpu.memory_space<vmem>>, vector<16xf32>,
    %get3A_1251 = arith.constant 15 : i32
    %get3A_1252 = arith.index_cast %get3A_1251 : i32 to index
    %get3A_1253 = arith.constant 32 : index
    %get3A_1254 = tpu.vector_load %arg22[%get3A_1252, %get3A_1253] {strides = array<i32>} : memref<64x128xf32, #tpu.memory_space<vmem>>, vector<16xf32>,
    %mul3A_1255 = arith.mulf %get3A_1254, %broadcast_in_dim3A_1232 : vector<16xf32>
    %swap3A_1256 = arith.constant 15 : i32
    %swap3A_1257 = arith.index_cast %swap3A_1256 : i32 to index
    %swap3A_1258 = arith.constant 32 : index
    %swap3A_1259 = tpu.vector_load %arg22[%swap3A_1257, %swap3A_1258] {strides = array<i32>} : memref<64x128xf32, #tpu.memory_space<vmem>>, vector<16xf32>,
    tpu.vector_store %arg22[%swap3A_1257, %swap3A_1258], %mul3A_1255 {strides = array<i32>} : memref<64x128xf32, #tpu.memory_space<vmem>>, vector<16xf32>,
    %get3A_1260 = arith.constant 15 : i32
    %get3A_1261 = arith.index_cast %get3A_1260 : i32 to index
    %get3A_1262 = arith.constant 48 : index
    %get3A_1263 = tpu.vector_load %arg22[%get3A_1261, %get3A_1262] {strides = array<i32>} : memref<64x128xf32, #tpu.memory_space<vmem>>, vector<16xf32>,
    %mul3A_1264 = arith.mulf %get3A_1263, %broadcast_in_dim3A_1232 : vector<16xf32>
    %swap3A_1265 = arith.constant 15 : i32
    %swap3A_1266 = arith.index_cast %swap3A_1265 : i32 to index
    %swap3A_1267 = arith.constant 48 : index
    %swap3A_1268 = tpu.vector_load %arg22[%swap3A_1266, %swap3A_1267] {strides = array<i32>} : memref<64x128xf32, #tpu.memory_space<vmem>>, vector<16xf32>,
    tpu.vector_store %arg22[%swap3A_1266, %swap3A_1267], %mul3A_1264 {strides = array<i32>} : memref<64x128xf32, #tpu.memory_space<vmem>>, vector<16xf32>,
    %get3A_1269 = arith.constant 15 : i32
    %get3A_1270 = arith.index_cast %get3A_1269 : i32 to index
    %get3A_1271 = arith.constant 64 : index
    %get3A_1272 = tpu.vector_load %arg22[%get3A_1270, %get3A_1271] {strides = array<i32>} : memref<64x128xf32, #tpu.memory_space<vmem>>, vector<16xf32>,
    %mul3A_1273 = arith.mulf %get3A_1272, %broadcast_in_dim3A_1232 : vector<16xf32>
    %swap3A_1274 = arith.constant 15 : i32
    %swap3A_1275 = arith.index_cast %swap3A_1274 : i32 to index
    %swap3A_1276 = arith.constant 64 : index
    %swap3A_1277 = tpu.vector_load %arg22[%swap3A_1275, %swap3A_1276] {strides = array<i32>} : memref<64x128xf32, #tpu.memory_space<vmem>>, vector<16xf32>,
    tpu.vector_store %arg22[%swap3A_1275, %swap3A_1276], %mul3A_1273 {strides = array<i32>} : memref<64x128xf32, #tpu.memory_space<vmem>>, vector<16xf32>,
    %get3A_1278 = arith.constant 15 : i32
    %get3A_1279 = arith.index_cast %get3A_1278 : i32 to index
    %get3A_1280 = arith.constant 80 : index
    %get3A_1281 = tpu.vector_load %arg22[%get3A_1279, %get3A_1280] {strides = array<i32>} : memref<64x128xf32, #tpu.memory_space<vmem>>, vector<16xf32>,
    %mul3A_1282 = arith.mulf %get3A_1281, %broadcast_in_dim3A_1232 : vector<16xf32>
    %swap3A_1283 = arith.constant 15 : i32
    %swap3A_1284 = arith.index_cast %swap3A_1283 : i32 to index
    %swap3A_1285 = arith.constant 80 : index
    %swap3A_1286 = tpu.vector_load %arg22[%swap3A_1284, %swap3A_1285] {strides = array<i32>} : memref<64x128xf32, #tpu.memory_space<vmem>>, vector<16xf32>,
    tpu.vector_store %arg22[%swap3A_1284, %swap3A_1285], %mul3A_1282 {strides = array<i32>} : memref<64x128xf32, #tpu.memory_space<vmem>>, vector<16xf32>,
    %get3A_1287 = arith.constant 15 : i32
    %get3A_1288 = arith.index_cast %get3A_1287 : i32 to index
    %get3A_1289 = arith.constant 96 : index
    %get3A_1290 = tpu.vector_load %arg22[%get3A_1288, %get3A_1289] {strides = array<i32>} : memref<64x128xf32, #tpu.memory_space<vmem>>, vector<16xf32>,
    %mul3A_1291 = arith.mulf %get3A_1290, %broadcast_in_dim3A_1232 : vector<16xf32>
    %swap3A_1292 = arith.constant 15 : i32
    %swap3A_1293 = arith.index_cast %swap3A_1292 : i32 to index
    %swap3A_1294 = arith.constant 96 : index
    %swap3A_1295 = tpu.vector_load %arg22[%swap3A_1293, %swap3A_1294] {strides = array<i32>} : memref<64x128xf32, #tpu.memory_space<vmem>>, vector<16xf32>,
    tpu.vector_store %arg22[%swap3A_1293, %swap3A_1294], %mul3A_1291 {strides = array<i32>} : memref<64x128xf32, #tpu.memory_space<vmem>>, vector<16xf32>,
    %get3A_1296 = arith.constant 15 : i32
    %get3A_1297 = arith.index_cast %get3A_1296 : i32 to index
    %get3A_1298 = arith.constant 112 : index
    %get3A_1299 = tpu.vector_load %arg22[%get3A_1297, %get3A_1298] {strides = array<i32>} : memref<64x128xf32, #tpu.memory_space<vmem>>, vector<16xf32>,
    %mul3A_1300 = arith.mulf %get3A_1299, %broadcast_in_dim3A_1232 : vector<16xf32>
    %swap3A_1301 = arith.constant 15 : i32
    %swap3A_1302 = arith.index_cast %swap3A_1301 : i32 to index
    %swap3A_1303 = arith.constant 112 : index
    %swap3A_1304 = tpu.vector_load %arg22[%swap3A_1302, %swap3A_1303] {strides = array<i32>} : memref<64x128xf32, #tpu.memory_space<vmem>>, vector<16xf32>,
    tpu.vector_store %arg22[%swap3A_1302, %swap3A_1303], %mul3A_1300 {strides = array<i32>} : memref<64x128xf32, #tpu.memory_space<vmem>>, vector<16xf32>,
    "tpu.region"() ({
      %run_scoped3A_1313 = tpu.sem_alloc : memref<!tpu.dma_semaphore, #tpu.memory_space<semaphore_mem>>
      %dma_start3A_1314 = arith.constant 0 : i32
      %dma_start3A_1315 = arith.constant 0 : i32
      %dma_start3A_1316 = tpu.memref_slice %arg22[%dma_start3A_1314, %dma_start3A_1315] : memref<64x128xf32, #tpu.memory_space<vmem>> -> memref<16x128xf32, #tpu.memory_space<vmem>>
      %dma_start3A_1317 = arith.constant 0 : i32
      %dma_start3A_1318 = arith.constant 0 : i32
      %dma_start3A_1319 = tpu.memref_slice %arg23[%dma_start3A_1317, %dma_start3A_1318] : memref<10000x128xf32, #tpu.memory_space<vmem_shared>> -> memref<10000x128xf32, #tpu.memory_space<vmem_shared>>
      tpu.enqueue_indirect_dma source(%dma_start3A_1316 : memref<16x128xf32, #tpu.memory_space<vmem>>) target(%dma_start3A_1319 : memref<10000x128xf32, #tpu.memory_space<vmem_shared>>) offsets(%arg20 : memref<16xi32, #tpu.memory_space<vmem>>) semaphore(%run_scoped3A_1313 : memref<!tpu.dma_semaphore, #tpu.memory_space<semaphore_mem>>) {add = true}
      %dma_wait3A_1320 = arith.constant 0 : i32
      %dma_wait3A_1321 = arith.constant 0 : i32
      %dma_wait3A_1322 = tpu.memref_slice %arg22[%dma_wait3A_1320, %dma_wait3A_1321] : memref<64x128xf32, #tpu.memory_space<vmem>> -> memref<16x128xf32, #tpu.memory_space<vmem>>
      %dma_wait3A_1323 = arith.constant 0 : i32
      %dma_wait3A_1324 = arith.constant 0 : i32
      %dma_wait3A_1325 = tpu.memref_slice %arg23[%dma_wait3A_1323, %dma_wait3A_1324] : memref<10000x128xf32, #tpu.memory_space<vmem_shared>> -> memref<10000x128xf32, #tpu.memory_space<vmem_shared>>
      tpu.wait_indirect_dma semaphore(%run_scoped3A_1313 : memref<!tpu.dma_semaphore, #tpu.memory_space<semaphore_mem>>) src(%dma_wait3A_1322 : memref<16x128xf32, #tpu.memory_space<vmem>>) dst(%dma_wait3A_1325 : memref<10000x128xf32, #tpu.memory_space<vmem_shared>>)
      tpu.yield
    }) : () -> ()
    %barrier3A_1305 = arith.constant 0 : index
    tpu.barrier barrier_id(%barrier3A_1305)
    %scan3A_1306 = arith.constant 0 : i32
    %scan3A_1307 = arith.constant 0 : i32
    %scan3A_1308 = arith.constant 25 : i32
    %scan3A_1309 = arith.addi %scan3A_1307, %scan3A_1308 : i32
    %scan3A_1310 = arith.constant 1 : i32
    %scan3A_1311 = scf.for %scan3A_1313 = %scan3A_1307 to %scan3A_1309 step %scan3A_1310 iter_args(%scan3A_1314 = %scan3A_1306) -> (i32)  : i32 {
      %mul3A_1315 = arith.constant 625 : i32
      %mul3A_1316 = arith.muli %arg1, %mul3A_1315 : i32
      %mul3A_1317 = arith.constant 25 : i32
      %mul3A_1318 = arith.muli %scan3A_1313, %mul3A_1317 : i32
      %add3A_1319 = arith.addi %mul3A_1316, %mul3A_1318 : i32
      "tpu.region"() ({
        %run_scoped3A_1326 = tpu.sem_alloc : memref<!tpu.dma_semaphore, #tpu.memory_space<semaphore_mem>>
        %dma_start3A_1327 = arith.constant 0 : i32
        %dma_start3A_1328 = arith.constant 0 : i32
        %dma_start3A_1329 = tpu.memref_slice %arg22[%dma_start3A_1327, %dma_start3A_1328] : memref<64x128xf32, #tpu.memory_space<vmem>> -> memref<25x128xf32, #tpu.memory_space<vmem>>
        %dma_start3A_1330 = arith.constant 0 : i32
        %dma_start3A_1331 = tpu.memref_slice %arg23[%add3A_1319, %dma_start3A_1330] : memref<10000x128xf32, #tpu.memory_space<vmem_shared>> -> memref<25x128xf32, #tpu.memory_space<vmem_shared>>
        %dma_start3A_1332 = arith.constant 0 : i32
        %dma_start3A_1333 = arith.constant 0 : i32
        %dma_start3A_1334 = tpu.memref_slice %arg22[%dma_start3A_1332, %dma_start3A_1333] : memref<64x128xf32, #tpu.memory_space<vmem>> -> memref<25x128xf32, #tpu.memory_space<vmem>>
        %dma_start3A_1335 = arith.constant 0 : i32
        %dma_start3A_1336 = tpu.memref_slice %arg23[%add3A_1319, %dma_start3A_1335] : memref<10000x128xf32, #tpu.memory_space<vmem_shared>> -> memref<25x128xf32, #tpu.memory_space<vmem_shared>>
        tpu.enqueue_dma source(%dma_start3A_1336 : memref<25x128xf32, #tpu.memory_space<vmem_shared>>) target(%dma_start3A_1334 : memref<25x128xf32, #tpu.memory_space<vmem>>) target_semaphore(%run_scoped3A_1326 : memref<!tpu.dma_semaphore, #tpu.memory_space<semaphore_mem>>)
        %dma_wait3A_1337 = arith.constant 0 : i32
        %dma_wait3A_1338 = arith.constant 0 : i32
        %dma_wait3A_1339 = tpu.memref_slice %arg22[%dma_wait3A_1337, %dma_wait3A_1338] : memref<64x128xf32, #tpu.memory_space<vmem>> -> memref<25x128xf32, #tpu.memory_space<vmem>>
        %dma_wait3A_1340 = arith.constant 0 : i32
        %dma_wait3A_1341 = tpu.memref_slice %arg23[%add3A_1319, %dma_wait3A_1340] : memref<10000x128xf32, #tpu.memory_space<vmem_shared>> -> memref<25x128xf32, #tpu.memory_space<vmem_shared>>
        %dma_wait3A_1342 = arith.constant 0 : i32
        %dma_wait3A_1343 = arith.constant 0 : i32
        %dma_wait3A_1344 = tpu.memref_slice %arg22[%dma_wait3A_1342, %dma_wait3A_1343] : memref<64x128xf32, #tpu.memory_space<vmem>> -> memref<25x128xf32, #tpu.memory_space<vmem>>
        %dma_wait3A_1345 = arith.constant 0 : i32
        %dma_wait3A_1346 = tpu.memref_slice %arg23[%add3A_1319, %dma_wait3A_1345] : memref<10000x128xf32, #tpu.memory_space<vmem_shared>> -> memref<25x128xf32, #tpu.memory_space<vmem_shared>>
        tpu.wait_dma2 semaphore(%run_scoped3A_1326 : memref<!tpu.dma_semaphore, #tpu.memory_space<semaphore_mem>>) src(%dma_wait3A_1346 : memref<25x128xf32, #tpu.memory_space<vmem_shared>>) dst(%dma_wait3A_1344 : memref<25x128xf32, #tpu.memory_space<vmem>>)
        tpu.yield
      }) : () -> ()
      %mul3A_1320 = arith.constant 625 : i32
      %mul3A_1321 = arith.muli %arg1, %mul3A_1320 : i32
      %mul3A_1322 = arith.constant 25 : i32
      %mul3A_1323 = arith.muli %scan3A_1313, %mul3A_1322 : i32
      %add3A_1324 = arith.addi %mul3A_1321, %mul3A_1323 : i32
      "tpu.region"() ({
        %run_scoped3A_1326 = tpu.sem_alloc : memref<!tpu.dma_semaphore, #tpu.memory_space<semaphore_mem>>
        %dma_start3A_1327 = arith.constant 0 : i32
        %dma_start3A_1328 = arith.constant 0 : i32
        %dma_start3A_1329 = tpu.memref_slice %arg22[%dma_start3A_1327, %dma_start3A_1328] : memref<64x128xf32, #tpu.memory_space<vmem>> -> memref<25x128xf32, #tpu.memory_space<vmem>>
        %dma_start3A_1330 = arith.constant 0 : i32
        %dma_start3A_1331 = tpu.memref_slice %arg7[%arg0, %add3A_1324, %dma_start3A_1330] : memref<2x10000x128xf32, #tpu.memory_space<hbm>> -> memref<1x25x128xf32, #tpu.memory_space<hbm>>
        %dma_start3A_1332 = tpu.memref_squeeze %dma_start3A_1331 : memref<1x25x128xf32, #tpu.memory_space<hbm>> -> memref<25x128xf32, #tpu.memory_space<hbm>>
        %dma_start3A_1333 = arith.constant 0 : i32
        %dma_start3A_1334 = tpu.memref_slice %arg7[%arg0, %add3A_1324, %dma_start3A_1333] : memref<2x10000x128xf32, #tpu.memory_space<hbm>> -> memref<1x25x128xf32, #tpu.memory_space<hbm>>
        %dma_start3A_1335 = tpu.memref_squeeze %dma_start3A_1334 : memref<1x25x128xf32, #tpu.memory_space<hbm>> -> memref<25x128xf32, #tpu.memory_space<hbm>>
        %dma_start3A_1336 = arith.constant 0 : i32
        %dma_start3A_1337 = arith.constant 0 : i32
        %dma_start3A_1338 = tpu.memref_slice %arg22[%dma_start3A_1336, %dma_start3A_1337] : memref<64x128xf32, #tpu.memory_space<vmem>> -> memref<25x128xf32, #tpu.memory_space<vmem>>
        tpu.enqueue_dma source(%dma_start3A_1338 : memref<25x128xf32, #tpu.memory_space<vmem>>) target(%dma_start3A_1335 : memref<25x128xf32, #tpu.memory_space<hbm>>) target_semaphore(%run_scoped3A_1326 : memref<!tpu.dma_semaphore, #tpu.memory_space<semaphore_mem>>)
        %dma_wait3A_1339 = arith.constant 0 : i32
        %dma_wait3A_1340 = arith.constant 0 : i32
        %dma_wait3A_1341 = tpu.memref_slice %arg22[%dma_wait3A_1339, %dma_wait3A_1340] : memref<64x128xf32, #tpu.memory_space<vmem>> -> memref<25x128xf32, #tpu.memory_space<vmem>>
        %dma_wait3A_1342 = arith.constant 0 : i32
        %dma_wait3A_1343 = tpu.memref_slice %arg7[%arg0, %add3A_1324, %dma_wait3A_1342] : memref<2x10000x128xf32, #tpu.memory_space<hbm>> -> memref<1x25x128xf32, #tpu.memory_space<hbm>>
        %dma_wait3A_1344 = tpu.memref_squeeze %dma_wait3A_1343 : memref<1x25x128xf32, #tpu.memory_space<hbm>> -> memref<25x128xf32, #tpu.memory_space<hbm>>
        %dma_wait3A_1345 = arith.constant 0 : i32
        %dma_wait3A_1346 = tpu.memref_slice %arg7[%arg0, %add3A_1324, %dma_wait3A_1345] : memref<2x10000x128xf32, #tpu.memory_space<hbm>> -> memref<1x25x128xf32, #tpu.memory_space<hbm>>
        %dma_wait3A_1347 = tpu.memref_squeeze %dma_wait3A_1346 : memref<1x25x128xf32, #tpu.memory_space<hbm>> -> memref<25x128xf32, #tpu.memory_space<hbm>>
        %dma_wait3A_1348 = arith.constant 0 : i32
        %dma_wait3A_1349 = arith.constant 0 : i32
        %dma_wait3A_1350 = tpu.memref_slice %arg22[%dma_wait3A_1348, %dma_wait3A_1349] : memref<64x128xf32, #tpu.memory_space<vmem>> -> memref<25x128xf32, #tpu.memory_space<vmem>>
        tpu.wait_dma2 semaphore(%run_scoped3A_1326 : memref<!tpu.dma_semaphore, #tpu.memory_space<semaphore_mem>>) src(%dma_wait3A_1350 : memref<25x128xf32, #tpu.memory_space<vmem>>) dst(%dma_wait3A_1347 : memref<25x128xf32, #tpu.memory_space<hbm>>)
        tpu.yield
      }) : () -> ()
      %scan3A_1325 = arith.constant 0 : i32
      scf.yield %scan3A_1325 : i32
    }
    %scan3A_1312 = arith.constant 25 : i32
    return
  }
}

module attributes {stable_mosaic.version = 14 : i64} {
  func.func @_pre_body(%arg0: i32, %arg1: memref<2048x128xf32, #tpu.memory_space<vmem>>, %arg2: memref<128x128xf32, #tpu.memory_space<vmem>>, %arg3: memref<1x128xf32, #tpu.memory_space<vmem>>, %arg4: memref<1x128xf32, #tpu.memory_space<vmem>>, %arg5: memref<2048x128xf32, #tpu.memory_space<vmem>>, %arg6: memref<2048xf32, #tpu.memory_space<vmem>>, %arg7: memref<2048xf32, #tpu.memory_space<vmem>>) attributes {dimension_semantics = [#tpu.dimension_semantics<arbitrary>], iteration_bounds = array<i64: 5>, scalar_prefetch = 0 : i64, scratch_operands = 0 : i64, tpu.core_type = #tpu.core_type<tc>, window_params = [{transform_indices = @transform_0, window_bounds = array<i64: 2048, 128>}, {pipeline_mode = #tpu.pipeline_mode<synchronous>, transform_indices = @transform_1, window_bounds = array<i64: 128, 128>}, {pipeline_mode = #tpu.pipeline_mode<synchronous>, transform_indices = @transform_2, window_bounds = array<i64: 1, 128>}, {pipeline_mode = #tpu.pipeline_mode<synchronous>, transform_indices = @transform_3, window_bounds = array<i64: 1, 128>}, {transform_indices = @transform_4, window_bounds = array<i64: 2048, 128>}, {transform_indices = @transform_5, window_bounds = array<i64: 2048>}, {transform_indices = @transform_6, window_bounds = array<i64: 2048>}]} {
    %get3A = arith.constant 0 : index
    %get3A_0 = arith.constant 0 : index
    %get3A_1 = vector.load %arg1[%get3A, %get3A_0] : memref<2048x128xf32, #tpu.memory_space<vmem>>, vector<2048x128xf32>
    %get3A_2 = arith.constant 0 : index
    %get3A_3 = arith.constant 0 : index
    %get3A_4 = vector.load %arg2[%get3A_2, %get3A_3] : memref<128x128xf32, #tpu.memory_space<vmem>>, vector<128x128xf32>
    %dot_general3A = arith.constant dense<0.000000e+00> : vector<2048x128xf32>
    %dot_general3A_5 = tpu.matmul %get3A_1, %get3A_4, %dot_general3A {dimension_numbers = #tpu.dot_dimension_numbers<[1], [1], [0], [0], [0, 0, 1, 0], [], []>, transpose_lhs_hint = false} : vector<2048x128xf32>, vector<128x128xf32>, vector<2048x128xf32> -> vector<2048x128xf32>
    %swap3A = arith.constant 0 : index
    %swap3A_6 = arith.constant 0 : index
    %swap3A_7 = vector.load %arg5[%swap3A, %swap3A_6] : memref<2048x128xf32, #tpu.memory_space<vmem>>, vector<2048x128xf32>
    tpu.vector_store %arg5[%swap3A, %swap3A_6], %dot_general3A_5 {strides = array<i32>} : memref<2048x128xf32, #tpu.memory_space<vmem>>, vector<2048x128xf32>,
    %get3A_8 = arith.constant 0 : index
    %get3A_9 = arith.constant 0 : index
    %get3A_10 = vector.load %arg3[%get3A_8, %get3A_9] : memref<1x128xf32, #tpu.memory_space<vmem>>, vector<1x128xf32>
    %mul3A = vector.broadcast %get3A_10 : vector<1x128xf32> to vector<2048x128xf32>
    %mul3A_11 = arith.mulf %dot_general3A_5, %mul3A : vector<2048x128xf32>
    %reduce_sum3A = arith.constant dense<0.000000e+00> : vector<2048xf32>
    %reduce_sum3A_12 = vector.multi_reduction <add>, %mul3A_11, %reduce_sum3A [1] : vector<2048x128xf32> to vector<2048xf32>
    %swap3A_13 = arith.constant 0 : index
    %swap3A_14 = vector.load %arg6[%swap3A_13] : memref<2048xf32, #tpu.memory_space<vmem>>, vector<2048xf32>
    tpu.vector_store %arg6[%swap3A_13], %reduce_sum3A_12 {strides = array<i32>} : memref<2048xf32, #tpu.memory_space<vmem>>, vector<2048xf32>,
    %get3A_15 = arith.constant 0 : index
    %get3A_16 = arith.constant 0 : index
    %get3A_17 = vector.load %arg4[%get3A_15, %get3A_16] : memref<1x128xf32, #tpu.memory_space<vmem>>, vector<1x128xf32>
    %mul3A_18 = vector.broadcast %get3A_17 : vector<1x128xf32> to vector<2048x128xf32>
    %mul3A_19 = arith.mulf %dot_general3A_5, %mul3A_18 : vector<2048x128xf32>
    %reduce_sum3A_20 = arith.constant dense<0.000000e+00> : vector<2048xf32>
    %reduce_sum3A_21 = vector.multi_reduction <add>, %mul3A_19, %reduce_sum3A_20 [1] : vector<2048x128xf32> to vector<2048xf32>
    %swap3A_22 = arith.constant 0 : index
    %swap3A_23 = vector.load %arg7[%swap3A_22] : memref<2048xf32, #tpu.memory_space<vmem>>, vector<2048xf32>
    tpu.vector_store %arg7[%swap3A_22], %reduce_sum3A_21 {strides = array<i32>} : memref<2048xf32, #tpu.memory_space<vmem>>, vector<2048xf32>,
    return
  }
  func.func @transform_0(%arg0: i32) -> (i32, i32) {
    %c0_i32 = arith.constant 0 : i32
    %c0_i32_0 = arith.constant 0 : i32
    return %arg0, %c0_i32 : i32, i32
  }
  func.func @transform_1(%arg0: i32) -> (i32, i32) {
    %c0_i32 = arith.constant 0 : i32
    %c0_i32_0 = arith.constant 0 : i32
    %c0_i32_1 = arith.constant 0 : i32
    return %c0_i32, %c0_i32_0 : i32, i32
  }
  func.func @transform_2(%arg0: i32) -> (i32, i32) {
    %c0_i32 = arith.constant 0 : i32
    %c0_i32_0 = arith.constant 0 : i32
    %c0_i32_1 = arith.constant 0 : i32
    return %c0_i32, %c0_i32_0 : i32, i32
  }
  func.func @transform_3(%arg0: i32) -> (i32, i32) {
    %c0_i32 = arith.constant 0 : i32
    %c0_i32_0 = arith.constant 0 : i32
    %c0_i32_1 = arith.constant 0 : i32
    return %c0_i32, %c0_i32_0 : i32, i32
  }
  func.func @transform_4(%arg0: i32) -> (i32, i32) {
    %c0_i32 = arith.constant 0 : i32
    %c0_i32_0 = arith.constant 0 : i32
    return %arg0, %c0_i32 : i32, i32
  }
  func.func @transform_5(%arg0: i32) -> i32 {
    %c0_i32 = arith.constant 0 : i32
    return %arg0 : i32
  }
  func.func @transform_6(%arg0: i32) -> i32 {
    %c0_i32 = arith.constant 0 : i32
    return %arg0 : i32
  }
}

module attributes {stable_mosaic.version = 14 : i64} {
  func.func @_post_body(%arg0: i32, %arg1: memref<2x2000x128xf32, #tpu.memory_space<vmem>>, %arg2: memref<2000x128xf32, #tpu.memory_space<vmem>>) attributes {dimension_semantics = [#tpu.dimension_semantics<arbitrary>], iteration_bounds = array<i64: 5>, scalar_prefetch = 0 : i64, scratch_operands = 0 : i64, tpu.core_type = #tpu.core_type<tc>, window_params = [{transform_indices = @transform_0, window_bounds = array<i64: 2, 2000, 128>}, {transform_indices = @transform_1, window_bounds = array<i64: 2000, 128>}]} {
    %get3A = arith.constant 0 : index
    %get3A_0 = arith.constant 0 : index
    %get3A_1 = arith.constant 0 : index
    %get3A_2 = vector.load %arg1[%get3A, %get3A_0, %get3A_1] : memref<2x2000x128xf32, #tpu.memory_space<vmem>>, vector<1x2000x128xf32>
    %get3A_3 = vector.shape_cast %get3A_2 : vector<1x2000x128xf32> to vector<2000x128xf32>
    %get3A_4 = arith.constant 1 : index
    %get3A_5 = arith.constant 0 : index
    %get3A_6 = arith.constant 0 : index
    %get3A_7 = vector.load %arg1[%get3A_4, %get3A_5, %get3A_6] : memref<2x2000x128xf32, #tpu.memory_space<vmem>>, vector<1x2000x128xf32>
    %get3A_8 = vector.shape_cast %get3A_7 : vector<1x2000x128xf32> to vector<2000x128xf32>
    %add3A = arith.addf %get3A_3, %get3A_8 : vector<2000x128xf32>
    %gt3A = arith.constant 0.000000e+00 : f32
    %gt3A_9 = vector.broadcast %gt3A : f32 to vector<2000x128xf32>
    %gt3A_10 = arith.cmpf ogt, %add3A, %gt3A_9 : vector<2000x128xf32>
    %exp3A = math.exp %add3A : vector<2000x128xf32>
    %sub3A = arith.constant 1.000000e+00 : f32
    %sub3A_11 = vector.broadcast %sub3A : f32 to vector<2000x128xf32>
    %sub3A_12 = arith.subf %exp3A, %sub3A_11 : vector<2000x128xf32>
    %select_n3A = arith.select %gt3A_10, %add3A, %sub3A_12 : vector<2000x128xi1>, vector<2000x128xf32>
    %swap3A = arith.constant 0 : index
    %swap3A_13 = arith.constant 0 : index
    %swap3A_14 = vector.load %arg2[%swap3A, %swap3A_13] : memref<2000x128xf32, #tpu.memory_space<vmem>>, vector<2000x128xf32>
    tpu.vector_store %arg2[%swap3A, %swap3A_13], %select_n3A {strides = array<i32>} : memref<2000x128xf32, #tpu.memory_space<vmem>>, vector<2000x128xf32>,
    return
  }
  func.func @transform_0(%arg0: i32) -> (i32, i32, i32) {
    %c0_i32 = arith.constant 0 : i32
    %c0_i32_0 = arith.constant 0 : i32
    %c0_i32_1 = arith.constant 0 : i32
    return %c0_i32, %arg0, %c0_i32_0 : i32, i32, i32
  }
  func.func @transform_1(%arg0: i32) -> (i32, i32) {
    %c0_i32 = arith.constant 0 : i32
    %c0_i32_0 = arith.constant 0 : i32
    return %arg0, %c0_i32 : i32, i32
  }
}

</mosaic_0001>

<sc_bundles>
// kernel: kernel.5.cloned.1.call-start
scs
__scs_entry_jumppad:
0x0: {  	(pc) =	sbr.rel $0x88, $3  }
0x1: {  	(tag) =	ssettag $0x0;
	lr =	simm.s32 $0x1  }
0x2: {  	[smem:$0x3F9C] =	sst lr;
	_ =	strace $0xD0000000  }
0x3: {  	_ = 	snop  }
0x4: {  	_ = 	snop  }
0x5: {  	_ = 	snop  }
0x6: {  	_ = 	snop  }
0x7: {  	_ = 	snop  }
__scs_overlays_trampoline_lowered:
0x8: {  	[smem:$0x3FAB] =	sst s0  }
0x9: {  	[smem:$0x3FAC] =	sst s1  }
0xa: {  	[smem:$0x3FAD] =	sst s2  }
0xb: {  	[smem:$0x3FAE] =	sst s3  }
0xc: {  	[smem:$0x3FAF] =	sst s4  }
0xd: {  	[smem:$0x3FB0] =	sst s5  }
0xe: {  	[smem:$0x3FB1] =	sst s6  }
0xf: {  	[smem:$0x3FB2] =	sst s7  }
0x10: {  	[smem:$0x3FB3] =	sst s8  }
0x11: {  	[smem:$0x3FB4] =	sst s9;
	s0 =	simm.s32 @!p0 $0x0  }
0x12: {  	s1 =	sld [smem:$0x3F9A];
	s0 =	simm.s32 @p0 $0x1  }
0x13: {  	[smem:$0x3FB5] =	sst s0;
	s0 =	simm.s32 @!p1 $0x0  }
0x14: {  	s2 =	sld [smem:$0x3F99];
	s0 =	simm.s32 @p1 $0x1  }
0x15: {  	[smem:$0x3FB6] =	sst s0;
	s0 =	simm.s32 @!p2 $0x0  }
0x16: {  	s3 =	sld [smem:$0x3FDB];
	s0 =	simm.s32 @p2 $0x1  }
0x17: {  	s4 =	simm.s32 $0x1BF5;
	[smem:$0x3FB8] =	sst s0  }
0x18: {  	s0 =	sld [smem:$0x3F9B];
	_ =	swait.ge [sflag:s4], $0x0  }
0x19: {  	s7 =	sld [smem:$0x3F9C]  }
0x1a: {  	s8 =	sadd.s32 $0xFFFFE003, lr  }
0x1b: {  	s9 =	sadd.s32 $0xFFFFFEF7, lr;
	s5 =	simm.s32 $0xFFFFFFFF;
	p2 =	slt.u32 s8, $0xFFFFF086  }
0x1c: {  	p1 =	slt.u32 s9, $0xF7A;
	s5 =	simm.s32 @!p2 $0x0  }
0x1d: {  	s5 =	simm.s32 @p1 $0x1;
	p0 =	seq.s32 s7, s2  }
0x1e: {  	s7 =	smul.u32 @!p0 $0xF7A, s2;
	p2 =	seq.s32 @!p0 s5, $0x0  }
0x1f: {  	s9 =	smul.u32 $0xF7A, s1;
	s8 =	simm.s32 @!p0 $0x1BF5;
	p2 =	por !p2, p0  }
0x20: {  	[sflag:s8] =	ssyncset.s32 @!p0 $0xFFFFF086;
	s6 =	sadd.s32 @!p0 s3, s7;
	s7 =	simm.s32 @!p0 $0x108  }
0x21: {  	s3 =	sadd.s32 s3, s9;
	s6 =	sadd.s32 @!p0 $0x88, s6;
	s7 =	simm.s32 @p2 $0x1082  }
0x22: {  	[simem:s7], [sflag:s8] =	dma.local @!p0 [hbm:s6], $0xF7A  }
0x23: {  	s9 =	sor.u32 $0xD0000000, s2;
	s6 =	simm.s32 $0x108;
	_ =	swait.ge @!p0 [sflag:s8], $0x0  }
0x24: {  	s3 =	sadd.s32 $0x88, s3;
	s6 =	simm.s32 @!p1 $0x1082;
	[sflag:s4] =	ssyncset.s32 $0xFFFFF086  }
0x25: {  	[simem:s6], [sflag:s4] =	dma.local [hbm:s3], $0xF7A  }
0x26: {  	[smem:$0x3F9C] =	sst s1;
	(tag) =	ssettag s2;
	_ =	strace s9  }
0x27: {  	s1 =	sld [smem:$0x3FAC]  }
0x28: {  	s2 =	sld [smem:$0x3FAD]  }
0x29: {  	s4 =	sld [smem:$0x3FAF]  }
0x2a: {  	p0 =	seq.s32 s5, $0x0;
	s5 =	sld [smem:$0x3FB0]  }
0x2b: {  	s6 =	sld [smem:$0x3FB1]  }
0x2c: {  	s7 =	sld [smem:$0x3FB2]  }
0x2d: {  	s3 =	simm.s32 $0x108;
	s8 =	sld [smem:$0x3FB3]  }
0x2e: {  	s3 =	simm.s32 @!p0 $0x1082;
	s9 =	sld [smem:$0x3FB4]  }
0x2f: {  	lr =	sadd.s32 s0, s3;
	s0 =	sld [smem:$0x3FAB]  }
0x30: {  	s3 =	sld [smem:$0x3FAE]  }
0x31: {  	[smem:$0x3FB7] =	sst s10  }
0x32: {  	s10 =	sld [smem:$0x3FB5];
	_ =	sdelay $0x3  }
0x33: {  	p0 =	seq.s32 s10, $0x1;
	s10 =	sld [smem:$0x3FB7];
	_ =	sdelay $0x3  }
0x34: {  	[smem:$0x3FB7] =	sst s10  }
0x35: {  	s10 =	sld [smem:$0x3FB6];
	_ =	sdelay $0x3  }
0x36: {  	p1 =	seq.s32 s10, $0x1;
	s10 =	sld [smem:$0x3FB7];
	_ =	sdelay $0x3  }
0x37: {  	[smem:$0x3FB7] =	sst s10  }
0x38: {  	s10 =	sld [smem:$0x3FB8]  }
0x39: {  	_ = 	snop;
	(pc) =	sbr.ind lr, $3  }
0x3a: {  	_ = 	snop  }
0x3b: {  	_ = 	snop  }
0x3c: {  	p2 =	seq.s32 s10, $0x1;
	s10 =	sld [smem:$0x3FB7]  }
0x3d: {  	_ =	shalt  }
0x3e: {  	_ =	shalt  }
0x3f: {  	_ =	shalt  }
0x40: {  	_ =	shalt  }
0x41: {  	_ =	shalt  }
0x42: {  	_ =	shalt  }
0x43: {  	_ =	shalt  }
0x44: {  	_ =	shalt  }
0x45: {  	_ =	shalt  }
0x46: {  	_ =	shalt  }
0x47: {  	_ =	shalt  }
0x48: {  	_ =	shalt  }
0x49: {  	_ =	shalt  }
0x4a: {  	_ =	shalt  }
0x4b: {  	_ =	shalt  }
0x4c: {  	_ =	shalt  }
0x4d: {  	_ =	shalt  }
0x4e: {  	_ =	shalt  }
0x4f: {  	_ =	shalt  }
0x50: {  	_ =	shalt  }
0x51: {  	_ =	shalt  }
0x52: {  	_ =	shalt  }
0x53: {  	_ =	shalt  }
0x54: {  	_ =	shalt  }
0x55: {  	_ =	shalt  }
0x56: {  	_ =	shalt  }
0x57: {  	_ =	shalt  }
0x58: {  	_ =	shalt  }
0x59: {  	_ =	shalt  }
0x5a: {  	_ =	shalt  }
0x5b: {  	_ =	shalt  }
0x5c: {  	_ =	shalt  }
0x5d: {  	_ =	shalt  }
0x5e: {  	_ =	shalt  }
0x5f: {  	_ =	shalt  }
0x60: {  	_ =	shalt  }
0x61: {  	_ =	shalt  }
0x62: {  	_ =	shalt  }
0x63: {  	_ =	shalt  }
0x64: {  	_ =	shalt  }
0x65: {  	_ =	shalt  }
0x66: {  	_ =	shalt  }
0x67: {  	_ =	shalt  }
0x68: {  	_ =	shalt  }
0x69: {  	_ =	shalt  }
0x6a: {  	_ =	shalt  }
0x6b: {  	_ =	shalt  }
0x6c: {  	_ =	shalt  }
0x6d: {  	_ =	shalt  }
0x6e: {  	_ =	shalt  }
0x6f: {  	_ =	shalt  }
0x70: {  	_ =	shalt  }
0x71: {  	_ =	shalt  }
0x72: {  	_ =	shalt  }
0x73: {  	_ =	shalt  }
0x74: {  	_ =	shalt  }
0x75: {  	_ =	shalt  }
0x76: {  	_ =	shalt  }
0x77: {  	_ =	shalt  }
0x78: {  	_ =	shalt  }
0x79: {  	_ =	shalt  }
0x7a: {  	_ =	shalt  }
0x7b: {  	_ =	shalt  }
0x7c: {  	_ =	shalt  }
0x7d: {  	_ =	shalt  }
0x7e: {  	_ =	shalt  }
0x7f: {  	_ =	shalt  }
0x80: {  	_ =	shalt  }
0x81: {  	_ =	shalt  }
0x82: {  	_ =	shalt  }
0x83: {  	_ =	shalt  }
0x84: {  	_ =	shalt  }
0x85: {  	_ =	shalt  }
0x86: {  	_ =	shalt  }
0x87: {  	_ =	shalt  }
.Lfunc_end0:
.L_simem_size_0:
called_computation_lowered:
.L_overlay_start_0:
0x88: {  	s2 =	sld [smem:$0x3FD9]  }
0x89: {  	s3 =	sld [smem:$0x3FFE];
	_ =	sdelay $0x1  }
0x8a: {  	s1 =	srdreg.scid  }
0x8b: {  	s0 =	sand.u32 $0x1, s1  }
0x8c: {  	s17 =	sshll.u32 s0, $0xA;
	s2 =	sadd.s32 s3, s2  }
0x8d: {  	s2 =	sadd.s32 s2, s17  }
0x8e: {  	[smem:$0x3FC3] =	sst s2  }
0x8f: {  	_ = 	snop  }
0x90: {  	s2 =	sld [smem:$0x3FD0];
	(tm) =	ssettm $0x1  }
0x91: {  	s18 =	sld [smem:$0x3FFB];
	_ =	sdelay $0x3  }
0x92: {  	_ =	strace s18  }
0x93: {  	s3 =	sld [smem:$0x3FFC];
	_ =	sdelay $0x3  }
0x94: {  	_ =	strace s3  }
0x95: {  	s3 =	sld [smem:$0x3FFD];
	_ =	sdelay $0x3  }
0x96: {  	_ =	strace s3  }
0x97: {  	_ =	strace $0x8FFFFFFF  }
0x98: {  	s19 =	sld [smem:$0x3FDB];
	_ =	sdelay $0x1  }
0x99: {  	s4 =	simm.s32 $_scs_section_size  }
0x9a: {  	s5 =	simm.s32 $_size__tile_overlayer_lowered;
	s6 =	simm.s32 $_tile_overlayer_lowered  }
0x9b: {  	s22 =	simm.s32 $0x1BFF;
	s21 =	sshll.u32 s6, $0x1;
	s3 =	sadd.s32 s4, s19  }
0x9c: {  	s7 =	simm.s32 $0x0;
	s20 =	sshll.u32 s5, $0x1;
	s5 =	sadd.s32 s21, s3  }
0x9d: {  	[timem:s7], [sflag:s22] =	dma.local [hbm:s5], s20  }
0x9e: {  	_ =	swait.ge [sflag:s22], s20  }
0x9f: {  	s4 =	ssub.s32 $0x0, s20;
	[sflag:s22] =	ssyncset.done $0x0  }
0xa0: {  	[sflag:s22] =	ssyncadd.s32 s4;
	_ =	sdelay $0x1  }
0xa1: {  	s23 =	simm.s32 $0x1B8B  }
0xa2: {  	_ =	swait.ge [sflag:s23], $0x1  }
0xa3: {  	[sflag:s23] =	ssyncset.done $0x0  }
0xa4: {  	s25 =	simm.s32 $0x1B8E;
	s24 =	sld [smem:$0x3FFE];
	[sflag:s23] =	ssyncadd.s32 $0xFFFFFFFF  }
0xa5: {  	s26 =	simm.s32 $execute0_lowered;
	[smem:$0x3FD2] =	sst s25  }
0xa6: {  	s5 =	sshll.u32 s26, $0x1;
	_ =	strace $0x80000046;
	[dreg:$0x1] =	wrdreg $0xFFFFFFFF  }
0xa7: {  	s28 =	simm.s32 $_size_execute0_lowered;
	s3 =	sadd.s32 s3, s5;
	[dreg:$0x0] =	wrdreg $0x0  }
0xa8: {  	s5 =	sshll.u32 s28, $0x1;
	[dreg:$0x2] =	wrdreg s3  }
0xa9: {  	[dreg:$0x3] =	wrdreg s5  }
0xaa: {  	[dreg:$0x4] =	wrdreg $0xC0  }
0xab: {  	_ =	task [dreg:s7], $0x5FFFF  }
0xac: {  	[dreg:$0x1] =	wrdreg $0xFFFFFFFF  }
0xad: {  	[dreg:$0x0] =	wrdreg $0x60  }
0xae: {  	[dreg:$0x2] =	wrdreg s24  }
0xaf: {  	[dreg:$0x3] =	wrdreg s2  }
0xb0: {  	[dreg:$0x4] =	wrdreg $0xC4000  }
0xb1: {  	[dreg:$0x5] =	wrdreg $0x9  }
0xb2: {  	_ =	task.clear_ibuf [dreg:s7], $0x6FFFF;
	_ =	strace $0x90000046  }
0xb3: {  	s29 =	simm.s32 $0x9;
	_ =	strace $0x80000048  }
0xb4: {  	_ =	swait.ge [sflag:s29], $0x1  }
0xb5: {  	[sflag:s29] =	ssyncadd.s32 $0xFFFFFFFF  }
0xb6: {  	_ =	strace $0x90000048  }
0xb7: {  	_ =	sfence  }
0xb8: {  	s30 =	sld [smem:$0x0];
	_ =	sdelay $0x2  }
0xb9: {  	s31 =	sshll.u32 s1, $0xD;
	s1 =	sshrl.u32 s1, $0x2  }
0xba: {  	s3 =	sand.u32 $0x4000, s31;
	s1 =	sadd.s32 s1, s30  }
0xbb: {  	s0 =	sor.u32 s3, s0;
	s1 =	sshll.u32 s1, $0x11  }
0xbc: {  	s0 =	sor.u32 s1, s0  }
0xbd: {  	s0 =	sadd.s32 $0x8F2B, s0  }
0xbe: {  	[sflag:s0] =	ssyncadd.remote.s32 $0x1  }
0xbf: {  	_ =	sfence.sel $0xFFFF  }
0xc0: {  	[dreg:$0x0] =	wrdreg $0xFFFFFFFF;
	(pc) =	sbr.abs _section_cstart, $3  }
0xc1: {  	[dreg:$0x1] =	wrdreg $0xFFFFFFFF  }
0xc2: {  	_ =	task.clear_ibuf [dreg:s7], $0x2FFFF;
	_ =	strace $0x9FFFFFFF  }
0xc3: {  	(tm) =	ssettm $0x7FFFFFFF  }
tec
execute0_lowered:
.L_overlay_start_1:
0x0: {  	(tag) =	ssettag $0x1  }
0x1: {  	s0 =	rddreg [dreg:$0x0]  }
0x2: {  	s1 =	rddreg [dreg:$0x1]  }
0x3: {  	s2 =	rddreg [dreg:$0x2]  }
0x4: {  	s3 =	srdreg.scid;
	s4 =	simm.s32 $0x0;
	s17 =	stileid.u32  }
0x5: {  	s28 =	simm.s32 $0xA280;
	s29 =	simm.s32 $0xA2D0;
	s30 =	simm.s32 $0x5000  }
0x6: {  	s31 =	simm.s32 $0xA000;
	s3 =	sand.u32 $0x1, s3;
	s8 =	smul.u32 $0x13880, s17  }
0x7: {  	[smem:$0x7FF] =	sst s4;
	s5 =	sadd.s32 $0xB000, s0;
	s11 =	smul.u32 $0x2800, s17  }
0x8: {  	s9 =	sadd.s32 $0x3CE00, s0;
	s23 =	sadd.s32 $0x3D400, s0;
	s13 =	smul.u32 $0x280, s17  }
0x9: {  	s22 =	smul.u32 $0x4E200, s17;
	_ =	strace $0x80000047;
	[dreg:$0x4] =	wrdreg s9  }
0xa: {  	s6 =	sadd.s32 $0x1200, s0;
	s7 =	smul.u32 $0x138800, s3;
	[dreg:$0x5] =	wrdreg s23  }
0xb: {  	s9 =	sadd.s32 $0x14E00, s0;
	s24 =	smul.u32 $0x28000, s3;
	s10 =	ssub.s32 $0x2, s3  }
0xc: {  	s15 =	smul.u32 $0x2800, s3;
	s3 =	sshll.u32 s3, $0x4;
	s12 =	sshrl.u32 s10, $0x1  }
0xd: {  	s3 =	sor.u32 s17, s3;
	s7 =	sadd.s32 s8, s7;
	s14 =	ssub.s32 s10, s12  }
0xe: {  	s11 =	sadd.s32 s11, s24;
	s10 =	smul.u32 $0x4E20, s17;
	s25 =	sadd.s32 s13, s15  }
0xf: {  	s12 =	smul.u32 $0x2710, s3;
	s20 =	sshrl.u32 s15, $0x3;
	s3 =	simm.s32 $0xA320  }
0x10: {  	s7 =	sshrl.u32 s7, $0x3;
	s16 =	sshrl.u32 s11, $0x3;
	s11 =	sor.u32 s13, s24  }
0x11: {  	s8 =	sshrl.u32 s25, $0x3;
	s24 =	smul.u32 $0x9C4, s17;
	s25 =	sshrl.u32 s22, $0x2  }
0x12: {  	s17 =	simm.s32 $0x1;
	s7 =	sadd.s32 s7, s0;
	s0 =	sadd.s32 $0x3DA00, s0  }
0x13: {  	s26 =	sshrl.u32 s11, $0x3;
	s16 =	sadd.s32 s1, s16;
	s21 =	sshrl.u32 s12, $0x3  }
0x14: {  	[dreg:$0x6] =	wrdreg s16;
	s18 =	sadd.s32 s1, s26;
	s19 =	sadd.s32 s0, s8  }
0x15: {  	s16 =	sadd.s32 s0, s20;
	s23 =	sadd.s32 $0x4E0, s21;
	s26 =	smax.u32 s14, $0x1  }
0x16: {  	s20 =	sadd.s32 s25, s2;
	s21 =	sadd.s32 s24, s6;
	s22 =	sadd.s32 s24, s5  }
0x17: {  	s24 =	simm.s32 $0x2;
	s25 =	simm.s32 $0x2800;
	[dreg:$0x7] =	wrdreg s18  }
0x18: {  	[dreg:$0x8] =	wrdreg s19;
	s8 =	sadd.s32 s5, s23;
	s0 =	sadd.s32 s6, s23  }
0x19: {  	[dreg:$0xb] =	wrdreg s26;
	s23 =	sadd.s32 $0x3E400, s7;
	s26 =	simm.s32 $0xA400  }
0x1a: {  	s7 =	simm.s32 $0xA360;
	s18 =	simm.s32 $0x0;
	[dreg:$0x9] =	wrdreg s8  }
0x1b: {  	v0 =	vimm.f32 $-3.399999950e+38;
	v1 =	vimm.f32 $0.0e+00;
	[dreg:$0xa] =	wrdreg s0;
	s0 =	simm.s32 $0x7800;
	s8 =	simm.s32 $0x40  }
.LBB2_1:
0x1c: {  	s13 =	rddreg [dreg:$0x4]  }
0x1d: {  	[tilespmem:s4], [sflag:$0x2] =	stream.linear.gather [hbm4b:s13+s4], $0x2800, $0x38;
	[tilespmem:$0x1FC80] =	vst v63  }
0x1e: {  	_ =	swait.ge [sflag:s24], $0x2800  }
0x1f: {  	[sflag:s24] =	ssyncset.done $0x0  }
0x20: {  	s19 =	rddreg [dreg:$0x5];
	[sflag:s24] =	ssyncadd.s32 $0xFFFFD800  }
0x21: {  	[tilespmem:s25], [sflag:$0x2] =	stream.linear.gather [hbm4b:s19+s4], $0x2800, $0x38;
	[tilespmem:$0x1FC80] =	vst v63  }
0x22: {  	_ =	swait.ge [sflag:s24], $0x2800  }
0x23: {  	[sflag:s24] =	ssyncset.done $0x0  }
0x24: {  	s14 =	simm.s32 $0x0;
	s13 =	simm.s32 $0x40;
	[sflag:s24] =	ssyncadd.s32 $0xFFFFD800  }
.LBB2_2:
0x25: {  	p0 =	sne.s32 s13, $0x9FC0;
	[tilespmem:s14+$0x5000] =	vst v0;
	s15 =	smov.u32 s13;
	s13 =	sadd.s32 $0x40, s13  }
.Ltmp0:
0x26: {  	[tilespmem:s14+$0x7800] =	vst v1;
	(pc) =	sbr.rel @p0 .LBB2_2-.Ltmp0, $2  }
0x27: {  	_ =	sdelay $0x2  }
0x28: {  	s14 =	sshra.s32 s15, $0x2  }
0x29: {  	s13 =	simm.s32 $0x0  }
0x2a: {  	s15 =	sand.u32 $0x7E00, s13  }
0x2b: {  	[tilespmem:s14+$0x5000] =	vst v0;
	s19 =	sand.u32 $0x70, s13;
	s15 =	sshrl.u32 s15, $0x2  }
0x2c: {  	[tilespmem:s14+$0x7800] =	vst v1;
	s14 =	simm.s32 $0x40;
	s15 =	sor.u32 s19, s15  }
.LBB2_4:
0x2d: {  	p0 =	sne.s32 s14, $0x7FC0  }
0x2e: {  	[tilespmem:s15+$0xA400] =	vst v1;
	s13 =	sadd.s32 $0x10, s13;
	s15 =	smov.u32 s14;
	s14 =	sadd.s32 $0x40, s14  }
.Ltmp1:
0x2f: {  	(pc) =	sbr.rel @p0 .LBB2_4-.Ltmp1, $4  }
0x30: {  	_ = 	snop  }
0x31: {  	s15 =	sand.u32 $0x7E00, s15  }
0x32: {  	s19 =	sand.u32 $0x70, s13;
	s15 =	sshrl.u32 s15, $0x2  }
0x33: {  	s15 =	sor.u32 s19, s15  }
0x34: {  	[tilespmem:s15+$0xA400] =	vst v1;
	s13 =	sadd.s32 $0x0, s20  }
0x35: {  	[spmem:s13] =	stream.linear.scatter [tilespmem:s26], [sflag:$0x2], $0xC80, $0x38;
	[tilespmem:$0x1FC80] =	vst v63  }
0x36: {  	s13 =	simm.s32 $0x3200;
	_ =	swait.ge [sflag:s24], $0xC80  }
.LBB2_6:
0x37: {  	s14 =	sshra.s32 s13, $0x2;
	[sflag:s24] =	ssyncset.done $0x0;
	p0 =	sne.s32 s13, $0x4B000  }
.Ltmp2:
0x38: {  	s14 =	sadd.s32 s14, s20;
	[sflag:s24] =	ssyncadd.s32 $0xFFFFF380;
	(pc) =	sbr.rel @p0 .LBB2_6-.Ltmp2, $3  }
0x39: {  	[spmem:s14] =	stream.linear.scatter [tilespmem:s26], [sflag:$0x2], $0xC80, $0x38;
	[tilespmem:$0x1FC80] =	vst v63  }
0x3a: {  	s13 =	sadd.s32 $0x3200, s13;
	_ =	sdelay $0x1  }
0x3b: {  	_ =	swait.ge [sflag:s24], $0xC80  }
.Ltmp3:
0x3c: {  	(pc) =	sbr.rel .LBB2_8-.Ltmp3, $3  }
0x3d: {  	_ =	sdelay $0x1  }
0x3e: {  	[sflag:s24] =	ssyncset.done $0x0  }
0x3f: {  	s13 =	simm.s32 $0x0;
	s14 =	simm.s32 $0x0;
	[sflag:s24] =	ssyncadd.s32 $0xFFFFF380  }
.LBB2_12:
0x40: {  	s14 =	sadd.s32 $0x1, s14  }
0x41: {  	p0 =	sne.s32 s14, $0xFA  }
.Ltmp4:
0x42: {  	_ = 	snop;
	(pc) =	sbr.rel @!p0 .LBB2_13-.Ltmp4, $1  }
0x43: {  	_ =	sdelay $0x3  }
.LBB2_8:
0x44: {  	s15 =	smul.u32 $0x50, s14;
	_ =	sdelay $0x1  }
0x45: {  	s15 =	sadd.s32 s10, s15  }
0x46: {  	s15 =	sshrl.u32 s15, $0x3  }
0x47: {  	s19 =	sadd.s32 s5, s15  }
0x48: {  	[tilespmem:s28], [sflag:$0x2] =	stream.linear.gather [hbm4b:s19+s13], $0x50, $0x38;
	[tilespmem:$0x1FC80] =	vst v63  }
0x49: {  	_ =	swait.ge [sflag:s24], $0x50  }
0x4a: {  	[sflag:s24] =	ssyncset.done $0x0  }
.Ltmp5:
0x4b: {  	s15 =	sadd.s32 s6, s15;
	[sflag:s24] =	ssyncadd.s32 $0xFFFFFFB0;
	(pc) =	sbr.rel .LBB2_9-.Ltmp5, $4  }
0x4c: {  	[tilespmem:s29], [sflag:$0x2] =	stream.linear.gather [hbm4b:s15+s13], $0x50, $0x38;
	[tilespmem:$0x1FC80] =	vst v63  }
0x4d: {  	_ =	swait.ge [sflag:s24], $0x50  }
0x4e: {  	[sflag:s24] =	ssyncset.done $0x0  }
0x4f: {  	s15 =	simm.s32 $0x0;
	[sflag:s24] =	ssyncadd.s32 $0xFFFFFFB0  }
.LBB2_11:
0x50: {  	s15 =	sadd.s32 $0x1, s15  }
0x51: {  	p0 =	sne.s32 s15, $0x5  }
.Ltmp6:
0x52: {  	_ = 	snop;
	(pc) =	sbr.rel @!p0 .LBB2_12-.Ltmp6, $1  }
0x53: {  	_ =	sdelay $0x3  }
.LBB2_9:
0x54: {  	s19 =	sshll.u32 s15, $0x4  }
0x55: {  	v2 =	vld [tilespmem:s19+$0xA2D0]  }
0x56: {  	v3 =	vld [tilespmem:s19+$0xA280];
	_ =	sdelay $0x6  }
0x57: {  	v4 =	vld.idx.msk [tilespmem:v2+s25+$0x0], $0xffff  }
0x58: {  	v3 =	vld.idx.msk [tilespmem:v3+s4+$0x0], $0xffff;
	_ =	sdelay $0x4  }
0x59: {  	v4 =	vadd.f32 v3, v4;
	v3 =	vld.idx.msk [tilespmem:v2+s30+$0x0], $0xffff;
	_ =	sdelay $0x1  }
0x5a: {  	v5 =	vmul.f32 $2.000000030e-01, v4  }
0x5b: {  	vm0 =	vge.f32 v4, $0.0e+00  }
0x5c: {  	v4 =	vsel vm0, v4, v5  }
0x5d: {  	vm0 =	vgt.f32 v4, v3  }
0x5e: {  	v5 =	vsel vm0, $0x3F800000, v1  }
0x5f: {  	(xrf0) =	vmax.scan.msk.f32 $0xffff, v5;
	_ =	sdelay $0x5  }
0x60: {  	v5, _, _ =	vpop (xrf0)  }
0x61: {  	(v2sf) =	vpush v5, $0xF;
	_ =	sdelay $0xe  }
0x62: {  	s19 =	spop (v2sf)  }
0x63: {  	p0 =	sgt.f32 s19, $0.0e+00  }
.Ltmp7:
0x64: {  	_ = 	snop;
	(pc) =	sbr.rel @!p0 .LBB2_11-.Ltmp7, $1  }
0x65: {  	_ =	sdelay $0x3  }
.LBB2_10:
0x66: {  	v3 =	vmax.f32 v4, v3  }
0x67: {  	[tilespmem:v2+s30+$0x0] =	vst.idx.msk vm0, v3  }
0x68: {  	v3 =	vld.idx.msk [tilespmem:v2+s30+$0x0], $0xffff;
	_ =	sdelay $0x4  }
0x69: {  	vm0 =	vgt.f32 v4, v3  }
0x6a: {  	v5 =	vsel vm0, $0x3F800000, v1  }
0x6b: {  	(xrf0) =	vmax.scan.msk.f32 $0xffff, v5;
	_ =	sdelay $0x5  }
0x6c: {  	v5, _, _ =	vpop (xrf0)  }
0x6d: {  	(v2sf) =	vpush v5, $0xF;
	_ =	sdelay $0xe  }
0x6e: {  	s19 =	spop (v2sf)  }
0x6f: {  	p0 =	sgt.f32 s19, $0.0e+00  }
.Ltmp8:
0x70: {  	_ = 	snop;
	(pc) =	sbr.rel @p0 .LBB2_10-.Ltmp8, $1  }
0x71: {  	_ =	sdelay $0x3  }
.Ltmp9:
0x72: {  	_ = 	snop;
	(pc) =	sbr.rel .LBB2_11-.Ltmp9, $1  }
0x73: {  	_ =	sdelay $0x3  }
.LBB2_13:
0x74: {  	s13 =	rddreg [dreg:$0x6]  }
0x75: {  	[hbm4b:s13+s4] =	stream.linear.scatter [tilespmem:s30], [sflag:$0x2], $0x2800, $0x38;
	[tilespmem:$0x1FC80] =	vst v63  }
0x76: {  	_ =	swait.ge [sflag:s24], $0x2800  }
0x77: {  	[sflag:s24] =	ssyncset.done $0x0  }
0x78: {  	[sflag:s24] =	ssyncadd.s32 $0xFFFFD800  }
0x79: {  	[bflag:$0x0] =	sbarrier.arrive $0xFFFF  }
0x7a: {  	s19 =	rddreg [dreg:$0x7]  }
0x7b: {  	[tilespmem:s31], [sflag:$0x2] =	stream.linear.gather [hbm4b:s19+s4], $0x280, $0x38;
	[tilespmem:$0x1FC80] =	vst v63  }
0x7c: {  	_ =	swait.ge [sflag:s24], $0x280  }
0x7d: {  	[sflag:s24] =	ssyncset.done $0x0  }
0x7e: {  	s13 =	simm.s32 $0x2800;
	[sflag:s24] =	ssyncadd.s32 $0xFFFFFD80  }
.LBB2_14:
0x7f: {  	s14 =	sadd.s32 s13, s11  }
0x80: {  	s14 =	sshrl.u32 s14, $0x3  }
0x81: {  	s14 =	sadd.s32 s1, s14  }
0x82: {  	[tilespmem:s26], [sflag:$0x2] =	stream.linear.gather [hbm4b:s14+s4], $0x280, $0x38;
	[tilespmem:$0x1FC80] =	vst v63  }
0x83: {  	_ =	swait.ge [sflag:s24], $0x280  }
0x84: {  	[sflag:s24] =	ssyncset.done $0x0  }
0x85: {  	[sflag:s24] =	ssyncadd.s32 $0xFFFFFD80  }
0x86: {  	v2 =	vld [tilespmem:$0xA000]  }
0x87: {  	v3 =	vld [tilespmem:$0xA400]  }
0x88: {  	v4 =	vld [tilespmem:$0xA010]  }
0x89: {  	v5 =	vld [tilespmem:$0xA410]  }
0x8a: {  	v6 =	vld [tilespmem:$0xA020]  }
0x8b: {  	v7 =	vld [tilespmem:$0xA420]  }
0x8c: {  	v8 =	vld [tilespmem:$0xA030]  }
0x8d: {  	v9 =	vld [tilespmem:$0xA430]  }
0x8e: {  	v10 =	vld [tilespmem:$0xA040]  }
0x8f: {  	v11 =	vld [tilespmem:$0xA440]  }
0x90: {  	v12 =	vld [tilespmem:$0xA050]  }
0x91: {  	v13 =	vld [tilespmem:$0xA450]  }
0x92: {  	v14 =	vld [tilespmem:$0xA060]  }
0x93: {  	v15 =	vld [tilespmem:$0xA460]  }
0x94: {  	v16 =	vld [tilespmem:$0xA070]  }
0x95: {  	v17 =	vld [tilespmem:$0xA470]  }
0x96: {  	v18 =	vld [tilespmem:$0xA080]  }
0x97: {  	v19 =	vld [tilespmem:$0xA480]  }
0x98: {  	v20 =	vld [tilespmem:$0xA090]  }
0x99: {  	v21 =	vld [tilespmem:$0xA490]  }
0x9a: {  	v22 =	vld [tilespmem:$0xA0A0]  }
0x9b: {  	v23 =	vld [tilespmem:$0xA4A0]  }
0x9c: {  	v24 =	vld [tilespmem:$0xA0B0]  }
0x9d: {  	v25 =	vld [tilespmem:$0xA4B0]  }
0x9e: {  	v26 =	vld [tilespmem:$0xA0C0]  }
0x9f: {  	v27 =	vld [tilespmem:$0xA4C0]  }
0xa0: {  	v28 =	vld [tilespmem:$0xA0D0]  }
0xa1: {  	v29 =	vld [tilespmem:$0xA4D0]  }
0xa2: {  	v30 =	vld [tilespmem:$0xA0E0]  }
0xa3: {  	v31 =	vld [tilespmem:$0xA4E0]  }
0xa4: {  	v32 =	vld [tilespmem:$0xA0F0]  }
0xa5: {  	v33 =	vld [tilespmem:$0xA4F0]  }
0xa6: {  	v34 =	vld [tilespmem:$0xA100]  }
0xa7: {  	v35 =	vld [tilespmem:$0xA500]  }
0xa8: {  	v36 =	vld [tilespmem:$0xA110]  }
0xa9: {  	v37 =	vld [tilespmem:$0xA510]  }
0xaa: {  	v38 =	vld [tilespmem:$0xA120]  }
0xab: {  	v39 =	vld [tilespmem:$0xA520]  }
0xac: {  	v40 =	vld [tilespmem:$0xA130]  }
0xad: {  	v41 =	vld [tilespmem:$0xA530]  }
0xae: {  	v42 =	vld [tilespmem:$0xA140]  }
0xaf: {  	v43 =	vld [tilespmem:$0xA540]  }
0xb0: {  	v44 =	vld [tilespmem:$0xA150]  }
0xb1: {  	v45 =	vld [tilespmem:$0xA550]  }
0xb2: {  	v46 =	vld [tilespmem:$0xA160]  }
0xb3: {  	v53 =	vld [tilespmem:$0xA570];
	v2 =	vmax.f32 v2, v3  }
0xb4: {  	v54 =	vld [tilespmem:$0xA180];
	[tilespmem:$0xA000] =	vst v2;
	v2 =	vmax.f32 v4, v5  }
0xb5: {  	v55 =	vld [tilespmem:$0xA580];
	[tilespmem:$0xA010] =	vst v2;
	v2 =	vmax.f32 v6, v7  }
0xb6: {  	v56 =	vld [tilespmem:$0xA190];
	[tilespmem:$0xA020] =	vst v2;
	v2 =	vmax.f32 v8, v9  }
0xb7: {  	v57 =	vld [tilespmem:$0xA590];
	[tilespmem:$0xA030] =	vst v2;
	v2 =	vmax.f32 v10, v11  }
0xb8: {  	v58 =	vld [tilespmem:$0xA1A0];
	[tilespmem:$0xA040] =	vst v2;
	v2 =	vmax.f32 v12, v13  }
0xb9: {  	v59 =	vld [tilespmem:$0xA5A0];
	[tilespmem:$0xA050] =	vst v2;
	v2 =	vmax.f32 v14, v15  }
0xba: {  	v60 =	vld [tilespmem:$0xA1B0];
	[tilespmem:$0xA060] =	vst v2;
	v2 =	vmax.f32 v16, v17  }
0xbb: {  	v61 =	vld [tilespmem:$0xA5B0];
	[tilespmem:$0xA070] =	vst v2;
	v2 =	vmax.f32 v18, v19  }
0xbc: {  	v62 =	vld [tilespmem:$0xA1C0];
	[tilespmem:$0xA080] =	vst v2;
	v2 =	vmax.f32 v20, v21  }
0xbd: {  	v63 =	vld [tilespmem:$0xA5C0];
	[tilespmem:$0xA090] =	vst v2;
	v2 =	vmax.f32 v22, v23  }
0xbe: {  	v47 =	vld [tilespmem:$0xA5E0];
	[tilespmem:$0xA0A0] =	vst v2;
	v2 =	vmax.f32 v24, v25  }
0xbf: {  	v48 =	vld [tilespmem:$0xA1F0];
	[tilespmem:$0xA0B0] =	vst v2;
	v2 =	vmax.f32 v26, v27  }
0xc0: {  	v49 =	vld [tilespmem:$0xA5F0];
	[tilespmem:$0xA0C0] =	vst v2;
	v2 =	vmax.f32 v28, v29  }
0xc1: {  	v50 =	vld [tilespmem:$0xA200];
	[tilespmem:$0xA0D0] =	vst v2;
	v2 =	vmax.f32 v30, v31  }
0xc2: {  	v51 =	vld [tilespmem:$0xA600];
	[tilespmem:$0xA0E0] =	vst v2;
	v2 =	vmax.f32 v32, v33  }
0xc3: {  	v52 =	vld [tilespmem:$0xA210];
	[tilespmem:$0xA0F0] =	vst v2;
	v2 =	vmax.f32 v34, v35  }
0xc4: {  	v3 =	vld [tilespmem:$0xA560];
	[tilespmem:$0xA100] =	vst v2;
	v2 =	vmax.f32 v36, v37  }
0xc5: {  	v4 =	vld [tilespmem:$0xA170];
	[tilespmem:$0xA110] =	vst v2;
	v2 =	vmax.f32 v38, v39  }
0xc6: {  	v29 =	vld [tilespmem:$0xA1D0];
	[tilespmem:$0xA120] =	vst v2;
	v2 =	vmax.f32 v40, v41  }
0xc7: {  	v31 =	vld [tilespmem:$0xA5D0];
	[tilespmem:$0xA130] =	vst v2;
	v2 =	vmax.f32 v42, v43  }
0xc8: {  	v33 =	vld [tilespmem:$0xA1E0];
	[tilespmem:$0xA140] =	vst v2;
	v2 =	vmax.f32 v44, v45  }
0xc9: {  	[tilespmem:$0xA150] =	vst v2;
	v2 =	vmax.f32 v46, v3;
	v3 =	vld [tilespmem:$0xA610]  }
0xca: {  	[tilespmem:$0xA160] =	vst v2;
	v2 =	vmax.f32 v4, v53;
	v53 =	vld [tilespmem:$0xA220]  }
0xcb: {  	[tilespmem:$0xA170] =	vst v2;
	v2 =	vmax.f32 v54, v55;
	v54 =	vld [tilespmem:$0xA620]  }
0xcc: {  	v55 =	vld [tilespmem:$0xA230];
	[tilespmem:$0xA180] =	vst v2;
	v2 =	vmax.f32 v56, v57  }
0xcd: {  	v56 =	vld [tilespmem:$0xA630];
	[tilespmem:$0xA190] =	vst v2;
	v2 =	vmax.f32 v58, v59  }
0xce: {  	v57 =	vld [tilespmem:$0xA240];
	[tilespmem:$0xA1A0] =	vst v2;
	v2 =	vmax.f32 v60, v61  }
0xcf: {  	v58 =	vld [tilespmem:$0xA640];
	[tilespmem:$0xA1B0] =	vst v2;
	v2 =	vmax.f32 v62, v63  }
0xd0: {  	v59 =	vld [tilespmem:$0xA250];
	[tilespmem:$0xA1C0] =	vst v2;
	v2 =	vmax.f32 v29, v31  }
0xd1: {  	v60 =	vld [tilespmem:$0xA650];
	[tilespmem:$0xA1D0] =	vst v2;
	v2 =	vmax.f32 v33, v47  }
0xd2: {  	v61 =	vld [tilespmem:$0xA260];
	[tilespmem:$0xA1E0] =	vst v2;
	v2 =	vmax.f32 v48, v49  }
0xd3: {  	v62 =	vld [tilespmem:$0xA660];
	[tilespmem:$0xA1F0] =	vst v2;
	v2 =	vmax.f32 v50, v51  }
0xd4: {  	v63 =	vld [tilespmem:$0xA670];
	[tilespmem:$0xA200] =	vst v2;
	v2 =	vmax.f32 v52, v3  }
0xd5: {  	v3 =	vld [tilespmem:$0xA270];
	[tilespmem:$0xA210] =	vst v2;
	v2 =	vmax.f32 v53, v54  }
0xd6: {  	p0 =	sne.s32 s13, $0x25800;
	[tilespmem:$0xA220] =	vst v2;
	v2 =	vmax.f32 v55, v56  }
.Ltmp10:
0xd7: {  	[tilespmem:$0xA230] =	vst v2;
	v2 =	vmax.f32 v57, v58;
	(pc) =	sbr.rel @p0 .LBB2_14-.Ltmp10, $4  }
0xd8: {  	[tilespmem:$0xA240] =	vst v2;
	v2 =	vmax.f32 v59, v60  }
0xd9: {  	[tilespmem:$0xA250] =	vst v2;
	v2 =	vmax.f32 v61, v62  }
0xda: {  	[tilespmem:$0xA260] =	vst v2;
	v2 =	vmax.f32 v3, v63  }
0xdb: {  	s13 =	sadd.s32 $0x2800, s13;
	[tilespmem:$0xA270] =	vst v2  }
0xdc: {  	s13 =	simm.s32 $0x0;
	s14 =	rddreg [dreg:$0x8]  }
0xdd: {  	[hbm4b:s14+s13] =	stream.linear.scatter [tilespmem:s31], [sflag:$0x2], $0x280, $0x38;
	[tilespmem:$0x1FC80] =	vst v63  }
0xde: {  	_ =	swait.ge [sflag:s24], $0x280  }
0xdf: {  	[sflag:s24] =	ssyncset.done $0x0  }
0xe0: {  	[sflag:s24] =	ssyncadd.s32 $0xFFFFFD80  }
0xe1: {  	[bflag:$0x0] =	sbarrier.arrive $0xFFFF  }
0xe2: {  	[tilespmem:s30], [sflag:$0x2] =	stream.linear.gather [hbm4b:s16+s13], $0x2800, $0x38;
	[tilespmem:$0x1FC80] =	vst v63  }
0xe3: {  	_ =	swait.ge [sflag:s24], $0x2800  }
0xe4: {  	[sflag:s24] =	ssyncset.done $0x0  }
0xe5: {  	[sflag:s24] =	ssyncadd.s32 $0xFFFFD800  }
.LBB2_16:
0xe6: {  	s14 =	sadd.s32 s13, s22  }
0xe7: {  	[tilespmem:s28], [sflag:$0x2] =	stream.linear.gather [hbm4b:s14+s4], $0x50, $0x38;
	[tilespmem:$0x1FC80] =	vst v63  }
0xe8: {  	_ =	swait.ge [sflag:s24], $0x50  }
0xe9: {  	[sflag:s24] =	ssyncset.done $0x0  }
0xea: {  	s19 =	sadd.s32 s13, s21;
	[sflag:s24] =	ssyncadd.s32 $0xFFFFFFB0  }
0xeb: {  	[tilespmem:s29], [sflag:$0x2] =	stream.linear.gather [hbm4b:s19+s4], $0x50, $0x38;
	[tilespmem:$0x1FC80] =	vst v63  }
0xec: {  	_ =	swait.ge [sflag:s24], $0x50  }
0xed: {  	[sflag:s24] =	ssyncset.done $0x0  }
0xee: {  	[sflag:s24] =	ssyncadd.s32 $0xFFFFFFB0  }
0xef: {  	v2 =	vld [tilespmem:$0xA2D0]  }
0xf0: {  	v3 =	vld [tilespmem:$0xA280];
	_ =	sdelay $0x6  }
0xf1: {  	v4 =	vld.idx.msk [tilespmem:v2+s25+$0x0], $0xffff  }
0xf2: {  	v3 =	vld.idx.msk [tilespmem:v3+s4+$0x0], $0xffff;
	_ =	sdelay $0x4  }
0xf3: {  	v51 =	vld.idx.msk [tilespmem:v2+s30+$0x0], $0xffff;
	v3 =	vadd.f32 v3, v4;
	_ =	sdelay $0x1  }
0xf4: {  	v5 =	vmul.f32 $2.000000030e-01, v3  }
0xf5: {  	vm0 =	vge.f32 v3, $0.0e+00  }
0xf6: {  	v3 =	vsel vm0, v3, v5  }
0xf7: {  	v3 =	vsub.f32 v3, v51;
	_ =	sdelay $0x1  }
0xf8: {  	v3 =	vmul.f32 $1.442695020e+00, v3;
	_ =	sdelay $0x1  }
0xf9: {  	(erf) = vpow2.f32 v3;
	_ =	sdelay $0x8  }
0xfa: {  	v3 =	vpop (erf)  }
0xfb: {  	[tilespmem:v2+s0+$0x0] =	vst.idx.add.f32.msk $0xffff, v3  }
0xfc: {  	v2 =	vld [tilespmem:$0xA2E0]  }
0xfd: {  	v3 =	vld [tilespmem:$0xA290];
	_ =	sdelay $0x6  }
0xfe: {  	v52 =	vld.idx.msk [tilespmem:v2+s25+$0x0], $0xffff  }
0xff: {  	v3 =	vld.idx.msk [tilespmem:v3+s4+$0x0], $0xffff;
	_ =	sdelay $0x4  }
0x100: {  	v53 =	vld.idx.msk [tilespmem:v2+s30+$0x0], $0xffff;
	v3 =	vadd.f32 v3, v52;
	_ =	sdelay $0x1  }
0x101: {  	v54 =	vmul.f32 $2.000000030e-01, v3  }
0x102: {  	vm12 =	vge.f32 v3, $0.0e+00  }
0x103: {  	v3 =	vsel vm12, v3, v54  }
0x104: {  	v3 =	vsub.f32 v3, v53;
	_ =	sdelay $0x1  }
0x105: {  	v3 =	vmul.f32 $1.442695020e+00, v3;
	_ =	sdelay $0x1  }
0x106: {  	(erf) = vpow2.f32 v3;
	_ =	sdelay $0x8  }
0x107: {  	v3 =	vpop (erf)  }
0x108: {  	[tilespmem:v2+s0+$0x0] =	vst.idx.add.f32.msk $0xffff, v3  }
0x109: {  	v2 =	vld [tilespmem:$0xA2F0]  }
0x10a: {  	v3 =	vld [tilespmem:$0xA2A0];
	_ =	sdelay $0x6  }
0x10b: {  	v55 =	vld.idx.msk [tilespmem:v2+s25+$0x0], $0xffff  }
0x10c: {  	v3 =	vld.idx.msk [tilespmem:v3+s4+$0x0], $0xffff;
	_ =	sdelay $0x4  }
0x10d: {  	v56 =	vld.idx.msk [tilespmem:v2+s30+$0x0], $0xffff;
	v3 =	vadd.f32 v3, v55;
	_ =	sdelay $0x1  }
0x10e: {  	v57 =	vmul.f32 $2.000000030e-01, v3  }
0x10f: {  	vm13 =	vge.f32 v3, $0.0e+00  }
0x110: {  	v3 =	vsel vm13, v3, v57  }
0x111: {  	v3 =	vsub.f32 v3, v56;
	_ =	sdelay $0x1  }
0x112: {  	v3 =	vmul.f32 $1.442695020e+00, v3;
	_ =	sdelay $0x1  }
0x113: {  	(erf) = vpow2.f32 v3;
	_ =	sdelay $0x8  }
0x114: {  	v3 =	vpop (erf)  }
0x115: {  	[tilespmem:v2+s0+$0x0] =	vst.idx.add.f32.msk $0xffff, v3  }
0x116: {  	v2 =	vld [tilespmem:$0xA300]  }
0x117: {  	v3 =	vld [tilespmem:$0xA2B0];
	_ =	sdelay $0x6  }
0x118: {  	v58 =	vld.idx.msk [tilespmem:v2+s25+$0x0], $0xffff  }
0x119: {  	v3 =	vld.idx.msk [tilespmem:v3+s4+$0x0], $0xffff;
	_ =	sdelay $0x4  }
0x11a: {  	v59 =	vld.idx.msk [tilespmem:v2+s30+$0x0], $0xffff;
	v3 =	vadd.f32 v3, v58;
	_ =	sdelay $0x1  }
0x11b: {  	v60 =	vmul.f32 $2.000000030e-01, v3  }
0x11c: {  	vm14 =	vge.f32 v3, $0.0e+00  }
0x11d: {  	v3 =	vsel vm14, v3, v60  }
0x11e: {  	v3 =	vsub.f32 v3, v59;
	_ =	sdelay $0x1  }
0x11f: {  	v3 =	vmul.f32 $1.442695020e+00, v3;
	_ =	sdelay $0x1  }
0x120: {  	(erf) = vpow2.f32 v3;
	_ =	sdelay $0x8  }
0x121: {  	v3 =	vpop (erf)  }
0x122: {  	[tilespmem:v2+s0+$0x0] =	vst.idx.add.f32.msk $0xffff, v3  }
0x123: {  	v2 =	vld [tilespmem:$0xA310]  }
0x124: {  	v3 =	vld [tilespmem:$0xA2C0];
	_ =	sdelay $0x6  }
0x125: {  	v61 =	vld.idx.msk [tilespmem:v2+s25+$0x0], $0xffff  }
0x126: {  	v3 =	vld.idx.msk [tilespmem:v3+s4+$0x0], $0xffff;
	_ =	sdelay $0x4  }
0x127: {  	v62 =	vld.idx.msk [tilespmem:v2+s30+$0x0], $0xffff;
	v3 =	vadd.f32 v3, v61;
	_ =	sdelay $0x1  }
0x128: {  	v63 =	vmul.f32 $2.000000030e-01, v3  }
0x129: {  	vm15 =	vge.f32 v3, $0.0e+00  }
0x12a: {  	v3 =	vsel vm15, v3, v63  }
0x12b: {  	v3 =	vsub.f32 v3, v62;
	_ =	sdelay $0x1  }
0x12c: {  	v3 =	vmul.f32 $1.442695020e+00, v3;
	_ =	sdelay $0x1  }
0x12d: {  	(erf) = vpow2.f32 v3;
	_ =	sdelay $0x4  }
0x12e: {  	p0 =	sne.s32 s13, $0x9BA  }
.Ltmp11:
0x12f: {  	_ = 	snop;
	(pc) =	sbr.rel @p0 .LBB2_16-.Ltmp11, $3  }
0x130: {  	_ =	sdelay $0x1  }
0x131: {  	v3 =	vpop (erf)  }
0x132: {  	s13 =	sadd.s32 $0xA, s13;
	[tilespmem:v2+s0+$0x0] =	vst.idx.add.f32.msk $0xffff, v3  }
0x133: {  	s13 =	rddreg [dreg:$0x6]  }
0x134: {  	[hbm4b:s13+s4] =	stream.linear.scatter [tilespmem:s0], [sflag:$0x2], $0x2800, $0x38;
	[tilespmem:$0x1FC80] =	vst v63  }
0x135: {  	_ =	swait.ge [sflag:s24], $0x2800  }
0x136: {  	[sflag:s24] =	ssyncset.done $0x0  }
0x137: {  	[sflag:s24] =	ssyncadd.s32 $0xFFFFD800  }
0x138: {  	[bflag:$0x0] =	sbarrier.arrive $0xFFFF  }
0x139: {  	s19 =	rddreg [dreg:$0x7]  }
0x13a: {  	[tilespmem:s31], [sflag:$0x2] =	stream.linear.gather [hbm4b:s19+s4], $0x280, $0x38;
	[tilespmem:$0x1FC80] =	vst v63  }
0x13b: {  	_ =	swait.ge [sflag:s24], $0x280  }
0x13c: {  	[sflag:s24] =	ssyncset.done $0x0  }
0x13d: {  	s13 =	simm.s32 $0x2800;
	[sflag:s24] =	ssyncadd.s32 $0xFFFFFD80  }
.LBB2_18:
0x13e: {  	s14 =	sadd.s32 s13, s11  }
0x13f: {  	s14 =	sshrl.u32 s14, $0x3  }
0x140: {  	s14 =	sadd.s32 s1, s14  }
0x141: {  	[tilespmem:s26], [sflag:$0x2] =	stream.linear.gather [hbm4b:s14+s4], $0x280, $0x38;
	[tilespmem:$0x1FC80] =	vst v63  }
0x142: {  	_ =	swait.ge [sflag:s24], $0x280  }
0x143: {  	[sflag:s24] =	ssyncset.done $0x0  }
0x144: {  	[sflag:s24] =	ssyncadd.s32 $0xFFFFFD80  }
0x145: {  	v2 =	vld [tilespmem:$0xA000]  }
0x146: {  	v3 =	vld [tilespmem:$0xA400]  }
0x147: {  	v4 =	vld [tilespmem:$0xA010]  }
0x148: {  	v5 =	vld [tilespmem:$0xA410]  }
0x149: {  	v6 =	vld [tilespmem:$0xA020]  }
0x14a: {  	v7 =	vld [tilespmem:$0xA420]  }
0x14b: {  	v8 =	vld [tilespmem:$0xA030]  }
0x14c: {  	v9 =	vld [tilespmem:$0xA430]  }
0x14d: {  	v10 =	vld [tilespmem:$0xA040]  }
0x14e: {  	v11 =	vld [tilespmem:$0xA440]  }
0x14f: {  	v12 =	vld [tilespmem:$0xA050]  }
0x150: {  	v13 =	vld [tilespmem:$0xA450]  }
0x151: {  	v14 =	vld [tilespmem:$0xA060]  }
0x152: {  	v15 =	vld [tilespmem:$0xA460]  }
0x153: {  	v16 =	vld [tilespmem:$0xA070]  }
0x154: {  	v17 =	vld [tilespmem:$0xA470]  }
0x155: {  	v18 =	vld [tilespmem:$0xA080]  }
0x156: {  	v19 =	vld [tilespmem:$0xA480]  }
0x157: {  	v20 =	vld [tilespmem:$0xA090]  }
0x158: {  	v21 =	vld [tilespmem:$0xA490]  }
0x159: {  	v22 =	vld [tilespmem:$0xA0A0]  }
0x15a: {  	v23 =	vld [tilespmem:$0xA4A0]  }
0x15b: {  	v24 =	vld [tilespmem:$0xA0B0]  }
0x15c: {  	v25 =	vld [tilespmem:$0xA4B0]  }
0x15d: {  	v26 =	vld [tilespmem:$0xA0C0]  }
0x15e: {  	v27 =	vld [tilespmem:$0xA4C0]  }
0x15f: {  	v28 =	vld [tilespmem:$0xA0D0]  }
0x160: {  	v29 =	vld [tilespmem:$0xA4D0]  }
0x161: {  	v30 =	vld [tilespmem:$0xA0E0]  }
0x162: {  	v31 =	vld [tilespmem:$0xA4E0]  }
0x163: {  	v32 =	vld [tilespmem:$0xA0F0]  }
0x164: {  	v33 =	vld [tilespmem:$0xA4F0]  }
0x165: {  	v34 =	vld [tilespmem:$0xA100]  }
0x166: {  	v35 =	vld [tilespmem:$0xA500]  }
0x167: {  	v36 =	vld [tilespmem:$0xA110]  }
0x168: {  	v37 =	vld [tilespmem:$0xA510]  }
0x169: {  	v38 =	vld [tilespmem:$0xA120]  }
0x16a: {  	v39 =	vld [tilespmem:$0xA520]  }
0x16b: {  	v40 =	vld [tilespmem:$0xA130]  }
0x16c: {  	v41 =	vld [tilespmem:$0xA530]  }
0x16d: {  	v42 =	vld [tilespmem:$0xA140]  }
0x16e: {  	v43 =	vld [tilespmem:$0xA540]  }
0x16f: {  	v44 =	vld [tilespmem:$0xA150]  }
0x170: {  	v45 =	vld [tilespmem:$0xA550]  }
0x171: {  	v46 =	vld [tilespmem:$0xA160]  }
0x172: {  	v47 =	vld [tilespmem:$0xA170];
	v2 =	vadd.f32 v3, v2  }
0x173: {  	v48 =	vld [tilespmem:$0xA570];
	v4 =	vadd.f32 v5, v4  }
0x174: {  	v50 =	vld [tilespmem:$0xA180];
	[tilespmem:$0xA000] =	vst v2;
	v2 =	vadd.f32 v7, v6  }
0x175: {  	v51 =	vld [tilespmem:$0xA580];
	v49 =	vadd.f32 v9, v8;
	[tilespmem:$0xA010] =	vst v4  }
0x176: {  	v53 =	vld [tilespmem:$0xA190];
	[tilespmem:$0xA020] =	vst v2;
	v2 =	vadd.f32 v11, v10  }
0x177: {  	v54 =	vld [tilespmem:$0xA590];
	v52 =	vadd.f32 v13, v12;
	[tilespmem:$0xA030] =	vst v49  }
0x178: {  	v56 =	vld [tilespmem:$0xA1A0];
	[tilespmem:$0xA040] =	vst v2;
	v2 =	vadd.f32 v15, v14  }
0x179: {  	v57 =	vld [tilespmem:$0xA5A0];
	v55 =	vadd.f32 v17, v16;
	[tilespmem:$0xA050] =	vst v52  }
0x17a: {  	v59 =	vld [tilespmem:$0xA1B0];
	[tilespmem:$0xA060] =	vst v2;
	v2 =	vadd.f32 v19, v18  }
0x17b: {  	v60 =	vld [tilespmem:$0xA5B0];
	v58 =	vadd.f32 v21, v20;
	[tilespmem:$0xA070] =	vst v55  }
0x17c: {  	v62 =	vld [tilespmem:$0xA1C0];
	[tilespmem:$0xA080] =	vst v2;
	v2 =	vadd.f32 v23, v22  }
0x17d: {  	v63 =	vld [tilespmem:$0xA5C0];
	v61 =	vadd.f32 v25, v24;
	[tilespmem:$0xA090] =	vst v58  }
0x17e: {  	v3 =	vld [tilespmem:$0xA560];
	[tilespmem:$0xA0A0] =	vst v2;
	v2 =	vadd.f32 v27, v26  }
0x17f: {  	v28 =	vadd.f32 v29, v28;
	v29 =	vld [tilespmem:$0xA1D0];
	[tilespmem:$0xA0B0] =	vst v61  }
0x180: {  	v32 =	vadd.f32 v33, v32;
	v33 =	vld [tilespmem:$0xA1E0];
	[tilespmem:$0xA0C0] =	vst v2;
	v2 =	vadd.f32 v31, v30  }
0x181: {  	v36 =	vadd.f32 v37, v36;
	v37 =	vld [tilespmem:$0xA1F0];
	[tilespmem:$0xA0D0] =	vst v28  }
0x182: {  	v40 =	vadd.f32 v41, v40;
	v41 =	vld [tilespmem:$0xA200];
	[tilespmem:$0xA0E0] =	vst v2;
	v2 =	vadd.f32 v35, v34  }
0x183: {  	v44 =	vadd.f32 v45, v44;
	v45 =	vld [tilespmem:$0xA210];
	[tilespmem:$0xA0F0] =	vst v32  }
0x184: {  	v47 =	vadd.f32 v48, v47;
	v48 =	vld [tilespmem:$0xA220];
	[tilespmem:$0xA100] =	vst v2;
	v2 =	vadd.f32 v39, v38  }
0x185: {  	[tilespmem:$0xA110] =	vst v36;
	v49 =	vld [tilespmem:$0xA620]  }
0x186: {  	v52 =	vld [tilespmem:$0xA630];
	[tilespmem:$0xA120] =	vst v2;
	v2 =	vadd.f32 v43, v42  }
0x187: {  	[tilespmem:$0xA130] =	vst v40;
	v55 =	vld [tilespmem:$0xA640]  }
0x188: {  	v58 =	vld [tilespmem:$0xA650];
	[tilespmem:$0xA140] =	vst v2;
	v2 =	vadd.f32 v3, v46  }
0x189: {  	[tilespmem:$0xA150] =	vst v44;
	v39 =	vld [tilespmem:$0xA5F0]  }
0x18a: {  	v61 =	vld [tilespmem:$0xA660];
	[tilespmem:$0xA160] =	vst v2;
	v2 =	vadd.f32 v51, v50  }
0x18b: {  	[tilespmem:$0xA170] =	vst v47;
	v31 =	vld [tilespmem:$0xA5D0];
	v50 =	vadd.f32 v54, v53  }
0x18c: {  	v35 =	vld [tilespmem:$0xA5E0];
	v53 =	vadd.f32 v60, v59;
	[tilespmem:$0xA180] =	vst v2  }
0x18d: {  	v3 =	vld [tilespmem:$0xA610];
	v2 =	vadd.f32 v57, v56;
	[tilespmem:$0xA190] =	vst v50  }
0x18e: {  	v43 =	vld [tilespmem:$0xA600];
	v59 =	vadd.f32 v39, v37;
	[tilespmem:$0xA1B0] =	vst v53  }
0x18f: {  	v51 =	vld [tilespmem:$0xA230];
	[tilespmem:$0xA1A0] =	vst v2;
	v2 =	vadd.f32 v63, v62  }
0x190: {  	v54 =	vld [tilespmem:$0xA240];
	v56 =	vadd.f32 v31, v29;
	[tilespmem:$0xA1F0] =	vst v59  }
0x191: {  	v57 =	vld [tilespmem:$0xA250];
	[tilespmem:$0xA1C0] =	vst v2;
	v2 =	vadd.f32 v35, v33  }
0x192: {  	v3 =	vadd.f32 v3, v45;
	[tilespmem:$0xA1D0] =	vst v56;
	v62 =	vld [tilespmem:$0xA270]  }
0x193: {  	v63 =	vld [tilespmem:$0xA670];
	[tilespmem:$0xA1E0] =	vst v2;
	v2 =	vadd.f32 v43, v41  }
0x194: {  	v60 =	vld [tilespmem:$0xA260];
	[tilespmem:$0xA210] =	vst v3;
	v3 =	vadd.f32 v52, v51  }
0x195: {  	[tilespmem:$0xA200] =	vst v2;
	v2 =	vadd.f32 v49, v48  }
0x196: {  	p0 =	sne.s32 s13, $0x25800;
	[tilespmem:$0xA230] =	vst v3;
	v3 =	vadd.f32 v58, v57  }
.Ltmp12:
0x197: {  	[tilespmem:$0xA220] =	vst v2;
	v2 =	vadd.f32 v55, v54;
	(pc) =	sbr.rel @p0 .LBB2_18-.Ltmp12, $4  }
0x198: {  	[tilespmem:$0xA250] =	vst v3;
	v3 =	vadd.f32 v63, v62  }
0x199: {  	[tilespmem:$0xA240] =	vst v2;
	v2 =	vadd.f32 v61, v60  }
0x19a: {  	[tilespmem:$0xA270] =	vst v3  }
0x19b: {  	s13 =	sadd.s32 $0x2800, s13;
	[tilespmem:$0xA260] =	vst v2  }
0x19c: {  	s19 =	simm.s32 $0x0;
	s13 =	rddreg [dreg:$0x8]  }
0x19d: {  	[hbm4b:s13+s19] =	stream.linear.scatter [tilespmem:s31], [sflag:$0x2], $0x280, $0x38;
	[tilespmem:$0x1FC80] =	vst v63  }
0x19e: {  	_ =	swait.ge [sflag:s24], $0x280  }
0x19f: {  	[sflag:s24] =	ssyncset.done $0x0  }
0x1a0: {  	[sflag:s24] =	ssyncadd.s32 $0xFFFFFD80  }
0x1a1: {  	[bflag:$0x0] =	sbarrier.arrive $0xFFFF  }
0x1a2: {  	[tilespmem:s0], [sflag:$0x2] =	stream.linear.gather [hbm4b:s16+s19], $0x2800, $0x38;
	[tilespmem:$0x1FC80] =	vst v63  }
0x1a3: {  	_ =	swait.ge [sflag:s24], $0x2800  }
0x1a4: {  	[sflag:s24] =	ssyncset.done $0x0  }
0x1a5: {  	s13 =	simm.s32 $0x0;
	[sflag:s24] =	ssyncadd.s32 $0xFFFFD800  }
.LBB2_20:
0x1a6: {  	s14 =	sshll.u32 s13, $0x6  }
0x1a7: {  	s14 =	sadd.s32 s12, s14  }
0x1a8: {  	s14 =	sshrl.u32 s14, $0x3  }
0x1a9: {  	s15 =	sadd.s32 s5, s14  }
0x1aa: {  	[tilespmem:s3], [sflag:$0x2] =	stream.linear.gather [hbm4b:s15+s19], $0x40, $0x38;
	[tilespmem:$0x1FC80] =	vst v63  }
0x1ab: {  	_ =	swait.ge [sflag:s24], $0x40  }
0x1ac: {  	[sflag:s24] =	ssyncset.done $0x0  }
0x1ad: {  	s14 =	sadd.s32 s6, s14;
	[sflag:s24] =	ssyncadd.s32 $0xFFFFFFC0  }
0x1ae: {  	[tilespmem:s7], [sflag:$0x2] =	stream.linear.gather [hbm4b:s14+s19], $0x40, $0x38;
	[tilespmem:$0x1FC80] =	vst v63  }
0x1af: {  	_ =	swait.ge [sflag:s24], $0x40  }
0x1b0: {  	[sflag:s24] =	ssyncset.done $0x0  }
0x1b1: {  	[sflag:s24] =	ssyncadd.s32 $0xFFFFFFC0  }
0x1b2: {  	v2 =	vld [tilespmem:$0xA360]  }
0x1b3: {  	v3 =	vld [tilespmem:$0xA320];
	_ =	sdelay $0x6  }
0x1b4: {  	v4 =	vld.idx.msk [tilespmem:v2+s25+$0x0], $0xffff  }
0x1b5: {  	v3 =	vld.idx.msk [tilespmem:v3+s19+$0x0], $0xffff;
	_ =	sdelay $0x4  }
0x1b6: {  	v51 =	vld.idx.msk [tilespmem:v2+s30+$0x0], $0xffff;
	v3 =	vadd.f32 v3, v4;
	_ =	sdelay $0x1  }
0x1b7: {  	v5 =	vmul.f32 $2.000000030e-01, v3  }
0x1b8: {  	v2 =	vld.idx.msk [tilespmem:v2+s0+$0x0], $0xffff;
	vm0 =	vge.f32 v3, $0.0e+00  }
0x1b9: {  	v3 =	vsel vm0, v3, v5  }
0x1ba: {  	v3 =	vsub.f32 v3, v51;
	_ =	sdelay $0x1  }
0x1bb: {  	v3 =	vmul.f32 $1.442695020e+00, v3  }
0x1bc: {  	v2 =	vadd.f32 $1.000000020e-16, v2  }
0x1bd: {  	(erf) = vpow2.f32 v3  }
0x1be: {  	(erf) = vrcp.f32 v2;
	_ =	sdelay $0x4  }
0x1bf: {  	v2 =	vld [tilespmem:$0xA370]  }
0x1c0: {  	v3 =	vld [tilespmem:$0xA330];
	_ =	sdelay $0x1  }
0x1c1: {  	v52 =	vpop (erf)  }
0x1c2: {  	v53 =	vpop (erf)  }
0x1c3: {  	v4 =	vmul.f32 v52, v53;
	_ =	sdelay $0x1  }
0x1c4: {  	[tilespmem:$0xA3C0] =	vst v4  }
0x1c5: {  	v4 =	vld.idx.msk [tilespmem:v2+s25+$0x0], $0xffff  }
0x1c6: {  	v3 =	vld.idx.msk [tilespmem:v3+s19+$0x0], $0xffff;
	_ =	sdelay $0x4  }
0x1c7: {  	v54 =	vld.idx.msk [tilespmem:v2+s30+$0x0], $0xffff;
	v3 =	vadd.f32 v3, v4;
	_ =	sdelay $0x1  }
0x1c8: {  	v55 =	vmul.f32 $2.000000030e-01, v3  }
0x1c9: {  	v2 =	vld.idx.msk [tilespmem:v2+s0+$0x0], $0xffff;
	vm13 =	vge.f32 v3, $0.0e+00  }
0x1ca: {  	v3 =	vsel vm13, v3, v55  }
0x1cb: {  	v3 =	vsub.f32 v3, v54;
	_ =	sdelay $0x1  }
0x1cc: {  	v3 =	vmul.f32 $1.442695020e+00, v3  }
0x1cd: {  	v2 =	vadd.f32 $1.000000020e-16, v2  }
0x1ce: {  	(erf) = vpow2.f32 v3  }
0x1cf: {  	(erf) = vrcp.f32 v2;
	_ =	sdelay $0x4  }
0x1d0: {  	v2 =	vld [tilespmem:$0xA380]  }
0x1d1: {  	v3 =	vld [tilespmem:$0xA340];
	_ =	sdelay $0x1  }
0x1d2: {  	v56 =	vpop (erf)  }
0x1d3: {  	v57 =	vpop (erf)  }
0x1d4: {  	v4 =	vmul.f32 v56, v57;
	_ =	sdelay $0x1  }
0x1d5: {  	[tilespmem:$0xA3D0] =	vst v4  }
0x1d6: {  	v4 =	vld.idx.msk [tilespmem:v2+s25+$0x0], $0xffff  }
0x1d7: {  	v3 =	vld.idx.msk [tilespmem:v3+s19+$0x0], $0xffff;
	_ =	sdelay $0x4  }
0x1d8: {  	v58 =	vld.idx.msk [tilespmem:v2+s30+$0x0], $0xffff;
	v3 =	vadd.f32 v3, v4;
	_ =	sdelay $0x1  }
0x1d9: {  	v59 =	vmul.f32 $2.000000030e-01, v3  }
0x1da: {  	v2 =	vld.idx.msk [tilespmem:v2+s0+$0x0], $0xffff;
	vm14 =	vge.f32 v3, $0.0e+00  }
0x1db: {  	v3 =	vsel vm14, v3, v59  }
0x1dc: {  	v3 =	vsub.f32 v3, v58;
	_ =	sdelay $0x1  }
0x1dd: {  	v3 =	vmul.f32 $1.442695020e+00, v3  }
0x1de: {  	v2 =	vadd.f32 $1.000000020e-16, v2  }
0x1df: {  	(erf) = vpow2.f32 v3  }
0x1e0: {  	(erf) = vrcp.f32 v2;
	_ =	sdelay $0x4  }
0x1e1: {  	v2 =	vld [tilespmem:$0xA390]  }
0x1e2: {  	v3 =	vld [tilespmem:$0xA350];
	_ =	sdelay $0x1  }
0x1e3: {  	v60 =	vpop (erf)  }
0x1e4: {  	v61 =	vpop (erf)  }
0x1e5: {  	v4 =	vmul.f32 v60, v61;
	_ =	sdelay $0x1  }
0x1e6: {  	[tilespmem:$0xA3E0] =	vst v4  }
0x1e7: {  	v4 =	vld.idx.msk [tilespmem:v2+s25+$0x0], $0xffff  }
0x1e8: {  	v3 =	vld.idx.msk [tilespmem:v3+s19+$0x0], $0xffff;
	_ =	sdelay $0x4  }
0x1e9: {  	v62 =	vld.idx.msk [tilespmem:v2+s30+$0x0], $0xffff;
	v3 =	vadd.f32 v3, v4;
	_ =	sdelay $0x1  }
0x1ea: {  	v63 =	vmul.f32 $2.000000030e-01, v3  }
0x1eb: {  	v2 =	vld.idx.msk [tilespmem:v2+s0+$0x0], $0xffff;
	vm15 =	vge.f32 v3, $0.0e+00  }
0x1ec: {  	v3 =	vsel vm15, v3, v63  }
0x1ed: {  	v3 =	vsub.f32 v3, v62;
	_ =	sdelay $0x1  }
0x1ee: {  	v3 =	vmul.f32 $1.442695020e+00, v3  }
0x1ef: {  	v2 =	vadd.f32 $1.000000020e-16, v2  }
0x1f0: {  	(erf) = vpow2.f32 v3  }
0x1f1: {  	(erf) = vrcp.f32 v2;
	_ =	sdelay $0x7  }
0x1f2: {  	v2 =	vpop (erf)  }
0x1f3: {  	v3 =	vpop (erf)  }
0x1f4: {  	v2 =	vmul.f32 v2, v3;
	_ =	sdelay $0x1  }
0x1f5: {  	[tilespmem:$0xA3F0] =	vst v2  }
0x1f6: {  	[tilespmem:s26], [sflag:$0x1] =	stream.indirect.gather [hbm4b:s9+s8], $0x80, s3, s8, $0xb8;
	[tilespmem:$0x1FC80] =	vst v63  }
0x1f7: {  	_ =	swait.ge [sflag:s17], $0x2000  }
0x1f8: {  	[sflag:s17] =	ssyncset.done $0x0  }
0x1f9: {  	s14 =	simm.s32 $0x0;
	[sflag:s17] =	ssyncadd.s32 $0xFFFFE000  }
.LBB2_21:
0x1fa: {  	s15 =	sshll.u32 s14, $0x4  }
0x1fb: {  	s15 =	sand.u32 $0x3FFFFFF0, s15  }
0x1fc: {  	v2 =	vld [tilespmem:s15+$0xA3C0];
	s15 =	sshll.u32 s14, $0xB  }
0x1fd: {  	s15 =	sand.u32 $0x3FFFF800, s15  }
0x1fe: {  	v3 =	vld [tilespmem:s15+$0xA400]  }
0x1ff: {  	v4 =	vld [tilespmem:s15+$0xA410]  }
0x200: {  	v5 =	vld [tilespmem:s15+$0xA420]  }
0x201: {  	v7 =	vld [tilespmem:s15+$0xA430];
	v6 =	vbroadcast v2, $0x0  }
0x202: {  	v8 =	vld [tilespmem:s15+$0xA440]  }
0x203: {  	v9 =	vld [tilespmem:s15+$0xA450];
	v3 =	vmul.f32 v6, v3  }
0x204: {  	v10 =	vld [tilespmem:s15+$0xA460];
	v4 =	vmul.f32 v4, v6  }
0x205: {  	v24 =	vld [tilespmem:s15+$0xA470];
	[tilespmem:s15+$0xA400] =	vst v3;
	v3 =	vmul.f32 v5, v6  }
0x206: {  	v26 =	vld [tilespmem:s15+$0xA480];
	v25 =	vmul.f32 v7, v6;
	[tilespmem:s15+$0xA410] =	vst v4  }
0x207: {  	v27 =	vld [tilespmem:s15+$0xA490];
	[tilespmem:s15+$0xA420] =	vst v3;
	v3 =	vmul.f32 v8, v6  }
0x208: {  	v29 =	vld [tilespmem:s15+$0xA4A0];
	v28 =	vmul.f32 v9, v6;
	[tilespmem:s15+$0xA430] =	vst v25  }
0x209: {  	v11 =	vld [tilespmem:s15+$0xA4B0];
	v30 =	vbroadcast v2, $0x1;
	[tilespmem:s15+$0xA440] =	vst v3;
	v3 =	vmul.f32 v10, v6  }
0x20a: {  	v32 =	vld [tilespmem:s15+$0xA4C0];
	v31 =	vmul.f32 v24, v6;
	[tilespmem:s15+$0xA450] =	vst v28  }
0x20b: {  	v33 =	vld [tilespmem:s15+$0xA4D0];
	[tilespmem:s15+$0xA460] =	vst v3;
	v3 =	vmul.f32 v26, v30  }
0x20c: {  	v35 =	vld [tilespmem:s15+$0xA4E0];
	v34 =	vmul.f32 v27, v30;
	[tilespmem:s15+$0xA470] =	vst v31  }
0x20d: {  	v36 =	vld [tilespmem:s15+$0xA4F0];
	[tilespmem:s15+$0xA480] =	vst v3;
	v3 =	vmul.f32 v29, v30  }
0x20e: {  	v38 =	vld [tilespmem:s15+$0xA500];
	v37 =	vmul.f32 v11, v30;
	[tilespmem:s15+$0xA490] =	vst v34  }
0x20f: {  	v39 =	vld [tilespmem:s15+$0xA510];
	[tilespmem:s15+$0xA4A0] =	vst v3;
	v3 =	vmul.f32 v32, v30  }
0x210: {  	v41 =	vld [tilespmem:s15+$0xA520];
	v40 =	vmul.f32 v33, v30;
	[tilespmem:s15+$0xA4B0] =	vst v37  }
0x211: {  	v43 =	vld [tilespmem:s15+$0xA530];
	v42 =	vbroadcast v2, $0x2;
	[tilespmem:s15+$0xA4C0] =	vst v3;
	v3 =	vmul.f32 v35, v30  }
0x212: {  	v45 =	vld [tilespmem:s15+$0xA540];
	v44 =	vmul.f32 v36, v30;
	[tilespmem:s15+$0xA4D0] =	vst v40  }
0x213: {  	v46 =	vld [tilespmem:s15+$0xA550];
	[tilespmem:s15+$0xA4E0] =	vst v3;
	v3 =	vmul.f32 v38, v42  }
0x214: {  	v48 =	vld [tilespmem:s15+$0xA560];
	v47 =	vmul.f32 v39, v42;
	[tilespmem:s15+$0xA4F0] =	vst v44  }
0x215: {  	v49 =	vld [tilespmem:s15+$0xA570];
	[tilespmem:s15+$0xA500] =	vst v3;
	v3 =	vmul.f32 v41, v42  }
0x216: {  	v51 =	vld [tilespmem:s15+$0xA580];
	v50 =	vmul.f32 v43, v42;
	[tilespmem:s15+$0xA510] =	vst v47  }
0x217: {  	v52 =	vld [tilespmem:s15+$0xA590];
	[tilespmem:s15+$0xA520] =	vst v3;
	v3 =	vmul.f32 v45, v42  }
0x218: {  	v54 =	vld [tilespmem:s15+$0xA5A0];
	v53 =	vmul.f32 v46, v42;
	[tilespmem:s15+$0xA530] =	vst v50  }
0x219: {  	v56 =	vld [tilespmem:s15+$0xA5B0];
	v55 =	vbroadcast v2, $0x3;
	[tilespmem:s15+$0xA540] =	vst v3;
	v3 =	vmul.f32 v48, v42  }
0x21a: {  	v58 =	vld [tilespmem:s15+$0xA5C0];
	v57 =	vmul.f32 v49, v42;
	[tilespmem:s15+$0xA550] =	vst v53  }
0x21b: {  	v59 =	vld [tilespmem:s15+$0xA5D0];
	[tilespmem:s15+$0xA560] =	vst v3;
	v3 =	vmul.f32 v51, v55  }
0x21c: {  	v61 =	vld [tilespmem:s15+$0xA5E0];
	v60 =	vmul.f32 v52, v55;
	[tilespmem:s15+$0xA570] =	vst v57  }
0x21d: {  	v62 =	vld [tilespmem:s15+$0xA5F0];
	[tilespmem:s15+$0xA580] =	vst v3;
	v3 =	vmul.f32 v54, v55  }
0x21e: {  	v12 =	vld [tilespmem:s15+$0xA600];
	v63 =	vmul.f32 v56, v55;
	[tilespmem:s15+$0xA590] =	vst v60  }
0x21f: {  	v13 =	vld [tilespmem:s15+$0xA610];
	[tilespmem:s15+$0xA5A0] =	vst v3;
	v3 =	vmul.f32 v58, v55  }
0x220: {  	v15 =	vld [tilespmem:s15+$0xA620];
	v14 =	vmul.f32 v59, v55;
	[tilespmem:s15+$0xA5B0] =	vst v63  }
0x221: {  	v17 =	vld [tilespmem:s15+$0xA630];
	v16 =	vbroadcast v2, $0x4;
	[tilespmem:s15+$0xA5C0] =	vst v3;
	v3 =	vmul.f32 v61, v55  }
0x222: {  	v19 =	vld [tilespmem:s15+$0xA640];
	v18 =	vmul.f32 v62, v55;
	[tilespmem:s15+$0xA5D0] =	vst v14  }
0x223: {  	v20 =	vld [tilespmem:s15+$0xA650];
	[tilespmem:s15+$0xA5E0] =	vst v3;
	v3 =	vmul.f32 v12, v16  }
0x224: {  	v22 =	vld [tilespmem:s15+$0xA660];
	v21 =	vmul.f32 v13, v16;
	[tilespmem:s15+$0xA5F0] =	vst v18  }
0x225: {  	v23 =	vld [tilespmem:s15+$0xA670];
	[tilespmem:s15+$0xA600] =	vst v3;
	v3 =	vmul.f32 v15, v16  }
0x226: {  	v24 =	vmul.f32 v17, v16;
	[tilespmem:s15+$0xA610] =	vst v21;
	v25 =	vld [tilespmem:s15+$0xA680]  }
0x227: {  	v33 =	vld [tilespmem:s15+$0xA6D0];
	[tilespmem:s15+$0xA620] =	vst v3;
	v3 =	vmul.f32 v19, v16  }
0x228: {  	v27 =	vmul.f32 v20, v16;
	[tilespmem:s15+$0xA630] =	vst v24;
	v28 =	vld [tilespmem:s15+$0xA6A0]  }
0x229: {  	v36 =	vld [tilespmem:s15+$0xA6F0];
	v29 =	vbroadcast v2, $0x5;
	[tilespmem:s15+$0xA640] =	vst v3;
	v3 =	vmul.f32 v22, v16  }
0x22a: {  	[tilespmem:s15+$0xA650] =	vst v27;
	v31 =	vmul.f32 v23, v16;
	v32 =	vld [tilespmem:s15+$0xA6C0]  }
0x22b: {  	v26 =	vld [tilespmem:s15+$0xA690];
	[tilespmem:s15+$0xA660] =	vst v3;
	v3 =	vmul.f32 v25, v29  }
0x22c: {  	[tilespmem:s15+$0xA670] =	vst v31;
	v40 =	vmul.f32 v33, v29;
	v35 =	vld [tilespmem:s15+$0xA6E0]  }
0x22d: {  	v30 =	vld [tilespmem:s15+$0xA6B0];
	[tilespmem:s15+$0xA680] =	vst v3;
	v3 =	vmul.f32 v28, v29  }
0x22e: {  	v44 =	vmul.f32 v36, v29;
	[tilespmem:s15+$0xA6D0] =	vst v40;
	v38 =	vld [tilespmem:s15+$0xA700]  }
0x22f: {  	v39 =	vld [tilespmem:s15+$0xA710];
	[tilespmem:s15+$0xA6A0] =	vst v3;
	v3 =	vmul.f32 v32, v29  }
0x230: {  	v34 =	vmul.f32 v26, v29;
	[tilespmem:s15+$0xA6F0] =	vst v44;
	v41 =	vld [tilespmem:s15+$0xA720]  }
0x231: {  	v43 =	vld [tilespmem:s15+$0xA730];
	v42 =	vbroadcast v2, $0x6;
	[tilespmem:s15+$0xA6C0] =	vst v3;
	v3 =	vmul.f32 v35, v29  }
0x232: {  	[tilespmem:s15+$0xA690] =	vst v34;
	v37 =	vmul.f32 v30, v29;
	v45 =	vld [tilespmem:s15+$0xA740]  }
0x233: {  	v46 =	vld [tilespmem:s15+$0xA750];
	[tilespmem:s15+$0xA6E0] =	vst v3;
	v3 =	vmul.f32 v38, v42  }
0x234: {  	[tilespmem:s15+$0xA6B0] =	vst v37;
	v48 =	vld [tilespmem:s15+$0xA760];
	v47 =	vmul.f32 v39, v42  }
0x235: {  	v49 =	vld [tilespmem:s15+$0xA770];
	[tilespmem:s15+$0xA700] =	vst v3;
	v3 =	vmul.f32 v41, v42  }
0x236: {  	v50 =	vmul.f32 v43, v42;
	v51 =	vld [tilespmem:s15+$0xA780];
	[tilespmem:s15+$0xA710] =	vst v47  }
0x237: {  	v52 =	vld [tilespmem:s15+$0xA790];
	[tilespmem:s15+$0xA720] =	vst v3;
	v3 =	vmul.f32 v45, v42  }
0x238: {  	v53 =	vmul.f32 v46, v42;
	[tilespmem:s15+$0xA730] =	vst v50;
	v54 =	vld [tilespmem:s15+$0xA7A0]  }
0x239: {  	v56 =	vld [tilespmem:s15+$0xA7B0];
	v55 =	vbroadcast v2, $0x7;
	[tilespmem:s15+$0xA740] =	vst v3;
	v3 =	vmul.f32 v48, v42  }
0x23a: {  	v57 =	vmul.f32 v49, v42;
	[tilespmem:s15+$0xA750] =	vst v53;
	v58 =	vld [tilespmem:s15+$0xA7C0]  }
0x23b: {  	v59 =	vld [tilespmem:s15+$0xA7D0];
	[tilespmem:s15+$0xA760] =	vst v3;
	v3 =	vmul.f32 v51, v55  }
0x23c: {  	[tilespmem:s15+$0xA770] =	vst v57;
	v61 =	vld [tilespmem:s15+$0xA7E0];
	v60 =	vmul.f32 v52, v55  }
0x23d: {  	v62 =	vld [tilespmem:s15+$0xA7F0];
	[tilespmem:s15+$0xA780] =	vst v3;
	v3 =	vmul.f32 v54, v55  }
0x23e: {  	v63 =	vmul.f32 v56, v55;
	v12 =	vld [tilespmem:s15+$0xA800];
	[tilespmem:s15+$0xA790] =	vst v60  }
0x23f: {  	v13 =	vld [tilespmem:s15+$0xA810];
	[tilespmem:s15+$0xA7A0] =	vst v3;
	v3 =	vmul.f32 v58, v55  }
0x240: {  	v14 =	vmul.f32 v59, v55;
	[tilespmem:s15+$0xA7B0] =	vst v63;
	v15 =	vld [tilespmem:s15+$0xA820]  }
0x241: {  	v17 =	vld [tilespmem:s15+$0xA830];
	v16 =	vbroadcast v2, $0x8;
	[tilespmem:s15+$0xA7C0] =	vst v3;
	v3 =	vmul.f32 v61, v55  }
0x242: {  	v18 =	vmul.f32 v62, v55;
	[tilespmem:s15+$0xA7D0] =	vst v14;
	v19 =	vld [tilespmem:s15+$0xA840]  }
0x243: {  	v20 =	vld [tilespmem:s15+$0xA850];
	[tilespmem:s15+$0xA7E0] =	vst v3;
	v3 =	vmul.f32 v12, v16  }
0x244: {  	[tilespmem:s15+$0xA7F0] =	vst v18;
	v22 =	vld [tilespmem:s15+$0xA860];
	v21 =	vmul.f32 v13, v16  }
0x245: {  	v23 =	vld [tilespmem:s15+$0xA870];
	[tilespmem:s15+$0xA800] =	vst v3;
	v3 =	vmul.f32 v15, v16  }
0x246: {  	v24 =	vmul.f32 v17, v16;
	v25 =	vld [tilespmem:s15+$0xA880];
	[tilespmem:s15+$0xA810] =	vst v21  }
0x247: {  	v26 =	vld [tilespmem:s15+$0xA890];
	[tilespmem:s15+$0xA820] =	vst v3;
	v3 =	vmul.f32 v19, v16  }
0x248: {  	v27 =	vmul.f32 v20, v16;
	[tilespmem:s15+$0xA830] =	vst v24;
	v28 =	vld [tilespmem:s15+$0xA8A0]  }
0x249: {  	v30 =	vld [tilespmem:s15+$0xA8B0];
	v29 =	vbroadcast v2, $0x9;
	[tilespmem:s15+$0xA840] =	vst v3;
	v3 =	vmul.f32 v22, v16  }
0x24a: {  	v31 =	vmul.f32 v23, v16;
	[tilespmem:s15+$0xA850] =	vst v27;
	v32 =	vld [tilespmem:s15+$0xA8C0]  }
0x24b: {  	v33 =	vld [tilespmem:s15+$0xA8D0];
	[tilespmem:s15+$0xA860] =	vst v3;
	v3 =	vmul.f32 v25, v29  }
0x24c: {  	[tilespmem:s15+$0xA870] =	vst v31;
	v35 =	vld [tilespmem:s15+$0xA8E0];
	v34 =	vmul.f32 v26, v29  }
0x24d: {  	v36 =	vld [tilespmem:s15+$0xA8F0];
	[tilespmem:s15+$0xA880] =	vst v3;
	v3 =	vmul.f32 v28, v29  }
0x24e: {  	v37 =	vmul.f32 v30, v29;
	v38 =	vld [tilespmem:s15+$0xA900];
	[tilespmem:s15+$0xA890] =	vst v34  }
0x24f: {  	v39 =	vld [tilespmem:s15+$0xA910];
	[tilespmem:s15+$0xA8A0] =	vst v3;
	v3 =	vmul.f32 v32, v29  }
0x250: {  	v40 =	vmul.f32 v33, v29;
	[tilespmem:s15+$0xA8B0] =	vst v37;
	v41 =	vld [tilespmem:s15+$0xA920]  }
0x251: {  	v43 =	vld [tilespmem:s15+$0xA930];
	v42 =	vbroadcast v2, $0xA;
	[tilespmem:s15+$0xA8C0] =	vst v3;
	v3 =	vmul.f32 v35, v29  }
0x252: {  	v44 =	vmul.f32 v36, v29;
	[tilespmem:s15+$0xA8D0] =	vst v40;
	v45 =	vld [tilespmem:s15+$0xA940]  }
0x253: {  	v46 =	vld [tilespmem:s15+$0xA950];
	[tilespmem:s15+$0xA8E0] =	vst v3;
	v3 =	vmul.f32 v38, v42  }
0x254: {  	[tilespmem:s15+$0xA8F0] =	vst v44;
	v48 =	vld [tilespmem:s15+$0xA960];
	v47 =	vmul.f32 v39, v42  }
0x255: {  	v49 =	vld [tilespmem:s15+$0xA970];
	[tilespmem:s15+$0xA900] =	vst v3;
	v3 =	vmul.f32 v41, v42  }
0x256: {  	v50 =	vmul.f32 v43, v42;
	v51 =	vld [tilespmem:s15+$0xA980];
	[tilespmem:s15+$0xA910] =	vst v47  }
0x257: {  	v52 =	vld [tilespmem:s15+$0xA990];
	[tilespmem:s15+$0xA920] =	vst v3;
	v3 =	vmul.f32 v45, v42  }
0x258: {  	v53 =	vmul.f32 v46, v42;
	[tilespmem:s15+$0xA930] =	vst v50;
	v54 =	vld [tilespmem:s15+$0xA9A0]  }
0x259: {  	v56 =	vld [tilespmem:s15+$0xA9B0];
	v55 =	vbroadcast v2, $0xB;
	[tilespmem:s15+$0xA940] =	vst v3;
	v3 =	vmul.f32 v48, v42  }
0x25a: {  	v57 =	vmul.f32 v49, v42;
	[tilespmem:s15+$0xA950] =	vst v53;
	v58 =	vld [tilespmem:s15+$0xA9C0]  }
0x25b: {  	v59 =	vld [tilespmem:s15+$0xA9D0];
	[tilespmem:s15+$0xA960] =	vst v3;
	v3 =	vmul.f32 v51, v55  }
0x25c: {  	[tilespmem:s15+$0xA970] =	vst v57;
	v61 =	vld [tilespmem:s15+$0xA9E0];
	v60 =	vmul.f32 v52, v55  }
0x25d: {  	v62 =	vld [tilespmem:s15+$0xA9F0];
	[tilespmem:s15+$0xA980] =	vst v3;
	v3 =	vmul.f32 v54, v55  }
0x25e: {  	v63 =	vmul.f32 v56, v55;
	v12 =	vld [tilespmem:s15+$0xAA00];
	[tilespmem:s15+$0xA990] =	vst v60  }
0x25f: {  	v13 =	vld [tilespmem:s15+$0xAA10];
	[tilespmem:s15+$0xA9A0] =	vst v3;
	v3 =	vmul.f32 v58, v55  }
0x260: {  	v14 =	vmul.f32 v59, v55;
	[tilespmem:s15+$0xA9B0] =	vst v63;
	v15 =	vld [tilespmem:s15+$0xAA20]  }
0x261: {  	v17 =	vld [tilespmem:s15+$0xAA30];
	v16 =	vbroadcast v2, $0xC;
	[tilespmem:s15+$0xA9C0] =	vst v3;
	v3 =	vmul.f32 v61, v55  }
0x262: {  	v18 =	vmul.f32 v62, v55;
	[tilespmem:s15+$0xA9D0] =	vst v14;
	v19 =	vld [tilespmem:s15+$0xAA40]  }
0x263: {  	v20 =	vld [tilespmem:s15+$0xAA50];
	[tilespmem:s15+$0xA9E0] =	vst v3;
	v3 =	vmul.f32 v12, v16  }
0x264: {  	[tilespmem:s15+$0xA9F0] =	vst v18;
	v22 =	vld [tilespmem:s15+$0xAA60];
	v21 =	vmul.f32 v13, v16  }
0x265: {  	v23 =	vld [tilespmem:s15+$0xAA70];
	[tilespmem:s15+$0xAA00] =	vst v3;
	v3 =	vmul.f32 v15, v16  }
0x266: {  	v24 =	vmul.f32 v17, v16;
	v25 =	vld [tilespmem:s15+$0xAA80];
	[tilespmem:s15+$0xAA10] =	vst v21  }
0x267: {  	v26 =	vld [tilespmem:s15+$0xAA90];
	[tilespmem:s15+$0xAA20] =	vst v3;
	v3 =	vmul.f32 v19, v16  }
0x268: {  	v27 =	vmul.f32 v20, v16;
	[tilespmem:s15+$0xAA30] =	vst v24;
	v28 =	vld [tilespmem:s15+$0xAAA0]  }
0x269: {  	v30 =	vld [tilespmem:s15+$0xAAB0];
	v29 =	vbroadcast v2, $0xD;
	[tilespmem:s15+$0xAA40] =	vst v3;
	v3 =	vmul.f32 v22, v16  }
0x26a: {  	v31 =	vmul.f32 v23, v16;
	[tilespmem:s15+$0xAA50] =	vst v27;
	v32 =	vld [tilespmem:s15+$0xAAC0]  }
0x26b: {  	v33 =	vld [tilespmem:s15+$0xAAD0];
	[tilespmem:s15+$0xAA60] =	vst v3;
	v3 =	vmul.f32 v25, v29  }
0x26c: {  	[tilespmem:s15+$0xAA70] =	vst v31;
	v35 =	vld [tilespmem:s15+$0xAAE0];
	v34 =	vmul.f32 v26, v29  }
0x26d: {  	v36 =	vld [tilespmem:s15+$0xAAF0];
	[tilespmem:s15+$0xAA80] =	vst v3;
	v3 =	vmul.f32 v28, v29  }
0x26e: {  	v37 =	vmul.f32 v30, v29;
	v38 =	vld [tilespmem:s15+$0xAB00];
	[tilespmem:s15+$0xAA90] =	vst v34  }
0x26f: {  	v39 =	vld [tilespmem:s15+$0xAB10];
	[tilespmem:s15+$0xAAA0] =	vst v3;
	v3 =	vmul.f32 v32, v29  }
0x270: {  	v40 =	vmul.f32 v33, v29;
	[tilespmem:s15+$0xAAB0] =	vst v37;
	v41 =	vld [tilespmem:s15+$0xAB20]  }
0x271: {  	v43 =	vld [tilespmem:s15+$0xAB30];
	v42 =	vbroadcast v2, $0xE;
	[tilespmem:s15+$0xAAC0] =	vst v3;
	v3 =	vmul.f32 v35, v29  }
0x272: {  	v44 =	vmul.f32 v36, v29;
	[tilespmem:s15+$0xAAD0] =	vst v40;
	v45 =	vld [tilespmem:s15+$0xAB40]  }
0x273: {  	v46 =	vld [tilespmem:s15+$0xAB50];
	[tilespmem:s15+$0xAAE0] =	vst v3;
	v3 =	vmul.f32 v38, v42  }
0x274: {  	[tilespmem:s15+$0xAAF0] =	vst v44;
	v48 =	vld [tilespmem:s15+$0xAB60];
	v47 =	vmul.f32 v39, v42  }
0x275: {  	v49 =	vld [tilespmem:s15+$0xAB70];
	[tilespmem:s15+$0xAB00] =	vst v3;
	v3 =	vmul.f32 v41, v42  }
0x276: {  	v50 =	vmul.f32 v43, v42;
	v51 =	vld [tilespmem:s15+$0xAB80];
	[tilespmem:s15+$0xAB10] =	vst v47  }
0x277: {  	v52 =	vld [tilespmem:s15+$0xAB90];
	[tilespmem:s15+$0xAB20] =	vst v3;
	v3 =	vmul.f32 v45, v42  }
0x278: {  	v53 =	vmul.f32 v46, v42;
	[tilespmem:s15+$0xAB30] =	vst v50;
	v54 =	vld [tilespmem:s15+$0xABA0]  }
0x279: {  	v2 =	vbroadcast v2, $0xF;
	v58 =	vld [tilespmem:s15+$0xABD0];
	[tilespmem:s15+$0xAB40] =	vst v3;
	v3 =	vmul.f32 v48, v42  }
0x27a: {  	v57 =	vld [tilespmem:s15+$0xABC0];
	v56 =	vmul.f32 v49, v42;
	[tilespmem:s15+$0xAB50] =	vst v53  }
0x27b: {  	v55 =	vld [tilespmem:s15+$0xABB0];
	[tilespmem:s15+$0xAB60] =	vst v3;
	v3 =	vmul.f32 v51, v2  }
0x27c: {  	v60 =	vld [tilespmem:s15+$0xABE0];
	v59 =	vmul.f32 v52, v2;
	[tilespmem:s15+$0xAB70] =	vst v56  }
0x27d: {  	v61 =	vld [tilespmem:s15+$0xABF0];
	[tilespmem:s15+$0xAB80] =	vst v3;
	v3 =	vmul.f32 v54, v2  }
0x27e: {  	[tilespmem:s15+$0xAB90] =	vst v59;
	v63 =	vmul.f32 v58, v2  }
0x27f: {  	p0 =	sne.s32 s14, $0x3;
	[tilespmem:s15+$0xABA0] =	vst v3;
	v3 =	vmul.f32 v57, v2  }
.Ltmp13:
0x280: {  	v62 =	vmul.f32 v55, v2;
	[tilespmem:s15+$0xABD0] =	vst v63;
	(pc) =	sbr.rel @p0 .LBB2_21-.Ltmp13, $4  }
0x281: {  	[tilespmem:s15+$0xABC0] =	vst v3;
	v3 =	vmul.f32 v60, v2  }
0x282: {  	[tilespmem:s15+$0xABB0] =	vst v62;
	v2 =	vmul.f32 v61, v2  }
0x283: {  	[tilespmem:s15+$0xABE0] =	vst v3  }
0x284: {  	s14 =	sadd.s32 $0x1, s14;
	[tilespmem:s15+$0xABF0] =	vst v2  }
0x285: {  	s13 =	sadd.s32 $0x1, s13  }
0x286: {  	p0 =	sne.s32 s13, $0x9C  }
.Ltmp14:
0x287: {  	_ = 	snop;
	(pc) =	sbr.rel @p0 .LBB2_20-.Ltmp14, $4  }
0x288: {  	[spmem:s2] =	stream.indirect.scatter.add.f32 [tilespmem:s26], [sflag:$0x2], $0x80, s7, s8, $0xb8;
	[tilespmem:$0x1FC80] =	vst v63  }
0x289: {  	_ =	swait.ge [sflag:s24], $0x2000  }
0x28a: {  	[sflag:s24] =	ssyncset.done $0x0  }
0x28b: {  	[sflag:s24] =	ssyncadd.s32 $0xFFFFE000  }
0x28c: {  	s13 =	simm.s32 $0x0;
	s14 =	rddreg [dreg:$0x9];
	s15 =	simm.s32 $0xA3A0  }
0x28d: {  	[tilespmem:s15], [sflag:$0x2] =	stream.linear.gather [hbm4b:s14+s13], $0x10, $0x38;
	[tilespmem:$0x1FC80] =	vst v63  }
0x28e: {  	_ =	swait.ge [sflag:s24], $0x10  }
0x28f: {  	[sflag:s24] =	ssyncset.done $0x0  }
0x290: {  	s19 =	simm.s32 $0xA3B0;
	s14 =	rddreg [dreg:$0xa];
	[sflag:s24] =	ssyncadd.s32 $0xFFFFFFF0  }
0x291: {  	[tilespmem:s19], [sflag:$0x2] =	stream.linear.gather [hbm4b:s14+s13], $0x10, $0x38;
	[tilespmem:$0x1FC80] =	vst v63  }
0x292: {  	_ =	swait.ge [sflag:s24], $0x10  }
0x293: {  	[sflag:s24] =	ssyncset.done $0x0  }
0x294: {  	[sflag:s24] =	ssyncadd.s32 $0xFFFFFFF0  }
0x295: {  	v2 =	vld [tilespmem:$0xA3B0]  }
0x296: {  	v3 =	vld [tilespmem:$0xA3A0];
	_ =	sdelay $0x6  }
0x297: {  	v4 =	vld.idx.msk [tilespmem:v2+s25+$0x0], $0xffff  }
0x298: {  	v3 =	vld.idx.msk [tilespmem:v3+s13+$0x0], $0xffff;
	_ =	sdelay $0x4  }
0x299: {  	v20 =	vld.idx.msk [tilespmem:v2+s30+$0x0], $0xffff;
	v3 =	vadd.f32 v3, v4;
	_ =	sdelay $0x1  }
0x29a: {  	v5 =	vmul.f32 $2.000000030e-01, v3  }
0x29b: {  	v2 =	vld.idx.msk [tilespmem:v2+s0+$0x0], $0xffff;
	vm0 =	vge.f32 v3, $0.0e+00  }
0x29c: {  	v3 =	vsel vm0, v3, v5  }
0x29d: {  	v3 =	vsub.f32 v3, v20;
	_ =	sdelay $0x1  }
0x29e: {  	v3 =	vmul.f32 $1.442695020e+00, v3  }
0x29f: {  	v2 =	vadd.f32 $1.000000020e-16, v2  }
0x2a0: {  	(erf) = vpow2.f32 v3  }
0x2a1: {  	(erf) = vrcp.f32 v2;
	_ =	sdelay $0x7  }
0x2a2: {  	s14 =	simm.s32 $0x10;
	v2 =	vpop (erf)  }
0x2a3: {  	[tilespmem:s26], [sflag:$0x1] =	stream.indirect.gather [hbm4b:s9+s14], $0x80, s15, s14, $0xb8;
	v3 =	vpop (erf);
	[tilespmem:$0x1FC80] =	vst v63  }
0x2a4: {  	_ =	swait.ge [sflag:s17], $0x800  }
0x2a5: {  	[sflag:s17] =	ssyncset.done $0x0  }
0x2a6: {  	[sflag:s17] =	ssyncadd.s32 $0xFFFFF800  }
0x2a7: {  	v21 =	vld [tilespmem:$0xA400]  }
0x2a8: {  	v2 =	vmul.f32 v2, v3;
	v3 =	vld [tilespmem:$0xA410]  }
0x2a9: {  	v22 =	vld [tilespmem:$0xA420]  }
0x2aa: {  	v6 =	vbroadcast v2, $0x0;
	v8 =	vld [tilespmem:$0xA440]  }
0x2ab: {  	v7 =	vld [tilespmem:$0xA430]  }
0x2ac: {  	v10 =	vld [tilespmem:$0xA460];
	v4 =	vmul.f32 v6, v21  }
0x2ad: {  	v9 =	vld [tilespmem:$0xA450];
	v3 =	vmul.f32 v3, v6  }
0x2ae: {  	v25 =	vld [tilespmem:$0xA480];
	v23 =	vmul.f32 v22, v6;
	[tilespmem:$0xA400] =	vst v4  }
0x2af: {  	v24 =	vld [tilespmem:$0xA470];
	v26 =	vmul.f32 v8, v6;
	[tilespmem:$0xA410] =	vst v3  }
0x2b0: {  	v28 =	vld [tilespmem:$0xA4A0];
	v3 =	vmul.f32 v7, v6;
	[tilespmem:$0xA420] =	vst v23  }
0x2b1: {  	v30 =	vbroadcast v2, $0x1;
	v27 =	vld [tilespmem:$0xA490];
	v29 =	vmul.f32 v10, v6;
	[tilespmem:$0xA440] =	vst v26  }
0x2b2: {  	v31 =	vld [tilespmem:$0xA4C0];
	[tilespmem:$0xA430] =	vst v3;
	v3 =	vmul.f32 v9, v6  }
0x2b3: {  	v11 =	vld [tilespmem:$0xA4B0];
	v32 =	vmul.f32 v25, v30;
	[tilespmem:$0xA460] =	vst v29  }
0x2b4: {  	v34 =	vld [tilespmem:$0xA4E0];
	[tilespmem:$0xA450] =	vst v3;
	v3 =	vmul.f32 v24, v6  }
0x2b5: {  	v33 =	vld [tilespmem:$0xA4D0];
	v35 =	vmul.f32 v28, v30;
	[tilespmem:$0xA480] =	vst v32  }
0x2b6: {  	v37 =	vld [tilespmem:$0xA500];
	[tilespmem:$0xA470] =	vst v3;
	v3 =	vmul.f32 v27, v30  }
0x2b7: {  	v36 =	vld [tilespmem:$0xA4F0];
	v38 =	vmul.f32 v31, v30;
	[tilespmem:$0xA4A0] =	vst v35  }
0x2b8: {  	v40 =	vld [tilespmem:$0xA520];
	[tilespmem:$0xA490] =	vst v3;
	v3 =	vmul.f32 v11, v30  }
0x2b9: {  	v42 =	vbroadcast v2, $0x2;
	v39 =	vld [tilespmem:$0xA510];
	v41 =	vmul.f32 v34, v30;
	[tilespmem:$0xA4C0] =	vst v38  }
0x2ba: {  	v44 =	vld [tilespmem:$0xA540];
	[tilespmem:$0xA4B0] =	vst v3;
	v3 =	vmul.f32 v33, v30  }
0x2bb: {  	v43 =	vld [tilespmem:$0xA530];
	v45 =	vmul.f32 v37, v42;
	[tilespmem:$0xA4E0] =	vst v41  }
0x2bc: {  	v47 =	vld [tilespmem:$0xA560];
	[tilespmem:$0xA4D0] =	vst v3;
	v3 =	vmul.f32 v36, v30  }
0x2bd: {  	v46 =	vld [tilespmem:$0xA550];
	v48 =	vmul.f32 v40, v42;
	[tilespmem:$0xA500] =	vst v45  }
0x2be: {  	v50 =	vld [tilespmem:$0xA580];
	[tilespmem:$0xA4F0] =	vst v3;
	v3 =	vmul.f32 v39, v42  }
0x2bf: {  	v49 =	vld [tilespmem:$0xA570];
	v51 =	vmul.f32 v44, v42;
	[tilespmem:$0xA520] =	vst v48  }
0x2c0: {  	v53 =	vld [tilespmem:$0xA5A0];
	[tilespmem:$0xA510] =	vst v3;
	v3 =	vmul.f32 v43, v42  }
0x2c1: {  	v55 =	vbroadcast v2, $0x3;
	v52 =	vld [tilespmem:$0xA590];
	v54 =	vmul.f32 v47, v42;
	[tilespmem:$0xA540] =	vst v51  }
0x2c2: {  	v57 =	vld [tilespmem:$0xA5C0];
	[tilespmem:$0xA530] =	vst v3;
	v3 =	vmul.f32 v46, v42  }
0x2c3: {  	v56 =	vld [tilespmem:$0xA5B0];
	v58 =	vmul.f32 v50, v55;
	[tilespmem:$0xA560] =	vst v54  }
0x2c4: {  	v60 =	vld [tilespmem:$0xA5E0];
	[tilespmem:$0xA550] =	vst v3;
	v3 =	vmul.f32 v49, v42  }
0x2c5: {  	v59 =	vld [tilespmem:$0xA5D0];
	v61 =	vmul.f32 v53, v55;
	[tilespmem:$0xA580] =	vst v58  }
0x2c6: {  	v63 =	vld [tilespmem:$0xA600];
	[tilespmem:$0xA570] =	vst v3;
	v3 =	vmul.f32 v52, v55  }
0x2c7: {  	v62 =	vld [tilespmem:$0xA5F0];
	v12 =	vmul.f32 v57, v55;
	[tilespmem:$0xA5A0] =	vst v61  }
0x2c8: {  	v14 =	vld [tilespmem:$0xA620];
	[tilespmem:$0xA590] =	vst v3;
	v3 =	vmul.f32 v56, v55  }
0x2c9: {  	v16 =	vbroadcast v2, $0x4;
	v13 =	vld [tilespmem:$0xA610];
	v15 =	vmul.f32 v60, v55;
	[tilespmem:$0xA5C0] =	vst v12  }
0x2ca: {  	v18 =	vld [tilespmem:$0xA640];
	[tilespmem:$0xA5B0] =	vst v3;
	v3 =	vmul.f32 v59, v55  }
0x2cb: {  	v17 =	vld [tilespmem:$0xA630];
	v19 =	vmul.f32 v63, v16;
	[tilespmem:$0xA5E0] =	vst v15  }
0x2cc: {  	v21 =	vld [tilespmem:$0xA660];
	[tilespmem:$0xA5D0] =	vst v3;
	v3 =	vmul.f32 v62, v55  }
0x2cd: {  	v20 =	vld [tilespmem:$0xA650];
	v22 =	vmul.f32 v14, v16;
	[tilespmem:$0xA600] =	vst v19  }
0x2ce: {  	v31 =	vld [tilespmem:$0xA6C0];
	[tilespmem:$0xA5F0] =	vst v3;
	v3 =	vmul.f32 v13, v16  }
0x2cf: {  	v25 =	vmul.f32 v18, v16;
	v23 =	vld [tilespmem:$0xA670];
	[tilespmem:$0xA620] =	vst v22  }
0x2d0: {  	v34 =	vld [tilespmem:$0xA6E0];
	[tilespmem:$0xA610] =	vst v3;
	v3 =	vmul.f32 v17, v16  }
0x2d1: {  	v26 =	vld [tilespmem:$0xA690];
	[tilespmem:$0xA640] =	vst v25;
	v29 =	vbroadcast v2, $0x5;
	v28 =	vmul.f32 v21, v16  }
0x2d2: {  	v24 =	vld [tilespmem:$0xA680];
	[tilespmem:$0xA630] =	vst v3;
	v3 =	vmul.f32 v20, v16  }
0x2d3: {  	v38 =	vmul.f32 v31, v29;
	[tilespmem:$0xA660] =	vst v28;
	v30 =	vld [tilespmem:$0xA6B0]  }
0x2d4: {  	v27 =	vld [tilespmem:$0xA6A0];
	[tilespmem:$0xA650] =	vst v3;
	v3 =	vmul.f32 v23, v16  }
0x2d5: {  	v41 =	vmul.f32 v34, v29;
	[tilespmem:$0xA6C0] =	vst v38;
	v33 =	vld [tilespmem:$0xA6D0]  }
0x2d6: {  	v37 =	vld [tilespmem:$0xA700];
	[tilespmem:$0xA670] =	vst v3;
	v3 =	vmul.f32 v26, v29  }
0x2d7: {  	[tilespmem:$0xA6E0] =	vst v41;
	v32 =	vmul.f32 v24, v29;
	v36 =	vld [tilespmem:$0xA6F0]  }
0x2d8: {  	v40 =	vld [tilespmem:$0xA720];
	[tilespmem:$0xA690] =	vst v3;
	v3 =	vmul.f32 v30, v29  }
0x2d9: {  	[tilespmem:$0xA680] =	vst v32;
	v35 =	vmul.f32 v27, v29;
	v39 =	vld [tilespmem:$0xA710];
	v42 =	vbroadcast v2, $0x6  }
0x2da: {  	v44 =	vld [tilespmem:$0xA740];
	[tilespmem:$0xA6B0] =	vst v3;
	v3 =	vmul.f32 v33, v29  }
0x2db: {  	[tilespmem:$0xA6A0] =	vst v35;
	v43 =	vld [tilespmem:$0xA730];
	v45 =	vmul.f32 v37, v42  }
0x2dc: {  	v47 =	vld [tilespmem:$0xA760];
	[tilespmem:$0xA6D0] =	vst v3;
	v3 =	vmul.f32 v36, v29  }
0x2dd: {  	v46 =	vld [tilespmem:$0xA750];
	v48 =	vmul.f32 v40, v42;
	[tilespmem:$0xA700] =	vst v45  }
0x2de: {  	v50 =	vld [tilespmem:$0xA780];
	[tilespmem:$0xA6F0] =	vst v3;
	v3 =	vmul.f32 v39, v42  }
0x2df: {  	v49 =	vld [tilespmem:$0xA770];
	v51 =	vmul.f32 v44, v42;
	[tilespmem:$0xA720] =	vst v48  }
0x2e0: {  	v53 =	vld [tilespmem:$0xA7A0];
	[tilespmem:$0xA710] =	vst v3;
	v3 =	vmul.f32 v43, v42  }
0x2e1: {  	v52 =	vld [tilespmem:$0xA790];
	v54 =	vmul.f32 v47, v42;
	[tilespmem:$0xA740] =	vst v51;
	v55 =	vbroadcast v2, $0x7  }
0x2e2: {  	v57 =	vld [tilespmem:$0xA7C0];
	[tilespmem:$0xA730] =	vst v3;
	v3 =	vmul.f32 v46, v42  }
0x2e3: {  	v56 =	vld [tilespmem:$0xA7B0];
	[tilespmem:$0xA760] =	vst v54;
	v58 =	vmul.f32 v50, v55  }
0x2e4: {  	v60 =	vld [tilespmem:$0xA7E0];
	[tilespmem:$0xA750] =	vst v3;
	v3 =	vmul.f32 v49, v42  }
0x2e5: {  	v59 =	vld [tilespmem:$0xA7D0];
	v61 =	vmul.f32 v53, v55;
	[tilespmem:$0xA780] =	vst v58  }
0x2e6: {  	v63 =	vld [tilespmem:$0xA800];
	[tilespmem:$0xA770] =	vst v3;
	v3 =	vmul.f32 v52, v55  }
0x2e7: {  	v62 =	vld [tilespmem:$0xA7F0];
	v12 =	vmul.f32 v57, v55;
	[tilespmem:$0xA7A0] =	vst v61  }
0x2e8: {  	v14 =	vld [tilespmem:$0xA820];
	[tilespmem:$0xA790] =	vst v3;
	v3 =	vmul.f32 v56, v55  }
0x2e9: {  	v13 =	vld [tilespmem:$0xA810];
	v15 =	vmul.f32 v60, v55;
	[tilespmem:$0xA7C0] =	vst v12;
	v16 =	vbroadcast v2, $0x8  }
0x2ea: {  	v18 =	vld [tilespmem:$0xA840];
	[tilespmem:$0xA7B0] =	vst v3;
	v3 =	vmul.f32 v59, v55  }
0x2eb: {  	v17 =	vld [tilespmem:$0xA830];
	[tilespmem:$0xA7E0] =	vst v15;
	v19 =	vmul.f32 v63, v16  }
0x2ec: {  	v21 =	vld [tilespmem:$0xA860];
	[tilespmem:$0xA7D0] =	vst v3;
	v3 =	vmul.f32 v62, v55  }
0x2ed: {  	v20 =	vld [tilespmem:$0xA850];
	v22 =	vmul.f32 v14, v16;
	[tilespmem:$0xA800] =	vst v19  }
0x2ee: {  	v24 =	vld [tilespmem:$0xA880];
	[tilespmem:$0xA7F0] =	vst v3;
	v3 =	vmul.f32 v13, v16  }
0x2ef: {  	v23 =	vld [tilespmem:$0xA870];
	v25 =	vmul.f32 v18, v16;
	[tilespmem:$0xA820] =	vst v22  }
0x2f0: {  	v27 =	vld [tilespmem:$0xA8A0];
	[tilespmem:$0xA810] =	vst v3;
	v3 =	vmul.f32 v17, v16  }
0x2f1: {  	v26 =	vld [tilespmem:$0xA890];
	v28 =	vmul.f32 v21, v16;
	[tilespmem:$0xA840] =	vst v25;
	v29 =	vbroadcast v2, $0x9  }
0x2f2: {  	v31 =	vld [tilespmem:$0xA8C0];
	[tilespmem:$0xA830] =	vst v3;
	v3 =	vmul.f32 v20, v16  }
0x2f3: {  	v30 =	vld [tilespmem:$0xA8B0];
	[tilespmem:$0xA860] =	vst v28;
	v32 =	vmul.f32 v24, v29  }
0x2f4: {  	v34 =	vld [tilespmem:$0xA8E0];
	[tilespmem:$0xA850] =	vst v3;
	v3 =	vmul.f32 v23, v16  }
0x2f5: {  	v33 =	vld [tilespmem:$0xA8D0];
	v35 =	vmul.f32 v27, v29;
	[tilespmem:$0xA880] =	vst v32  }
0x2f6: {  	v37 =	vld [tilespmem:$0xA900];
	[tilespmem:$0xA870] =	vst v3;
	v3 =	vmul.f32 v26, v29  }
0x2f7: {  	v36 =	vld [tilespmem:$0xA8F0];
	v38 =	vmul.f32 v31, v29;
	[tilespmem:$0xA8A0] =	vst v35  }
0x2f8: {  	v40 =	vld [tilespmem:$0xA920];
	[tilespmem:$0xA890] =	vst v3;
	v3 =	vmul.f32 v30, v29  }
0x2f9: {  	v39 =	vld [tilespmem:$0xA910];
	v41 =	vmul.f32 v34, v29;
	[tilespmem:$0xA8C0] =	vst v38;
	v42 =	vbroadcast v2, $0xA  }
0x2fa: {  	v44 =	vld [tilespmem:$0xA940];
	[tilespmem:$0xA8B0] =	vst v3;
	v3 =	vmul.f32 v33, v29  }
0x2fb: {  	v43 =	vld [tilespmem:$0xA930];
	[tilespmem:$0xA8E0] =	vst v41;
	v45 =	vmul.f32 v37, v42  }
0x2fc: {  	v47 =	vld [tilespmem:$0xA960];
	[tilespmem:$0xA8D0] =	vst v3;
	v3 =	vmul.f32 v36, v29  }
0x2fd: {  	v46 =	vld [tilespmem:$0xA950];
	v48 =	vmul.f32 v40, v42;
	[tilespmem:$0xA900] =	vst v45  }
0x2fe: {  	v50 =	vld [tilespmem:$0xA980];
	[tilespmem:$0xA8F0] =	vst v3;
	v3 =	vmul.f32 v39, v42  }
0x2ff: {  	v49 =	vld [tilespmem:$0xA970];
	v51 =	vmul.f32 v44, v42;
	[tilespmem:$0xA920] =	vst v48  }
0x300: {  	v53 =	vld [tilespmem:$0xA9A0];
	[tilespmem:$0xA910] =	vst v3;
	v3 =	vmul.f32 v43, v42  }
0x301: {  	v52 =	vld [tilespmem:$0xA990];
	v54 =	vmul.f32 v47, v42;
	[tilespmem:$0xA940] =	vst v51;
	v55 =	vbroadcast v2, $0xB  }
0x302: {  	v57 =	vld [tilespmem:$0xA9C0];
	[tilespmem:$0xA930] =	vst v3;
	v3 =	vmul.f32 v46, v42  }
0x303: {  	v56 =	vld [tilespmem:$0xA9B0];
	[tilespmem:$0xA960] =	vst v54;
	v58 =	vmul.f32 v50, v55  }
0x304: {  	v60 =	vld [tilespmem:$0xA9E0];
	[tilespmem:$0xA950] =	vst v3;
	v3 =	vmul.f32 v49, v42  }
0x305: {  	v59 =	vld [tilespmem:$0xA9D0];
	v61 =	vmul.f32 v53, v55;
	[tilespmem:$0xA980] =	vst v58  }
0x306: {  	v63 =	vld [tilespmem:$0xAA00];
	[tilespmem:$0xA970] =	vst v3;
	v3 =	vmul.f32 v52, v55  }
0x307: {  	v62 =	vld [tilespmem:$0xA9F0];
	v12 =	vmul.f32 v57, v55;
	[tilespmem:$0xA9A0] =	vst v61  }
0x308: {  	v14 =	vld [tilespmem:$0xAA20];
	[tilespmem:$0xA990] =	vst v3;
	v3 =	vmul.f32 v56, v55  }
0x309: {  	v13 =	vld [tilespmem:$0xAA10];
	v15 =	vmul.f32 v60, v55;
	[tilespmem:$0xA9C0] =	vst v12;
	v16 =	vbroadcast v2, $0xC  }
0x30a: {  	v18 =	vld [tilespmem:$0xAA40];
	[tilespmem:$0xA9B0] =	vst v3;
	v3 =	vmul.f32 v59, v55  }
0x30b: {  	v17 =	vld [tilespmem:$0xAA30];
	[tilespmem:$0xA9E0] =	vst v15;
	v19 =	vmul.f32 v63, v16  }
0x30c: {  	v21 =	vld [tilespmem:$0xAA60];
	[tilespmem:$0xA9D0] =	vst v3;
	v3 =	vmul.f32 v62, v55  }
0x30d: {  	v20 =	vld [tilespmem:$0xAA50];
	v22 =	vmul.f32 v14, v16;
	[tilespmem:$0xAA00] =	vst v19  }
0x30e: {  	v24 =	vld [tilespmem:$0xAA80];
	[tilespmem:$0xA9F0] =	vst v3;
	v3 =	vmul.f32 v13, v16  }
0x30f: {  	v23 =	vld [tilespmem:$0xAA70];
	v25 =	vmul.f32 v18, v16;
	[tilespmem:$0xAA20] =	vst v22  }
0x310: {  	v27 =	vld [tilespmem:$0xAAA0];
	[tilespmem:$0xAA10] =	vst v3;
	v3 =	vmul.f32 v17, v16  }
0x311: {  	v26 =	vld [tilespmem:$0xAA90];
	v28 =	vmul.f32 v21, v16;
	[tilespmem:$0xAA40] =	vst v25;
	v29 =	vbroadcast v2, $0xD  }
0x312: {  	v31 =	vld [tilespmem:$0xAAC0];
	[tilespmem:$0xAA30] =	vst v3;
	v3 =	vmul.f32 v20, v16  }
0x313: {  	v30 =	vld [tilespmem:$0xAAB0];
	[tilespmem:$0xAA60] =	vst v28;
	v32 =	vmul.f32 v24, v29  }
0x314: {  	v34 =	vld [tilespmem:$0xAAE0];
	[tilespmem:$0xAA50] =	vst v3;
	v3 =	vmul.f32 v23, v16  }
0x315: {  	v33 =	vld [tilespmem:$0xAAD0];
	v35 =	vmul.f32 v27, v29;
	[tilespmem:$0xAA80] =	vst v32  }
0x316: {  	v37 =	vld [tilespmem:$0xAB00];
	[tilespmem:$0xAA70] =	vst v3;
	v3 =	vmul.f32 v26, v29  }
0x317: {  	v36 =	vld [tilespmem:$0xAAF0];
	v38 =	vmul.f32 v31, v29;
	[tilespmem:$0xAAA0] =	vst v35  }
0x318: {  	v40 =	vld [tilespmem:$0xAB20];
	[tilespmem:$0xAA90] =	vst v3;
	v3 =	vmul.f32 v30, v29  }
0x319: {  	v39 =	vld [tilespmem:$0xAB10];
	v41 =	vmul.f32 v34, v29;
	[tilespmem:$0xAAC0] =	vst v38;
	v42 =	vbroadcast v2, $0xE  }
0x31a: {  	v44 =	vld [tilespmem:$0xAB40];
	[tilespmem:$0xAAB0] =	vst v3;
	v3 =	vmul.f32 v33, v29  }
0x31b: {  	v43 =	vld [tilespmem:$0xAB30];
	[tilespmem:$0xAAE0] =	vst v41;
	v45 =	vmul.f32 v37, v42  }
0x31c: {  	v47 =	vld [tilespmem:$0xAB60];
	[tilespmem:$0xAAD0] =	vst v3;
	v3 =	vmul.f32 v36, v29  }
0x31d: {  	v46 =	vld [tilespmem:$0xAB50];
	v48 =	vmul.f32 v40, v42;
	[tilespmem:$0xAB00] =	vst v45  }
0x31e: {  	v50 =	vld [tilespmem:$0xAB80];
	[tilespmem:$0xAAF0] =	vst v3;
	v3 =	vmul.f32 v39, v42  }
0x31f: {  	v49 =	vld [tilespmem:$0xAB70];
	v51 =	vmul.f32 v44, v42;
	[tilespmem:$0xAB20] =	vst v48  }
0x320: {  	v53 =	vld [tilespmem:$0xABA0];
	[tilespmem:$0xAB10] =	vst v3;
	v3 =	vmul.f32 v43, v42  }
0x321: {  	v2 =	vbroadcast v2, $0xF;
	v52 =	vld [tilespmem:$0xAB90];
	v54 =	vmul.f32 v47, v42;
	[tilespmem:$0xAB40] =	vst v51  }
0x322: {  	v56 =	vld [tilespmem:$0xABC0];
	[tilespmem:$0xAB30] =	vst v3;
	v3 =	vmul.f32 v46, v42  }
0x323: {  	v57 =	vmul.f32 v50, v2;
	[tilespmem:$0xAB60] =	vst v54;
	v55 =	vld [tilespmem:$0xABB0]  }
0x324: {  	v59 =	vld [tilespmem:$0xABE0];
	[tilespmem:$0xAB50] =	vst v3;
	v3 =	vmul.f32 v49, v42  }
0x325: {  	v58 =	vld [tilespmem:$0xABD0];
	v60 =	vmul.f32 v53, v2;
	[tilespmem:$0xAB80] =	vst v57  }
0x326: {  	v61 =	vld [tilespmem:$0xABF0];
	[tilespmem:$0xAB70] =	vst v3;
	v3 =	vmul.f32 v52, v2  }
0x327: {  	[tilespmem:$0xABA0] =	vst v60;
	v62 =	vmul.f32 v56, v2  }
0x328: {  	[tilespmem:$0xAB90] =	vst v3;
	v3 =	vmul.f32 v55, v2  }
0x329: {  	[tilespmem:$0xABC0] =	vst v62;
	v63 =	vmul.f32 v59, v2  }
0x32a: {  	[tilespmem:$0xABB0] =	vst v3;
	v3 =	vmul.f32 v58, v2  }
0x32b: {  	[tilespmem:$0xABE0] =	vst v63;
	v2 =	vmul.f32 v61, v2  }
0x32c: {  	[tilespmem:$0xABD0] =	vst v3  }
0x32d: {  	[tilespmem:$0xABF0] =	vst v2  }
0x32e: {  	[spmem:s2] =	stream.indirect.scatter.add.f32 [tilespmem:s26], [sflag:$0x2], $0x80, s19, s14, $0xb8;
	[tilespmem:$0x1FC80] =	vst v63  }
0x32f: {  	_ =	swait.ge [sflag:s24], $0x800  }
0x330: {  	[sflag:s24] =	ssyncset.done $0x0  }
0x331: {  	[sflag:s24] =	ssyncadd.s32 $0xFFFFF800  }
0x332: {  	[bflag:$0x0] =	sbarrier.arrive $0xFFFF  }
0x333: {  	[tilespmem:s26], [sflag:$0x2] =	stream.linear.gather [spmem:s20], $0xC80, $0x38;
	[tilespmem:$0x1FC80] =	vst v63  }
0x334: {  	_ =	swait.ge [sflag:s24], $0xC80  }
0x335: {  	[sflag:s24] =	ssyncset.done $0x0  }
0x336: {  	s19 =	sadd.s32 $0x0, s23;
	[sflag:s24] =	ssyncadd.s32 $0xFFFFF380  }
0x337: {  	[hbm4b:s19+s4] =	stream.linear.scatter [tilespmem:s26], [sflag:$0x2], $0xC80, $0x38;
	[tilespmem:$0x1FC80] =	vst v63  }
0x338: {  	_ =	swait.ge [sflag:s24], $0xC80  }
0x339: {  	s13 =	simm.s32 $0x190;
	s14 =	smov.u32 s20;
	[sflag:s24] =	ssyncset.done $0x0  }
.LBB2_24:
0x33a: {  	p0 =	sne.s32 s13, $0x2580;
	[sflag:s24] =	ssyncadd.s32 $0xFFFFF380;
	s14 =	sadd.s32 $0xC80, s14  }
0x33b: {  	[tilespmem:s26], [sflag:$0x2] =	stream.linear.gather [spmem:s14], $0xC80, $0x38;
	[tilespmem:$0x1FC80] =	vst v63  }
0x33c: {  	s15 =	smov.u32 s13;
	s13 =	sadd.s32 $0x190, s13;
	_ =	swait.ge [sflag:s24], $0xC80  }
.Ltmp15:
0x33d: {  	[sflag:s24] =	ssyncset.done $0x0;
	(pc) =	sbr.rel @p0 .LBB2_24-.Ltmp15, $4  }
0x33e: {  	s15 =	sadd.s32 s15, s23;
	[sflag:s24] =	ssyncadd.s32 $0xFFFFF380  }
0x33f: {  	[hbm4b:s15+s4] =	stream.linear.scatter [tilespmem:s26], [sflag:$0x2], $0xC80, $0x38;
	[tilespmem:$0x1FC80] =	vst v63  }
0x340: {  	_ =	swait.ge [sflag:s24], $0xC80  }
0x341: {  	[sflag:s24] =	ssyncset.done $0x0  }
0x342: {  	s18 =	sadd.s32 $0x1, s18;
	s13 =	rddreg [dreg:$0xb]  }
0x343: {  	p0 =	sne.s32 s18, s13  }
.Ltmp16:
0x344: {  	_ = 	snop;
	(pc) =	sbr.rel @p0 .LBB2_1-.Ltmp16, $2  }
0x345: {  	_ =	sdelay $0x2  }
0x346: {  	[sflag:s24] =	ssyncadd.s32 $0xFFFFF380  }
0x347: {  	_ =	sfence.sel $0x180000  }
0x348: {  	[bflag:$0x0] =	sbarrier.arrive $0xFFFF  }
0x349: {  	_ =	strace $0x90000047  }
0x34a: {  	s0 =	stileid.u32;
	[bflag:$0x2] =	sbarrier.arrive $0xFFFF  }
0x34b: {  	p0 =	sne.s32 s0, $0x0;
	s0 =	rddreg [dreg:$0x3]  }
0x34c: {  	s0 =	sadd.s32 @!p0 $0x100000, s0  }
0x34d: {  	[sflag:s0] =	ssyncadd.tile.s32 @!p0 $0x1;
	_ =	shalt  }
.Lfunc_end2:
_tile_overlayer_lowered:
.L_overlay_start_2:
0x34e: {  	(tag) =	ssettag $0x2  }
0x34f: {  	s0 =	rddreg [dreg:$0x0];
	s2 =	stileid.u32  }
0x350: {  	s1 =	rddreg [dreg:$0x1];
	p0 =	sne.s32 s2, $0x0  }
0x351: {  	s3 =	rddreg [dreg:$0x2];
	[bflag:$0x3] =	sbarrier.arrive $0xFFFF;
	s2 =	simm.s32 @!p0 $0x1C02  }
0x352: {  	[timem:s3], [sflag:s2] =	dma.local @!p0 [hbm:s0], s1  }
0x353: {  	s0 =	simm.s32 @!p0 $0x2  }
0x354: {  	_ =	swait.ge @!p0 [sflag:s0], s1  }
0x355: {  	s1 =	ssub.s32 @!p0 $0x0, s1;
	[sflag:s0] =	ssyncset.done @!p0 $0x0  }
0x356: {  	[sflag:s0] =	ssyncadd.s32 @!p0 s1  }
0x357: {  	[bflag:$0x3] =	sbarrier.arrive $0xFFFF  }
0x358: {  	_ =	shalt  }

</sc_bundles>
